<compile_context>
chip_gen: v7x
topology: tpu7x:2x2x1
jax: 0.10.2.dev20260603
libtpu: 0.0.44.dev20260713+nightly
codegen_flags: <defaults>
</compile_context>

<pallas_src>
import functools

import jax
import jax.numpy as jnp
from jax.experimental import pallas as pl
from jax.experimental.pallas import tpu as pltpu
from jax.experimental.pallas import tpu_sc as plsc

_LEVELS = 4
_K = 1024
_D = 256
_N = 16384
_T = 512
_SLABS = 2
_H = _N // _SLABS

_SC_INFO = plsc.get_sparse_core_info()
_NC, _NS = _SC_INFO.num_cores, _SC_INFO.num_subcores
_NW = _NC * _NS
_CHUNK = 128


def _argmin_body(r_ref, cb_ref, rnorm_ref, cnorm_ref, idx_ref):
    r = r_ref[...]
    cb = cb_ref[...]
    m = jax.lax.dot_general(r, cb, (((1,), (1,)), ((), ())),
                            preferred_element_type=jnp.float32)
    d2 = (rnorm_ref[...] - 2.0 * m) + cnorm_ref[...]
    dist = jnp.sqrt(jnp.maximum(d2, 0.0))
    idx_ref[...] = jnp.argmin(dist, axis=1).astype(jnp.int32).reshape(_T, 1)


def _tc_argmin(r, cb, rnorm, cnorm, row0):
    t0 = row0 // _T
    return pl.pallas_call(
        _argmin_body,
        grid=(_H // _T,),
        in_specs=[
            pl.BlockSpec((_T, _D), lambda i: (i + t0, 0)),
            pl.BlockSpec((_K, _D), lambda i: (0, 0)),
            pl.BlockSpec((_T, 1), lambda i: (i + t0, 0)),
            pl.BlockSpec((1, _K), lambda i: (0, 0)),
        ],
        out_specs=pl.BlockSpec((_T, 1), lambda i: (i, 0)),
        out_shape=jax.ShapeDtypeStruct((_H, 1), jnp.int32),
    )(r, cb, rnorm, cnorm)


def _sc_gather(cb, idx):
    n = idx.shape[0]
    b_per_w = n // _NW
    n_chunks = b_per_w // _CHUNK

    @functools.partial(
        pl.kernel,
        mesh=plsc.VectorSubcoreMesh(core_axis_name="c", subcore_axis_name="s"),
        out_type=jax.ShapeDtypeStruct((n, _D), jnp.float32),
        scratch_types=(
            [pltpu.VMEM((_CHUNK,), jnp.int32) for _ in range(n_chunks)]
            + [pltpu.VMEM((_CHUNK, _D), jnp.float32) for _ in range(n_chunks)]
            + [pltpu.SemaphoreType.DMA, pltpu.SemaphoreType.DMA]
        ),
    )
    def k(cb_hbm, idx_hbm, out_hbm, *bufs):
        idx_vs = bufs[:n_chunks]
        rows_vs = bufs[n_chunks:2 * n_chunks]
        gsem, osem = bufs[2 * n_chunks], bufs[2 * n_chunks + 1]
        wid = jax.lax.axis_index("s") * _NC + jax.lax.axis_index("c")
        bases = [wid * b_per_w + c * _CHUNK for c in range(n_chunks)]
        for c in range(n_chunks):
            pltpu.sync_copy(idx_hbm.at[pl.ds(bases[c], _CHUNK)], idx_vs[c])
        gathers = [pltpu.async_copy(cb_hbm.at[idx_vs[c]], rows_vs[c], gsem)
                   for c in range(n_chunks)]
        writes = []
        for c in range(n_chunks):
            gathers[c].wait()
            writes.append(pltpu.async_copy(
                rows_vs[c], out_hbm.at[pl.ds(bases[c], _CHUNK)], osem))
        for w in writes:
            w.wait()

    return k(cb, idx)


def _qsum_body(q0_ref, q1_ref, q2_ref, q3_ref, out_ref):
    out_ref[...] = ((q0_ref[...] + q1_ref[...]) + q2_ref[...]) + q3_ref[...]


def _tc_qsum(q0, q1, q2, q3):
    n = q0.shape[0]
    spec = pl.BlockSpec((_T, _D), lambda i: (i, 0))
    return pl.pallas_call(
        _qsum_body,
        grid=(n // _T,),
        in_specs=[spec, spec, spec, spec],
        out_specs=spec,
        out_shape=jax.ShapeDtypeStruct((n, _D), jnp.float32),
    )(q0, q1, q2, q3)


def kernel(z, codebooks):
    cbs = [codebooks[l] for l in range(_LEVELS)]
    cnorms = [jnp.sum(cb * cb, axis=1).reshape(1, _K) for cb in cbs]
    rnorm0 = jnp.sum(z * z, axis=1, keepdims=True)
    qsum_slabs = []
    idx_slabs = []
    for s in range(_SLABS):
        row0 = s * _H
        r = None
        qs = []
        idxs = []
        for l in range(_LEVELS):
            if l == 0:
                idx = _tc_argmin(z, cbs[0], rnorm0, cnorms[0], row0)
            else:
                rnorm = jnp.sum(r * r, axis=1, keepdims=True)
                idx = _tc_argmin(r, cbs[l], rnorm, cnorms[l], 0)
            idxs.append(idx[:, 0])
            q = _sc_gather(cbs[l], idx.reshape(_H))
            qs.append(q)
            if l < _LEVELS - 1:
                r = (z[row0:row0 + _H] if l == 0 else r) - q
        qsum_slabs.append(_tc_qsum(*qs))
        idx_slabs.append(jnp.stack(idxs, axis=0))
    return (jnp.concatenate(qsum_slabs, axis=0),
            jnp.concatenate(idx_slabs, axis=1))

# --- scband reference (transcript-rebuilt; emitter-appended) ---
"""Pipeline reference for scband-residual-vector-quantization-with-clustering-85444079386898 (READ-ONLY COPY).

The authoritative reference and input builder live on the scoring server;
editing this copy changes nothing except your own understanding.
"""

import jax, jax.numpy as jnp
import numpy as np

NUM_LEVELS = 4
NUM_CLUSTERS = 1024
FEATURE_DIM = 256
N_TOKENS = 16384


def setup_inputs(seed: int = 0) -> dict:
    key = jax.random.key(seed)
    k1, k2 = jax.random.split(key)
    z = jax.random.normal(k1, (N_TOKENS, FEATURE_DIM), dtype=jnp.float32)
    # learned codebooks: one [K, D] codebook per residual level (stacked)
    codebooks = jax.random.normal(k2, (NUM_LEVELS, NUM_CLUSTERS, FEATURE_DIM), dtype=jnp.float32)
    return {"z": z, "codebooks": codebooks}


def _cdist(a, b):
    # faithful to torch.cdist(p=2): euclidean distances [N, K]
    d2 = (
        jnp.sum(a * a, axis=1, keepdims=True)
        - 2.0 * (a @ b.T)
        + jnp.sum(b * b, axis=1)[None, :]
    )
    return jnp.sqrt(jnp.maximum(d2, 0.0))


def reference(z, codebooks):
    # Residual vector quantization: at each level, assign residual to nearest
    # codebook center, gather the center, subtract, and accumulate.
    residual = z
    quantized_sum = jnp.zeros_like(z)
    indices_per_level = []
    for level in range(codebooks.shape[0]):
        cb = codebooks[level]
        distances = _cdist(residual, cb)
        idx = jnp.argmin(distances, axis=1)
        quantized = jnp.take(cb, idx, axis=0)
        quantized_sum = quantized_sum + quantized
        residual = residual - quantized
        indices_per_level.append(idx)
    return quantized_sum, jnp.stack(indices_per_level, axis=0)

if __name__ == "__main__":
    import jax
    _d = setup_inputs()
    print(jax.jit(kernel)(*tuple(_d.values())))

</pallas_src>

<mosaic_0001>
#map = affine_map<(d0, d1) -> (0, 0)>
#map1 = affine_map<(d0, d1) -> (0)>
module attributes {stable_mosaic.version = 14 : i64} {
  func.func @k(%arg0: i32, %arg1: i32, %arg2: memref<1024x256xf32, #tpu.memory_space<hbm>>, %arg3: memref<8192xi32, #tpu.memory_space<hbm>>, %arg4: memref<8192x256xf32, #tpu.memory_space<hbm>>, %arg5: memref<128xi32, #tpu.memory_space<vmem>>, %arg6: memref<128xi32, #tpu.memory_space<vmem>>, %arg7: memref<128x256xf32, #tpu.memory_space<vmem>>, %arg8: memref<128x256xf32, #tpu.memory_space<vmem>>, %arg9: memref<!tpu.dma_semaphore, #tpu.memory_space<semaphore_mem>>, %arg10: memref<!tpu.dma_semaphore, #tpu.memory_space<semaphore_mem>>) attributes {dimension_semantics = [#tpu.dimension_semantics<core_parallel>, #tpu.dimension_semantics<subcore_parallel>], iteration_bounds = array<i64: 2, 16>, scalar_prefetch = 0 : i64, scratch_operands = 6 : i64, tpu.core_type = #tpu.core_type<sc_vector_subcore>, window_params = [{transform_indices = #map}, {transform_indices = #map1}, {transform_indices = #map}]} {
    %mul3A = arith.constant 2 : i32
    %mul3A_0 = arith.muli %arg1, %mul3A : i32
    %add3A = arith.addi %mul3A_0, %arg0 : i32
    %mul3A_1 = arith.constant 256 : i32
    %mul3A_2 = arith.muli %add3A, %mul3A_1 : i32
    %add3A_3 = arith.constant 0 : i32
    %add3A_4 = arith.addi %mul3A_2, %add3A_3 : i32
    %mul3A_5 = arith.constant 256 : i32
    %mul3A_6 = arith.muli %add3A, %mul3A_5 : i32
    %add3A_7 = arith.constant 128 : i32
    %add3A_8 = arith.addi %mul3A_6, %add3A_7 : i32
    "tpu.region"() ({
      %run_scoped3A = tpu.sem_alloc : memref<!tpu.dma_semaphore, #tpu.memory_space<semaphore_mem>>
      %dma_start3A_35 = tpu.memref_slice %arg3[%add3A_4] : memref<8192xi32, #tpu.memory_space<hbm>> -> memref<128xi32, #tpu.memory_space<hbm>>
      %dma_start3A_36 = tpu.memref_slice %arg3[%add3A_4] : memref<8192xi32, #tpu.memory_space<hbm>> -> memref<128xi32, #tpu.memory_space<hbm>>
      tpu.enqueue_dma source(%dma_start3A_36 : memref<128xi32, #tpu.memory_space<hbm>>) target(%arg5 : memref<128xi32, #tpu.memory_space<vmem>>) target_semaphore(%run_scoped3A : memref<!tpu.dma_semaphore, #tpu.memory_space<semaphore_mem>>)
      %dma_wait3A_37 = tpu.memref_slice %arg3[%add3A_4] : memref<8192xi32, #tpu.memory_space<hbm>> -> memref<128xi32, #tpu.memory_space<hbm>>
      %dma_wait3A_38 = tpu.memref_slice %arg3[%add3A_4] : memref<8192xi32, #tpu.memory_space<hbm>> -> memref<128xi32, #tpu.memory_space<hbm>>
      tpu.wait_dma2 semaphore(%run_scoped3A : memref<!tpu.dma_semaphore, #tpu.memory_space<semaphore_mem>>) src(%dma_wait3A_38 : memref<128xi32, #tpu.memory_space<hbm>>) dst(%arg5 : memref<128xi32, #tpu.memory_space<vmem>>)
      tpu.yield
    }) : () -> ()
    "tpu.region"() ({
      %run_scoped3A = tpu.sem_alloc : memref<!tpu.dma_semaphore, #tpu.memory_space<semaphore_mem>>
      %dma_start3A_35 = tpu.memref_slice %arg3[%add3A_8] : memref<8192xi32, #tpu.memory_space<hbm>> -> memref<128xi32, #tpu.memory_space<hbm>>
      %dma_start3A_36 = tpu.memref_slice %arg3[%add3A_8] : memref<8192xi32, #tpu.memory_space<hbm>> -> memref<128xi32, #tpu.memory_space<hbm>>
      tpu.enqueue_dma source(%dma_start3A_36 : memref<128xi32, #tpu.memory_space<hbm>>) target(%arg6 : memref<128xi32, #tpu.memory_space<vmem>>) target_semaphore(%run_scoped3A : memref<!tpu.dma_semaphore, #tpu.memory_space<semaphore_mem>>)
      %dma_wait3A_37 = tpu.memref_slice %arg3[%add3A_8] : memref<8192xi32, #tpu.memory_space<hbm>> -> memref<128xi32, #tpu.memory_space<hbm>>
      %dma_wait3A_38 = tpu.memref_slice %arg3[%add3A_8] : memref<8192xi32, #tpu.memory_space<hbm>> -> memref<128xi32, #tpu.memory_space<hbm>>
      tpu.wait_dma2 semaphore(%run_scoped3A : memref<!tpu.dma_semaphore, #tpu.memory_space<semaphore_mem>>) src(%dma_wait3A_38 : memref<128xi32, #tpu.memory_space<hbm>>) dst(%arg6 : memref<128xi32, #tpu.memory_space<vmem>>)
      tpu.yield
    }) : () -> ()
    %dma_start3A = arith.constant 0 : i32
    %dma_start3A_9 = arith.constant 0 : i32
    %dma_start3A_10 = tpu.memref_slice %arg2[%dma_start3A, %dma_start3A_9] : memref<1024x256xf32, #tpu.memory_space<hbm>> -> memref<1024x256xf32, #tpu.memory_space<hbm>>
    tpu.enqueue_indirect_dma source(%dma_start3A_10 : memref<1024x256xf32, #tpu.memory_space<hbm>>) target(%arg7 : memref<128x256xf32, #tpu.memory_space<vmem>>) offsets(%arg5 : memref<128xi32, #tpu.memory_space<vmem>>) semaphore(%arg9 : memref<!tpu.dma_semaphore, #tpu.memory_space<semaphore_mem>>)
    %dma_start3A_11 = arith.constant 0 : i32
    %dma_start3A_12 = arith.constant 0 : i32
    %dma_start3A_13 = tpu.memref_slice %arg2[%dma_start3A_11, %dma_start3A_12] : memref<1024x256xf32, #tpu.memory_space<hbm>> -> memref<1024x256xf32, #tpu.memory_space<hbm>>
    tpu.enqueue_indirect_dma source(%dma_start3A_13 : memref<1024x256xf32, #tpu.memory_space<hbm>>) target(%arg8 : memref<128x256xf32, #tpu.memory_space<vmem>>) offsets(%arg6 : memref<128xi32, #tpu.memory_space<vmem>>) semaphore(%arg9 : memref<!tpu.dma_semaphore, #tpu.memory_space<semaphore_mem>>)
    %dma_wait3A = arith.constant 0 : i32
    %dma_wait3A_14 = arith.constant 0 : i32
    %dma_wait3A_15 = tpu.memref_slice %arg2[%dma_wait3A, %dma_wait3A_14] : memref<1024x256xf32, #tpu.memory_space<hbm>> -> memref<1024x256xf32, #tpu.memory_space<hbm>>
    tpu.wait_indirect_dma semaphore(%arg9 : memref<!tpu.dma_semaphore, #tpu.memory_space<semaphore_mem>>) src(%dma_wait3A_15 : memref<1024x256xf32, #tpu.memory_space<hbm>>) dst(%arg7 : memref<128x256xf32, #tpu.memory_space<vmem>>)
    %dma_start3A_16 = arith.constant 0 : i32
    %dma_start3A_17 = tpu.memref_slice %arg4[%add3A_4, %dma_start3A_16] : memref<8192x256xf32, #tpu.memory_space<hbm>> -> memref<128x256xf32, #tpu.memory_space<hbm>>
    %dma_start3A_18 = arith.constant 0 : i32
    %dma_start3A_19 = tpu.memref_slice %arg4[%add3A_4, %dma_start3A_18] : memref<8192x256xf32, #tpu.memory_space<hbm>> -> memref<128x256xf32, #tpu.memory_space<hbm>>
    tpu.enqueue_dma source(%arg7 : memref<128x256xf32, #tpu.memory_space<vmem>>) target(%dma_start3A_19 : memref<128x256xf32, #tpu.memory_space<hbm>>) target_semaphore(%arg10 : memref<!tpu.dma_semaphore, #tpu.memory_space<semaphore_mem>>)
    %dma_wait3A_20 = arith.constant 0 : i32
    %dma_wait3A_21 = arith.constant 0 : i32
    %dma_wait3A_22 = tpu.memref_slice %arg2[%dma_wait3A_20, %dma_wait3A_21] : memref<1024x256xf32, #tpu.memory_space<hbm>> -> memref<1024x256xf32, #tpu.memory_space<hbm>>
    tpu.wait_indirect_dma semaphore(%arg9 : memref<!tpu.dma_semaphore, #tpu.memory_space<semaphore_mem>>) src(%dma_wait3A_22 : memref<1024x256xf32, #tpu.memory_space<hbm>>) dst(%arg8 : memref<128x256xf32, #tpu.memory_space<vmem>>)
    %dma_start3A_23 = arith.constant 0 : i32
    %dma_start3A_24 = tpu.memref_slice %arg4[%add3A_8, %dma_start3A_23] : memref<8192x256xf32, #tpu.memory_space<hbm>> -> memref<128x256xf32, #tpu.memory_space<hbm>>
    %dma_start3A_25 = arith.constant 0 : i32
    %dma_start3A_26 = tpu.memref_slice %arg4[%add3A_8, %dma_start3A_25] : memref<8192x256xf32, #tpu.memory_space<hbm>> -> memref<128x256xf32, #tpu.memory_space<hbm>>
    tpu.enqueue_dma source(%arg8 : memref<128x256xf32, #tpu.memory_space<vmem>>) target(%dma_start3A_26 : memref<128x256xf32, #tpu.memory_space<hbm>>) target_semaphore(%arg10 : memref<!tpu.dma_semaphore, #tpu.memory_space<semaphore_mem>>)
    %dma_wait3A_27 = arith.constant 0 : i32
    %dma_wait3A_28 = tpu.memref_slice %arg4[%add3A_4, %dma_wait3A_27] : memref<8192x256xf32, #tpu.memory_space<hbm>> -> memref<128x256xf32, #tpu.memory_space<hbm>>
    %dma_wait3A_29 = arith.constant 0 : i32
    %dma_wait3A_30 = tpu.memref_slice %arg4[%add3A_4, %dma_wait3A_29] : memref<8192x256xf32, #tpu.memory_space<hbm>> -> memref<128x256xf32, #tpu.memory_space<hbm>>
    tpu.wait_dma2 semaphore(%arg10 : memref<!tpu.dma_semaphore, #tpu.memory_space<semaphore_mem>>) src(%arg7 : memref<128x256xf32, #tpu.memory_space<vmem>>) dst(%dma_wait3A_30 : memref<128x256xf32, #tpu.memory_space<hbm>>)
    %dma_wait3A_31 = arith.constant 0 : i32
    %dma_wait3A_32 = tpu.memref_slice %arg4[%add3A_8, %dma_wait3A_31] : memref<8192x256xf32, #tpu.memory_space<hbm>> -> memref<128x256xf32, #tpu.memory_space<hbm>>
    %dma_wait3A_33 = arith.constant 0 : i32
    %dma_wait3A_34 = tpu.memref_slice %arg4[%add3A_8, %dma_wait3A_33] : memref<8192x256xf32, #tpu.memory_space<hbm>> -> memref<128x256xf32, #tpu.memory_space<hbm>>
    tpu.wait_dma2 semaphore(%arg10 : memref<!tpu.dma_semaphore, #tpu.memory_space<semaphore_mem>>) src(%arg8 : memref<128x256xf32, #tpu.memory_space<vmem>>) dst(%dma_wait3A_34 : memref<128x256xf32, #tpu.memory_space<hbm>>)
    return
  }
}

#map = affine_map<(d0, d1) -> (0, 0)>
#map1 = affine_map<(d0, d1) -> (0)>
module attributes {stable_mosaic.version = 14 : i64} {
  func.func @k(%arg0: i32, %arg1: i32, %arg2: memref<1024x256xf32, #tpu.memory_space<hbm>>, %arg3: memref<8192xi32, #tpu.memory_space<hbm>>, %arg4: memref<8192x256xf32, #tpu.memory_space<hbm>>, %arg5: memref<128xi32, #tpu.memory_space<vmem>>, %arg6: memref<128xi32, #tpu.memory_space<vmem>>, %arg7: memref<128x256xf32, #tpu.memory_space<vmem>>, %arg8: memref<128x256xf32, #tpu.memory_space<vmem>>, %arg9: memref<!tpu.dma_semaphore, #tpu.memory_space<semaphore_mem>>, %arg10: memref<!tpu.dma_semaphore, #tpu.memory_space<semaphore_mem>>) attributes {dimension_semantics = [#tpu.dimension_semantics<core_parallel>, #tpu.dimension_semantics<subcore_parallel>], iteration_bounds = array<i64: 2, 16>, scalar_prefetch = 0 : i64, scratch_operands = 6 : i64, tpu.core_type = #tpu.core_type<sc_vector_subcore>, window_params = [{transform_indices = #map}, {transform_indices = #map1}, {transform_indices = #map}]} {
    %mul3A = arith.constant 2 : i32
    %mul3A_0 = arith.muli %arg1, %mul3A : i32
    %add3A = arith.addi %mul3A_0, %arg0 : i32
    %mul3A_1 = arith.constant 256 : i32
    %mul3A_2 = arith.muli %add3A, %mul3A_1 : i32
    %add3A_3 = arith.constant 0 : i32
    %add3A_4 = arith.addi %mul3A_2, %add3A_3 : i32
    %mul3A_5 = arith.constant 256 : i32
    %mul3A_6 = arith.muli %add3A, %mul3A_5 : i32
    %add3A_7 = arith.constant 128 : i32
    %add3A_8 = arith.addi %mul3A_6, %add3A_7 : i32
    "tpu.region"() ({
      %run_scoped3A = tpu.sem_alloc : memref<!tpu.dma_semaphore, #tpu.memory_space<semaphore_mem>>
      %dma_start3A_35 = tpu.memref_slice %arg3[%add3A_4] : memref<8192xi32, #tpu.memory_space<hbm>> -> memref<128xi32, #tpu.memory_space<hbm>>
      %dma_start3A_36 = tpu.memref_slice %arg3[%add3A_4] : memref<8192xi32, #tpu.memory_space<hbm>> -> memref<128xi32, #tpu.memory_space<hbm>>
      tpu.enqueue_dma source(%dma_start3A_36 : memref<128xi32, #tpu.memory_space<hbm>>) target(%arg5 : memref<128xi32, #tpu.memory_space<vmem>>) target_semaphore(%run_scoped3A : memref<!tpu.dma_semaphore, #tpu.memory_space<semaphore_mem>>)
      %dma_wait3A_37 = tpu.memref_slice %arg3[%add3A_4] : memref<8192xi32, #tpu.memory_space<hbm>> -> memref<128xi32, #tpu.memory_space<hbm>>
      %dma_wait3A_38 = tpu.memref_slice %arg3[%add3A_4] : memref<8192xi32, #tpu.memory_space<hbm>> -> memref<128xi32, #tpu.memory_space<hbm>>
      tpu.wait_dma2 semaphore(%run_scoped3A : memref<!tpu.dma_semaphore, #tpu.memory_space<semaphore_mem>>) src(%dma_wait3A_38 : memref<128xi32, #tpu.memory_space<hbm>>) dst(%arg5 : memref<128xi32, #tpu.memory_space<vmem>>)
      tpu.yield
    }) : () -> ()
    "tpu.region"() ({
      %run_scoped3A = tpu.sem_alloc : memref<!tpu.dma_semaphore, #tpu.memory_space<semaphore_mem>>
      %dma_start3A_35 = tpu.memref_slice %arg3[%add3A_8] : memref<8192xi32, #tpu.memory_space<hbm>> -> memref<128xi32, #tpu.memory_space<hbm>>
      %dma_start3A_36 = tpu.memref_slice %arg3[%add3A_8] : memref<8192xi32, #tpu.memory_space<hbm>> -> memref<128xi32, #tpu.memory_space<hbm>>
      tpu.enqueue_dma source(%dma_start3A_36 : memref<128xi32, #tpu.memory_space<hbm>>) target(%arg6 : memref<128xi32, #tpu.memory_space<vmem>>) target_semaphore(%run_scoped3A : memref<!tpu.dma_semaphore, #tpu.memory_space<semaphore_mem>>)
      %dma_wait3A_37 = tpu.memref_slice %arg3[%add3A_8] : memref<8192xi32, #tpu.memory_space<hbm>> -> memref<128xi32, #tpu.memory_space<hbm>>
      %dma_wait3A_38 = tpu.memref_slice %arg3[%add3A_8] : memref<8192xi32, #tpu.memory_space<hbm>> -> memref<128xi32, #tpu.memory_space<hbm>>
      tpu.wait_dma2 semaphore(%run_scoped3A : memref<!tpu.dma_semaphore, #tpu.memory_space<semaphore_mem>>) src(%dma_wait3A_38 : memref<128xi32, #tpu.memory_space<hbm>>) dst(%arg6 : memref<128xi32, #tpu.memory_space<vmem>>)
      tpu.yield
    }) : () -> ()
    %dma_start3A = arith.constant 0 : i32
    %dma_start3A_9 = arith.constant 0 : i32
    %dma_start3A_10 = tpu.memref_slice %arg2[%dma_start3A, %dma_start3A_9] : memref<1024x256xf32, #tpu.memory_space<hbm>> -> memref<1024x256xf32, #tpu.memory_space<hbm>>
    tpu.enqueue_indirect_dma source(%dma_start3A_10 : memref<1024x256xf32, #tpu.memory_space<hbm>>) target(%arg7 : memref<128x256xf32, #tpu.memory_space<vmem>>) offsets(%arg5 : memref<128xi32, #tpu.memory_space<vmem>>) semaphore(%arg9 : memref<!tpu.dma_semaphore, #tpu.memory_space<semaphore_mem>>)
    %dma_start3A_11 = arith.constant 0 : i32
    %dma_start3A_12 = arith.constant 0 : i32
    %dma_start3A_13 = tpu.memref_slice %arg2[%dma_start3A_11, %dma_start3A_12] : memref<1024x256xf32, #tpu.memory_space<hbm>> -> memref<1024x256xf32, #tpu.memory_space<hbm>>
    tpu.enqueue_indirect_dma source(%dma_start3A_13 : memref<1024x256xf32, #tpu.memory_space<hbm>>) target(%arg8 : memref<128x256xf32, #tpu.memory_space<vmem>>) offsets(%arg6 : memref<128xi32, #tpu.memory_space<vmem>>) semaphore(%arg9 : memref<!tpu.dma_semaphore, #tpu.memory_space<semaphore_mem>>)
    %dma_wait3A = arith.constant 0 : i32
    %dma_wait3A_14 = arith.constant 0 : i32
    %dma_wait3A_15 = tpu.memref_slice %arg2[%dma_wait3A, %dma_wait3A_14] : memref<1024x256xf32, #tpu.memory_space<hbm>> -> memref<1024x256xf32, #tpu.memory_space<hbm>>
    tpu.wait_indirect_dma semaphore(%arg9 : memref<!tpu.dma_semaphore, #tpu.memory_space<semaphore_mem>>) src(%dma_wait3A_15 : memref<1024x256xf32, #tpu.memory_space<hbm>>) dst(%arg7 : memref<128x256xf32, #tpu.memory_space<vmem>>)
    %dma_start3A_16 = arith.constant 0 : i32
    %dma_start3A_17 = tpu.memref_slice %arg4[%add3A_4, %dma_start3A_16] : memref<8192x256xf32, #tpu.memory_space<hbm>> -> memref<128x256xf32, #tpu.memory_space<hbm>>
    %dma_start3A_18 = arith.constant 0 : i32
    %dma_start3A_19 = tpu.memref_slice %arg4[%add3A_4, %dma_start3A_18] : memref<8192x256xf32, #tpu.memory_space<hbm>> -> memref<128x256xf32, #tpu.memory_space<hbm>>
    tpu.enqueue_dma source(%arg7 : memref<128x256xf32, #tpu.memory_space<vmem>>) target(%dma_start3A_19 : memref<128x256xf32, #tpu.memory_space<hbm>>) target_semaphore(%arg10 : memref<!tpu.dma_semaphore, #tpu.memory_space<semaphore_mem>>)
    %dma_wait3A_20 = arith.constant 0 : i32
    %dma_wait3A_21 = arith.constant 0 : i32
    %dma_wait3A_22 = tpu.memref_slice %arg2[%dma_wait3A_20, %dma_wait3A_21] : memref<1024x256xf32, #tpu.memory_space<hbm>> -> memref<1024x256xf32, #tpu.memory_space<hbm>>
    tpu.wait_indirect_dma semaphore(%arg9 : memref<!tpu.dma_semaphore, #tpu.memory_space<semaphore_mem>>) src(%dma_wait3A_22 : memref<1024x256xf32, #tpu.memory_space<hbm>>) dst(%arg8 : memref<128x256xf32, #tpu.memory_space<vmem>>)
    %dma_start3A_23 = arith.constant 0 : i32
    %dma_start3A_24 = tpu.memref_slice %arg4[%add3A_8, %dma_start3A_23] : memref<8192x256xf32, #tpu.memory_space<hbm>> -> memref<128x256xf32, #tpu.memory_space<hbm>>
    %dma_start3A_25 = arith.constant 0 : i32
    %dma_start3A_26 = tpu.memref_slice %arg4[%add3A_8, %dma_start3A_25] : memref<8192x256xf32, #tpu.memory_space<hbm>> -> memref<128x256xf32, #tpu.memory_space<hbm>>
    tpu.enqueue_dma source(%arg8 : memref<128x256xf32, #tpu.memory_space<vmem>>) target(%dma_start3A_26 : memref<128x256xf32, #tpu.memory_space<hbm>>) target_semaphore(%arg10 : memref<!tpu.dma_semaphore, #tpu.memory_space<semaphore_mem>>)
    %dma_wait3A_27 = arith.constant 0 : i32
    %dma_wait3A_28 = tpu.memref_slice %arg4[%add3A_4, %dma_wait3A_27] : memref<8192x256xf32, #tpu.memory_space<hbm>> -> memref<128x256xf32, #tpu.memory_space<hbm>>
    %dma_wait3A_29 = arith.constant 0 : i32
    %dma_wait3A_30 = tpu.memref_slice %arg4[%add3A_4, %dma_wait3A_29] : memref<8192x256xf32, #tpu.memory_space<hbm>> -> memref<128x256xf32, #tpu.memory_space<hbm>>
    tpu.wait_dma2 semaphore(%arg10 : memref<!tpu.dma_semaphore, #tpu.memory_space<semaphore_mem>>) src(%arg7 : memref<128x256xf32, #tpu.memory_space<vmem>>) dst(%dma_wait3A_30 : memref<128x256xf32, #tpu.memory_space<hbm>>)
    %dma_wait3A_31 = arith.constant 0 : i32
    %dma_wait3A_32 = tpu.memref_slice %arg4[%add3A_8, %dma_wait3A_31] : memref<8192x256xf32, #tpu.memory_space<hbm>> -> memref<128x256xf32, #tpu.memory_space<hbm>>
    %dma_wait3A_33 = arith.constant 0 : i32
    %dma_wait3A_34 = tpu.memref_slice %arg4[%add3A_8, %dma_wait3A_33] : memref<8192x256xf32, #tpu.memory_space<hbm>> -> memref<128x256xf32, #tpu.memory_space<hbm>>
    tpu.wait_dma2 semaphore(%arg10 : memref<!tpu.dma_semaphore, #tpu.memory_space<semaphore_mem>>) src(%arg8 : memref<128x256xf32, #tpu.memory_space<vmem>>) dst(%dma_wait3A_34 : memref<128x256xf32, #tpu.memory_space<hbm>>)
    return
  }
}

#map = affine_map<(d0, d1) -> (0, 0)>
#map1 = affine_map<(d0, d1) -> (0)>
module attributes {stable_mosaic.version = 14 : i64} {
  func.func @k(%arg0: i32, %arg1: i32, %arg2: memref<1024x256xf32, #tpu.memory_space<hbm>>, %arg3: memref<8192xi32, #tpu.memory_space<hbm>>, %arg4: memref<8192x256xf32, #tpu.memory_space<hbm>>, %arg5: memref<128xi32, #tpu.memory_space<vmem>>, %arg6: memref<128xi32, #tpu.memory_space<vmem>>, %arg7: memref<128x256xf32, #tpu.memory_space<vmem>>, %arg8: memref<128x256xf32, #tpu.memory_space<vmem>>, %arg9: memref<!tpu.dma_semaphore, #tpu.memory_space<semaphore_mem>>, %arg10: memref<!tpu.dma_semaphore, #tpu.memory_space<semaphore_mem>>) attributes {dimension_semantics = [#tpu.dimension_semantics<core_parallel>, #tpu.dimension_semantics<subcore_parallel>], iteration_bounds = array<i64: 2, 16>, scalar_prefetch = 0 : i64, scratch_operands = 6 : i64, tpu.core_type = #tpu.core_type<sc_vector_subcore>, window_params = [{transform_indices = #map}, {transform_indices = #map1}, {transform_indices = #map}]} {
    %mul3A = arith.constant 2 : i32
    %mul3A_0 = arith.muli %arg1, %mul3A : i32
    %add3A = arith.addi %mul3A_0, %arg0 : i32
    %mul3A_1 = arith.constant 256 : i32
    %mul3A_2 = arith.muli %add3A, %mul3A_1 : i32
    %add3A_3 = arith.constant 0 : i32
    %add3A_4 = arith.addi %mul3A_2, %add3A_3 : i32
    %mul3A_5 = arith.constant 256 : i32
    %mul3A_6 = arith.muli %add3A, %mul3A_5 : i32
    %add3A_7 = arith.constant 128 : i32
    %add3A_8 = arith.addi %mul3A_6, %add3A_7 : i32
    "tpu.region"() ({
      %run_scoped3A = tpu.sem_alloc : memref<!tpu.dma_semaphore, #tpu.memory_space<semaphore_mem>>
      %dma_start3A_35 = tpu.memref_slice %arg3[%add3A_4] : memref<8192xi32, #tpu.memory_space<hbm>> -> memref<128xi32, #tpu.memory_space<hbm>>
      %dma_start3A_36 = tpu.memref_slice %arg3[%add3A_4] : memref<8192xi32, #tpu.memory_space<hbm>> -> memref<128xi32, #tpu.memory_space<hbm>>
      tpu.enqueue_dma source(%dma_start3A_36 : memref<128xi32, #tpu.memory_space<hbm>>) target(%arg5 : memref<128xi32, #tpu.memory_space<vmem>>) target_semaphore(%run_scoped3A : memref<!tpu.dma_semaphore, #tpu.memory_space<semaphore_mem>>)
      %dma_wait3A_37 = tpu.memref_slice %arg3[%add3A_4] : memref<8192xi32, #tpu.memory_space<hbm>> -> memref<128xi32, #tpu.memory_space<hbm>>
      %dma_wait3A_38 = tpu.memref_slice %arg3[%add3A_4] : memref<8192xi32, #tpu.memory_space<hbm>> -> memref<128xi32, #tpu.memory_space<hbm>>
      tpu.wait_dma2 semaphore(%run_scoped3A : memref<!tpu.dma_semaphore, #tpu.memory_space<semaphore_mem>>) src(%dma_wait3A_38 : memref<128xi32, #tpu.memory_space<hbm>>) dst(%arg5 : memref<128xi32, #tpu.memory_space<vmem>>)
      tpu.yield
    }) : () -> ()
    "tpu.region"() ({
      %run_scoped3A = tpu.sem_alloc : memref<!tpu.dma_semaphore, #tpu.memory_space<semaphore_mem>>
      %dma_start3A_35 = tpu.memref_slice %arg3[%add3A_8] : memref<8192xi32, #tpu.memory_space<hbm>> -> memref<128xi32, #tpu.memory_space<hbm>>
      %dma_start3A_36 = tpu.memref_slice %arg3[%add3A_8] : memref<8192xi32, #tpu.memory_space<hbm>> -> memref<128xi32, #tpu.memory_space<hbm>>
      tpu.enqueue_dma source(%dma_start3A_36 : memref<128xi32, #tpu.memory_space<hbm>>) target(%arg6 : memref<128xi32, #tpu.memory_space<vmem>>) target_semaphore(%run_scoped3A : memref<!tpu.dma_semaphore, #tpu.memory_space<semaphore_mem>>)
      %dma_wait3A_37 = tpu.memref_slice %arg3[%add3A_8] : memref<8192xi32, #tpu.memory_space<hbm>> -> memref<128xi32, #tpu.memory_space<hbm>>
      %dma_wait3A_38 = tpu.memref_slice %arg3[%add3A_8] : memref<8192xi32, #tpu.memory_space<hbm>> -> memref<128xi32, #tpu.memory_space<hbm>>
      tpu.wait_dma2 semaphore(%run_scoped3A : memref<!tpu.dma_semaphore, #tpu.memory_space<semaphore_mem>>) src(%dma_wait3A_38 : memref<128xi32, #tpu.memory_space<hbm>>) dst(%arg6 : memref<128xi32, #tpu.memory_space<vmem>>)
      tpu.yield
    }) : () -> ()
    %dma_start3A = arith.constant 0 : i32
    %dma_start3A_9 = arith.constant 0 : i32
    %dma_start3A_10 = tpu.memref_slice %arg2[%dma_start3A, %dma_start3A_9] : memref<1024x256xf32, #tpu.memory_space<hbm>> -> memref<1024x256xf32, #tpu.memory_space<hbm>>
    tpu.enqueue_indirect_dma source(%dma_start3A_10 : memref<1024x256xf32, #tpu.memory_space<hbm>>) target(%arg7 : memref<128x256xf32, #tpu.memory_space<vmem>>) offsets(%arg5 : memref<128xi32, #tpu.memory_space<vmem>>) semaphore(%arg9 : memref<!tpu.dma_semaphore, #tpu.memory_space<semaphore_mem>>)
    %dma_start3A_11 = arith.constant 0 : i32
    %dma_start3A_12 = arith.constant 0 : i32
    %dma_start3A_13 = tpu.memref_slice %arg2[%dma_start3A_11, %dma_start3A_12] : memref<1024x256xf32, #tpu.memory_space<hbm>> -> memref<1024x256xf32, #tpu.memory_space<hbm>>
    tpu.enqueue_indirect_dma source(%dma_start3A_13 : memref<1024x256xf32, #tpu.memory_space<hbm>>) target(%arg8 : memref<128x256xf32, #tpu.memory_space<vmem>>) offsets(%arg6 : memref<128xi32, #tpu.memory_space<vmem>>) semaphore(%arg9 : memref<!tpu.dma_semaphore, #tpu.memory_space<semaphore_mem>>)
    %dma_wait3A = arith.constant 0 : i32
    %dma_wait3A_14 = arith.constant 0 : i32
    %dma_wait3A_15 = tpu.memref_slice %arg2[%dma_wait3A, %dma_wait3A_14] : memref<1024x256xf32, #tpu.memory_space<hbm>> -> memref<1024x256xf32, #tpu.memory_space<hbm>>
    tpu.wait_indirect_dma semaphore(%arg9 : memref<!tpu.dma_semaphore, #tpu.memory_space<semaphore_mem>>) src(%dma_wait3A_15 : memref<1024x256xf32, #tpu.memory_space<hbm>>) dst(%arg7 : memref<128x256xf32, #tpu.memory_space<vmem>>)
    %dma_start3A_16 = arith.constant 0 : i32
    %dma_start3A_17 = tpu.memref_slice %arg4[%add3A_4, %dma_start3A_16] : memref<8192x256xf32, #tpu.memory_space<hbm>> -> memref<128x256xf32, #tpu.memory_space<hbm>>
    %dma_start3A_18 = arith.constant 0 : i32
    %dma_start3A_19 = tpu.memref_slice %arg4[%add3A_4, %dma_start3A_18] : memref<8192x256xf32, #tpu.memory_space<hbm>> -> memref<128x256xf32, #tpu.memory_space<hbm>>
    tpu.enqueue_dma source(%arg7 : memref<128x256xf32, #tpu.memory_space<vmem>>) target(%dma_start3A_19 : memref<128x256xf32, #tpu.memory_space<hbm>>) target_semaphore(%arg10 : memref<!tpu.dma_semaphore, #tpu.memory_space<semaphore_mem>>)
    %dma_wait3A_20 = arith.constant 0 : i32
    %dma_wait3A_21 = arith.constant 0 : i32
    %dma_wait3A_22 = tpu.memref_slice %arg2[%dma_wait3A_20, %dma_wait3A_21] : memref<1024x256xf32, #tpu.memory_space<hbm>> -> memref<1024x256xf32, #tpu.memory_space<hbm>>
    tpu.wait_indirect_dma semaphore(%arg9 : memref<!tpu.dma_semaphore, #tpu.memory_space<semaphore_mem>>) src(%dma_wait3A_22 : memref<1024x256xf32, #tpu.memory_space<hbm>>) dst(%arg8 : memref<128x256xf32, #tpu.memory_space<vmem>>)
    %dma_start3A_23 = arith.constant 0 : i32
    %dma_start3A_24 = tpu.memref_slice %arg4[%add3A_8, %dma_start3A_23] : memref<8192x256xf32, #tpu.memory_space<hbm>> -> memref<128x256xf32, #tpu.memory_space<hbm>>
    %dma_start3A_25 = arith.constant 0 : i32
    %dma_start3A_26 = tpu.memref_slice %arg4[%add3A_8, %dma_start3A_25] : memref<8192x256xf32, #tpu.memory_space<hbm>> -> memref<128x256xf32, #tpu.memory_space<hbm>>
    tpu.enqueue_dma source(%arg8 : memref<128x256xf32, #tpu.memory_space<vmem>>) target(%dma_start3A_26 : memref<128x256xf32, #tpu.memory_space<hbm>>) target_semaphore(%arg10 : memref<!tpu.dma_semaphore, #tpu.memory_space<semaphore_mem>>)
    %dma_wait3A_27 = arith.constant 0 : i32
    %dma_wait3A_28 = tpu.memref_slice %arg4[%add3A_4, %dma_wait3A_27] : memref<8192x256xf32, #tpu.memory_space<hbm>> -> memref<128x256xf32, #tpu.memory_space<hbm>>
    %dma_wait3A_29 = arith.constant 0 : i32
    %dma_wait3A_30 = tpu.memref_slice %arg4[%add3A_4, %dma_wait3A_29] : memref<8192x256xf32, #tpu.memory_space<hbm>> -> memref<128x256xf32, #tpu.memory_space<hbm>>
    tpu.wait_dma2 semaphore(%arg10 : memref<!tpu.dma_semaphore, #tpu.memory_space<semaphore_mem>>) src(%arg7 : memref<128x256xf32, #tpu.memory_space<vmem>>) dst(%dma_wait3A_30 : memref<128x256xf32, #tpu.memory_space<hbm>>)
    %dma_wait3A_31 = arith.constant 0 : i32
    %dma_wait3A_32 = tpu.memref_slice %arg4[%add3A_8, %dma_wait3A_31] : memref<8192x256xf32, #tpu.memory_space<hbm>> -> memref<128x256xf32, #tpu.memory_space<hbm>>
    %dma_wait3A_33 = arith.constant 0 : i32
    %dma_wait3A_34 = tpu.memref_slice %arg4[%add3A_8, %dma_wait3A_33] : memref<8192x256xf32, #tpu.memory_space<hbm>> -> memref<128x256xf32, #tpu.memory_space<hbm>>
    tpu.wait_dma2 semaphore(%arg10 : memref<!tpu.dma_semaphore, #tpu.memory_space<semaphore_mem>>) src(%arg8 : memref<128x256xf32, #tpu.memory_space<vmem>>) dst(%dma_wait3A_34 : memref<128x256xf32, #tpu.memory_space<hbm>>)
    return
  }
}

#map = affine_map<(d0, d1) -> (0, 0)>
#map1 = affine_map<(d0, d1) -> (0)>
module attributes {stable_mosaic.version = 14 : i64} {
  func.func @k(%arg0: i32, %arg1: i32, %arg2: memref<1024x256xf32, #tpu.memory_space<hbm>>, %arg3: memref<8192xi32, #tpu.memory_space<hbm>>, %arg4: memref<8192x256xf32, #tpu.memory_space<hbm>>, %arg5: memref<128xi32, #tpu.memory_space<vmem>>, %arg6: memref<128xi32, #tpu.memory_space<vmem>>, %arg7: memref<128x256xf32, #tpu.memory_space<vmem>>, %arg8: memref<128x256xf32, #tpu.memory_space<vmem>>, %arg9: memref<!tpu.dma_semaphore, #tpu.memory_space<semaphore_mem>>, %arg10: memref<!tpu.dma_semaphore, #tpu.memory_space<semaphore_mem>>) attributes {dimension_semantics = [#tpu.dimension_semantics<core_parallel>, #tpu.dimension_semantics<subcore_parallel>], iteration_bounds = array<i64: 2, 16>, scalar_prefetch = 0 : i64, scratch_operands = 6 : i64, tpu.core_type = #tpu.core_type<sc_vector_subcore>, window_params = [{transform_indices = #map}, {transform_indices = #map1}, {transform_indices = #map}]} {
    %mul3A = arith.constant 2 : i32
    %mul3A_0 = arith.muli %arg1, %mul3A : i32
    %add3A = arith.addi %mul3A_0, %arg0 : i32
    %mul3A_1 = arith.constant 256 : i32
    %mul3A_2 = arith.muli %add3A, %mul3A_1 : i32
    %add3A_3 = arith.constant 0 : i32
    %add3A_4 = arith.addi %mul3A_2, %add3A_3 : i32
    %mul3A_5 = arith.constant 256 : i32
    %mul3A_6 = arith.muli %add3A, %mul3A_5 : i32
    %add3A_7 = arith.constant 128 : i32
    %add3A_8 = arith.addi %mul3A_6, %add3A_7 : i32
    "tpu.region"() ({
      %run_scoped3A = tpu.sem_alloc : memref<!tpu.dma_semaphore, #tpu.memory_space<semaphore_mem>>
      %dma_start3A_35 = tpu.memref_slice %arg3[%add3A_4] : memref<8192xi32, #tpu.memory_space<hbm>> -> memref<128xi32, #tpu.memory_space<hbm>>
      %dma_start3A_36 = tpu.memref_slice %arg3[%add3A_4] : memref<8192xi32, #tpu.memory_space<hbm>> -> memref<128xi32, #tpu.memory_space<hbm>>
      tpu.enqueue_dma source(%dma_start3A_36 : memref<128xi32, #tpu.memory_space<hbm>>) target(%arg5 : memref<128xi32, #tpu.memory_space<vmem>>) target_semaphore(%run_scoped3A : memref<!tpu.dma_semaphore, #tpu.memory_space<semaphore_mem>>)
      %dma_wait3A_37 = tpu.memref_slice %arg3[%add3A_4] : memref<8192xi32, #tpu.memory_space<hbm>> -> memref<128xi32, #tpu.memory_space<hbm>>
      %dma_wait3A_38 = tpu.memref_slice %arg3[%add3A_4] : memref<8192xi32, #tpu.memory_space<hbm>> -> memref<128xi32, #tpu.memory_space<hbm>>
      tpu.wait_dma2 semaphore(%run_scoped3A : memref<!tpu.dma_semaphore, #tpu.memory_space<semaphore_mem>>) src(%dma_wait3A_38 : memref<128xi32, #tpu.memory_space<hbm>>) dst(%arg5 : memref<128xi32, #tpu.memory_space<vmem>>)
      tpu.yield
    }) : () -> ()
    "tpu.region"() ({
      %run_scoped3A = tpu.sem_alloc : memref<!tpu.dma_semaphore, #tpu.memory_space<semaphore_mem>>
      %dma_start3A_35 = tpu.memref_slice %arg3[%add3A_8] : memref<8192xi32, #tpu.memory_space<hbm>> -> memref<128xi32, #tpu.memory_space<hbm>>
      %dma_start3A_36 = tpu.memref_slice %arg3[%add3A_8] : memref<8192xi32, #tpu.memory_space<hbm>> -> memref<128xi32, #tpu.memory_space<hbm>>
      tpu.enqueue_dma source(%dma_start3A_36 : memref<128xi32, #tpu.memory_space<hbm>>) target(%arg6 : memref<128xi32, #tpu.memory_space<vmem>>) target_semaphore(%run_scoped3A : memref<!tpu.dma_semaphore, #tpu.memory_space<semaphore_mem>>)
      %dma_wait3A_37 = tpu.memref_slice %arg3[%add3A_8] : memref<8192xi32, #tpu.memory_space<hbm>> -> memref<128xi32, #tpu.memory_space<hbm>>
      %dma_wait3A_38 = tpu.memref_slice %arg3[%add3A_8] : memref<8192xi32, #tpu.memory_space<hbm>> -> memref<128xi32, #tpu.memory_space<hbm>>
      tpu.wait_dma2 semaphore(%run_scoped3A : memref<!tpu.dma_semaphore, #tpu.memory_space<semaphore_mem>>) src(%dma_wait3A_38 : memref<128xi32, #tpu.memory_space<hbm>>) dst(%arg6 : memref<128xi32, #tpu.memory_space<vmem>>)
      tpu.yield
    }) : () -> ()
    %dma_start3A = arith.constant 0 : i32
    %dma_start3A_9 = arith.constant 0 : i32
    %dma_start3A_10 = tpu.memref_slice %arg2[%dma_start3A, %dma_start3A_9] : memref<1024x256xf32, #tpu.memory_space<hbm>> -> memref<1024x256xf32, #tpu.memory_space<hbm>>
    tpu.enqueue_indirect_dma source(%dma_start3A_10 : memref<1024x256xf32, #tpu.memory_space<hbm>>) target(%arg7 : memref<128x256xf32, #tpu.memory_space<vmem>>) offsets(%arg5 : memref<128xi32, #tpu.memory_space<vmem>>) semaphore(%arg9 : memref<!tpu.dma_semaphore, #tpu.memory_space<semaphore_mem>>)
    %dma_start3A_11 = arith.constant 0 : i32
    %dma_start3A_12 = arith.constant 0 : i32
    %dma_start3A_13 = tpu.memref_slice %arg2[%dma_start3A_11, %dma_start3A_12] : memref<1024x256xf32, #tpu.memory_space<hbm>> -> memref<1024x256xf32, #tpu.memory_space<hbm>>
    tpu.enqueue_indirect_dma source(%dma_start3A_13 : memref<1024x256xf32, #tpu.memory_space<hbm>>) target(%arg8 : memref<128x256xf32, #tpu.memory_space<vmem>>) offsets(%arg6 : memref<128xi32, #tpu.memory_space<vmem>>) semaphore(%arg9 : memref<!tpu.dma_semaphore, #tpu.memory_space<semaphore_mem>>)
    %dma_wait3A = arith.constant 0 : i32
    %dma_wait3A_14 = arith.constant 0 : i32
    %dma_wait3A_15 = tpu.memref_slice %arg2[%dma_wait3A, %dma_wait3A_14] : memref<1024x256xf32, #tpu.memory_space<hbm>> -> memref<1024x256xf32, #tpu.memory_space<hbm>>
    tpu.wait_indirect_dma semaphore(%arg9 : memref<!tpu.dma_semaphore, #tpu.memory_space<semaphore_mem>>) src(%dma_wait3A_15 : memref<1024x256xf32, #tpu.memory_space<hbm>>) dst(%arg7 : memref<128x256xf32, #tpu.memory_space<vmem>>)
    %dma_start3A_16 = arith.constant 0 : i32
    %dma_start3A_17 = tpu.memref_slice %arg4[%add3A_4, %dma_start3A_16] : memref<8192x256xf32, #tpu.memory_space<hbm>> -> memref<128x256xf32, #tpu.memory_space<hbm>>
    %dma_start3A_18 = arith.constant 0 : i32
    %dma_start3A_19 = tpu.memref_slice %arg4[%add3A_4, %dma_start3A_18] : memref<8192x256xf32, #tpu.memory_space<hbm>> -> memref<128x256xf32, #tpu.memory_space<hbm>>
    tpu.enqueue_dma source(%arg7 : memref<128x256xf32, #tpu.memory_space<vmem>>) target(%dma_start3A_19 : memref<128x256xf32, #tpu.memory_space<hbm>>) target_semaphore(%arg10 : memref<!tpu.dma_semaphore, #tpu.memory_space<semaphore_mem>>)
    %dma_wait3A_20 = arith.constant 0 : i32
    %dma_wait3A_21 = arith.constant 0 : i32
    %dma_wait3A_22 = tpu.memref_slice %arg2[%dma_wait3A_20, %dma_wait3A_21] : memref<1024x256xf32, #tpu.memory_space<hbm>> -> memref<1024x256xf32, #tpu.memory_space<hbm>>
    tpu.wait_indirect_dma semaphore(%arg9 : memref<!tpu.dma_semaphore, #tpu.memory_space<semaphore_mem>>) src(%dma_wait3A_22 : memref<1024x256xf32, #tpu.memory_space<hbm>>) dst(%arg8 : memref<128x256xf32, #tpu.memory_space<vmem>>)
    %dma_start3A_23 = arith.constant 0 : i32
    %dma_start3A_24 = tpu.memref_slice %arg4[%add3A_8, %dma_start3A_23] : memref<8192x256xf32, #tpu.memory_space<hbm>> -> memref<128x256xf32, #tpu.memory_space<hbm>>
    %dma_start3A_25 = arith.constant 0 : i32
    %dma_start3A_26 = tpu.memref_slice %arg4[%add3A_8, %dma_start3A_25] : memref<8192x256xf32, #tpu.memory_space<hbm>> -> memref<128x256xf32, #tpu.memory_space<hbm>>
    tpu.enqueue_dma source(%arg8 : memref<128x256xf32, #tpu.memory_space<vmem>>) target(%dma_start3A_26 : memref<128x256xf32, #tpu.memory_space<hbm>>) target_semaphore(%arg10 : memref<!tpu.dma_semaphore, #tpu.memory_space<semaphore_mem>>)
    %dma_wait3A_27 = arith.constant 0 : i32
    %dma_wait3A_28 = tpu.memref_slice %arg4[%add3A_4, %dma_wait3A_27] : memref<8192x256xf32, #tpu.memory_space<hbm>> -> memref<128x256xf32, #tpu.memory_space<hbm>>
    %dma_wait3A_29 = arith.constant 0 : i32
    %dma_wait3A_30 = tpu.memref_slice %arg4[%add3A_4, %dma_wait3A_29] : memref<8192x256xf32, #tpu.memory_space<hbm>> -> memref<128x256xf32, #tpu.memory_space<hbm>>
    tpu.wait_dma2 semaphore(%arg10 : memref<!tpu.dma_semaphore, #tpu.memory_space<semaphore_mem>>) src(%arg7 : memref<128x256xf32, #tpu.memory_space<vmem>>) dst(%dma_wait3A_30 : memref<128x256xf32, #tpu.memory_space<hbm>>)
    %dma_wait3A_31 = arith.constant 0 : i32
    %dma_wait3A_32 = tpu.memref_slice %arg4[%add3A_8, %dma_wait3A_31] : memref<8192x256xf32, #tpu.memory_space<hbm>> -> memref<128x256xf32, #tpu.memory_space<hbm>>
    %dma_wait3A_33 = arith.constant 0 : i32
    %dma_wait3A_34 = tpu.memref_slice %arg4[%add3A_8, %dma_wait3A_33] : memref<8192x256xf32, #tpu.memory_space<hbm>> -> memref<128x256xf32, #tpu.memory_space<hbm>>
    tpu.wait_dma2 semaphore(%arg10 : memref<!tpu.dma_semaphore, #tpu.memory_space<semaphore_mem>>) src(%arg8 : memref<128x256xf32, #tpu.memory_space<vmem>>) dst(%dma_wait3A_34 : memref<128x256xf32, #tpu.memory_space<hbm>>)
    return
  }
}

#map = affine_map<(d0, d1) -> (0, 0)>
#map1 = affine_map<(d0, d1) -> (0)>
module attributes {stable_mosaic.version = 14 : i64} {
  func.func @k(%arg0: i32, %arg1: i32, %arg2: memref<1024x256xf32, #tpu.memory_space<hbm>>, %arg3: memref<8192xi32, #tpu.memory_space<hbm>>, %arg4: memref<8192x256xf32, #tpu.memory_space<hbm>>, %arg5: memref<128xi32, #tpu.memory_space<vmem>>, %arg6: memref<128xi32, #tpu.memory_space<vmem>>, %arg7: memref<128x256xf32, #tpu.memory_space<vmem>>, %arg8: memref<128x256xf32, #tpu.memory_space<vmem>>, %arg9: memref<!tpu.dma_semaphore, #tpu.memory_space<semaphore_mem>>, %arg10: memref<!tpu.dma_semaphore, #tpu.memory_space<semaphore_mem>>) attributes {dimension_semantics = [#tpu.dimension_semantics<core_parallel>, #tpu.dimension_semantics<subcore_parallel>], iteration_bounds = array<i64: 2, 16>, scalar_prefetch = 0 : i64, scratch_operands = 6 : i64, tpu.core_type = #tpu.core_type<sc_vector_subcore>, window_params = [{transform_indices = #map}, {transform_indices = #map1}, {transform_indices = #map}]} {
    %mul3A = arith.constant 2 : i32
    %mul3A_0 = arith.muli %arg1, %mul3A : i32
    %add3A = arith.addi %mul3A_0, %arg0 : i32
    %mul3A_1 = arith.constant 256 : i32
    %mul3A_2 = arith.muli %add3A, %mul3A_1 : i32
    %add3A_3 = arith.constant 0 : i32
    %add3A_4 = arith.addi %mul3A_2, %add3A_3 : i32
    %mul3A_5 = arith.constant 256 : i32
    %mul3A_6 = arith.muli %add3A, %mul3A_5 : i32
    %add3A_7 = arith.constant 128 : i32
    %add3A_8 = arith.addi %mul3A_6, %add3A_7 : i32
    "tpu.region"() ({
      %run_scoped3A = tpu.sem_alloc : memref<!tpu.dma_semaphore, #tpu.memory_space<semaphore_mem>>
      %dma_start3A_35 = tpu.memref_slice %arg3[%add3A_4] : memref<8192xi32, #tpu.memory_space<hbm>> -> memref<128xi32, #tpu.memory_space<hbm>>
      %dma_start3A_36 = tpu.memref_slice %arg3[%add3A_4] : memref<8192xi32, #tpu.memory_space<hbm>> -> memref<128xi32, #tpu.memory_space<hbm>>
      tpu.enqueue_dma source(%dma_start3A_36 : memref<128xi32, #tpu.memory_space<hbm>>) target(%arg5 : memref<128xi32, #tpu.memory_space<vmem>>) target_semaphore(%run_scoped3A : memref<!tpu.dma_semaphore, #tpu.memory_space<semaphore_mem>>)
      %dma_wait3A_37 = tpu.memref_slice %arg3[%add3A_4] : memref<8192xi32, #tpu.memory_space<hbm>> -> memref<128xi32, #tpu.memory_space<hbm>>
      %dma_wait3A_38 = tpu.memref_slice %arg3[%add3A_4] : memref<8192xi32, #tpu.memory_space<hbm>> -> memref<128xi32, #tpu.memory_space<hbm>>
      tpu.wait_dma2 semaphore(%run_scoped3A : memref<!tpu.dma_semaphore, #tpu.memory_space<semaphore_mem>>) src(%dma_wait3A_38 : memref<128xi32, #tpu.memory_space<hbm>>) dst(%arg5 : memref<128xi32, #tpu.memory_space<vmem>>)
      tpu.yield
    }) : () -> ()
    "tpu.region"() ({
      %run_scoped3A = tpu.sem_alloc : memref<!tpu.dma_semaphore, #tpu.memory_space<semaphore_mem>>
      %dma_start3A_35 = tpu.memref_slice %arg3[%add3A_8] : memref<8192xi32, #tpu.memory_space<hbm>> -> memref<128xi32, #tpu.memory_space<hbm>>
      %dma_start3A_36 = tpu.memref_slice %arg3[%add3A_8] : memref<8192xi32, #tpu.memory_space<hbm>> -> memref<128xi32, #tpu.memory_space<hbm>>
      tpu.enqueue_dma source(%dma_start3A_36 : memref<128xi32, #tpu.memory_space<hbm>>) target(%arg6 : memref<128xi32, #tpu.memory_space<vmem>>) target_semaphore(%run_scoped3A : memref<!tpu.dma_semaphore, #tpu.memory_space<semaphore_mem>>)
      %dma_wait3A_37 = tpu.memref_slice %arg3[%add3A_8] : memref<8192xi32, #tpu.memory_space<hbm>> -> memref<128xi32, #tpu.memory_space<hbm>>
      %dma_wait3A_38 = tpu.memref_slice %arg3[%add3A_8] : memref<8192xi32, #tpu.memory_space<hbm>> -> memref<128xi32, #tpu.memory_space<hbm>>
      tpu.wait_dma2 semaphore(%run_scoped3A : memref<!tpu.dma_semaphore, #tpu.memory_space<semaphore_mem>>) src(%dma_wait3A_38 : memref<128xi32, #tpu.memory_space<hbm>>) dst(%arg6 : memref<128xi32, #tpu.memory_space<vmem>>)
      tpu.yield
    }) : () -> ()
    %dma_start3A = arith.constant 0 : i32
    %dma_start3A_9 = arith.constant 0 : i32
    %dma_start3A_10 = tpu.memref_slice %arg2[%dma_start3A, %dma_start3A_9] : memref<1024x256xf32, #tpu.memory_space<hbm>> -> memref<1024x256xf32, #tpu.memory_space<hbm>>
    tpu.enqueue_indirect_dma source(%dma_start3A_10 : memref<1024x256xf32, #tpu.memory_space<hbm>>) target(%arg7 : memref<128x256xf32, #tpu.memory_space<vmem>>) offsets(%arg5 : memref<128xi32, #tpu.memory_space<vmem>>) semaphore(%arg9 : memref<!tpu.dma_semaphore, #tpu.memory_space<semaphore_mem>>)
    %dma_start3A_11 = arith.constant 0 : i32
    %dma_start3A_12 = arith.constant 0 : i32
    %dma_start3A_13 = tpu.memref_slice %arg2[%dma_start3A_11, %dma_start3A_12] : memref<1024x256xf32, #tpu.memory_space<hbm>> -> memref<1024x256xf32, #tpu.memory_space<hbm>>
    tpu.enqueue_indirect_dma source(%dma_start3A_13 : memref<1024x256xf32, #tpu.memory_space<hbm>>) target(%arg8 : memref<128x256xf32, #tpu.memory_space<vmem>>) offsets(%arg6 : memref<128xi32, #tpu.memory_space<vmem>>) semaphore(%arg9 : memref<!tpu.dma_semaphore, #tpu.memory_space<semaphore_mem>>)
    %dma_wait3A = arith.constant 0 : i32
    %dma_wait3A_14 = arith.constant 0 : i32
    %dma_wait3A_15 = tpu.memref_slice %arg2[%dma_wait3A, %dma_wait3A_14] : memref<1024x256xf32, #tpu.memory_space<hbm>> -> memref<1024x256xf32, #tpu.memory_space<hbm>>
    tpu.wait_indirect_dma semaphore(%arg9 : memref<!tpu.dma_semaphore, #tpu.memory_space<semaphore_mem>>) src(%dma_wait3A_15 : memref<1024x256xf32, #tpu.memory_space<hbm>>) dst(%arg7 : memref<128x256xf32, #tpu.memory_space<vmem>>)
    %dma_start3A_16 = arith.constant 0 : i32
    %dma_start3A_17 = tpu.memref_slice %arg4[%add3A_4, %dma_start3A_16] : memref<8192x256xf32, #tpu.memory_space<hbm>> -> memref<128x256xf32, #tpu.memory_space<hbm>>
    %dma_start3A_18 = arith.constant 0 : i32
    %dma_start3A_19 = tpu.memref_slice %arg4[%add3A_4, %dma_start3A_18] : memref<8192x256xf32, #tpu.memory_space<hbm>> -> memref<128x256xf32, #tpu.memory_space<hbm>>
    tpu.enqueue_dma source(%arg7 : memref<128x256xf32, #tpu.memory_space<vmem>>) target(%dma_start3A_19 : memref<128x256xf32, #tpu.memory_space<hbm>>) target_semaphore(%arg10 : memref<!tpu.dma_semaphore, #tpu.memory_space<semaphore_mem>>)
    %dma_wait3A_20 = arith.constant 0 : i32
    %dma_wait3A_21 = arith.constant 0 : i32
    %dma_wait3A_22 = tpu.memref_slice %arg2[%dma_wait3A_20, %dma_wait3A_21] : memref<1024x256xf32, #tpu.memory_space<hbm>> -> memref<1024x256xf32, #tpu.memory_space<hbm>>
    tpu.wait_indirect_dma semaphore(%arg9 : memref<!tpu.dma_semaphore, #tpu.memory_space<semaphore_mem>>) src(%dma_wait3A_22 : memref<1024x256xf32, #tpu.memory_space<hbm>>) dst(%arg8 : memref<128x256xf32, #tpu.memory_space<vmem>>)
    %dma_start3A_23 = arith.constant 0 : i32
    %dma_start3A_24 = tpu.memref_slice %arg4[%add3A_8, %dma_start3A_23] : memref<8192x256xf32, #tpu.memory_space<hbm>> -> memref<128x256xf32, #tpu.memory_space<hbm>>
    %dma_start3A_25 = arith.constant 0 : i32
    %dma_start3A_26 = tpu.memref_slice %arg4[%add3A_8, %dma_start3A_25] : memref<8192x256xf32, #tpu.memory_space<hbm>> -> memref<128x256xf32, #tpu.memory_space<hbm>>
    tpu.enqueue_dma source(%arg8 : memref<128x256xf32, #tpu.memory_space<vmem>>) target(%dma_start3A_26 : memref<128x256xf32, #tpu.memory_space<hbm>>) target_semaphore(%arg10 : memref<!tpu.dma_semaphore, #tpu.memory_space<semaphore_mem>>)
    %dma_wait3A_27 = arith.constant 0 : i32
    %dma_wait3A_28 = tpu.memref_slice %arg4[%add3A_4, %dma_wait3A_27] : memref<8192x256xf32, #tpu.memory_space<hbm>> -> memref<128x256xf32, #tpu.memory_space<hbm>>
    %dma_wait3A_29 = arith.constant 0 : i32
    %dma_wait3A_30 = tpu.memref_slice %arg4[%add3A_4, %dma_wait3A_29] : memref<8192x256xf32, #tpu.memory_space<hbm>> -> memref<128x256xf32, #tpu.memory_space<hbm>>
    tpu.wait_dma2 semaphore(%arg10 : memref<!tpu.dma_semaphore, #tpu.memory_space<semaphore_mem>>) src(%arg7 : memref<128x256xf32, #tpu.memory_space<vmem>>) dst(%dma_wait3A_30 : memref<128x256xf32, #tpu.memory_space<hbm>>)
    %dma_wait3A_31 = arith.constant 0 : i32
    %dma_wait3A_32 = tpu.memref_slice %arg4[%add3A_8, %dma_wait3A_31] : memref<8192x256xf32, #tpu.memory_space<hbm>> -> memref<128x256xf32, #tpu.memory_space<hbm>>
    %dma_wait3A_33 = arith.constant 0 : i32
    %dma_wait3A_34 = tpu.memref_slice %arg4[%add3A_8, %dma_wait3A_33] : memref<8192x256xf32, #tpu.memory_space<hbm>> -> memref<128x256xf32, #tpu.memory_space<hbm>>
    tpu.wait_dma2 semaphore(%arg10 : memref<!tpu.dma_semaphore, #tpu.memory_space<semaphore_mem>>) src(%arg8 : memref<128x256xf32, #tpu.memory_space<vmem>>) dst(%dma_wait3A_34 : memref<128x256xf32, #tpu.memory_space<hbm>>)
    return
  }
}

#map = affine_map<(d0, d1) -> (0, 0)>
#map1 = affine_map<(d0, d1) -> (0)>
module attributes {stable_mosaic.version = 14 : i64} {
  func.func @k(%arg0: i32, %arg1: i32, %arg2: memref<1024x256xf32, #tpu.memory_space<hbm>>, %arg3: memref<8192xi32, #tpu.memory_space<hbm>>, %arg4: memref<8192x256xf32, #tpu.memory_space<hbm>>, %arg5: memref<128xi32, #tpu.memory_space<vmem>>, %arg6: memref<128xi32, #tpu.memory_space<vmem>>, %arg7: memref<128x256xf32, #tpu.memory_space<vmem>>, %arg8: memref<128x256xf32, #tpu.memory_space<vmem>>, %arg9: memref<!tpu.dma_semaphore, #tpu.memory_space<semaphore_mem>>, %arg10: memref<!tpu.dma_semaphore, #tpu.memory_space<semaphore_mem>>) attributes {dimension_semantics = [#tpu.dimension_semantics<core_parallel>, #tpu.dimension_semantics<subcore_parallel>], iteration_bounds = array<i64: 2, 16>, scalar_prefetch = 0 : i64, scratch_operands = 6 : i64, tpu.core_type = #tpu.core_type<sc_vector_subcore>, window_params = [{transform_indices = #map}, {transform_indices = #map1}, {transform_indices = #map}]} {
    %mul3A = arith.constant 2 : i32
    %mul3A_0 = arith.muli %arg1, %mul3A : i32
    %add3A = arith.addi %mul3A_0, %arg0 : i32
    %mul3A_1 = arith.constant 256 : i32
    %mul3A_2 = arith.muli %add3A, %mul3A_1 : i32
    %add3A_3 = arith.constant 0 : i32
    %add3A_4 = arith.addi %mul3A_2, %add3A_3 : i32
    %mul3A_5 = arith.constant 256 : i32
    %mul3A_6 = arith.muli %add3A, %mul3A_5 : i32
    %add3A_7 = arith.constant 128 : i32
    %add3A_8 = arith.addi %mul3A_6, %add3A_7 : i32
    "tpu.region"() ({
      %run_scoped3A = tpu.sem_alloc : memref<!tpu.dma_semaphore, #tpu.memory_space<semaphore_mem>>
      %dma_start3A_35 = tpu.memref_slice %arg3[%add3A_4] : memref<8192xi32, #tpu.memory_space<hbm>> -> memref<128xi32, #tpu.memory_space<hbm>>
      %dma_start3A_36 = tpu.memref_slice %arg3[%add3A_4] : memref<8192xi32, #tpu.memory_space<hbm>> -> memref<128xi32, #tpu.memory_space<hbm>>
      tpu.enqueue_dma source(%dma_start3A_36 : memref<128xi32, #tpu.memory_space<hbm>>) target(%arg5 : memref<128xi32, #tpu.memory_space<vmem>>) target_semaphore(%run_scoped3A : memref<!tpu.dma_semaphore, #tpu.memory_space<semaphore_mem>>)
      %dma_wait3A_37 = tpu.memref_slice %arg3[%add3A_4] : memref<8192xi32, #tpu.memory_space<hbm>> -> memref<128xi32, #tpu.memory_space<hbm>>
      %dma_wait3A_38 = tpu.memref_slice %arg3[%add3A_4] : memref<8192xi32, #tpu.memory_space<hbm>> -> memref<128xi32, #tpu.memory_space<hbm>>
      tpu.wait_dma2 semaphore(%run_scoped3A : memref<!tpu.dma_semaphore, #tpu.memory_space<semaphore_mem>>) src(%dma_wait3A_38 : memref<128xi32, #tpu.memory_space<hbm>>) dst(%arg5 : memref<128xi32, #tpu.memory_space<vmem>>)
      tpu.yield
    }) : () -> ()
    "tpu.region"() ({
      %run_scoped3A = tpu.sem_alloc : memref<!tpu.dma_semaphore, #tpu.memory_space<semaphore_mem>>
      %dma_start3A_35 = tpu.memref_slice %arg3[%add3A_8] : memref<8192xi32, #tpu.memory_space<hbm>> -> memref<128xi32, #tpu.memory_space<hbm>>
      %dma_start3A_36 = tpu.memref_slice %arg3[%add3A_8] : memref<8192xi32, #tpu.memory_space<hbm>> -> memref<128xi32, #tpu.memory_space<hbm>>
      tpu.enqueue_dma source(%dma_start3A_36 : memref<128xi32, #tpu.memory_space<hbm>>) target(%arg6 : memref<128xi32, #tpu.memory_space<vmem>>) target_semaphore(%run_scoped3A : memref<!tpu.dma_semaphore, #tpu.memory_space<semaphore_mem>>)
      %dma_wait3A_37 = tpu.memref_slice %arg3[%add3A_8] : memref<8192xi32, #tpu.memory_space<hbm>> -> memref<128xi32, #tpu.memory_space<hbm>>
      %dma_wait3A_38 = tpu.memref_slice %arg3[%add3A_8] : memref<8192xi32, #tpu.memory_space<hbm>> -> memref<128xi32, #tpu.memory_space<hbm>>
      tpu.wait_dma2 semaphore(%run_scoped3A : memref<!tpu.dma_semaphore, #tpu.memory_space<semaphore_mem>>) src(%dma_wait3A_38 : memref<128xi32, #tpu.memory_space<hbm>>) dst(%arg6 : memref<128xi32, #tpu.memory_space<vmem>>)
      tpu.yield
    }) : () -> ()
    %dma_start3A = arith.constant 0 : i32
    %dma_start3A_9 = arith.constant 0 : i32
    %dma_start3A_10 = tpu.memref_slice %arg2[%dma_start3A, %dma_start3A_9] : memref<1024x256xf32, #tpu.memory_space<hbm>> -> memref<1024x256xf32, #tpu.memory_space<hbm>>
    tpu.enqueue_indirect_dma source(%dma_start3A_10 : memref<1024x256xf32, #tpu.memory_space<hbm>>) target(%arg7 : memref<128x256xf32, #tpu.memory_space<vmem>>) offsets(%arg5 : memref<128xi32, #tpu.memory_space<vmem>>) semaphore(%arg9 : memref<!tpu.dma_semaphore, #tpu.memory_space<semaphore_mem>>)
    %dma_start3A_11 = arith.constant 0 : i32
    %dma_start3A_12 = arith.constant 0 : i32
    %dma_start3A_13 = tpu.memref_slice %arg2[%dma_start3A_11, %dma_start3A_12] : memref<1024x256xf32, #tpu.memory_space<hbm>> -> memref<1024x256xf32, #tpu.memory_space<hbm>>
    tpu.enqueue_indirect_dma source(%dma_start3A_13 : memref<1024x256xf32, #tpu.memory_space<hbm>>) target(%arg8 : memref<128x256xf32, #tpu.memory_space<vmem>>) offsets(%arg6 : memref<128xi32, #tpu.memory_space<vmem>>) semaphore(%arg9 : memref<!tpu.dma_semaphore, #tpu.memory_space<semaphore_mem>>)
    %dma_wait3A = arith.constant 0 : i32
    %dma_wait3A_14 = arith.constant 0 : i32
    %dma_wait3A_15 = tpu.memref_slice %arg2[%dma_wait3A, %dma_wait3A_14] : memref<1024x256xf32, #tpu.memory_space<hbm>> -> memref<1024x256xf32, #tpu.memory_space<hbm>>
    tpu.wait_indirect_dma semaphore(%arg9 : memref<!tpu.dma_semaphore, #tpu.memory_space<semaphore_mem>>) src(%dma_wait3A_15 : memref<1024x256xf32, #tpu.memory_space<hbm>>) dst(%arg7 : memref<128x256xf32, #tpu.memory_space<vmem>>)
    %dma_start3A_16 = arith.constant 0 : i32
    %dma_start3A_17 = tpu.memref_slice %arg4[%add3A_4, %dma_start3A_16] : memref<8192x256xf32, #tpu.memory_space<hbm>> -> memref<128x256xf32, #tpu.memory_space<hbm>>
    %dma_start3A_18 = arith.constant 0 : i32
    %dma_start3A_19 = tpu.memref_slice %arg4[%add3A_4, %dma_start3A_18] : memref<8192x256xf32, #tpu.memory_space<hbm>> -> memref<128x256xf32, #tpu.memory_space<hbm>>
    tpu.enqueue_dma source(%arg7 : memref<128x256xf32, #tpu.memory_space<vmem>>) target(%dma_start3A_19 : memref<128x256xf32, #tpu.memory_space<hbm>>) target_semaphore(%arg10 : memref<!tpu.dma_semaphore, #tpu.memory_space<semaphore_mem>>)
    %dma_wait3A_20 = arith.constant 0 : i32
    %dma_wait3A_21 = arith.constant 0 : i32
    %dma_wait3A_22 = tpu.memref_slice %arg2[%dma_wait3A_20, %dma_wait3A_21] : memref<1024x256xf32, #tpu.memory_space<hbm>> -> memref<1024x256xf32, #tpu.memory_space<hbm>>
    tpu.wait_indirect_dma semaphore(%arg9 : memref<!tpu.dma_semaphore, #tpu.memory_space<semaphore_mem>>) src(%dma_wait3A_22 : memref<1024x256xf32, #tpu.memory_space<hbm>>) dst(%arg8 : memref<128x256xf32, #tpu.memory_space<vmem>>)
    %dma_start3A_23 = arith.constant 0 : i32
    %dma_start3A_24 = tpu.memref_slice %arg4[%add3A_8, %dma_start3A_23] : memref<8192x256xf32, #tpu.memory_space<hbm>> -> memref<128x256xf32, #tpu.memory_space<hbm>>
    %dma_start3A_25 = arith.constant 0 : i32
    %dma_start3A_26 = tpu.memref_slice %arg4[%add3A_8, %dma_start3A_25] : memref<8192x256xf32, #tpu.memory_space<hbm>> -> memref<128x256xf32, #tpu.memory_space<hbm>>
    tpu.enqueue_dma source(%arg8 : memref<128x256xf32, #tpu.memory_space<vmem>>) target(%dma_start3A_26 : memref<128x256xf32, #tpu.memory_space<hbm>>) target_semaphore(%arg10 : memref<!tpu.dma_semaphore, #tpu.memory_space<semaphore_mem>>)
    %dma_wait3A_27 = arith.constant 0 : i32
    %dma_wait3A_28 = tpu.memref_slice %arg4[%add3A_4, %dma_wait3A_27] : memref<8192x256xf32, #tpu.memory_space<hbm>> -> memref<128x256xf32, #tpu.memory_space<hbm>>
    %dma_wait3A_29 = arith.constant 0 : i32
    %dma_wait3A_30 = tpu.memref_slice %arg4[%add3A_4, %dma_wait3A_29] : memref<8192x256xf32, #tpu.memory_space<hbm>> -> memref<128x256xf32, #tpu.memory_space<hbm>>
    tpu.wait_dma2 semaphore(%arg10 : memref<!tpu.dma_semaphore, #tpu.memory_space<semaphore_mem>>) src(%arg7 : memref<128x256xf32, #tpu.memory_space<vmem>>) dst(%dma_wait3A_30 : memref<128x256xf32, #tpu.memory_space<hbm>>)
    %dma_wait3A_31 = arith.constant 0 : i32
    %dma_wait3A_32 = tpu.memref_slice %arg4[%add3A_8, %dma_wait3A_31] : memref<8192x256xf32, #tpu.memory_space<hbm>> -> memref<128x256xf32, #tpu.memory_space<hbm>>
    %dma_wait3A_33 = arith.constant 0 : i32
    %dma_wait3A_34 = tpu.memref_slice %arg4[%add3A_8, %dma_wait3A_33] : memref<8192x256xf32, #tpu.memory_space<hbm>> -> memref<128x256xf32, #tpu.memory_space<hbm>>
    tpu.wait_dma2 semaphore(%arg10 : memref<!tpu.dma_semaphore, #tpu.memory_space<semaphore_mem>>) src(%arg8 : memref<128x256xf32, #tpu.memory_space<vmem>>) dst(%dma_wait3A_34 : memref<128x256xf32, #tpu.memory_space<hbm>>)
    return
  }
}

#map = affine_map<(d0, d1) -> (0, 0)>
#map1 = affine_map<(d0, d1) -> (0)>
module attributes {stable_mosaic.version = 14 : i64} {
  func.func @k(%arg0: i32, %arg1: i32, %arg2: memref<1024x256xf32, #tpu.memory_space<hbm>>, %arg3: memref<8192xi32, #tpu.memory_space<hbm>>, %arg4: memref<8192x256xf32, #tpu.memory_space<hbm>>, %arg5: memref<128xi32, #tpu.memory_space<vmem>>, %arg6: memref<128xi32, #tpu.memory_space<vmem>>, %arg7: memref<128x256xf32, #tpu.memory_space<vmem>>, %arg8: memref<128x256xf32, #tpu.memory_space<vmem>>, %arg9: memref<!tpu.dma_semaphore, #tpu.memory_space<semaphore_mem>>, %arg10: memref<!tpu.dma_semaphore, #tpu.memory_space<semaphore_mem>>) attributes {dimension_semantics = [#tpu.dimension_semantics<core_parallel>, #tpu.dimension_semantics<subcore_parallel>], iteration_bounds = array<i64: 2, 16>, scalar_prefetch = 0 : i64, scratch_operands = 6 : i64, tpu.core_type = #tpu.core_type<sc_vector_subcore>, window_params = [{transform_indices = #map}, {transform_indices = #map1}, {transform_indices = #map}]} {
    %mul3A = arith.constant 2 : i32
    %mul3A_0 = arith.muli %arg1, %mul3A : i32
    %add3A = arith.addi %mul3A_0, %arg0 : i32
    %mul3A_1 = arith.constant 256 : i32
    %mul3A_2 = arith.muli %add3A, %mul3A_1 : i32
    %add3A_3 = arith.constant 0 : i32
    %add3A_4 = arith.addi %mul3A_2, %add3A_3 : i32
    %mul3A_5 = arith.constant 256 : i32
    %mul3A_6 = arith.muli %add3A, %mul3A_5 : i32
    %add3A_7 = arith.constant 128 : i32
    %add3A_8 = arith.addi %mul3A_6, %add3A_7 : i32
    "tpu.region"() ({
      %run_scoped3A = tpu.sem_alloc : memref<!tpu.dma_semaphore, #tpu.memory_space<semaphore_mem>>
      %dma_start3A_35 = tpu.memref_slice %arg3[%add3A_4] : memref<8192xi32, #tpu.memory_space<hbm>> -> memref<128xi32, #tpu.memory_space<hbm>>
      %dma_start3A_36 = tpu.memref_slice %arg3[%add3A_4] : memref<8192xi32, #tpu.memory_space<hbm>> -> memref<128xi32, #tpu.memory_space<hbm>>
      tpu.enqueue_dma source(%dma_start3A_36 : memref<128xi32, #tpu.memory_space<hbm>>) target(%arg5 : memref<128xi32, #tpu.memory_space<vmem>>) target_semaphore(%run_scoped3A : memref<!tpu.dma_semaphore, #tpu.memory_space<semaphore_mem>>)
      %dma_wait3A_37 = tpu.memref_slice %arg3[%add3A_4] : memref<8192xi32, #tpu.memory_space<hbm>> -> memref<128xi32, #tpu.memory_space<hbm>>
      %dma_wait3A_38 = tpu.memref_slice %arg3[%add3A_4] : memref<8192xi32, #tpu.memory_space<hbm>> -> memref<128xi32, #tpu.memory_space<hbm>>
      tpu.wait_dma2 semaphore(%run_scoped3A : memref<!tpu.dma_semaphore, #tpu.memory_space<semaphore_mem>>) src(%dma_wait3A_38 : memref<128xi32, #tpu.memory_space<hbm>>) dst(%arg5 : memref<128xi32, #tpu.memory_space<vmem>>)
      tpu.yield
    }) : () -> ()
    "tpu.region"() ({
      %run_scoped3A = tpu.sem_alloc : memref<!tpu.dma_semaphore, #tpu.memory_space<semaphore_mem>>
      %dma_start3A_35 = tpu.memref_slice %arg3[%add3A_8] : memref<8192xi32, #tpu.memory_space<hbm>> -> memref<128xi32, #tpu.memory_space<hbm>>
      %dma_start3A_36 = tpu.memref_slice %arg3[%add3A_8] : memref<8192xi32, #tpu.memory_space<hbm>> -> memref<128xi32, #tpu.memory_space<hbm>>
      tpu.enqueue_dma source(%dma_start3A_36 : memref<128xi32, #tpu.memory_space<hbm>>) target(%arg6 : memref<128xi32, #tpu.memory_space<vmem>>) target_semaphore(%run_scoped3A : memref<!tpu.dma_semaphore, #tpu.memory_space<semaphore_mem>>)
      %dma_wait3A_37 = tpu.memref_slice %arg3[%add3A_8] : memref<8192xi32, #tpu.memory_space<hbm>> -> memref<128xi32, #tpu.memory_space<hbm>>
      %dma_wait3A_38 = tpu.memref_slice %arg3[%add3A_8] : memref<8192xi32, #tpu.memory_space<hbm>> -> memref<128xi32, #tpu.memory_space<hbm>>
      tpu.wait_dma2 semaphore(%run_scoped3A : memref<!tpu.dma_semaphore, #tpu.memory_space<semaphore_mem>>) src(%dma_wait3A_38 : memref<128xi32, #tpu.memory_space<hbm>>) dst(%arg6 : memref<128xi32, #tpu.memory_space<vmem>>)
      tpu.yield
    }) : () -> ()
    %dma_start3A = arith.constant 0 : i32
    %dma_start3A_9 = arith.constant 0 : i32
    %dma_start3A_10 = tpu.memref_slice %arg2[%dma_start3A, %dma_start3A_9] : memref<1024x256xf32, #tpu.memory_space<hbm>> -> memref<1024x256xf32, #tpu.memory_space<hbm>>
    tpu.enqueue_indirect_dma source(%dma_start3A_10 : memref<1024x256xf32, #tpu.memory_space<hbm>>) target(%arg7 : memref<128x256xf32, #tpu.memory_space<vmem>>) offsets(%arg5 : memref<128xi32, #tpu.memory_space<vmem>>) semaphore(%arg9 : memref<!tpu.dma_semaphore, #tpu.memory_space<semaphore_mem>>)
    %dma_start3A_11 = arith.constant 0 : i32
    %dma_start3A_12 = arith.constant 0 : i32
    %dma_start3A_13 = tpu.memref_slice %arg2[%dma_start3A_11, %dma_start3A_12] : memref<1024x256xf32, #tpu.memory_space<hbm>> -> memref<1024x256xf32, #tpu.memory_space<hbm>>
    tpu.enqueue_indirect_dma source(%dma_start3A_13 : memref<1024x256xf32, #tpu.memory_space<hbm>>) target(%arg8 : memref<128x256xf32, #tpu.memory_space<vmem>>) offsets(%arg6 : memref<128xi32, #tpu.memory_space<vmem>>) semaphore(%arg9 : memref<!tpu.dma_semaphore, #tpu.memory_space<semaphore_mem>>)
    %dma_wait3A = arith.constant 0 : i32
    %dma_wait3A_14 = arith.constant 0 : i32
    %dma_wait3A_15 = tpu.memref_slice %arg2[%dma_wait3A, %dma_wait3A_14] : memref<1024x256xf32, #tpu.memory_space<hbm>> -> memref<1024x256xf32, #tpu.memory_space<hbm>>
    tpu.wait_indirect_dma semaphore(%arg9 : memref<!tpu.dma_semaphore, #tpu.memory_space<semaphore_mem>>) src(%dma_wait3A_15 : memref<1024x256xf32, #tpu.memory_space<hbm>>) dst(%arg7 : memref<128x256xf32, #tpu.memory_space<vmem>>)
    %dma_start3A_16 = arith.constant 0 : i32
    %dma_start3A_17 = tpu.memref_slice %arg4[%add3A_4, %dma_start3A_16] : memref<8192x256xf32, #tpu.memory_space<hbm>> -> memref<128x256xf32, #tpu.memory_space<hbm>>
    %dma_start3A_18 = arith.constant 0 : i32
    %dma_start3A_19 = tpu.memref_slice %arg4[%add3A_4, %dma_start3A_18] : memref<8192x256xf32, #tpu.memory_space<hbm>> -> memref<128x256xf32, #tpu.memory_space<hbm>>
    tpu.enqueue_dma source(%arg7 : memref<128x256xf32, #tpu.memory_space<vmem>>) target(%dma_start3A_19 : memref<128x256xf32, #tpu.memory_space<hbm>>) target_semaphore(%arg10 : memref<!tpu.dma_semaphore, #tpu.memory_space<semaphore_mem>>)
    %dma_wait3A_20 = arith.constant 0 : i32
    %dma_wait3A_21 = arith.constant 0 : i32
    %dma_wait3A_22 = tpu.memref_slice %arg2[%dma_wait3A_20, %dma_wait3A_21] : memref<1024x256xf32, #tpu.memory_space<hbm>> -> memref<1024x256xf32, #tpu.memory_space<hbm>>
    tpu.wait_indirect_dma semaphore(%arg9 : memref<!tpu.dma_semaphore, #tpu.memory_space<semaphore_mem>>) src(%dma_wait3A_22 : memref<1024x256xf32, #tpu.memory_space<hbm>>) dst(%arg8 : memref<128x256xf32, #tpu.memory_space<vmem>>)
    %dma_start3A_23 = arith.constant 0 : i32
    %dma_start3A_24 = tpu.memref_slice %arg4[%add3A_8, %dma_start3A_23] : memref<8192x256xf32, #tpu.memory_space<hbm>> -> memref<128x256xf32, #tpu.memory_space<hbm>>
    %dma_start3A_25 = arith.constant 0 : i32
    %dma_start3A_26 = tpu.memref_slice %arg4[%add3A_8, %dma_start3A_25] : memref<8192x256xf32, #tpu.memory_space<hbm>> -> memref<128x256xf32, #tpu.memory_space<hbm>>
    tpu.enqueue_dma source(%arg8 : memref<128x256xf32, #tpu.memory_space<vmem>>) target(%dma_start3A_26 : memref<128x256xf32, #tpu.memory_space<hbm>>) target_semaphore(%arg10 : memref<!tpu.dma_semaphore, #tpu.memory_space<semaphore_mem>>)
    %dma_wait3A_27 = arith.constant 0 : i32
    %dma_wait3A_28 = tpu.memref_slice %arg4[%add3A_4, %dma_wait3A_27] : memref<8192x256xf32, #tpu.memory_space<hbm>> -> memref<128x256xf32, #tpu.memory_space<hbm>>
    %dma_wait3A_29 = arith.constant 0 : i32
    %dma_wait3A_30 = tpu.memref_slice %arg4[%add3A_4, %dma_wait3A_29] : memref<8192x256xf32, #tpu.memory_space<hbm>> -> memref<128x256xf32, #tpu.memory_space<hbm>>
    tpu.wait_dma2 semaphore(%arg10 : memref<!tpu.dma_semaphore, #tpu.memory_space<semaphore_mem>>) src(%arg7 : memref<128x256xf32, #tpu.memory_space<vmem>>) dst(%dma_wait3A_30 : memref<128x256xf32, #tpu.memory_space<hbm>>)
    %dma_wait3A_31 = arith.constant 0 : i32
    %dma_wait3A_32 = tpu.memref_slice %arg4[%add3A_8, %dma_wait3A_31] : memref<8192x256xf32, #tpu.memory_space<hbm>> -> memref<128x256xf32, #tpu.memory_space<hbm>>
    %dma_wait3A_33 = arith.constant 0 : i32
    %dma_wait3A_34 = tpu.memref_slice %arg4[%add3A_8, %dma_wait3A_33] : memref<8192x256xf32, #tpu.memory_space<hbm>> -> memref<128x256xf32, #tpu.memory_space<hbm>>
    tpu.wait_dma2 semaphore(%arg10 : memref<!tpu.dma_semaphore, #tpu.memory_space<semaphore_mem>>) src(%arg8 : memref<128x256xf32, #tpu.memory_space<vmem>>) dst(%dma_wait3A_34 : memref<128x256xf32, #tpu.memory_space<hbm>>)
    return
  }
}

#map = affine_map<(d0, d1) -> (0, 0)>
#map1 = affine_map<(d0, d1) -> (0)>
module attributes {stable_mosaic.version = 14 : i64} {
  func.func @k(%arg0: i32, %arg1: i32, %arg2: memref<1024x256xf32, #tpu.memory_space<hbm>>, %arg3: memref<8192xi32, #tpu.memory_space<hbm>>, %arg4: memref<8192x256xf32, #tpu.memory_space<hbm>>, %arg5: memref<128xi32, #tpu.memory_space<vmem>>, %arg6: memref<128xi32, #tpu.memory_space<vmem>>, %arg7: memref<128x256xf32, #tpu.memory_space<vmem>>, %arg8: memref<128x256xf32, #tpu.memory_space<vmem>>, %arg9: memref<!tpu.dma_semaphore, #tpu.memory_space<semaphore_mem>>, %arg10: memref<!tpu.dma_semaphore, #tpu.memory_space<semaphore_mem>>) attributes {dimension_semantics = [#tpu.dimension_semantics<core_parallel>, #tpu.dimension_semantics<subcore_parallel>], iteration_bounds = array<i64: 2, 16>, scalar_prefetch = 0 : i64, scratch_operands = 6 : i64, tpu.core_type = #tpu.core_type<sc_vector_subcore>, window_params = [{transform_indices = #map}, {transform_indices = #map1}, {transform_indices = #map}]} {
    %mul3A = arith.constant 2 : i32
    %mul3A_0 = arith.muli %arg1, %mul3A : i32
    %add3A = arith.addi %mul3A_0, %arg0 : i32
    %mul3A_1 = arith.constant 256 : i32
    %mul3A_2 = arith.muli %add3A, %mul3A_1 : i32
    %add3A_3 = arith.constant 0 : i32
    %add3A_4 = arith.addi %mul3A_2, %add3A_3 : i32
    %mul3A_5 = arith.constant 256 : i32
    %mul3A_6 = arith.muli %add3A, %mul3A_5 : i32
    %add3A_7 = arith.constant 128 : i32
    %add3A_8 = arith.addi %mul3A_6, %add3A_7 : i32
    "tpu.region"() ({
      %run_scoped3A = tpu.sem_alloc : memref<!tpu.dma_semaphore, #tpu.memory_space<semaphore_mem>>
      %dma_start3A_35 = tpu.memref_slice %arg3[%add3A_4] : memref<8192xi32, #tpu.memory_space<hbm>> -> memref<128xi32, #tpu.memory_space<hbm>>
      %dma_start3A_36 = tpu.memref_slice %arg3[%add3A_4] : memref<8192xi32, #tpu.memory_space<hbm>> -> memref<128xi32, #tpu.memory_space<hbm>>
      tpu.enqueue_dma source(%dma_start3A_36 : memref<128xi32, #tpu.memory_space<hbm>>) target(%arg5 : memref<128xi32, #tpu.memory_space<vmem>>) target_semaphore(%run_scoped3A : memref<!tpu.dma_semaphore, #tpu.memory_space<semaphore_mem>>)
      %dma_wait3A_37 = tpu.memref_slice %arg3[%add3A_4] : memref<8192xi32, #tpu.memory_space<hbm>> -> memref<128xi32, #tpu.memory_space<hbm>>
      %dma_wait3A_38 = tpu.memref_slice %arg3[%add3A_4] : memref<8192xi32, #tpu.memory_space<hbm>> -> memref<128xi32, #tpu.memory_space<hbm>>
      tpu.wait_dma2 semaphore(%run_scoped3A : memref<!tpu.dma_semaphore, #tpu.memory_space<semaphore_mem>>) src(%dma_wait3A_38 : memref<128xi32, #tpu.memory_space<hbm>>) dst(%arg5 : memref<128xi32, #tpu.memory_space<vmem>>)
      tpu.yield
    }) : () -> ()
    "tpu.region"() ({
      %run_scoped3A = tpu.sem_alloc : memref<!tpu.dma_semaphore, #tpu.memory_space<semaphore_mem>>
      %dma_start3A_35 = tpu.memref_slice %arg3[%add3A_8] : memref<8192xi32, #tpu.memory_space<hbm>> -> memref<128xi32, #tpu.memory_space<hbm>>
      %dma_start3A_36 = tpu.memref_slice %arg3[%add3A_8] : memref<8192xi32, #tpu.memory_space<hbm>> -> memref<128xi32, #tpu.memory_space<hbm>>
      tpu.enqueue_dma source(%dma_start3A_36 : memref<128xi32, #tpu.memory_space<hbm>>) target(%arg6 : memref<128xi32, #tpu.memory_space<vmem>>) target_semaphore(%run_scoped3A : memref<!tpu.dma_semaphore, #tpu.memory_space<semaphore_mem>>)
      %dma_wait3A_37 = tpu.memref_slice %arg3[%add3A_8] : memref<8192xi32, #tpu.memory_space<hbm>> -> memref<128xi32, #tpu.memory_space<hbm>>
      %dma_wait3A_38 = tpu.memref_slice %arg3[%add3A_8] : memref<8192xi32, #tpu.memory_space<hbm>> -> memref<128xi32, #tpu.memory_space<hbm>>
      tpu.wait_dma2 semaphore(%run_scoped3A : memref<!tpu.dma_semaphore, #tpu.memory_space<semaphore_mem>>) src(%dma_wait3A_38 : memref<128xi32, #tpu.memory_space<hbm>>) dst(%arg6 : memref<128xi32, #tpu.memory_space<vmem>>)
      tpu.yield
    }) : () -> ()
    %dma_start3A = arith.constant 0 : i32
    %dma_start3A_9 = arith.constant 0 : i32
    %dma_start3A_10 = tpu.memref_slice %arg2[%dma_start3A, %dma_start3A_9] : memref<1024x256xf32, #tpu.memory_space<hbm>> -> memref<1024x256xf32, #tpu.memory_space<hbm>>
    tpu.enqueue_indirect_dma source(%dma_start3A_10 : memref<1024x256xf32, #tpu.memory_space<hbm>>) target(%arg7 : memref<128x256xf32, #tpu.memory_space<vmem>>) offsets(%arg5 : memref<128xi32, #tpu.memory_space<vmem>>) semaphore(%arg9 : memref<!tpu.dma_semaphore, #tpu.memory_space<semaphore_mem>>)
    %dma_start3A_11 = arith.constant 0 : i32
    %dma_start3A_12 = arith.constant 0 : i32
    %dma_start3A_13 = tpu.memref_slice %arg2[%dma_start3A_11, %dma_start3A_12] : memref<1024x256xf32, #tpu.memory_space<hbm>> -> memref<1024x256xf32, #tpu.memory_space<hbm>>
    tpu.enqueue_indirect_dma source(%dma_start3A_13 : memref<1024x256xf32, #tpu.memory_space<hbm>>) target(%arg8 : memref<128x256xf32, #tpu.memory_space<vmem>>) offsets(%arg6 : memref<128xi32, #tpu.memory_space<vmem>>) semaphore(%arg9 : memref<!tpu.dma_semaphore, #tpu.memory_space<semaphore_mem>>)
    %dma_wait3A = arith.constant 0 : i32
    %dma_wait3A_14 = arith.constant 0 : i32
    %dma_wait3A_15 = tpu.memref_slice %arg2[%dma_wait3A, %dma_wait3A_14] : memref<1024x256xf32, #tpu.memory_space<hbm>> -> memref<1024x256xf32, #tpu.memory_space<hbm>>
    tpu.wait_indirect_dma semaphore(%arg9 : memref<!tpu.dma_semaphore, #tpu.memory_space<semaphore_mem>>) src(%dma_wait3A_15 : memref<1024x256xf32, #tpu.memory_space<hbm>>) dst(%arg7 : memref<128x256xf32, #tpu.memory_space<vmem>>)
    %dma_start3A_16 = arith.constant 0 : i32
    %dma_start3A_17 = tpu.memref_slice %arg4[%add3A_4, %dma_start3A_16] : memref<8192x256xf32, #tpu.memory_space<hbm>> -> memref<128x256xf32, #tpu.memory_space<hbm>>
    %dma_start3A_18 = arith.constant 0 : i32
    %dma_start3A_19 = tpu.memref_slice %arg4[%add3A_4, %dma_start3A_18] : memref<8192x256xf32, #tpu.memory_space<hbm>> -> memref<128x256xf32, #tpu.memory_space<hbm>>
    tpu.enqueue_dma source(%arg7 : memref<128x256xf32, #tpu.memory_space<vmem>>) target(%dma_start3A_19 : memref<128x256xf32, #tpu.memory_space<hbm>>) target_semaphore(%arg10 : memref<!tpu.dma_semaphore, #tpu.memory_space<semaphore_mem>>)
    %dma_wait3A_20 = arith.constant 0 : i32
    %dma_wait3A_21 = arith.constant 0 : i32
    %dma_wait3A_22 = tpu.memref_slice %arg2[%dma_wait3A_20, %dma_wait3A_21] : memref<1024x256xf32, #tpu.memory_space<hbm>> -> memref<1024x256xf32, #tpu.memory_space<hbm>>
    tpu.wait_indirect_dma semaphore(%arg9 : memref<!tpu.dma_semaphore, #tpu.memory_space<semaphore_mem>>) src(%dma_wait3A_22 : memref<1024x256xf32, #tpu.memory_space<hbm>>) dst(%arg8 : memref<128x256xf32, #tpu.memory_space<vmem>>)
    %dma_start3A_23 = arith.constant 0 : i32
    %dma_start3A_24 = tpu.memref_slice %arg4[%add3A_8, %dma_start3A_23] : memref<8192x256xf32, #tpu.memory_space<hbm>> -> memref<128x256xf32, #tpu.memory_space<hbm>>
    %dma_start3A_25 = arith.constant 0 : i32
    %dma_start3A_26 = tpu.memref_slice %arg4[%add3A_8, %dma_start3A_25] : memref<8192x256xf32, #tpu.memory_space<hbm>> -> memref<128x256xf32, #tpu.memory_space<hbm>>
    tpu.enqueue_dma source(%arg8 : memref<128x256xf32, #tpu.memory_space<vmem>>) target(%dma_start3A_26 : memref<128x256xf32, #tpu.memory_space<hbm>>) target_semaphore(%arg10 : memref<!tpu.dma_semaphore, #tpu.memory_space<semaphore_mem>>)
    %dma_wait3A_27 = arith.constant 0 : i32
    %dma_wait3A_28 = tpu.memref_slice %arg4[%add3A_4, %dma_wait3A_27] : memref<8192x256xf32, #tpu.memory_space<hbm>> -> memref<128x256xf32, #tpu.memory_space<hbm>>
    %dma_wait3A_29 = arith.constant 0 : i32
    %dma_wait3A_30 = tpu.memref_slice %arg4[%add3A_4, %dma_wait3A_29] : memref<8192x256xf32, #tpu.memory_space<hbm>> -> memref<128x256xf32, #tpu.memory_space<hbm>>
    tpu.wait_dma2 semaphore(%arg10 : memref<!tpu.dma_semaphore, #tpu.memory_space<semaphore_mem>>) src(%arg7 : memref<128x256xf32, #tpu.memory_space<vmem>>) dst(%dma_wait3A_30 : memref<128x256xf32, #tpu.memory_space<hbm>>)
    %dma_wait3A_31 = arith.constant 0 : i32
    %dma_wait3A_32 = tpu.memref_slice %arg4[%add3A_8, %dma_wait3A_31] : memref<8192x256xf32, #tpu.memory_space<hbm>> -> memref<128x256xf32, #tpu.memory_space<hbm>>
    %dma_wait3A_33 = arith.constant 0 : i32
    %dma_wait3A_34 = tpu.memref_slice %arg4[%add3A_8, %dma_wait3A_33] : memref<8192x256xf32, #tpu.memory_space<hbm>> -> memref<128x256xf32, #tpu.memory_space<hbm>>
    tpu.wait_dma2 semaphore(%arg10 : memref<!tpu.dma_semaphore, #tpu.memory_space<semaphore_mem>>) src(%arg8 : memref<128x256xf32, #tpu.memory_space<vmem>>) dst(%dma_wait3A_34 : memref<128x256xf32, #tpu.memory_space<hbm>>)
    return
  }
}

module attributes {stable_mosaic.version = 14 : i64} {
  func.func @_argmin_body(%arg0: i32, %arg1: memref<512x256xf32, #tpu.memory_space<vmem>>, %arg2: memref<1024x256xf32, #tpu.memory_space<vmem>>, %arg3: memref<512x1xf32, #tpu.memory_space<vmem>>, %arg4: memref<1x1024xf32, #tpu.memory_space<vmem>>, %arg5: memref<512x1xi32, #tpu.memory_space<vmem>>) attributes {dimension_semantics = [#tpu.dimension_semantics<arbitrary>], iteration_bounds = array<i64: 16>, scalar_prefetch = 0 : i64, scratch_operands = 0 : i64, tpu.core_type = #tpu.core_type<tc>, window_params = [{transform_indices = @transform_0, window_bounds = array<i64: 512, 256>}, {pipeline_mode = #tpu.pipeline_mode<synchronous>, transform_indices = @transform_1, window_bounds = array<i64: 1024, 256>}, {transform_indices = @transform_2, window_bounds = array<i64: 512, 1>}, {pipeline_mode = #tpu.pipeline_mode<synchronous>, transform_indices = @transform_3, window_bounds = array<i64: 1, 1024>}, {transform_indices = @transform_4, window_bounds = array<i64: 512, 1>}]} {
    %get3A = arith.constant 0 : index
    %get3A_0 = arith.constant 0 : index
    %get3A_1 = vector.load %arg1[%get3A, %get3A_0] : memref<512x256xf32, #tpu.memory_space<vmem>>, vector<512x256xf32>
    %get3A_2 = arith.constant 0 : index
    %get3A_3 = arith.constant 0 : index
    %get3A_4 = vector.load %arg2[%get3A_2, %get3A_3] : memref<1024x256xf32, #tpu.memory_space<vmem>>, vector<1024x256xf32>
    %dot_general3A = arith.constant dense<0.000000e+00> : vector<512x1024xf32>
    %dot_general3A_5 = tpu.matmul %get3A_1, %get3A_4, %dot_general3A {dimension_numbers = #tpu.dot_dimension_numbers<[1], [1], [0], [0], [0, 0, 1, 0], [], []>, transpose_lhs_hint = false} : vector<512x256xf32>, vector<1024x256xf32>, vector<512x1024xf32> -> vector<512x1024xf32>
    %get3A_6 = arith.constant 0 : index
    %get3A_7 = arith.constant 0 : index
    %get3A_8 = vector.load %arg3[%get3A_6, %get3A_7] : memref<512x1xf32, #tpu.memory_space<vmem>>, vector<512x1xf32>
    %mul3A = arith.constant 2.000000e+00 : f32
    %mul3A_9 = vector.broadcast %mul3A : f32 to vector<512x1024xf32>
    %mul3A_10 = arith.mulf %mul3A_9, %dot_general3A_5 : vector<512x1024xf32>
    %sub3A = vector.broadcast %get3A_8 : vector<512x1xf32> to vector<512x1024xf32>
    %sub3A_11 = arith.subf %sub3A, %mul3A_10 : vector<512x1024xf32>
    %get3A_12 = arith.constant 0 : index
    %get3A_13 = arith.constant 0 : index
    %get3A_14 = vector.load %arg4[%get3A_12, %get3A_13] : memref<1x1024xf32, #tpu.memory_space<vmem>>, vector<1x1024xf32>
    %add3A = vector.broadcast %get3A_14 : vector<1x1024xf32> to vector<512x1024xf32>
    %add3A_15 = arith.addf %sub3A_11, %add3A : vector<512x1024xf32>
    %max3A = arith.constant 0.000000e+00 : f32
    %max3A_16 = vector.broadcast %max3A : f32 to vector<512x1024xf32>
    %max3A_17 = arith.maximumf %add3A_15, %max3A_16 : vector<512x1024xf32>
    %sqrt3A = math.sqrt %max3A_17 : vector<512x1024xf32>
    %argmin3A = tpu.reduce_index %sqrt3A {axis = 1 : i32, kind = #tpu.reduction_kind<arg_min>} : vector<512x1024xf32> -> vector<512xi32>
    %reshape3A = vector.shape_cast %argmin3A : vector<512xi32> to vector<512x1xi32>
    %swap3A = arith.constant 0 : index
    %swap3A_18 = arith.constant 0 : index
    %swap3A_19 = vector.load %arg5[%swap3A, %swap3A_18] : memref<512x1xi32, #tpu.memory_space<vmem>>, vector<512x1xi32>
    tpu.vector_store %arg5[%swap3A, %swap3A_18], %reshape3A {strides = array<i32>} : memref<512x1xi32, #tpu.memory_space<vmem>>, vector<512x1xi32>,
    return
  }
  func.func @transform_0(%arg0: i32) -> (i32, i32) {
    %add3A = arith.constant 16 : i32
    %add3A_0 = arith.addi %arg0, %add3A : i32
    %c0_i32 = arith.constant 0 : i32
    %c0_i32_1 = arith.constant 0 : i32
    return %add3A_0, %c0_i32 : i32, i32
  }
  func.func @transform_1(%arg0: i32) -> (i32, i32) {
    %c0_i32 = arith.constant 0 : i32
    %c0_i32_0 = arith.constant 0 : i32
    %c0_i32_1 = arith.constant 0 : i32
    return %c0_i32, %c0_i32_0 : i32, i32
  }
  func.func @transform_2(%arg0: i32) -> (i32, i32) {
    %add3A = arith.constant 16 : i32
    %add3A_0 = arith.addi %arg0, %add3A : i32
    %c0_i32 = arith.constant 0 : i32
    %c0_i32_1 = arith.constant 0 : i32
    return %add3A_0, %c0_i32 : i32, i32
  }
  func.func @transform_3(%arg0: i32) -> (i32, i32) {
    %c0_i32 = arith.constant 0 : i32
    %c0_i32_0 = arith.constant 0 : i32
    %c0_i32_1 = arith.constant 0 : i32
    return %c0_i32, %c0_i32_0 : i32, i32
  }
  func.func @transform_4(%arg0: i32) -> (i32, i32) {
    %c0_i32 = arith.constant 0 : i32
    %c0_i32_0 = arith.constant 0 : i32
    return %arg0, %c0_i32 : i32, i32
  }
}

module attributes {stable_mosaic.version = 14 : i64} {
  func.func @_argmin_body(%arg0: i32, %arg1: memref<512x256xf32, #tpu.memory_space<vmem>>, %arg2: memref<1024x256xf32, #tpu.memory_space<vmem>>, %arg3: memref<512x1xf32, #tpu.memory_space<vmem>>, %arg4: memref<1x1024xf32, #tpu.memory_space<vmem>>, %arg5: memref<512x1xi32, #tpu.memory_space<vmem>>) attributes {dimension_semantics = [#tpu.dimension_semantics<arbitrary>], iteration_bounds = array<i64: 16>, scalar_prefetch = 0 : i64, scratch_operands = 0 : i64, tpu.core_type = #tpu.core_type<tc>, window_params = [{transform_indices = @transform_0, window_bounds = array<i64: 512, 256>}, {pipeline_mode = #tpu.pipeline_mode<synchronous>, transform_indices = @transform_1, window_bounds = array<i64: 1024, 256>}, {transform_indices = @transform_2, window_bounds = array<i64: 512, 1>}, {pipeline_mode = #tpu.pipeline_mode<synchronous>, transform_indices = @transform_3, window_bounds = array<i64: 1, 1024>}, {transform_indices = @transform_4, window_bounds = array<i64: 512, 1>}]} {
    %get3A = arith.constant 0 : index
    %get3A_0 = arith.constant 0 : index
    %get3A_1 = vector.load %arg1[%get3A, %get3A_0] : memref<512x256xf32, #tpu.memory_space<vmem>>, vector<512x256xf32>
    %get3A_2 = arith.constant 0 : index
    %get3A_3 = arith.constant 0 : index
    %get3A_4 = vector.load %arg2[%get3A_2, %get3A_3] : memref<1024x256xf32, #tpu.memory_space<vmem>>, vector<1024x256xf32>
    %dot_general3A = arith.constant dense<0.000000e+00> : vector<512x1024xf32>
    %dot_general3A_5 = tpu.matmul %get3A_1, %get3A_4, %dot_general3A {dimension_numbers = #tpu.dot_dimension_numbers<[1], [1], [0], [0], [0, 0, 1, 0], [], []>, transpose_lhs_hint = false} : vector<512x256xf32>, vector<1024x256xf32>, vector<512x1024xf32> -> vector<512x1024xf32>
    %get3A_6 = arith.constant 0 : index
    %get3A_7 = arith.constant 0 : index
    %get3A_8 = vector.load %arg3[%get3A_6, %get3A_7] : memref<512x1xf32, #tpu.memory_space<vmem>>, vector<512x1xf32>
    %mul3A = arith.constant 2.000000e+00 : f32
    %mul3A_9 = vector.broadcast %mul3A : f32 to vector<512x1024xf32>
    %mul3A_10 = arith.mulf %mul3A_9, %dot_general3A_5 : vector<512x1024xf32>
    %sub3A = vector.broadcast %get3A_8 : vector<512x1xf32> to vector<512x1024xf32>
    %sub3A_11 = arith.subf %sub3A, %mul3A_10 : vector<512x1024xf32>
    %get3A_12 = arith.constant 0 : index
    %get3A_13 = arith.constant 0 : index
    %get3A_14 = vector.load %arg4[%get3A_12, %get3A_13] : memref<1x1024xf32, #tpu.memory_space<vmem>>, vector<1x1024xf32>
    %add3A = vector.broadcast %get3A_14 : vector<1x1024xf32> to vector<512x1024xf32>
    %add3A_15 = arith.addf %sub3A_11, %add3A : vector<512x1024xf32>
    %max3A = arith.constant 0.000000e+00 : f32
    %max3A_16 = vector.broadcast %max3A : f32 to vector<512x1024xf32>
    %max3A_17 = arith.maximumf %add3A_15, %max3A_16 : vector<512x1024xf32>
    %sqrt3A = math.sqrt %max3A_17 : vector<512x1024xf32>
    %argmin3A = tpu.reduce_index %sqrt3A {axis = 1 : i32, kind = #tpu.reduction_kind<arg_min>} : vector<512x1024xf32> -> vector<512xi32>
    %reshape3A = vector.shape_cast %argmin3A : vector<512xi32> to vector<512x1xi32>
    %swap3A = arith.constant 0 : index
    %swap3A_18 = arith.constant 0 : index
    %swap3A_19 = vector.load %arg5[%swap3A, %swap3A_18] : memref<512x1xi32, #tpu.memory_space<vmem>>, vector<512x1xi32>
    tpu.vector_store %arg5[%swap3A, %swap3A_18], %reshape3A {strides = array<i32>} : memref<512x1xi32, #tpu.memory_space<vmem>>, vector<512x1xi32>,
    return
  }
  func.func @transform_0(%arg0: i32) -> (i32, i32) {
    %add3A = arith.constant 0 : i32
    %add3A_0 = arith.addi %arg0, %add3A : i32
    %c0_i32 = arith.constant 0 : i32
    %c0_i32_1 = arith.constant 0 : i32
    return %add3A_0, %c0_i32 : i32, i32
  }
  func.func @transform_1(%arg0: i32) -> (i32, i32) {
    %c0_i32 = arith.constant 0 : i32
    %c0_i32_0 = arith.constant 0 : i32
    %c0_i32_1 = arith.constant 0 : i32
    return %c0_i32, %c0_i32_0 : i32, i32
  }
  func.func @transform_2(%arg0: i32) -> (i32, i32) {
    %add3A = arith.constant 0 : i32
    %add3A_0 = arith.addi %arg0, %add3A : i32
    %c0_i32 = arith.constant 0 : i32
    %c0_i32_1 = arith.constant 0 : i32
    return %add3A_0, %c0_i32 : i32, i32
  }
  func.func @transform_3(%arg0: i32) -> (i32, i32) {
    %c0_i32 = arith.constant 0 : i32
    %c0_i32_0 = arith.constant 0 : i32
    %c0_i32_1 = arith.constant 0 : i32
    return %c0_i32, %c0_i32_0 : i32, i32
  }
  func.func @transform_4(%arg0: i32) -> (i32, i32) {
    %c0_i32 = arith.constant 0 : i32
    %c0_i32_0 = arith.constant 0 : i32
    return %arg0, %c0_i32 : i32, i32
  }
}

module attributes {stable_mosaic.version = 14 : i64} {
  func.func @_argmin_body(%arg0: i32, %arg1: memref<512x256xf32, #tpu.memory_space<vmem>>, %arg2: memref<1024x256xf32, #tpu.memory_space<vmem>>, %arg3: memref<512x1xf32, #tpu.memory_space<vmem>>, %arg4: memref<1x1024xf32, #tpu.memory_space<vmem>>, %arg5: memref<512x1xi32, #tpu.memory_space<vmem>>) attributes {dimension_semantics = [#tpu.dimension_semantics<arbitrary>], iteration_bounds = array<i64: 16>, scalar_prefetch = 0 : i64, scratch_operands = 0 : i64, tpu.core_type = #tpu.core_type<tc>, window_params = [{transform_indices = @transform_0, window_bounds = array<i64: 512, 256>}, {pipeline_mode = #tpu.pipeline_mode<synchronous>, transform_indices = @transform_1, window_bounds = array<i64: 1024, 256>}, {transform_indices = @transform_2, window_bounds = array<i64: 512, 1>}, {pipeline_mode = #tpu.pipeline_mode<synchronous>, transform_indices = @transform_3, window_bounds = array<i64: 1, 1024>}, {transform_indices = @transform_4, window_bounds = array<i64: 512, 1>}]} {
    %get3A = arith.constant 0 : index
    %get3A_0 = arith.constant 0 : index
    %get3A_1 = vector.load %arg1[%get3A, %get3A_0] : memref<512x256xf32, #tpu.memory_space<vmem>>, vector<512x256xf32>
    %get3A_2 = arith.constant 0 : index
    %get3A_3 = arith.constant 0 : index
    %get3A_4 = vector.load %arg2[%get3A_2, %get3A_3] : memref<1024x256xf32, #tpu.memory_space<vmem>>, vector<1024x256xf32>
    %dot_general3A = arith.constant dense<0.000000e+00> : vector<512x1024xf32>
    %dot_general3A_5 = tpu.matmul %get3A_1, %get3A_4, %dot_general3A {dimension_numbers = #tpu.dot_dimension_numbers<[1], [1], [0], [0], [0, 0, 1, 0], [], []>, transpose_lhs_hint = false} : vector<512x256xf32>, vector<1024x256xf32>, vector<512x1024xf32> -> vector<512x1024xf32>
    %get3A_6 = arith.constant 0 : index
    %get3A_7 = arith.constant 0 : index
    %get3A_8 = vector.load %arg3[%get3A_6, %get3A_7] : memref<512x1xf32, #tpu.memory_space<vmem>>, vector<512x1xf32>
    %mul3A = arith.constant 2.000000e+00 : f32
    %mul3A_9 = vector.broadcast %mul3A : f32 to vector<512x1024xf32>
    %mul3A_10 = arith.mulf %mul3A_9, %dot_general3A_5 : vector<512x1024xf32>
    %sub3A = vector.broadcast %get3A_8 : vector<512x1xf32> to vector<512x1024xf32>
    %sub3A_11 = arith.subf %sub3A, %mul3A_10 : vector<512x1024xf32>
    %get3A_12 = arith.constant 0 : index
    %get3A_13 = arith.constant 0 : index
    %get3A_14 = vector.load %arg4[%get3A_12, %get3A_13] : memref<1x1024xf32, #tpu.memory_space<vmem>>, vector<1x1024xf32>
    %add3A = vector.broadcast %get3A_14 : vector<1x1024xf32> to vector<512x1024xf32>
    %add3A_15 = arith.addf %sub3A_11, %add3A : vector<512x1024xf32>
    %max3A = arith.constant 0.000000e+00 : f32
    %max3A_16 = vector.broadcast %max3A : f32 to vector<512x1024xf32>
    %max3A_17 = arith.maximumf %add3A_15, %max3A_16 : vector<512x1024xf32>
    %sqrt3A = math.sqrt %max3A_17 : vector<512x1024xf32>
    %argmin3A = tpu.reduce_index %sqrt3A {axis = 1 : i32, kind = #tpu.reduction_kind<arg_min>} : vector<512x1024xf32> -> vector<512xi32>
    %reshape3A = vector.shape_cast %argmin3A : vector<512xi32> to vector<512x1xi32>
    %swap3A = arith.constant 0 : index
    %swap3A_18 = arith.constant 0 : index
    %swap3A_19 = vector.load %arg5[%swap3A, %swap3A_18] : memref<512x1xi32, #tpu.memory_space<vmem>>, vector<512x1xi32>
    tpu.vector_store %arg5[%swap3A, %swap3A_18], %reshape3A {strides = array<i32>} : memref<512x1xi32, #tpu.memory_space<vmem>>, vector<512x1xi32>,
    return
  }
  func.func @transform_0(%arg0: i32) -> (i32, i32) {
    %add3A = arith.constant 0 : i32
    %add3A_0 = arith.addi %arg0, %add3A : i32
    %c0_i32 = arith.constant 0 : i32
    %c0_i32_1 = arith.constant 0 : i32
    return %add3A_0, %c0_i32 : i32, i32
  }
  func.func @transform_1(%arg0: i32) -> (i32, i32) {
    %c0_i32 = arith.constant 0 : i32
    %c0_i32_0 = arith.constant 0 : i32
    %c0_i32_1 = arith.constant 0 : i32
    return %c0_i32, %c0_i32_0 : i32, i32
  }
  func.func @transform_2(%arg0: i32) -> (i32, i32) {
    %add3A = arith.constant 0 : i32
    %add3A_0 = arith.addi %arg0, %add3A : i32
    %c0_i32 = arith.constant 0 : i32
    %c0_i32_1 = arith.constant 0 : i32
    return %add3A_0, %c0_i32 : i32, i32
  }
  func.func @transform_3(%arg0: i32) -> (i32, i32) {
    %c0_i32 = arith.constant 0 : i32
    %c0_i32_0 = arith.constant 0 : i32
    %c0_i32_1 = arith.constant 0 : i32
    return %c0_i32, %c0_i32_0 : i32, i32
  }
  func.func @transform_4(%arg0: i32) -> (i32, i32) {
    %c0_i32 = arith.constant 0 : i32
    %c0_i32_0 = arith.constant 0 : i32
    return %arg0, %c0_i32 : i32, i32
  }
}

module attributes {stable_mosaic.version = 14 : i64} {
  func.func @_qsum_body(%arg0: i32, %arg1: memref<512x256xf32, #tpu.memory_space<vmem>>, %arg2: memref<512x256xf32, #tpu.memory_space<vmem>>, %arg3: memref<512x256xf32, #tpu.memory_space<vmem>>, %arg4: memref<512x256xf32, #tpu.memory_space<vmem>>, %arg5: memref<512x256xf32, #tpu.memory_space<vmem>>) attributes {dimension_semantics = [#tpu.dimension_semantics<arbitrary>], iteration_bounds = array<i64: 16>, scalar_prefetch = 0 : i64, scratch_operands = 0 : i64, tpu.core_type = #tpu.core_type<tc>, window_params = [{transform_indices = @transform_0, window_bounds = array<i64: 512, 256>}, {transform_indices = @transform_1, window_bounds = array<i64: 512, 256>}, {transform_indices = @transform_2, window_bounds = array<i64: 512, 256>}, {transform_indices = @transform_3, window_bounds = array<i64: 512, 256>}, {transform_indices = @transform_4, window_bounds = array<i64: 512, 256>}]} {
    %get3A = arith.constant 0 : index
    %get3A_0 = arith.constant 0 : index
    %get3A_1 = vector.load %arg1[%get3A, %get3A_0] : memref<512x256xf32, #tpu.memory_space<vmem>>, vector<512x256xf32>
    %get3A_2 = arith.constant 0 : index
    %get3A_3 = arith.constant 0 : index
    %get3A_4 = vector.load %arg2[%get3A_2, %get3A_3] : memref<512x256xf32, #tpu.memory_space<vmem>>, vector<512x256xf32>
    %add3A = arith.addf %get3A_1, %get3A_4 : vector<512x256xf32>
    %get3A_5 = arith.constant 0 : index
    %get3A_6 = arith.constant 0 : index
    %get3A_7 = vector.load %arg3[%get3A_5, %get3A_6] : memref<512x256xf32, #tpu.memory_space<vmem>>, vector<512x256xf32>
    %add3A_8 = arith.addf %add3A, %get3A_7 : vector<512x256xf32>
    %get3A_9 = arith.constant 0 : index
    %get3A_10 = arith.constant 0 : index
    %get3A_11 = vector.load %arg4[%get3A_9, %get3A_10] : memref<512x256xf32, #tpu.memory_space<vmem>>, vector<512x256xf32>
    %add3A_12 = arith.addf %add3A_8, %get3A_11 : vector<512x256xf32>
    %swap3A = arith.constant 0 : index
    %swap3A_13 = arith.constant 0 : index
    %swap3A_14 = vector.load %arg5[%swap3A, %swap3A_13] : memref<512x256xf32, #tpu.memory_space<vmem>>, vector<512x256xf32>
    tpu.vector_store %arg5[%swap3A, %swap3A_13], %add3A_12 {strides = array<i32>} : memref<512x256xf32, #tpu.memory_space<vmem>>, vector<512x256xf32>,
    return
  }
  func.func @transform_0(%arg0: i32) -> (i32, i32) {
    %c0_i32 = arith.constant 0 : i32
    %c0_i32_0 = arith.constant 0 : i32
    return %arg0, %c0_i32 : i32, i32
  }
  func.func @transform_1(%arg0: i32) -> (i32, i32) {
    %c0_i32 = arith.constant 0 : i32
    %c0_i32_0 = arith.constant 0 : i32
    return %arg0, %c0_i32 : i32, i32
  }
  func.func @transform_2(%arg0: i32) -> (i32, i32) {
    %c0_i32 = arith.constant 0 : i32
    %c0_i32_0 = arith.constant 0 : i32
    return %arg0, %c0_i32 : i32, i32
  }
  func.func @transform_3(%arg0: i32) -> (i32, i32) {
    %c0_i32 = arith.constant 0 : i32
    %c0_i32_0 = arith.constant 0 : i32
    return %arg0, %c0_i32 : i32, i32
  }
  func.func @transform_4(%arg0: i32) -> (i32, i32) {
    %c0_i32 = arith.constant 0 : i32
    %c0_i32_0 = arith.constant 0 : i32
    return %arg0, %c0_i32 : i32, i32
  }
}

</mosaic_0001>

<sc_bundles>
// kernel: kernel.20.cloned.1.call-start
scs
__scs_entry_jumppad:
0x0: {  	(pc) =	sbr.rel $0x88, $3  }
0x1: {  	(tag) =	ssettag $0x0;
	lr =	simm.s32 $0x1  }
0x2: {  	[smem:$0x3F9F] =	sst lr;
	_ =	strace $0xD0000000  }
0x3: {  	_ = 	snop  }
0x4: {  	_ = 	snop  }
0x5: {  	_ = 	snop  }
0x6: {  	_ = 	snop  }
0x7: {  	_ = 	snop  }
__scs_overlays_trampoline_lowered:
0x8: {  	[smem:$0x3FAE] =	sst s0  }
0x9: {  	[smem:$0x3FAF] =	sst s1  }
0xa: {  	[smem:$0x3FB0] =	sst s2  }
0xb: {  	[smem:$0x3FB1] =	sst s3  }
0xc: {  	[smem:$0x3FB2] =	sst s4  }
0xd: {  	[smem:$0x3FB3] =	sst s5  }
0xe: {  	[smem:$0x3FB4] =	sst s6  }
0xf: {  	[smem:$0x3FB5] =	sst s7  }
0x10: {  	[smem:$0x3FB6] =	sst s8  }
0x11: {  	[smem:$0x3FB7] =	sst s9;
	s0 =	simm.s32 @!p0 $0x0  }
0x12: {  	s1 =	sld [smem:$0x3F9D];
	s0 =	simm.s32 @p0 $0x1  }
0x13: {  	[smem:$0x3FB8] =	sst s0;
	s0 =	simm.s32 @!p1 $0x0  }
0x14: {  	s2 =	sld [smem:$0x3F9C];
	s0 =	simm.s32 @p1 $0x1  }
0x15: {  	[smem:$0x3FB9] =	sst s0;
	s0 =	simm.s32 @!p2 $0x0  }
0x16: {  	s3 =	sld [smem:$0x3FDB];
	s0 =	simm.s32 @p2 $0x1  }
0x17: {  	s4 =	simm.s32 $0x1BF5;
	[smem:$0x3FBB] =	sst s0  }
0x18: {  	s0 =	sld [smem:$0x3F9E];
	_ =	swait.ge [sflag:s4], $0x0  }
0x19: {  	s7 =	sld [smem:$0x3F9F]  }
0x1a: {  	s8 =	sadd.s32 $0xFFFFE003, lr  }
0x1b: {  	s9 =	sadd.s32 $0xFFFFFEF7, lr;
	s5 =	simm.s32 $0xFFFFFFFF;
	p2 =	slt.u32 s8, $0xFFFFF086  }
0x1c: {  	p1 =	slt.u32 s9, $0xF7A;
	s5 =	simm.s32 @!p2 $0x0  }
0x1d: {  	s5 =	simm.s32 @p1 $0x1;
	p0 =	seq.s32 s7, s2  }
0x1e: {  	s7 =	smul.u32 @!p0 $0xF7A, s2;
	p2 =	seq.s32 @!p0 s5, $0x0  }
0x1f: {  	s9 =	smul.u32 $0xF7A, s1;
	s8 =	simm.s32 @!p0 $0x1BF5;
	p2 =	por !p2, p0  }
0x20: {  	[sflag:s8] =	ssyncset.s32 @!p0 $0xFFFFF086;
	s6 =	sadd.s32 @!p0 s3, s7;
	s7 =	simm.s32 @!p0 $0x108  }
0x21: {  	s3 =	sadd.s32 s3, s9;
	s6 =	sadd.s32 @!p0 $0x88, s6;
	s7 =	simm.s32 @p2 $0x1082  }
0x22: {  	[simem:s7], [sflag:s8] =	dma.local @!p0 [hbm:s6], $0xF7A  }
0x23: {  	s9 =	sor.u32 $0xD0000000, s2;
	s6 =	simm.s32 $0x108;
	_ =	swait.ge @!p0 [sflag:s8], $0x0  }
0x24: {  	s3 =	sadd.s32 $0x88, s3;
	s6 =	simm.s32 @!p1 $0x1082;
	[sflag:s4] =	ssyncset.s32 $0xFFFFF086  }
0x25: {  	[simem:s6], [sflag:s4] =	dma.local [hbm:s3], $0xF7A  }
0x26: {  	[smem:$0x3F9F] =	sst s1;
	(tag) =	ssettag s2;
	_ =	strace s9  }
0x27: {  	s1 =	sld [smem:$0x3FAF]  }
0x28: {  	s2 =	sld [smem:$0x3FB0]  }
0x29: {  	s4 =	sld [smem:$0x3FB2]  }
0x2a: {  	p0 =	seq.s32 s5, $0x0;
	s5 =	sld [smem:$0x3FB3]  }
0x2b: {  	s6 =	sld [smem:$0x3FB4]  }
0x2c: {  	s7 =	sld [smem:$0x3FB5]  }
0x2d: {  	s3 =	simm.s32 $0x108;
	s8 =	sld [smem:$0x3FB6]  }
0x2e: {  	s3 =	simm.s32 @!p0 $0x1082;
	s9 =	sld [smem:$0x3FB7]  }
0x2f: {  	lr =	sadd.s32 s0, s3;
	s0 =	sld [smem:$0x3FAE]  }
0x30: {  	s3 =	sld [smem:$0x3FB1]  }
0x31: {  	[smem:$0x3FBA] =	sst s10  }
0x32: {  	s10 =	sld [smem:$0x3FB8];
	_ =	sdelay $0x3  }
0x33: {  	p0 =	seq.s32 s10, $0x1;
	s10 =	sld [smem:$0x3FBA];
	_ =	sdelay $0x3  }
0x34: {  	[smem:$0x3FBA] =	sst s10  }
0x35: {  	s10 =	sld [smem:$0x3FB9];
	_ =	sdelay $0x3  }
0x36: {  	p1 =	seq.s32 s10, $0x1;
	s10 =	sld [smem:$0x3FBA];
	_ =	sdelay $0x3  }
0x37: {  	[smem:$0x3FBA] =	sst s10  }
0x38: {  	s10 =	sld [smem:$0x3FBB]  }
0x39: {  	_ = 	snop;
	(pc) =	sbr.ind lr, $3  }
0x3a: {  	_ = 	snop  }
0x3b: {  	_ = 	snop  }
0x3c: {  	p2 =	seq.s32 s10, $0x1;
	s10 =	sld [smem:$0x3FBA]  }
0x3d: {  	_ =	shalt  }
0x3e: {  	_ =	shalt  }
0x3f: {  	_ =	shalt  }
0x40: {  	_ =	shalt  }
0x41: {  	_ =	shalt  }
0x42: {  	_ =	shalt  }
0x43: {  	_ =	shalt  }
0x44: {  	_ =	shalt  }
0x45: {  	_ =	shalt  }
0x46: {  	_ =	shalt  }
0x47: {  	_ =	shalt  }
0x48: {  	_ =	shalt  }
0x49: {  	_ =	shalt  }
0x4a: {  	_ =	shalt  }
0x4b: {  	_ =	shalt  }
0x4c: {  	_ =	shalt  }
0x4d: {  	_ =	shalt  }
0x4e: {  	_ =	shalt  }
0x4f: {  	_ =	shalt  }
0x50: {  	_ =	shalt  }
0x51: {  	_ =	shalt  }
0x52: {  	_ =	shalt  }
0x53: {  	_ =	shalt  }
0x54: {  	_ =	shalt  }
0x55: {  	_ =	shalt  }
0x56: {  	_ =	shalt  }
0x57: {  	_ =	shalt  }
0x58: {  	_ =	shalt  }
0x59: {  	_ =	shalt  }
0x5a: {  	_ =	shalt  }
0x5b: {  	_ =	shalt  }
0x5c: {  	_ =	shalt  }
0x5d: {  	_ =	shalt  }
0x5e: {  	_ =	shalt  }
0x5f: {  	_ =	shalt  }
0x60: {  	_ =	shalt  }
0x61: {  	_ =	shalt  }
0x62: {  	_ =	shalt  }
0x63: {  	_ =	shalt  }
0x64: {  	_ =	shalt  }
0x65: {  	_ =	shalt  }
0x66: {  	_ =	shalt  }
0x67: {  	_ =	shalt  }
0x68: {  	_ =	shalt  }
0x69: {  	_ =	shalt  }
0x6a: {  	_ =	shalt  }
0x6b: {  	_ =	shalt  }
0x6c: {  	_ =	shalt  }
0x6d: {  	_ =	shalt  }
0x6e: {  	_ =	shalt  }
0x6f: {  	_ =	shalt  }
0x70: {  	_ =	shalt  }
0x71: {  	_ =	shalt  }
0x72: {  	_ =	shalt  }
0x73: {  	_ =	shalt  }
0x74: {  	_ =	shalt  }
0x75: {  	_ =	shalt  }
0x76: {  	_ =	shalt  }
0x77: {  	_ =	shalt  }
0x78: {  	_ =	shalt  }
0x79: {  	_ =	shalt  }
0x7a: {  	_ =	shalt  }
0x7b: {  	_ =	shalt  }
0x7c: {  	_ =	shalt  }
0x7d: {  	_ =	shalt  }
0x7e: {  	_ =	shalt  }
0x7f: {  	_ =	shalt  }
0x80: {  	_ =	shalt  }
0x81: {  	_ =	shalt  }
0x82: {  	_ =	shalt  }
0x83: {  	_ =	shalt  }
0x84: {  	_ =	shalt  }
0x85: {  	_ =	shalt  }
0x86: {  	_ =	shalt  }
0x87: {  	_ =	shalt  }
.Lfunc_end0:
.L_simem_size_0:
called_computation_lowered:
.L_overlay_start_0:
0x88: {  	s2 =	sld [smem:$0x3FD9]  }
0x89: {  	s3 =	sld [smem:$0x3FFE];
	_ =	sdelay $0x1  }
0x8a: {  	s1 =	srdreg.scid  }
0x8b: {  	s0 =	sand.u32 $0x1, s1  }
0x8c: {  	s15 =	sshll.u32 s0, $0xA;
	s2 =	sadd.s32 s3, s2  }
0x8d: {  	s2 =	sadd.s32 s2, s15  }
0x8e: {  	[smem:$0x3FC6] =	sst s2  }
0x8f: {  	_ = 	snop  }
0x90: {  	s2 =	sld [smem:$0x3FD0];
	_ =	sdelay $0x2  }
0x91: {  	s16 =	simm.s32 $0xB;
	s4 =	simm.s32 $0x10  }
0x92: {  	[smem:s4], [sflag:s16] =	dma.local [hbm:s2], $0x1  }
0x93: {  	_ =	swait.eq [sflag:s16], $0x1  }
0x94: {  	[sflag:s16] =	ssyncset.done $0x0  }
0x95: {  	[sflag:s16] =	ssyncadd.s32 $0xFFFFFFFF  }
0x96: {  	s17 =	sld [smem:$0x10];
	(tm) =	ssettm $0x1  }
0x97: {  	s18 =	sld [smem:$0x3FFB];
	_ =	sdelay $0x3  }
0x98: {  	_ =	strace s18  }
0x99: {  	s2 =	sld [smem:$0x3FFC];
	_ =	sdelay $0x3  }
0x9a: {  	_ =	strace s2  }
0x9b: {  	s2 =	sld [smem:$0x3FFD];
	_ =	sdelay $0x3  }
0x9c: {  	_ =	strace s2  }
0x9d: {  	_ =	strace $0x8FFFFFFF  }
0x9e: {  	s19 =	sld [smem:$0x3FDB];
	_ =	sdelay $0x1  }
0x9f: {  	s20 =	simm.s32 $_scs_section_size  }
0xa0: {  	s5 =	simm.s32 $_size__tile_overlayer_lowered;
	s6 =	simm.s32 $_tile_overlayer_lowered  }
0xa1: {  	s7 =	simm.s32 $0x1BFF;
	s21 =	sshll.u32 s6, $0x1;
	s4 =	sadd.s32 s20, s19  }
0xa2: {  	s22 =	simm.s32 $0x0;
	s5 =	sshll.u32 s5, $0x1;
	s6 =	sadd.s32 s21, s4  }
0xa3: {  	[timem:s22], [sflag:s7] =	dma.local [hbm:s6], s5  }
0xa4: {  	_ =	swait.ge [sflag:s7], s5  }
0xa5: {  	s5 =	ssub.s32 $0x0, s5;
	[sflag:s7] =	ssyncset.done $0x0  }
0xa6: {  	[sflag:s7] =	ssyncadd.s32 s5;
	_ =	sdelay $0x1  }
0xa7: {  	s23 =	simm.s32 $0x1B8B  }
0xa8: {  	_ =	swait.ge [sflag:s23], $0x1  }
0xa9: {  	[sflag:s23] =	ssyncset.done $0x0  }
0xaa: {  	[sflag:s23] =	ssyncadd.s32 $0xFFFFFFFF  }
0xab: {  	s5 =	sld [smem:$0x0]  }
0xac: {  	s6 =	sand.u32 $0xFFFFFFFE, s1  }
0xad: {  	p0 =	sne.s32 s1, s6  }
0xae: {  	s6 =	sshll.u32 @p0 s6, $0xE  }
0xaf: {  	s6 =	sadd.s32 @p0 $0x11B8D, s6;
	s7 =	sshll.u32 @p0 s5, $0x11  }
0xb0: {  	s6 =	sor.u32 @p0 s7, s6  }
0xb1: {  	[sflag:s6] =	ssyncadd.remote.s32 @p0 $0x1;
	_ =	sdelay $0x1  }
0xb2: {  	s6 =	simm.s32 @p0 $0x1B8D  }
0xb3: {  	_ =	swait.eq @p0 [sflag:s6], $0x1  }
0xb4: {  	[sflag:s6] =	ssyncadd.s32 @p0 $0xFFFFFFFF  }
0xb5: {  	s7 =	sshll.u32 @!p0 s1, $0xE  }
0xb6: {  	s7 =	sor.u32 @!p0 $0x4000, s7;
	s6 =	simm.s32 @!p0 $0x1B8D  }
0xb7: {  	s5 =	sshll.u32 @!p0 s5, $0x11;
	s7 =	sadd.s32 @!p0 $0x11B8D, s7;
	_ =	swait.eq @!p0 [sflag:s6], $0x1  }
0xb8: {  	s5 =	sor.u32 @!p0 s5, s7;
	[sflag:s6] =	ssyncadd.s32 @!p0 $0xFFFFFFFF  }
0xb9: {  	s25 =	simm.s32 $0x1B8E;
	s24 =	sld [smem:$0x3FFE];
	[sflag:s5] =	ssyncadd.remote.s32 @!p0 $0x1  }
0xba: {  	s26 =	simm.s32 $execute0_lowered;
	[smem:$0x3FD2] =	sst s25  }
0xbb: {  	s6 =	sshll.u32 s26, $0x1;
	_ =	strace $0x80000049;
	[dreg:$0x1] =	wrdreg $0xFFFFFFFF  }
0xbc: {  	s28 =	simm.s32 $_size_execute0_lowered;
	s4 =	sadd.s32 s4, s6;
	[dreg:$0x0] =	wrdreg $0x0  }
0xbd: {  	s6 =	sshll.u32 s28, $0x1;
	[dreg:$0x2] =	wrdreg s4  }
0xbe: {  	[dreg:$0x3] =	wrdreg s6  }
0xbf: {  	[dreg:$0x4] =	wrdreg $0xC0  }
0xc0: {  	_ =	task [dreg:s22], $0x5FFFF  }
0xc1: {  	[dreg:$0x1] =	wrdreg $0xFFFFFFFF  }
0xc2: {  	[dreg:$0x0] =	wrdreg $0x60  }
0xc3: {  	[dreg:$0x2] =	wrdreg s17  }
0xc4: {  	[dreg:$0x3] =	wrdreg s24  }
0xc5: {  	[dreg:$0x4] =	wrdreg $0x9  }
0xc6: {  	_ =	task.clear_ibuf [dreg:s22], $0x5FFFF;
	_ =	strace $0x90000049  }
0xc7: {  	s29 =	simm.s32 $0x9;
	_ =	strace $0x8000004B  }
0xc8: {  	_ =	swait.ge [sflag:s29], $0x1  }
0xc9: {  	[sflag:s29] =	ssyncadd.s32 $0xFFFFFFFF  }
0xca: {  	_ =	strace $0x9000004B  }
0xcb: {  	_ =	sfence  }
0xcc: {  	s30 =	sld [smem:$0x0];
	_ =	sdelay $0x2  }
0xcd: {  	s31 =	sshll.u32 s1, $0xD;
	s1 =	sshrl.u32 s1, $0x2  }
0xce: {  	s4 =	sand.u32 $0x4000, s31;
	s1 =	sadd.s32 s1, s30  }
0xcf: {  	s0 =	sor.u32 s4, s0;
	s1 =	sshll.u32 s1, $0x11  }
0xd0: {  	s0 =	sor.u32 s1, s0  }
0xd1: {  	s0 =	sadd.s32 $0x8F2B, s0  }
0xd2: {  	[sflag:s0] =	ssyncadd.remote.s32 $0x1  }
0xd3: {  	_ =	sfence.sel $0xFFFF  }
0xd4: {  	[dreg:$0x0] =	wrdreg $0xFFFFFFFF;
	(pc) =	sbr.abs _section_cstart, $3  }
0xd5: {  	[dreg:$0x1] =	wrdreg $0xFFFFFFFF  }
0xd6: {  	_ =	task.clear_ibuf [dreg:s22], $0x2FFFF;
	_ =	strace $0x9FFFFFFF  }
0xd7: {  	(tm) =	ssettm $0x7FFFFFFF  }
tec
execute0_lowered:
.L_overlay_start_1:
0x0: {  	(tag) =	ssettag $0x1  }
0x1: {  	s1 =	rddreg [dreg:$0x0]  }
0x2: {  	s0 =	rddreg [dreg:$0x1]  }
0x3: {  	s4 =	srdreg.scid;
	s3 =	simm.s32 $0x0;
	s2 =	stileid.u32  }
0x4: {  	s17 =	simm.s32 $0x80;
	s18 =	simm.s32 $0x900;
	s19 =	simm.s32 $0x1100  }
0x5: {  	s20 =	simm.s32 $0x1900;
	s21 =	simm.s32 $0x2100;
	s23 =	simm.s32 $0x2900  }
0x6: {  	s24 =	simm.s32 $0x3100;
	s25 =	simm.s32 $0x3900;
	[smem:$0x7FF] =	sst s3  }
0x7: {  	s26 =	simm.s32 $0x4100;
	_ =	strace $0x8000004A;
	[dreg:$0x7] =	wrdreg s17  }
0x8: {  	s10 =	simm.s32 $0x6100;
	s11 =	simm.s32 $0x6900;
	[dreg:$0x8] =	wrdreg s18  }
0x9: {  	s12 =	simm.s32 $0x7100;
	s13 =	simm.s32 $0x7900;
	[dreg:$0x9] =	wrdreg s19  }
0xa: {  	s14 =	simm.s32 $0x8100;
	s28 =	simm.s32 $0xE900;
	[dreg:$0xa] =	wrdreg s20  }
0xb: {  	s29 =	simm.s32 $0xF100;
	s30 =	simm.s32 $0xF900;
	[dreg:$0xb] =	wrdreg s21  }
0xc: {  	s31 =	simm.s32 $0x1;
	s4 =	sand.u32 $0x1, s4;
	[dreg:$0xc] =	wrdreg s23  }
0xd: {  	s5 =	sshll.u32 s2, $0x9;
	s15 =	sadd.s32 $0x58800, s0;
	[dreg:$0xd] =	wrdreg s24  }
0xe: {  	s0 =	sadd.s32 $0x58C00, s0;
	s6 =	sshll.u32 s4, $0x8;
	[dreg:$0xe] =	wrdreg s25  }
0xf: {  	s4 =	ssub.s32 $0x2, s4;
	[dreg:$0xf] =	wrdreg s26;
	s17 =	simm.s32 $0x9900  }
0x10: {  	s18 =	simm.s32 $0xA100;
	s19 =	simm.s32 $0xA900;
	s20 =	simm.s32 $0xB100  }
0x11: {  	s21 =	simm.s32 $0xB900;
	s23 =	simm.s32 $0xC900;
	s24 =	simm.s32 $0xD100  }
0x12: {  	s25 =	simm.s32 $0xD900;
	s26 =	simm.s32 $0xE100;
	s5 =	sor.u32 s6, s5  }
0x13: {  	s22 =	sshrl.u32 s4, $0x1;
	s7 =	sor.u32 $0x80, s5;
	s8 =	sshrl.u32 s5, $0x3  }
0x14: {  	s5 =	sshll.u32 s5, $0x5;
	s4 =	ssub.s32 s4, s22;
	s22 =	simm.s32 $0xC100  }
0x15: {  	s8 =	sadd.s32 s15, s8;
	s9 =	sshrl.u32 s7, $0x3;
	s5 =	sadd.s32 s0, s5  }
0x16: {  	s16 =	sshll.u32 s7, $0x5;
	s4 =	smax.u32 s4, $0x1;
	[dreg:$0x3] =	wrdreg s8  }
0x17: {  	s6 =	sadd.s32 s15, s9;
	[dreg:$0x5] =	wrdreg s5;
	s0 =	sadd.s32 s0, s16  }
0x18: {  	v2 =	vlaneseq.u32;
	s5 =	simm.s32 $0x3;
	s8 =	simm.s32 $0x5100;
	s9 =	simm.s32 $0x5900  }
0x19: {  	vm0 =	vmmov $0xffff;
	v1 =	vshrl.u32 v2, $0x3;
	s15 =	simm.s32 $0x8900;
	s16 =	simm.s32 $0x9100;
	[dreg:$0x4] =	wrdreg s6  }
0x1a: {  	v0 =	vand.u32 $0x7, v2;
	v2 =	vor.u32 $0x8, v2;
	v1 =	vmul.u32 $0x8, v1;
	[dreg:$0x6] =	wrdreg s0;
	s6 =	simm.s32 $0x100;
	s0 =	simm.s32 $0x2  }
.LBB2_1:
0x1b: {  	s2 =	rddreg [dreg:$0x3]  }
0x1c: {  	[tilespmem:s3], [sflag:$0x3] =	stream.linear.gather [hbm4b:s2+s3], $0x80, $0x38;
	[tilespmem:$0x10100] =	vst v63  }
0x1d: {  	_ =	swait.ge [sflag:s5], $0x80  }
0x1e: {  	s2 =	rddreg [dreg:$0x4];
	[sflag:s5] =	ssyncset.done $0x0  }
0x1f: {  	s7 =	rddreg [dreg:$0x7];
	[sflag:s5] =	ssyncadd.s32 $0xFFFFFF80  }
0x20: {  	[tilespmem:s7], [sflag:$0x3] =	stream.linear.gather [hbm4b:s2+s3], $0x80, $0x38;
	[tilespmem:$0x10100] =	vst v63  }
0x21: {  	_ =	swait.ge [sflag:s5], $0x80  }
0x22: {  	[sflag:s5] =	ssyncset.done $0x0  }
0x23: {  	[sflag:s5] =	ssyncadd.s32 $0xFFFFFF80  }
0x24: {  	v3 =	vld [tilespmem:$0x0];
	_ =	sdelay $0x4  }
0x25: {  	v4 =	vshll.u32 v3, $0x1  }
0x26: {  	v3 =	vand.u32 $0x7, v3;
	v4 =	vand.u32 $0xFFFFFFF0, v4  }
0x27: {  	v3 =	vor.u32 v3, v4  }
0x28: {  	v4 =	vperm.xlane v3, v0;
	_ =	sdelay $0x1  }
0x29: {  	v3 =	vperm.xlane v3, v2;
	v4 =	vadd.s32 v1, v4;
	_ =	sdelay $0x1  }
0x2a: {  	v3 =	vadd.s32 v1, v3;
	_ =	sdelay $0x2  }
0x2b: {  	[tilespmem:s6], [sflag:$0x1] =	stream.indirect_vreg.gather [hbm4b:s1+s3], $0x80, v4, vm0, $0xb8;
	[tilespmem:$0x10100] =	vst v63  }
0x2c: {  	s7 =	rddreg [dreg:$0x8]  }
0x2d: {  	[tilespmem:s7], [sflag:$0x1] =	stream.indirect_vreg.gather [hbm4b:s1+s3], $0x80, v3, vm0, $0xb8;
	[tilespmem:$0x10100] =	vst v63  }
0x2e: {  	v3 =	vld [tilespmem:$0x10];
	_ =	sdelay $0x4  }
0x2f: {  	v49 =	vshll.u32 v3, $0x1  }
0x30: {  	v3 =	vand.u32 $0x7, v3;
	v4 =	vand.u32 $0xFFFFFFF0, v49  }
0x31: {  	v3 =	vor.u32 v3, v4  }
0x32: {  	v4 =	vperm.xlane v3, v0;
	_ =	sdelay $0x1  }
0x33: {  	v3 =	vperm.xlane v3, v2;
	v4 =	vadd.s32 v1, v4;
	_ =	sdelay $0x1  }
0x34: {  	v3 =	vadd.s32 v1, v3;
	_ =	sdelay $0x1  }
0x35: {  	s2 =	rddreg [dreg:$0x9]  }
0x36: {  	[tilespmem:s2], [sflag:$0x1] =	stream.indirect_vreg.gather [hbm4b:s1+s3], $0x80, v4, vm0, $0xb8;
	[tilespmem:$0x10100] =	vst v63  }
0x37: {  	s7 =	rddreg [dreg:$0xa]  }
0x38: {  	[tilespmem:s7], [sflag:$0x1] =	stream.indirect_vreg.gather [hbm4b:s1+s3], $0x80, v3, vm0, $0xb8;
	[tilespmem:$0x10100] =	vst v63  }
0x39: {  	v3 =	vld [tilespmem:$0x20];
	_ =	sdelay $0x4  }
0x3a: {  	v50 =	vshll.u32 v3, $0x1  }
0x3b: {  	v3 =	vand.u32 $0x7, v3;
	v4 =	vand.u32 $0xFFFFFFF0, v50  }
0x3c: {  	v3 =	vor.u32 v3, v4  }
0x3d: {  	v4 =	vperm.xlane v3, v0;
	_ =	sdelay $0x1  }
0x3e: {  	v3 =	vperm.xlane v3, v2;
	v4 =	vadd.s32 v1, v4;
	_ =	sdelay $0x1  }
0x3f: {  	v3 =	vadd.s32 v1, v3;
	_ =	sdelay $0x1  }
0x40: {  	s2 =	rddreg [dreg:$0xb]  }
0x41: {  	[tilespmem:s2], [sflag:$0x1] =	stream.indirect_vreg.gather [hbm4b:s1+s3], $0x80, v4, vm0, $0xb8;
	[tilespmem:$0x10100] =	vst v63  }
0x42: {  	s7 =	rddreg [dreg:$0xc]  }
0x43: {  	[tilespmem:s7], [sflag:$0x1] =	stream.indirect_vreg.gather [hbm4b:s1+s3], $0x80, v3, vm0, $0xb8;
	[tilespmem:$0x10100] =	vst v63  }
0x44: {  	v3 =	vld [tilespmem:$0x30];
	_ =	sdelay $0x4  }
0x45: {  	v51 =	vshll.u32 v3, $0x1  }
0x46: {  	v3 =	vand.u32 $0x7, v3;
	v4 =	vand.u32 $0xFFFFFFF0, v51  }
0x47: {  	v3 =	vor.u32 v3, v4  }
0x48: {  	v4 =	vperm.xlane v3, v0;
	_ =	sdelay $0x1  }
0x49: {  	v3 =	vperm.xlane v3, v2;
	v4 =	vadd.s32 v1, v4;
	_ =	sdelay $0x1  }
0x4a: {  	v3 =	vadd.s32 v1, v3;
	_ =	sdelay $0x1  }
0x4b: {  	s2 =	rddreg [dreg:$0xd]  }
0x4c: {  	[tilespmem:s2], [sflag:$0x1] =	stream.indirect_vreg.gather [hbm4b:s1+s3], $0x80, v4, vm0, $0xb8;
	[tilespmem:$0x10100] =	vst v63  }
0x4d: {  	s7 =	rddreg [dreg:$0xe]  }
0x4e: {  	[tilespmem:s7], [sflag:$0x1] =	stream.indirect_vreg.gather [hbm4b:s1+s3], $0x80, v3, vm0, $0xb8;
	[tilespmem:$0x10100] =	vst v63  }
0x4f: {  	v3 =	vld [tilespmem:$0x40];
	_ =	sdelay $0x4  }
0x50: {  	v52 =	vshll.u32 v3, $0x1  }
0x51: {  	v3 =	vand.u32 $0x7, v3;
	v4 =	vand.u32 $0xFFFFFFF0, v52  }
0x52: {  	v3 =	vor.u32 v3, v4  }
0x53: {  	v4 =	vperm.xlane v3, v0;
	_ =	sdelay $0x1  }
0x54: {  	v3 =	vperm.xlane v3, v2;
	v4 =	vadd.s32 v1, v4;
	_ =	sdelay $0x1  }
0x55: {  	v3 =	vadd.s32 v1, v3;
	_ =	sdelay $0x1  }
0x56: {  	s7 =	rddreg [dreg:$0xf]  }
0x57: {  	[tilespmem:s7], [sflag:$0x1] =	stream.indirect_vreg.gather [hbm4b:s1+s3], $0x80, v4, vm0, $0xb8;
	[tilespmem:$0x10100] =	vst v63  }
0x58: {  	s7 =	simm.s32 $0x4900  }
0x59: {  	[tilespmem:s7], [sflag:$0x1] =	stream.indirect_vreg.gather [hbm4b:s1+s3], $0x80, v3, vm0, $0xb8;
	[tilespmem:$0x10100] =	vst v63  }
0x5a: {  	v3 =	vld [tilespmem:$0x50];
	_ =	sdelay $0x4  }
0x5b: {  	v53 =	vshll.u32 v3, $0x1  }
0x5c: {  	v3 =	vand.u32 $0x7, v3;
	v4 =	vand.u32 $0xFFFFFFF0, v53  }
0x5d: {  	v3 =	vor.u32 v3, v4  }
0x5e: {  	v4 =	vperm.xlane v3, v0;
	_ =	sdelay $0x1  }
0x5f: {  	v3 =	vperm.xlane v3, v2;
	v4 =	vadd.s32 v1, v4;
	_ =	sdelay $0x1  }
0x60: {  	v3 =	vadd.s32 v1, v3;
	_ =	sdelay $0x2  }
0x61: {  	[tilespmem:s8], [sflag:$0x1] =	stream.indirect_vreg.gather [hbm4b:s1+s3], $0x80, v4, vm0, $0xb8;
	[tilespmem:$0x10100] =	vst v63  }
0x62: {  	_ = 	snop  }
0x63: {  	[tilespmem:s9], [sflag:$0x1] =	stream.indirect_vreg.gather [hbm4b:s1+s3], $0x80, v3, vm0, $0xb8;
	[tilespmem:$0x10100] =	vst v63  }
0x64: {  	v3 =	vld [tilespmem:$0x60];
	_ =	sdelay $0x4  }
0x65: {  	v54 =	vshll.u32 v3, $0x1  }
0x66: {  	v3 =	vand.u32 $0x7, v3;
	v4 =	vand.u32 $0xFFFFFFF0, v54  }
0x67: {  	v3 =	vor.u32 v3, v4  }
0x68: {  	v4 =	vperm.xlane v3, v0;
	_ =	sdelay $0x1  }
0x69: {  	v3 =	vperm.xlane v3, v2;
	v4 =	vadd.s32 v1, v4;
	_ =	sdelay $0x1  }
0x6a: {  	v3 =	vadd.s32 v1, v3;
	_ =	sdelay $0x2  }
0x6b: {  	[tilespmem:s10], [sflag:$0x1] =	stream.indirect_vreg.gather [hbm4b:s1+s3], $0x80, v4, vm0, $0xb8;
	[tilespmem:$0x10100] =	vst v63  }
0x6c: {  	_ = 	snop  }
0x6d: {  	[tilespmem:s11], [sflag:$0x1] =	stream.indirect_vreg.gather [hbm4b:s1+s3], $0x80, v3, vm0, $0xb8;
	[tilespmem:$0x10100] =	vst v63  }
0x6e: {  	v3 =	vld [tilespmem:$0x70];
	_ =	sdelay $0x4  }
0x6f: {  	v55 =	vshll.u32 v3, $0x1  }
0x70: {  	v3 =	vand.u32 $0x7, v3;
	v4 =	vand.u32 $0xFFFFFFF0, v55  }
0x71: {  	v3 =	vor.u32 v3, v4  }
0x72: {  	v4 =	vperm.xlane v3, v0;
	_ =	sdelay $0x1  }
0x73: {  	v3 =	vperm.xlane v3, v2;
	v4 =	vadd.s32 v1, v4;
	_ =	sdelay $0x1  }
0x74: {  	v3 =	vadd.s32 v1, v3;
	_ =	sdelay $0x2  }
0x75: {  	[tilespmem:s12], [sflag:$0x1] =	stream.indirect_vreg.gather [hbm4b:s1+s3], $0x80, v4, vm0, $0xb8;
	[tilespmem:$0x10100] =	vst v63  }
0x76: {  	_ = 	snop  }
0x77: {  	[tilespmem:s13], [sflag:$0x1] =	stream.indirect_vreg.gather [hbm4b:s1+s3], $0x80, v3, vm0, $0xb8;
	[tilespmem:$0x10100] =	vst v63  }
0x78: {  	v3 =	vld [tilespmem:$0x80];
	_ =	sdelay $0x4  }
0x79: {  	v56 =	vshll.u32 v3, $0x1  }
0x7a: {  	v3 =	vand.u32 $0x7, v3;
	v4 =	vand.u32 $0xFFFFFFF0, v56  }
0x7b: {  	v3 =	vor.u32 v3, v4  }
0x7c: {  	v4 =	vperm.xlane v3, v0;
	_ =	sdelay $0x1  }
0x7d: {  	v3 =	vperm.xlane v3, v2;
	v4 =	vadd.s32 v1, v4;
	_ =	sdelay $0x1  }
0x7e: {  	v3 =	vadd.s32 v1, v3;
	_ =	sdelay $0x2  }
0x7f: {  	[tilespmem:s14], [sflag:$0x1] =	stream.indirect_vreg.gather [hbm4b:s1+s3], $0x80, v4, vm0, $0xb8;
	[tilespmem:$0x10100] =	vst v63  }
0x80: {  	_ = 	snop  }
0x81: {  	[tilespmem:s15], [sflag:$0x1] =	stream.indirect_vreg.gather [hbm4b:s1+s3], $0x80, v3, vm0, $0xb8;
	[tilespmem:$0x10100] =	vst v63  }
0x82: {  	v3 =	vld [tilespmem:$0x90];
	_ =	sdelay $0x4  }
0x83: {  	v57 =	vshll.u32 v3, $0x1  }
0x84: {  	v3 =	vand.u32 $0x7, v3;
	v4 =	vand.u32 $0xFFFFFFF0, v57  }
0x85: {  	v3 =	vor.u32 v3, v4  }
0x86: {  	v4 =	vperm.xlane v3, v0;
	_ =	sdelay $0x1  }
0x87: {  	v3 =	vperm.xlane v3, v2;
	v4 =	vadd.s32 v1, v4;
	_ =	sdelay $0x1  }
0x88: {  	v3 =	vadd.s32 v1, v3;
	_ =	sdelay $0x2  }
0x89: {  	[tilespmem:s16], [sflag:$0x1] =	stream.indirect_vreg.gather [hbm4b:s1+s3], $0x80, v4, vm0, $0xb8;
	[tilespmem:$0x10100] =	vst v63  }
0x8a: {  	_ = 	snop  }
0x8b: {  	[tilespmem:s17], [sflag:$0x1] =	stream.indirect_vreg.gather [hbm4b:s1+s3], $0x80, v3, vm0, $0xb8;
	[tilespmem:$0x10100] =	vst v63  }
0x8c: {  	v3 =	vld [tilespmem:$0xA0];
	_ =	sdelay $0x4  }
0x8d: {  	v58 =	vshll.u32 v3, $0x1  }
0x8e: {  	v3 =	vand.u32 $0x7, v3;
	v4 =	vand.u32 $0xFFFFFFF0, v58  }
0x8f: {  	v3 =	vor.u32 v3, v4  }
0x90: {  	v4 =	vperm.xlane v3, v0;
	_ =	sdelay $0x1  }
0x91: {  	v3 =	vperm.xlane v3, v2;
	v4 =	vadd.s32 v1, v4;
	_ =	sdelay $0x1  }
0x92: {  	v3 =	vadd.s32 v1, v3;
	_ =	sdelay $0x2  }
0x93: {  	[tilespmem:s18], [sflag:$0x1] =	stream.indirect_vreg.gather [hbm4b:s1+s3], $0x80, v4, vm0, $0xb8;
	[tilespmem:$0x10100] =	vst v63  }
0x94: {  	_ = 	snop  }
0x95: {  	[tilespmem:s19], [sflag:$0x1] =	stream.indirect_vreg.gather [hbm4b:s1+s3], $0x80, v3, vm0, $0xb8;
	[tilespmem:$0x10100] =	vst v63  }
0x96: {  	v3 =	vld [tilespmem:$0xB0];
	_ =	sdelay $0x4  }
0x97: {  	v59 =	vshll.u32 v3, $0x1  }
0x98: {  	v3 =	vand.u32 $0x7, v3;
	v4 =	vand.u32 $0xFFFFFFF0, v59  }
0x99: {  	v3 =	vor.u32 v3, v4  }
0x9a: {  	v4 =	vperm.xlane v3, v0;
	_ =	sdelay $0x1  }
0x9b: {  	v3 =	vperm.xlane v3, v2;
	v4 =	vadd.s32 v1, v4;
	_ =	sdelay $0x1  }
0x9c: {  	v3 =	vadd.s32 v1, v3;
	_ =	sdelay $0x2  }
0x9d: {  	[tilespmem:s20], [sflag:$0x1] =	stream.indirect_vreg.gather [hbm4b:s1+s3], $0x80, v4, vm0, $0xb8;
	[tilespmem:$0x10100] =	vst v63  }
0x9e: {  	_ = 	snop  }
0x9f: {  	[tilespmem:s21], [sflag:$0x1] =	stream.indirect_vreg.gather [hbm4b:s1+s3], $0x80, v3, vm0, $0xb8;
	[tilespmem:$0x10100] =	vst v63  }
0xa0: {  	v3 =	vld [tilespmem:$0xC0];
	_ =	sdelay $0x4  }
0xa1: {  	v60 =	vshll.u32 v3, $0x1  }
0xa2: {  	v3 =	vand.u32 $0x7, v3;
	v4 =	vand.u32 $0xFFFFFFF0, v60  }
0xa3: {  	v3 =	vor.u32 v3, v4  }
0xa4: {  	v4 =	vperm.xlane v3, v0;
	_ =	sdelay $0x1  }
0xa5: {  	v3 =	vperm.xlane v3, v2;
	v4 =	vadd.s32 v1, v4;
	_ =	sdelay $0x1  }
0xa6: {  	v3 =	vadd.s32 v1, v3;
	_ =	sdelay $0x2  }
0xa7: {  	[tilespmem:s22], [sflag:$0x1] =	stream.indirect_vreg.gather [hbm4b:s1+s3], $0x80, v4, vm0, $0xb8;
	[tilespmem:$0x10100] =	vst v63  }
0xa8: {  	_ = 	snop  }
0xa9: {  	[tilespmem:s23], [sflag:$0x1] =	stream.indirect_vreg.gather [hbm4b:s1+s3], $0x80, v3, vm0, $0xb8;
	[tilespmem:$0x10100] =	vst v63  }
0xaa: {  	v3 =	vld [tilespmem:$0xD0];
	_ =	sdelay $0x4  }
0xab: {  	v61 =	vshll.u32 v3, $0x1  }
0xac: {  	v3 =	vand.u32 $0x7, v3;
	v4 =	vand.u32 $0xFFFFFFF0, v61  }
0xad: {  	v3 =	vor.u32 v3, v4  }
0xae: {  	v4 =	vperm.xlane v3, v0;
	_ =	sdelay $0x1  }
0xaf: {  	v3 =	vperm.xlane v3, v2;
	v4 =	vadd.s32 v1, v4;
	_ =	sdelay $0x1  }
0xb0: {  	v3 =	vadd.s32 v1, v3;
	_ =	sdelay $0x2  }
0xb1: {  	[tilespmem:s24], [sflag:$0x1] =	stream.indirect_vreg.gather [hbm4b:s1+s3], $0x80, v4, vm0, $0xb8;
	[tilespmem:$0x10100] =	vst v63  }
0xb2: {  	_ = 	snop  }
0xb3: {  	[tilespmem:s25], [sflag:$0x1] =	stream.indirect_vreg.gather [hbm4b:s1+s3], $0x80, v3, vm0, $0xb8;
	[tilespmem:$0x10100] =	vst v63  }
0xb4: {  	v3 =	vld [tilespmem:$0xE0];
	_ =	sdelay $0x4  }
0xb5: {  	v62 =	vshll.u32 v3, $0x1  }
0xb6: {  	v3 =	vand.u32 $0x7, v3;
	v4 =	vand.u32 $0xFFFFFFF0, v62  }
0xb7: {  	v3 =	vor.u32 v3, v4  }
0xb8: {  	v4 =	vperm.xlane v3, v0;
	_ =	sdelay $0x1  }
0xb9: {  	v3 =	vperm.xlane v3, v2;
	v4 =	vadd.s32 v1, v4;
	_ =	sdelay $0x1  }
0xba: {  	v3 =	vadd.s32 v1, v3;
	_ =	sdelay $0x2  }
0xbb: {  	[tilespmem:s26], [sflag:$0x1] =	stream.indirect_vreg.gather [hbm4b:s1+s3], $0x80, v4, vm0, $0xb8;
	[tilespmem:$0x10100] =	vst v63  }
0xbc: {  	_ = 	snop  }
0xbd: {  	[tilespmem:s28], [sflag:$0x1] =	stream.indirect_vreg.gather [hbm4b:s1+s3], $0x80, v3, vm0, $0xb8;
	[tilespmem:$0x10100] =	vst v63  }
0xbe: {  	v3 =	vld [tilespmem:$0xF0];
	_ =	sdelay $0x4  }
0xbf: {  	v63 =	vshll.u32 v3, $0x1  }
0xc0: {  	v3 =	vand.u32 $0x7, v3;
	v4 =	vand.u32 $0xFFFFFFF0, v63  }
0xc1: {  	v3 =	vor.u32 v3, v4  }
0xc2: {  	v4 =	vperm.xlane v3, v0;
	_ =	sdelay $0x1  }
0xc3: {  	v3 =	vperm.xlane v3, v2;
	v4 =	vadd.s32 v1, v4;
	_ =	sdelay $0x1  }
0xc4: {  	v3 =	vadd.s32 v1, v3;
	_ =	sdelay $0x2  }
0xc5: {  	[tilespmem:s29], [sflag:$0x1] =	stream.indirect_vreg.gather [hbm4b:s1+s3], $0x80, v4, vm0, $0xb8;
	[tilespmem:$0x10100] =	vst v63  }
0xc6: {  	_ = 	snop  }
0xc7: {  	[tilespmem:s30], [sflag:$0x1] =	stream.indirect_vreg.gather [hbm4b:s1+s3], $0x80, v3, vm0, $0xb8;
	[tilespmem:$0x10100] =	vst v63  }
0xc8: {  	_ =	swait.ge [sflag:s31], $0x8000  }
0xc9: {  	[sflag:s31] =	ssyncset.done $0x0  }
0xca: {  	s7 =	rddreg [dreg:$0x5];
	[sflag:s31] =	ssyncadd.s32 $0xFFFF8000  }
0xcb: {  	[hbm4b:s7+s3] =	stream.linear.scatter [tilespmem:s6], [sflag:$0x2], $0x8000, $0x38;
	[tilespmem:$0x10100] =	vst v63  }
0xcc: {  	_ =	swait.ge [sflag:s31], $0x8000  }
0xcd: {  	[sflag:s31] =	ssyncset.done $0x0  }
0xce: {  	s7 =	rddreg [dreg:$0x6];
	[sflag:s31] =	ssyncadd.s32 $0xFFFF8000  }
0xcf: {  	[hbm4b:s7+s3] =	stream.linear.scatter [tilespmem:s14], [sflag:$0x2], $0x8000, $0x38;
	[tilespmem:$0x10100] =	vst v63  }
0xd0: {  	p0 =	sne.s32 s4, $0x1;
	_ =	swait.ge [sflag:s0], $0x8000  }
.Ltmp0:
0xd1: {  	[sflag:s0] =	ssyncset.done $0x0;
	(pc) =	sbr.rel @p0 .LBB2_1-.Ltmp0, $4  }
0xd2: {  	[sflag:s0] =	ssyncadd.s32 $0xFFFF8000  }
0xd3: {  	_ =	swait.ge [sflag:s0], $0x8000  }
0xd4: {  	[sflag:s0] =	ssyncset.done $0x0  }
0xd5: {  	s4 =	sadd.s32 $0xFFFFFFFF, s4;
	[sflag:s0] =	ssyncadd.s32 $0xFFFF8000  }
0xd6: {  	_ =	sfence.sel $0x180000  }
0xd7: {  	[bflag:$0x0] =	sbarrier.arrive $0xFFFF  }
0xd8: {  	_ =	strace $0x9000004A  }
0xd9: {  	s0 =	stileid.u32;
	[bflag:$0x2] =	sbarrier.arrive $0xFFFF  }
0xda: {  	p0 =	sne.s32 s0, $0x0;
	s0 =	rddreg [dreg:$0x2]  }
0xdb: {  	s0 =	sadd.s32 @!p0 $0x100000, s0  }
0xdc: {  	[sflag:s0] =	ssyncadd.tile.s32 @!p0 $0x1;
	_ =	shalt  }
.Lfunc_end2:
_tile_overlayer_lowered:
.L_overlay_start_2:
0xdd: {  	(tag) =	ssettag $0x2  }
0xde: {  	s0 =	rddreg [dreg:$0x0];
	s2 =	stileid.u32  }
0xdf: {  	s1 =	rddreg [dreg:$0x1];
	p0 =	sne.s32 s2, $0x0  }
0xe0: {  	s3 =	rddreg [dreg:$0x2];
	[bflag:$0x3] =	sbarrier.arrive $0xFFFF;
	s2 =	simm.s32 @!p0 $0x1C03  }
0xe1: {  	[timem:s3], [sflag:s2] =	dma.local @!p0 [hbm:s0], s1  }
0xe2: {  	s0 =	simm.s32 @!p0 $0x3  }
0xe3: {  	_ =	swait.ge @!p0 [sflag:s0], s1  }
0xe4: {  	s1 =	ssub.s32 @!p0 $0x0, s1;
	[sflag:s0] =	ssyncset.done @!p0 $0x0  }
0xe5: {  	[sflag:s0] =	ssyncadd.s32 @!p0 s1  }
0xe6: {  	[bflag:$0x3] =	sbarrier.arrive $0xFFFF  }
0xe7: {  	_ =	shalt  }

// kernel: kernel.23.cloned.1.call-start
scs
__scs_entry_jumppad:
0x0: {  	(pc) =	sbr.rel $0x88, $3  }
0x1: {  	(tag) =	ssettag $0x0;
	lr =	simm.s32 $0x1  }
0x2: {  	[smem:$0x3F9F] =	sst lr;
	_ =	strace $0xD0000000  }
0x3: {  	_ = 	snop  }
0x4: {  	_ = 	snop  }
0x5: {  	_ = 	snop  }
0x6: {  	_ = 	snop  }
0x7: {  	_ = 	snop  }
__scs_overlays_trampoline_lowered:
0x8: {  	[smem:$0x3FAE] =	sst s0  }
0x9: {  	[smem:$0x3FAF] =	sst s1  }
0xa: {  	[smem:$0x3FB0] =	sst s2  }
0xb: {  	[smem:$0x3FB1] =	sst s3  }
0xc: {  	[smem:$0x3FB2] =	sst s4  }
0xd: {  	[smem:$0x3FB3] =	sst s5  }
0xe: {  	[smem:$0x3FB4] =	sst s6  }
0xf: {  	[smem:$0x3FB5] =	sst s7  }
0x10: {  	[smem:$0x3FB6] =	sst s8  }
0x11: {  	[smem:$0x3FB7] =	sst s9;
	s0 =	simm.s32 @!p0 $0x0  }
0x12: {  	s1 =	sld [smem:$0x3F9D];
	s0 =	simm.s32 @p0 $0x1  }
0x13: {  	[smem:$0x3FB8] =	sst s0;
	s0 =	simm.s32 @!p1 $0x0  }
0x14: {  	s2 =	sld [smem:$0x3F9C];
	s0 =	simm.s32 @p1 $0x1  }
0x15: {  	[smem:$0x3FB9] =	sst s0;
	s0 =	simm.s32 @!p2 $0x0  }
0x16: {  	s3 =	sld [smem:$0x3FDB];
	s0 =	simm.s32 @p2 $0x1  }
0x17: {  	s4 =	simm.s32 $0x1BF5;
	[smem:$0x3FBB] =	sst s0  }
0x18: {  	s0 =	sld [smem:$0x3F9E];
	_ =	swait.ge [sflag:s4], $0x0  }
0x19: {  	s7 =	sld [smem:$0x3F9F]  }
0x1a: {  	s8 =	sadd.s32 $0xFFFFE003, lr  }
0x1b: {  	s9 =	sadd.s32 $0xFFFFFEF7, lr;
	s5 =	simm.s32 $0xFFFFFFFF;
	p2 =	slt.u32 s8, $0xFFFFF086  }
0x1c: {  	p1 =	slt.u32 s9, $0xF7A;
	s5 =	simm.s32 @!p2 $0x0  }
0x1d: {  	s5 =	simm.s32 @p1 $0x1;
	p0 =	seq.s32 s7, s2  }
0x1e: {  	s7 =	smul.u32 @!p0 $0xF7A, s2;
	p2 =	seq.s32 @!p0 s5, $0x0  }
0x1f: {  	s9 =	smul.u32 $0xF7A, s1;
	s8 =	simm.s32 @!p0 $0x1BF5;
	p2 =	por !p2, p0  }
0x20: {  	[sflag:s8] =	ssyncset.s32 @!p0 $0xFFFFF086;
	s6 =	sadd.s32 @!p0 s3, s7;
	s7 =	simm.s32 @!p0 $0x108  }
0x21: {  	s3 =	sadd.s32 s3, s9;
	s6 =	sadd.s32 @!p0 $0x88, s6;
	s7 =	simm.s32 @p2 $0x1082  }
0x22: {  	[simem:s7], [sflag:s8] =	dma.local @!p0 [hbm:s6], $0xF7A  }
0x23: {  	s9 =	sor.u32 $0xD0000000, s2;
	s6 =	simm.s32 $0x108;
	_ =	swait.ge @!p0 [sflag:s8], $0x0  }
0x24: {  	s3 =	sadd.s32 $0x88, s3;
	s6 =	simm.s32 @!p1 $0x1082;
	[sflag:s4] =	ssyncset.s32 $0xFFFFF086  }
0x25: {  	[simem:s6], [sflag:s4] =	dma.local [hbm:s3], $0xF7A  }
0x26: {  	[smem:$0x3F9F] =	sst s1;
	(tag) =	ssettag s2;
	_ =	strace s9  }
0x27: {  	s1 =	sld [smem:$0x3FAF]  }
0x28: {  	s2 =	sld [smem:$0x3FB0]  }
0x29: {  	s4 =	sld [smem:$0x3FB2]  }
0x2a: {  	p0 =	seq.s32 s5, $0x0;
	s5 =	sld [smem:$0x3FB3]  }
0x2b: {  	s6 =	sld [smem:$0x3FB4]  }
0x2c: {  	s7 =	sld [smem:$0x3FB5]  }
0x2d: {  	s3 =	simm.s32 $0x108;
	s8 =	sld [smem:$0x3FB6]  }
0x2e: {  	s3 =	simm.s32 @!p0 $0x1082;
	s9 =	sld [smem:$0x3FB7]  }
0x2f: {  	lr =	sadd.s32 s0, s3;
	s0 =	sld [smem:$0x3FAE]  }
0x30: {  	s3 =	sld [smem:$0x3FB1]  }
0x31: {  	[smem:$0x3FBA] =	sst s10  }
0x32: {  	s10 =	sld [smem:$0x3FB8];
	_ =	sdelay $0x3  }
0x33: {  	p0 =	seq.s32 s10, $0x1;
	s10 =	sld [smem:$0x3FBA];
	_ =	sdelay $0x3  }
0x34: {  	[smem:$0x3FBA] =	sst s10  }
0x35: {  	s10 =	sld [smem:$0x3FB9];
	_ =	sdelay $0x3  }
0x36: {  	p1 =	seq.s32 s10, $0x1;
	s10 =	sld [smem:$0x3FBA];
	_ =	sdelay $0x3  }
0x37: {  	[smem:$0x3FBA] =	sst s10  }
0x38: {  	s10 =	sld [smem:$0x3FBB]  }
0x39: {  	_ = 	snop;
	(pc) =	sbr.ind lr, $3  }
0x3a: {  	_ = 	snop  }
0x3b: {  	_ = 	snop  }
0x3c: {  	p2 =	seq.s32 s10, $0x1;
	s10 =	sld [smem:$0x3FBA]  }
0x3d: {  	_ =	shalt  }
0x3e: {  	_ =	shalt  }
0x3f: {  	_ =	shalt  }
0x40: {  	_ =	shalt  }
0x41: {  	_ =	shalt  }
0x42: {  	_ =	shalt  }
0x43: {  	_ =	shalt  }
0x44: {  	_ =	shalt  }
0x45: {  	_ =	shalt  }
0x46: {  	_ =	shalt  }
0x47: {  	_ =	shalt  }
0x48: {  	_ =	shalt  }
0x49: {  	_ =	shalt  }
0x4a: {  	_ =	shalt  }
0x4b: {  	_ =	shalt  }
0x4c: {  	_ =	shalt  }
0x4d: {  	_ =	shalt  }
0x4e: {  	_ =	shalt  }
0x4f: {  	_ =	shalt  }
0x50: {  	_ =	shalt  }
0x51: {  	_ =	shalt  }
0x52: {  	_ =	shalt  }
0x53: {  	_ =	shalt  }
0x54: {  	_ =	shalt  }
0x55: {  	_ =	shalt  }
0x56: {  	_ =	shalt  }
0x57: {  	_ =	shalt  }
0x58: {  	_ =	shalt  }
0x59: {  	_ =	shalt  }
0x5a: {  	_ =	shalt  }
0x5b: {  	_ =	shalt  }
0x5c: {  	_ =	shalt  }
0x5d: {  	_ =	shalt  }
0x5e: {  	_ =	shalt  }
0x5f: {  	_ =	shalt  }
0x60: {  	_ =	shalt  }
0x61: {  	_ =	shalt  }
0x62: {  	_ =	shalt  }
0x63: {  	_ =	shalt  }
0x64: {  	_ =	shalt  }
0x65: {  	_ =	shalt  }
0x66: {  	_ =	shalt  }
0x67: {  	_ =	shalt  }
0x68: {  	_ =	shalt  }
0x69: {  	_ =	shalt  }
0x6a: {  	_ =	shalt  }
0x6b: {  	_ =	shalt  }
0x6c: {  	_ =	shalt  }
0x6d: {  	_ =	shalt  }
0x6e: {  	_ =	shalt  }
0x6f: {  	_ =	shalt  }
0x70: {  	_ =	shalt  }
0x71: {  	_ =	shalt  }
0x72: {  	_ =	shalt  }
0x73: {  	_ =	shalt  }
0x74: {  	_ =	shalt  }
0x75: {  	_ =	shalt  }
0x76: {  	_ =	shalt  }
0x77: {  	_ =	shalt  }
0x78: {  	_ =	shalt  }
0x79: {  	_ =	shalt  }
0x7a: {  	_ =	shalt  }
0x7b: {  	_ =	shalt  }
0x7c: {  	_ =	shalt  }
0x7d: {  	_ =	shalt  }
0x7e: {  	_ =	shalt  }
0x7f: {  	_ =	shalt  }
0x80: {  	_ =	shalt  }
0x81: {  	_ =	shalt  }
0x82: {  	_ =	shalt  }
0x83: {  	_ =	shalt  }
0x84: {  	_ =	shalt  }
0x85: {  	_ =	shalt  }
0x86: {  	_ =	shalt  }
0x87: {  	_ =	shalt  }
.Lfunc_end0:
.L_simem_size_0:
called_computation.1_lowered:
.L_overlay_start_0:
0x88: {  	s2 =	sld [smem:$0x3FD9]  }
0x89: {  	s3 =	sld [smem:$0x3FFE];
	_ =	sdelay $0x1  }
0x8a: {  	s1 =	srdreg.scid  }
0x8b: {  	s0 =	sand.u32 $0x1, s1  }
0x8c: {  	s16 =	sshll.u32 s0, $0xA;
	s2 =	sadd.s32 s3, s2  }
0x8d: {  	s2 =	sadd.s32 s2, s16  }
0x8e: {  	[smem:$0x3FC6] =	sst s2  }
0x8f: {  	_ = 	snop  }
0x90: {  	(tm) =	ssettm $0x1  }
0x91: {  	s17 =	sld [smem:$0x3FFB];
	_ =	sdelay $0x3  }
0x92: {  	_ =	strace s17  }
0x93: {  	s2 =	sld [smem:$0x3FFC];
	_ =	sdelay $0x3  }
0x94: {  	_ =	strace s2  }
0x95: {  	s2 =	sld [smem:$0x3FFD];
	_ =	sdelay $0x3  }
0x96: {  	_ =	strace s2  }
0x97: {  	_ =	strace $0x8FFFFFFF  }
0x98: {  	s18 =	sld [smem:$0x3FDB];
	_ =	sdelay $0x1  }
0x99: {  	s19 =	simm.s32 $_scs_section_size  }
0x9a: {  	s4 =	simm.s32 $_size__tile_overlayer_lowered;
	s5 =	simm.s32 $_tile_overlayer_lowered  }
0x9b: {  	s22 =	simm.s32 $0x1BFF;
	s21 =	sshll.u32 s5, $0x1;
	s2 =	sadd.s32 s19, s18  }
0x9c: {  	s6 =	simm.s32 $0x0;
	s20 =	sshll.u32 s4, $0x1;
	s4 =	sadd.s32 s21, s2  }
0x9d: {  	[timem:s6], [sflag:s22] =	dma.local [hbm:s4], s20  }
0x9e: {  	_ =	swait.ge [sflag:s22], s20  }
0x9f: {  	s3 =	ssub.s32 $0x0, s20;
	[sflag:s22] =	ssyncset.done $0x0  }
0xa0: {  	[sflag:s22] =	ssyncadd.s32 s3;
	_ =	sdelay $0x1  }
0xa1: {  	s23 =	simm.s32 $0x1B8B  }
0xa2: {  	_ =	swait.ge [sflag:s23], $0x1  }
0xa3: {  	[sflag:s23] =	ssyncset.done $0x0  }
0xa4: {  	s25 =	simm.s32 $0x1B8E;
	s24 =	sld [smem:$0x3FFE];
	[sflag:s23] =	ssyncadd.s32 $0xFFFFFFFF  }
0xa5: {  	s26 =	simm.s32 $execute0_lowered;
	[smem:$0x3FD2] =	sst s25  }
0xa6: {  	s4 =	sshll.u32 s26, $0x1;
	_ =	strace $0x8000004C;
	[dreg:$0x1] =	wrdreg $0xFFFFFFFF  }
0xa7: {  	s28 =	simm.s32 $_size_execute0_lowered;
	s2 =	sadd.s32 s2, s4;
	[dreg:$0x0] =	wrdreg $0x0  }
0xa8: {  	s4 =	sshll.u32 s28, $0x1;
	[dreg:$0x2] =	wrdreg s2  }
0xa9: {  	[dreg:$0x3] =	wrdreg s4  }
0xaa: {  	[dreg:$0x4] =	wrdreg $0xC0  }
0xab: {  	_ =	task [dreg:s6], $0x5FFFF  }
0xac: {  	[dreg:$0x1] =	wrdreg $0xFFFFFFFF  }
0xad: {  	[dreg:$0x0] =	wrdreg $0x60  }
0xae: {  	[dreg:$0x2] =	wrdreg s24  }
0xaf: {  	[dreg:$0x3] =	wrdreg $0x9  }
0xb0: {  	_ =	task.clear_ibuf [dreg:s6], $0x4FFFF;
	_ =	strace $0x9000004C  }
0xb1: {  	s29 =	simm.s32 $0x9;
	_ =	strace $0x8000004E  }
0xb2: {  	_ =	swait.ge [sflag:s29], $0x1  }
0xb3: {  	[sflag:s29] =	ssyncadd.s32 $0xFFFFFFFF  }
0xb4: {  	_ =	strace $0x9000004E  }
0xb5: {  	_ =	sfence  }
0xb6: {  	s30 =	sld [smem:$0x0];
	_ =	sdelay $0x2  }
0xb7: {  	s31 =	sshll.u32 s1, $0xD;
	s1 =	sshrl.u32 s1, $0x2  }
0xb8: {  	s3 =	sand.u32 $0x4000, s31;
	s1 =	sadd.s32 s1, s30  }
0xb9: {  	s0 =	sor.u32 s3, s0;
	s1 =	sshll.u32 s1, $0x11  }
0xba: {  	s0 =	sor.u32 s1, s0  }
0xbb: {  	s0 =	sadd.s32 $0x8F2B, s0  }
0xbc: {  	[sflag:s0] =	ssyncadd.remote.s32 $0x1  }
0xbd: {  	_ =	sfence.sel $0xFFFF  }
0xbe: {  	[dreg:$0x0] =	wrdreg $0xFFFFFFFF;
	(pc) =	sbr.abs _section_cstart, $3  }
0xbf: {  	[dreg:$0x1] =	wrdreg $0xFFFFFFFF  }
0xc0: {  	_ =	task.clear_ibuf [dreg:s6], $0x2FFFF;
	_ =	strace $0x9FFFFFFF  }
0xc1: {  	(tm) =	ssettm $0x7FFFFFFF  }
tec
execute0_lowered:
.L_overlay_start_1:
0x0: {  	(tag) =	ssettag $0x1  }
0x1: {  	s0 =	rddreg [dreg:$0x0];
	s3 =	srdreg.scid  }
0x2: {  	s2 =	simm.s32 $0x0;
	s1 =	stileid.u32;
	s17 =	simm.s32 $0x80  }
0x3: {  	s18 =	simm.s32 $0x900;
	s19 =	simm.s32 $0x1100;
	s20 =	simm.s32 $0x1900  }
0x4: {  	s21 =	simm.s32 $0x2100;
	s23 =	simm.s32 $0x2900;
	[smem:$0x7FF] =	sst s2  }
0x5: {  	s24 =	simm.s32 $0x3100;
	_ =	strace $0x8000004D;
	[dreg:$0x6] =	wrdreg s17  }
0x6: {  	s25 =	simm.s32 $0x3900;
	s26 =	simm.s32 $0x4100;
	[dreg:$0x7] =	wrdreg s18  }
0x7: {  	s10 =	simm.s32 $0x6100;
	s11 =	simm.s32 $0x6900;
	[dreg:$0x8] =	wrdreg s19  }
0x8: {  	s12 =	simm.s32 $0x7100;
	s28 =	simm.s32 $0xE900;
	[dreg:$0x9] =	wrdreg s20  }
0x9: {  	s29 =	simm.s32 $0xF100;
	s30 =	simm.s32 $0xF900;
	[dreg:$0xa] =	wrdreg s21  }
0xa: {  	s31 =	simm.s32 $0x1;
	s4 =	sand.u32 $0x1, s3;
	[dreg:$0xb] =	wrdreg s23  }
0xb: {  	s13 =	sshll.u32 s1, $0x9;
	s14 =	sadd.s32 $0xD8C00, s0;
	[dreg:$0xc] =	wrdreg s24  }
0xc: {  	s8 =	sadd.s32 $0xD9000, s0;
	s5 =	sshll.u32 s4, $0x8;
	[dreg:$0xd] =	wrdreg s25  }
0xd: {  	s4 =	ssub.s32 $0x2, s4;
	[dreg:$0xe] =	wrdreg s26;
	s17 =	simm.s32 $0x9900  }
0xe: {  	s18 =	simm.s32 $0xA100;
	s19 =	simm.s32 $0xA900;
	s20 =	simm.s32 $0xB100  }
0xf: {  	s21 =	simm.s32 $0xB900;
	s23 =	simm.s32 $0xC900;
	s24 =	simm.s32 $0xD100  }
0x10: {  	s25 =	simm.s32 $0xD900;
	s26 =	simm.s32 $0xE100;
	s3 =	sor.u32 s5, s13  }
0x11: {  	s22 =	sshrl.u32 s4, $0x1;
	s13 =	simm.s32 $0x7900;
	s6 =	sor.u32 $0x80, s3  }
0x12: {  	s7 =	sshrl.u32 s3, $0x3;
	s3 =	sshll.u32 s3, $0x5;
	s4 =	ssub.s32 s4, s22  }
0x13: {  	s22 =	simm.s32 $0xC100;
	s7 =	sadd.s32 s14, s7;
	s9 =	sshrl.u32 s6, $0x3  }
0x14: {  	s3 =	sadd.s32 s8, s3;
	s15 =	sshll.u32 s6, $0x5;
	s4 =	smax.u32 s4, $0x1  }
0x15: {  	s6 =	simm.s32 $0x100;
	[dreg:$0x2] =	wrdreg s7;
	s5 =	sadd.s32 s14, s9  }
0x16: {  	[dreg:$0x4] =	wrdreg s3;
	s16 =	sadd.s32 s8, s15;
	s3 =	sadd.s32 $0x8800, s0  }
0x17: {  	v2 =	vlaneseq.u32;
	s8 =	simm.s32 $0x5100;
	s9 =	simm.s32 $0x5900;
	s14 =	simm.s32 $0x8100  }
0x18: {  	vm0 =	vmmov $0xffff;
	v1 =	vshrl.u32 v2, $0x3;
	s15 =	simm.s32 $0x8900;
	s0 =	simm.s32 $0x2;
	[dreg:$0x3] =	wrdreg s5  }
0x19: {  	v0 =	vand.u32 $0x7, v2;
	v2 =	vor.u32 $0x8, v2;
	v1 =	vmul.u32 $0x8, v1;
	[dreg:$0x5] =	wrdreg s16;
	s5 =	simm.s32 $0x3;
	s16 =	simm.s32 $0x9100  }
.LBB2_1:
0x1a: {  	s1 =	rddreg [dreg:$0x2]  }
0x1b: {  	[tilespmem:s2], [sflag:$0x3] =	stream.linear.gather [hbm4b:s1+s2], $0x80, $0x38;
	[tilespmem:$0x10100] =	vst v63  }
0x1c: {  	_ =	swait.ge [sflag:s5], $0x80  }
0x1d: {  	s1 =	rddreg [dreg:$0x3];
	[sflag:s5] =	ssyncset.done $0x0  }
0x1e: {  	s7 =	rddreg [dreg:$0x6];
	[sflag:s5] =	ssyncadd.s32 $0xFFFFFF80  }
0x1f: {  	[tilespmem:s7], [sflag:$0x3] =	stream.linear.gather [hbm4b:s1+s2], $0x80, $0x38;
	[tilespmem:$0x10100] =	vst v63  }
0x20: {  	_ =	swait.ge [sflag:s5], $0x80  }
0x21: {  	[sflag:s5] =	ssyncset.done $0x0  }
0x22: {  	[sflag:s5] =	ssyncadd.s32 $0xFFFFFF80  }
0x23: {  	v3 =	vld [tilespmem:$0x0];
	_ =	sdelay $0x4  }
0x24: {  	v4 =	vshll.u32 v3, $0x1  }
0x25: {  	v3 =	vand.u32 $0x7, v3;
	v4 =	vand.u32 $0xFFFFFFF0, v4  }
0x26: {  	v3 =	vor.u32 v3, v4  }
0x27: {  	v4 =	vperm.xlane v3, v0;
	_ =	sdelay $0x1  }
0x28: {  	v3 =	vperm.xlane v3, v2;
	v4 =	vadd.s32 v1, v4;
	_ =	sdelay $0x1  }
0x29: {  	v3 =	vadd.s32 v1, v3;
	_ =	sdelay $0x2  }
0x2a: {  	[tilespmem:s6], [sflag:$0x1] =	stream.indirect_vreg.gather [hbm4b:s3+s2], $0x80, v4, vm0, $0xb8;
	[tilespmem:$0x10100] =	vst v63  }
0x2b: {  	s7 =	rddreg [dreg:$0x7]  }
0x2c: {  	[tilespmem:s7], [sflag:$0x1] =	stream.indirect_vreg.gather [hbm4b:s3+s2], $0x80, v3, vm0, $0xb8;
	[tilespmem:$0x10100] =	vst v63  }
0x2d: {  	v3 =	vld [tilespmem:$0x10];
	_ =	sdelay $0x4  }
0x2e: {  	v49 =	vshll.u32 v3, $0x1  }
0x2f: {  	v3 =	vand.u32 $0x7, v3;
	v4 =	vand.u32 $0xFFFFFFF0, v49  }
0x30: {  	v3 =	vor.u32 v3, v4  }
0x31: {  	v4 =	vperm.xlane v3, v0;
	_ =	sdelay $0x1  }
0x32: {  	v3 =	vperm.xlane v3, v2;
	v4 =	vadd.s32 v1, v4;
	_ =	sdelay $0x1  }
0x33: {  	v3 =	vadd.s32 v1, v3;
	_ =	sdelay $0x1  }
0x34: {  	s1 =	rddreg [dreg:$0x8]  }
0x35: {  	[tilespmem:s1], [sflag:$0x1] =	stream.indirect_vreg.gather [hbm4b:s3+s2], $0x80, v4, vm0, $0xb8;
	[tilespmem:$0x10100] =	vst v63  }
0x36: {  	s7 =	rddreg [dreg:$0x9]  }
0x37: {  	[tilespmem:s7], [sflag:$0x1] =	stream.indirect_vreg.gather [hbm4b:s3+s2], $0x80, v3, vm0, $0xb8;
	[tilespmem:$0x10100] =	vst v63  }
0x38: {  	v3 =	vld [tilespmem:$0x20];
	_ =	sdelay $0x4  }
0x39: {  	v50 =	vshll.u32 v3, $0x1  }
0x3a: {  	v3 =	vand.u32 $0x7, v3;
	v4 =	vand.u32 $0xFFFFFFF0, v50  }
0x3b: {  	v3 =	vor.u32 v3, v4  }
0x3c: {  	v4 =	vperm.xlane v3, v0;
	_ =	sdelay $0x1  }
0x3d: {  	v3 =	vperm.xlane v3, v2;
	v4 =	vadd.s32 v1, v4;
	_ =	sdelay $0x1  }
0x3e: {  	v3 =	vadd.s32 v1, v3;
	_ =	sdelay $0x1  }
0x3f: {  	s1 =	rddreg [dreg:$0xa]  }
0x40: {  	[tilespmem:s1], [sflag:$0x1] =	stream.indirect_vreg.gather [hbm4b:s3+s2], $0x80, v4, vm0, $0xb8;
	[tilespmem:$0x10100] =	vst v63  }
0x41: {  	s7 =	rddreg [dreg:$0xb]  }
0x42: {  	[tilespmem:s7], [sflag:$0x1] =	stream.indirect_vreg.gather [hbm4b:s3+s2], $0x80, v3, vm0, $0xb8;
	[tilespmem:$0x10100] =	vst v63  }
0x43: {  	v3 =	vld [tilespmem:$0x30];
	_ =	sdelay $0x4  }
0x44: {  	v51 =	vshll.u32 v3, $0x1  }
0x45: {  	v3 =	vand.u32 $0x7, v3;
	v4 =	vand.u32 $0xFFFFFFF0, v51  }
0x46: {  	v3 =	vor.u32 v3, v4  }
0x47: {  	v4 =	vperm.xlane v3, v0;
	_ =	sdelay $0x1  }
0x48: {  	v3 =	vperm.xlane v3, v2;
	v4 =	vadd.s32 v1, v4;
	_ =	sdelay $0x1  }
0x49: {  	v3 =	vadd.s32 v1, v3;
	_ =	sdelay $0x1  }
0x4a: {  	s1 =	rddreg [dreg:$0xc]  }
0x4b: {  	[tilespmem:s1], [sflag:$0x1] =	stream.indirect_vreg.gather [hbm4b:s3+s2], $0x80, v4, vm0, $0xb8;
	[tilespmem:$0x10100] =	vst v63  }
0x4c: {  	s7 =	rddreg [dreg:$0xd]  }
0x4d: {  	[tilespmem:s7], [sflag:$0x1] =	stream.indirect_vreg.gather [hbm4b:s3+s2], $0x80, v3, vm0, $0xb8;
	[tilespmem:$0x10100] =	vst v63  }
0x4e: {  	v3 =	vld [tilespmem:$0x40];
	_ =	sdelay $0x4  }
0x4f: {  	v52 =	vshll.u32 v3, $0x1  }
0x50: {  	v3 =	vand.u32 $0x7, v3;
	v4 =	vand.u32 $0xFFFFFFF0, v52  }
0x51: {  	v3 =	vor.u32 v3, v4  }
0x52: {  	v4 =	vperm.xlane v3, v0;
	_ =	sdelay $0x1  }
0x53: {  	v3 =	vperm.xlane v3, v2;
	v4 =	vadd.s32 v1, v4;
	_ =	sdelay $0x1  }
0x54: {  	v3 =	vadd.s32 v1, v3;
	_ =	sdelay $0x1  }
0x55: {  	s7 =	rddreg [dreg:$0xe]  }
0x56: {  	[tilespmem:s7], [sflag:$0x1] =	stream.indirect_vreg.gather [hbm4b:s3+s2], $0x80, v4, vm0, $0xb8;
	[tilespmem:$0x10100] =	vst v63  }
0x57: {  	s7 =	simm.s32 $0x4900  }
0x58: {  	[tilespmem:s7], [sflag:$0x1] =	stream.indirect_vreg.gather [hbm4b:s3+s2], $0x80, v3, vm0, $0xb8;
	[tilespmem:$0x10100] =	vst v63  }
0x59: {  	v3 =	vld [tilespmem:$0x50];
	_ =	sdelay $0x4  }
0x5a: {  	v53 =	vshll.u32 v3, $0x1  }
0x5b: {  	v3 =	vand.u32 $0x7, v3;
	v4 =	vand.u32 $0xFFFFFFF0, v53  }
0x5c: {  	v3 =	vor.u32 v3, v4  }
0x5d: {  	v4 =	vperm.xlane v3, v0;
	_ =	sdelay $0x1  }
0x5e: {  	v3 =	vperm.xlane v3, v2;
	v4 =	vadd.s32 v1, v4;
	_ =	sdelay $0x1  }
0x5f: {  	v3 =	vadd.s32 v1, v3;
	_ =	sdelay $0x2  }
0x60: {  	[tilespmem:s8], [sflag:$0x1] =	stream.indirect_vreg.gather [hbm4b:s3+s2], $0x80, v4, vm0, $0xb8;
	[tilespmem:$0x10100] =	vst v63  }
0x61: {  	_ = 	snop  }
0x62: {  	[tilespmem:s9], [sflag:$0x1] =	stream.indirect_vreg.gather [hbm4b:s3+s2], $0x80, v3, vm0, $0xb8;
	[tilespmem:$0x10100] =	vst v63  }
0x63: {  	v3 =	vld [tilespmem:$0x60];
	_ =	sdelay $0x4  }
0x64: {  	v54 =	vshll.u32 v3, $0x1  }
0x65: {  	v3 =	vand.u32 $0x7, v3;
	v4 =	vand.u32 $0xFFFFFFF0, v54  }
0x66: {  	v3 =	vor.u32 v3, v4  }
0x67: {  	v4 =	vperm.xlane v3, v0;
	_ =	sdelay $0x1  }
0x68: {  	v3 =	vperm.xlane v3, v2;
	v4 =	vadd.s32 v1, v4;
	_ =	sdelay $0x1  }
0x69: {  	v3 =	vadd.s32 v1, v3;
	_ =	sdelay $0x2  }
0x6a: {  	[tilespmem:s10], [sflag:$0x1] =	stream.indirect_vreg.gather [hbm4b:s3+s2], $0x80, v4, vm0, $0xb8;
	[tilespmem:$0x10100] =	vst v63  }
0x6b: {  	_ = 	snop  }
0x6c: {  	[tilespmem:s11], [sflag:$0x1] =	stream.indirect_vreg.gather [hbm4b:s3+s2], $0x80, v3, vm0, $0xb8;
	[tilespmem:$0x10100] =	vst v63  }
0x6d: {  	v3 =	vld [tilespmem:$0x70];
	_ =	sdelay $0x4  }
0x6e: {  	v55 =	vshll.u32 v3, $0x1  }
0x6f: {  	v3 =	vand.u32 $0x7, v3;
	v4 =	vand.u32 $0xFFFFFFF0, v55  }
0x70: {  	v3 =	vor.u32 v3, v4  }
0x71: {  	v4 =	vperm.xlane v3, v0;
	_ =	sdelay $0x1  }
0x72: {  	v3 =	vperm.xlane v3, v2;
	v4 =	vadd.s32 v1, v4;
	_ =	sdelay $0x1  }
0x73: {  	v3 =	vadd.s32 v1, v3;
	_ =	sdelay $0x2  }
0x74: {  	[tilespmem:s12], [sflag:$0x1] =	stream.indirect_vreg.gather [hbm4b:s3+s2], $0x80, v4, vm0, $0xb8;
	[tilespmem:$0x10100] =	vst v63  }
0x75: {  	_ = 	snop  }
0x76: {  	[tilespmem:s13], [sflag:$0x1] =	stream.indirect_vreg.gather [hbm4b:s3+s2], $0x80, v3, vm0, $0xb8;
	[tilespmem:$0x10100] =	vst v63  }
0x77: {  	v3 =	vld [tilespmem:$0x80];
	_ =	sdelay $0x4  }
0x78: {  	v56 =	vshll.u32 v3, $0x1  }
0x79: {  	v3 =	vand.u32 $0x7, v3;
	v4 =	vand.u32 $0xFFFFFFF0, v56  }
0x7a: {  	v3 =	vor.u32 v3, v4  }
0x7b: {  	v4 =	vperm.xlane v3, v0;
	_ =	sdelay $0x1  }
0x7c: {  	v3 =	vperm.xlane v3, v2;
	v4 =	vadd.s32 v1, v4;
	_ =	sdelay $0x1  }
0x7d: {  	v3 =	vadd.s32 v1, v3;
	_ =	sdelay $0x2  }
0x7e: {  	[tilespmem:s14], [sflag:$0x1] =	stream.indirect_vreg.gather [hbm4b:s3+s2], $0x80, v4, vm0, $0xb8;
	[tilespmem:$0x10100] =	vst v63  }
0x7f: {  	_ = 	snop  }
0x80: {  	[tilespmem:s15], [sflag:$0x1] =	stream.indirect_vreg.gather [hbm4b:s3+s2], $0x80, v3, vm0, $0xb8;
	[tilespmem:$0x10100] =	vst v63  }
0x81: {  	v3 =	vld [tilespmem:$0x90];
	_ =	sdelay $0x4  }
0x82: {  	v57 =	vshll.u32 v3, $0x1  }
0x83: {  	v3 =	vand.u32 $0x7, v3;
	v4 =	vand.u32 $0xFFFFFFF0, v57  }
0x84: {  	v3 =	vor.u32 v3, v4  }
0x85: {  	v4 =	vperm.xlane v3, v0;
	_ =	sdelay $0x1  }
0x86: {  	v3 =	vperm.xlane v3, v2;
	v4 =	vadd.s32 v1, v4;
	_ =	sdelay $0x1  }
0x87: {  	v3 =	vadd.s32 v1, v3;
	_ =	sdelay $0x2  }
0x88: {  	[tilespmem:s16], [sflag:$0x1] =	stream.indirect_vreg.gather [hbm4b:s3+s2], $0x80, v4, vm0, $0xb8;
	[tilespmem:$0x10100] =	vst v63  }
0x89: {  	_ = 	snop  }
0x8a: {  	[tilespmem:s17], [sflag:$0x1] =	stream.indirect_vreg.gather [hbm4b:s3+s2], $0x80, v3, vm0, $0xb8;
	[tilespmem:$0x10100] =	vst v63  }
0x8b: {  	v3 =	vld [tilespmem:$0xA0];
	_ =	sdelay $0x4  }
0x8c: {  	v58 =	vshll.u32 v3, $0x1  }
0x8d: {  	v3 =	vand.u32 $0x7, v3;
	v4 =	vand.u32 $0xFFFFFFF0, v58  }
0x8e: {  	v3 =	vor.u32 v3, v4  }
0x8f: {  	v4 =	vperm.xlane v3, v0;
	_ =	sdelay $0x1  }
0x90: {  	v3 =	vperm.xlane v3, v2;
	v4 =	vadd.s32 v1, v4;
	_ =	sdelay $0x1  }
0x91: {  	v3 =	vadd.s32 v1, v3;
	_ =	sdelay $0x2  }
0x92: {  	[tilespmem:s18], [sflag:$0x1] =	stream.indirect_vreg.gather [hbm4b:s3+s2], $0x80, v4, vm0, $0xb8;
	[tilespmem:$0x10100] =	vst v63  }
0x93: {  	_ = 	snop  }
0x94: {  	[tilespmem:s19], [sflag:$0x1] =	stream.indirect_vreg.gather [hbm4b:s3+s2], $0x80, v3, vm0, $0xb8;
	[tilespmem:$0x10100] =	vst v63  }
0x95: {  	v3 =	vld [tilespmem:$0xB0];
	_ =	sdelay $0x4  }
0x96: {  	v59 =	vshll.u32 v3, $0x1  }
0x97: {  	v3 =	vand.u32 $0x7, v3;
	v4 =	vand.u32 $0xFFFFFFF0, v59  }
0x98: {  	v3 =	vor.u32 v3, v4  }
0x99: {  	v4 =	vperm.xlane v3, v0;
	_ =	sdelay $0x1  }
0x9a: {  	v3 =	vperm.xlane v3, v2;
	v4 =	vadd.s32 v1, v4;
	_ =	sdelay $0x1  }
0x9b: {  	v3 =	vadd.s32 v1, v3;
	_ =	sdelay $0x2  }
0x9c: {  	[tilespmem:s20], [sflag:$0x1] =	stream.indirect_vreg.gather [hbm4b:s3+s2], $0x80, v4, vm0, $0xb8;
	[tilespmem:$0x10100] =	vst v63  }
0x9d: {  	_ = 	snop  }
0x9e: {  	[tilespmem:s21], [sflag:$0x1] =	stream.indirect_vreg.gather [hbm4b:s3+s2], $0x80, v3, vm0, $0xb8;
	[tilespmem:$0x10100] =	vst v63  }
0x9f: {  	v3 =	vld [tilespmem:$0xC0];
	_ =	sdelay $0x4  }
0xa0: {  	v60 =	vshll.u32 v3, $0x1  }
0xa1: {  	v3 =	vand.u32 $0x7, v3;
	v4 =	vand.u32 $0xFFFFFFF0, v60  }
0xa2: {  	v3 =	vor.u32 v3, v4  }
0xa3: {  	v4 =	vperm.xlane v3, v0;
	_ =	sdelay $0x1  }
0xa4: {  	v3 =	vperm.xlane v3, v2;
	v4 =	vadd.s32 v1, v4;
	_ =	sdelay $0x1  }
0xa5: {  	v3 =	vadd.s32 v1, v3;
	_ =	sdelay $0x2  }
0xa6: {  	[tilespmem:s22], [sflag:$0x1] =	stream.indirect_vreg.gather [hbm4b:s3+s2], $0x80, v4, vm0, $0xb8;
	[tilespmem:$0x10100] =	vst v63  }
0xa7: {  	_ = 	snop  }
0xa8: {  	[tilespmem:s23], [sflag:$0x1] =	stream.indirect_vreg.gather [hbm4b:s3+s2], $0x80, v3, vm0, $0xb8;
	[tilespmem:$0x10100] =	vst v63  }
0xa9: {  	v3 =	vld [tilespmem:$0xD0];
	_ =	sdelay $0x4  }
0xaa: {  	v61 =	vshll.u32 v3, $0x1  }
0xab: {  	v3 =	vand.u32 $0x7, v3;
	v4 =	vand.u32 $0xFFFFFFF0, v61  }
0xac: {  	v3 =	vor.u32 v3, v4  }
0xad: {  	v4 =	vperm.xlane v3, v0;
	_ =	sdelay $0x1  }
0xae: {  	v3 =	vperm.xlane v3, v2;
	v4 =	vadd.s32 v1, v4;
	_ =	sdelay $0x1  }
0xaf: {  	v3 =	vadd.s32 v1, v3;
	_ =	sdelay $0x2  }
0xb0: {  	[tilespmem:s24], [sflag:$0x1] =	stream.indirect_vreg.gather [hbm4b:s3+s2], $0x80, v4, vm0, $0xb8;
	[tilespmem:$0x10100] =	vst v63  }
0xb1: {  	_ = 	snop  }
0xb2: {  	[tilespmem:s25], [sflag:$0x1] =	stream.indirect_vreg.gather [hbm4b:s3+s2], $0x80, v3, vm0, $0xb8;
	[tilespmem:$0x10100] =	vst v63  }
0xb3: {  	v3 =	vld [tilespmem:$0xE0];
	_ =	sdelay $0x4  }
0xb4: {  	v62 =	vshll.u32 v3, $0x1  }
0xb5: {  	v3 =	vand.u32 $0x7, v3;
	v4 =	vand.u32 $0xFFFFFFF0, v62  }
0xb6: {  	v3 =	vor.u32 v3, v4  }
0xb7: {  	v4 =	vperm.xlane v3, v0;
	_ =	sdelay $0x1  }
0xb8: {  	v3 =	vperm.xlane v3, v2;
	v4 =	vadd.s32 v1, v4;
	_ =	sdelay $0x1  }
0xb9: {  	v3 =	vadd.s32 v1, v3;
	_ =	sdelay $0x2  }
0xba: {  	[tilespmem:s26], [sflag:$0x1] =	stream.indirect_vreg.gather [hbm4b:s3+s2], $0x80, v4, vm0, $0xb8;
	[tilespmem:$0x10100] =	vst v63  }
0xbb: {  	_ = 	snop  }
0xbc: {  	[tilespmem:s28], [sflag:$0x1] =	stream.indirect_vreg.gather [hbm4b:s3+s2], $0x80, v3, vm0, $0xb8;
	[tilespmem:$0x10100] =	vst v63  }
0xbd: {  	v3 =	vld [tilespmem:$0xF0];
	_ =	sdelay $0x4  }
0xbe: {  	v63 =	vshll.u32 v3, $0x1  }
0xbf: {  	v3 =	vand.u32 $0x7, v3;
	v4 =	vand.u32 $0xFFFFFFF0, v63  }
0xc0: {  	v3 =	vor.u32 v3, v4  }
0xc1: {  	v4 =	vperm.xlane v3, v0;
	_ =	sdelay $0x1  }
0xc2: {  	v3 =	vperm.xlane v3, v2;
	v4 =	vadd.s32 v1, v4;
	_ =	sdelay $0x1  }
0xc3: {  	v3 =	vadd.s32 v1, v3;
	_ =	sdelay $0x2  }
0xc4: {  	[tilespmem:s29], [sflag:$0x1] =	stream.indirect_vreg.gather [hbm4b:s3+s2], $0x80, v4, vm0, $0xb8;
	[tilespmem:$0x10100] =	vst v63  }
0xc5: {  	_ = 	snop  }
0xc6: {  	[tilespmem:s30], [sflag:$0x1] =	stream.indirect_vreg.gather [hbm4b:s3+s2], $0x80, v3, vm0, $0xb8;
	[tilespmem:$0x10100] =	vst v63  }
0xc7: {  	_ =	swait.ge [sflag:s31], $0x8000  }
0xc8: {  	[sflag:s31] =	ssyncset.done $0x0  }
0xc9: {  	s7 =	rddreg [dreg:$0x4];
	[sflag:s31] =	ssyncadd.s32 $0xFFFF8000  }
0xca: {  	[hbm4b:s7+s2] =	stream.linear.scatter [tilespmem:s6], [sflag:$0x2], $0x8000, $0x38;
	[tilespmem:$0x10100] =	vst v63  }
0xcb: {  	_ =	swait.ge [sflag:s31], $0x8000  }
0xcc: {  	[sflag:s31] =	ssyncset.done $0x0  }
0xcd: {  	s7 =	rddreg [dreg:$0x5];
	[sflag:s31] =	ssyncadd.s32 $0xFFFF8000  }
0xce: {  	[hbm4b:s7+s2] =	stream.linear.scatter [tilespmem:s14], [sflag:$0x2], $0x8000, $0x38;
	[tilespmem:$0x10100] =	vst v63  }
0xcf: {  	p0 =	sne.s32 s4, $0x1;
	_ =	swait.ge [sflag:s0], $0x8000  }
.Ltmp0:
0xd0: {  	[sflag:s0] =	ssyncset.done $0x0;
	(pc) =	sbr.rel @p0 .LBB2_1-.Ltmp0, $4  }
0xd1: {  	[sflag:s0] =	ssyncadd.s32 $0xFFFF8000  }
0xd2: {  	_ =	swait.ge [sflag:s0], $0x8000  }
0xd3: {  	[sflag:s0] =	ssyncset.done $0x0  }
0xd4: {  	s4 =	sadd.s32 $0xFFFFFFFF, s4;
	[sflag:s0] =	ssyncadd.s32 $0xFFFF8000  }
0xd5: {  	_ =	sfence.sel $0x180000  }
0xd6: {  	[bflag:$0x0] =	sbarrier.arrive $0xFFFF  }
0xd7: {  	_ =	strace $0x9000004D  }
0xd8: {  	s0 =	stileid.u32;
	[bflag:$0x2] =	sbarrier.arrive $0xFFFF  }
0xd9: {  	p0 =	sne.s32 s0, $0x0;
	s0 =	rddreg [dreg:$0x1]  }
0xda: {  	s0 =	sadd.s32 @!p0 $0x100000, s0  }
0xdb: {  	[sflag:s0] =	ssyncadd.tile.s32 @!p0 $0x1;
	_ =	shalt  }
.Lfunc_end2:
_tile_overlayer_lowered:
.L_overlay_start_2:
0xdc: {  	(tag) =	ssettag $0x2  }
0xdd: {  	s0 =	rddreg [dreg:$0x0];
	s2 =	stileid.u32  }
0xde: {  	s1 =	rddreg [dreg:$0x1];
	p0 =	sne.s32 s2, $0x0  }
0xdf: {  	s3 =	rddreg [dreg:$0x2];
	[bflag:$0x3] =	sbarrier.arrive $0xFFFF;
	s2 =	simm.s32 @!p0 $0x1C03  }
0xe0: {  	[timem:s3], [sflag:s2] =	dma.local @!p0 [hbm:s0], s1  }
0xe1: {  	s0 =	simm.s32 @!p0 $0x3  }
0xe2: {  	_ =	swait.ge @!p0 [sflag:s0], s1  }
0xe3: {  	s1 =	ssub.s32 @!p0 $0x0, s1;
	[sflag:s0] =	ssyncset.done @!p0 $0x0  }
0xe4: {  	[sflag:s0] =	ssyncadd.s32 @!p0 s1  }
0xe5: {  	[bflag:$0x3] =	sbarrier.arrive $0xFFFF  }
0xe6: {  	_ =	shalt  }

// kernel: kernel.26.cloned.1.call-start
scs
__scs_entry_jumppad:
0x0: {  	(pc) =	sbr.rel $0x88, $3  }
0x1: {  	(tag) =	ssettag $0x0;
	lr =	simm.s32 $0x1  }
0x2: {  	[smem:$0x3F9F] =	sst lr;
	_ =	strace $0xD0000000  }
0x3: {  	_ = 	snop  }
0x4: {  	_ = 	snop  }
0x5: {  	_ = 	snop  }
0x6: {  	_ = 	snop  }
0x7: {  	_ = 	snop  }
__scs_overlays_trampoline_lowered:
0x8: {  	[smem:$0x3FAE] =	sst s0  }
0x9: {  	[smem:$0x3FAF] =	sst s1  }
0xa: {  	[smem:$0x3FB0] =	sst s2  }
0xb: {  	[smem:$0x3FB1] =	sst s3  }
0xc: {  	[smem:$0x3FB2] =	sst s4  }
0xd: {  	[smem:$0x3FB3] =	sst s5  }
0xe: {  	[smem:$0x3FB4] =	sst s6  }
0xf: {  	[smem:$0x3FB5] =	sst s7  }
0x10: {  	[smem:$0x3FB6] =	sst s8  }
0x11: {  	[smem:$0x3FB7] =	sst s9;
	s0 =	simm.s32 @!p0 $0x0  }
0x12: {  	s1 =	sld [smem:$0x3F9D];
	s0 =	simm.s32 @p0 $0x1  }
0x13: {  	[smem:$0x3FB8] =	sst s0;
	s0 =	simm.s32 @!p1 $0x0  }
0x14: {  	s2 =	sld [smem:$0x3F9C];
	s0 =	simm.s32 @p1 $0x1  }
0x15: {  	[smem:$0x3FB9] =	sst s0;
	s0 =	simm.s32 @!p2 $0x0  }
0x16: {  	s3 =	sld [smem:$0x3FDB];
	s0 =	simm.s32 @p2 $0x1  }
0x17: {  	s4 =	simm.s32 $0x1BF5;
	[smem:$0x3FBB] =	sst s0  }
0x18: {  	s0 =	sld [smem:$0x3F9E];
	_ =	swait.ge [sflag:s4], $0x0  }
0x19: {  	s7 =	sld [smem:$0x3F9F]  }
0x1a: {  	s8 =	sadd.s32 $0xFFFFE003, lr  }
0x1b: {  	s9 =	sadd.s32 $0xFFFFFEF7, lr;
	s5 =	simm.s32 $0xFFFFFFFF;
	p2 =	slt.u32 s8, $0xFFFFF086  }
0x1c: {  	p1 =	slt.u32 s9, $0xF7A;
	s5 =	simm.s32 @!p2 $0x0  }
0x1d: {  	s5 =	simm.s32 @p1 $0x1;
	p0 =	seq.s32 s7, s2  }
0x1e: {  	s7 =	smul.u32 @!p0 $0xF7A, s2;
	p2 =	seq.s32 @!p0 s5, $0x0  }
0x1f: {  	s9 =	smul.u32 $0xF7A, s1;
	s8 =	simm.s32 @!p0 $0x1BF5;
	p2 =	por !p2, p0  }
0x20: {  	[sflag:s8] =	ssyncset.s32 @!p0 $0xFFFFF086;
	s6 =	sadd.s32 @!p0 s3, s7;
	s7 =	simm.s32 @!p0 $0x108  }
0x21: {  	s3 =	sadd.s32 s3, s9;
	s6 =	sadd.s32 @!p0 $0x88, s6;
	s7 =	simm.s32 @p2 $0x1082  }
0x22: {  	[simem:s7], [sflag:s8] =	dma.local @!p0 [hbm:s6], $0xF7A  }
0x23: {  	s9 =	sor.u32 $0xD0000000, s2;
	s6 =	simm.s32 $0x108;
	_ =	swait.ge @!p0 [sflag:s8], $0x0  }
0x24: {  	s3 =	sadd.s32 $0x88, s3;
	s6 =	simm.s32 @!p1 $0x1082;
	[sflag:s4] =	ssyncset.s32 $0xFFFFF086  }
0x25: {  	[simem:s6], [sflag:s4] =	dma.local [hbm:s3], $0xF7A  }
0x26: {  	[smem:$0x3F9F] =	sst s1;
	(tag) =	ssettag s2;
	_ =	strace s9  }
0x27: {  	s1 =	sld [smem:$0x3FAF]  }
0x28: {  	s2 =	sld [smem:$0x3FB0]  }
0x29: {  	s4 =	sld [smem:$0x3FB2]  }
0x2a: {  	p0 =	seq.s32 s5, $0x0;
	s5 =	sld [smem:$0x3FB3]  }
0x2b: {  	s6 =	sld [smem:$0x3FB4]  }
0x2c: {  	s7 =	sld [smem:$0x3FB5]  }
0x2d: {  	s3 =	simm.s32 $0x108;
	s8 =	sld [smem:$0x3FB6]  }
0x2e: {  	s3 =	simm.s32 @!p0 $0x1082;
	s9 =	sld [smem:$0x3FB7]  }
0x2f: {  	lr =	sadd.s32 s0, s3;
	s0 =	sld [smem:$0x3FAE]  }
0x30: {  	s3 =	sld [smem:$0x3FB1]  }
0x31: {  	[smem:$0x3FBA] =	sst s10  }
0x32: {  	s10 =	sld [smem:$0x3FB8];
	_ =	sdelay $0x3  }
0x33: {  	p0 =	seq.s32 s10, $0x1;
	s10 =	sld [smem:$0x3FBA];
	_ =	sdelay $0x3  }
0x34: {  	[smem:$0x3FBA] =	sst s10  }
0x35: {  	s10 =	sld [smem:$0x3FB9];
	_ =	sdelay $0x3  }
0x36: {  	p1 =	seq.s32 s10, $0x1;
	s10 =	sld [smem:$0x3FBA];
	_ =	sdelay $0x3  }
0x37: {  	[smem:$0x3FBA] =	sst s10  }
0x38: {  	s10 =	sld [smem:$0x3FBB]  }
0x39: {  	_ = 	snop;
	(pc) =	sbr.ind lr, $3  }
0x3a: {  	_ = 	snop  }
0x3b: {  	_ = 	snop  }
0x3c: {  	p2 =	seq.s32 s10, $0x1;
	s10 =	sld [smem:$0x3FBA]  }
0x3d: {  	_ =	shalt  }
0x3e: {  	_ =	shalt  }
0x3f: {  	_ =	shalt  }
0x40: {  	_ =	shalt  }
0x41: {  	_ =	shalt  }
0x42: {  	_ =	shalt  }
0x43: {  	_ =	shalt  }
0x44: {  	_ =	shalt  }
0x45: {  	_ =	shalt  }
0x46: {  	_ =	shalt  }
0x47: {  	_ =	shalt  }
0x48: {  	_ =	shalt  }
0x49: {  	_ =	shalt  }
0x4a: {  	_ =	shalt  }
0x4b: {  	_ =	shalt  }
0x4c: {  	_ =	shalt  }
0x4d: {  	_ =	shalt  }
0x4e: {  	_ =	shalt  }
0x4f: {  	_ =	shalt  }
0x50: {  	_ =	shalt  }
0x51: {  	_ =	shalt  }
0x52: {  	_ =	shalt  }
0x53: {  	_ =	shalt  }
0x54: {  	_ =	shalt  }
0x55: {  	_ =	shalt  }
0x56: {  	_ =	shalt  }
0x57: {  	_ =	shalt  }
0x58: {  	_ =	shalt  }
0x59: {  	_ =	shalt  }
0x5a: {  	_ =	shalt  }
0x5b: {  	_ =	shalt  }
0x5c: {  	_ =	shalt  }
0x5d: {  	_ =	shalt  }
0x5e: {  	_ =	shalt  }
0x5f: {  	_ =	shalt  }
0x60: {  	_ =	shalt  }
0x61: {  	_ =	shalt  }
0x62: {  	_ =	shalt  }
0x63: {  	_ =	shalt  }
0x64: {  	_ =	shalt  }
0x65: {  	_ =	shalt  }
0x66: {  	_ =	shalt  }
0x67: {  	_ =	shalt  }
0x68: {  	_ =	shalt  }
0x69: {  	_ =	shalt  }
0x6a: {  	_ =	shalt  }
0x6b: {  	_ =	shalt  }
0x6c: {  	_ =	shalt  }
0x6d: {  	_ =	shalt  }
0x6e: {  	_ =	shalt  }
0x6f: {  	_ =	shalt  }
0x70: {  	_ =	shalt  }
0x71: {  	_ =	shalt  }
0x72: {  	_ =	shalt  }
0x73: {  	_ =	shalt  }
0x74: {  	_ =	shalt  }
0x75: {  	_ =	shalt  }
0x76: {  	_ =	shalt  }
0x77: {  	_ =	shalt  }
0x78: {  	_ =	shalt  }
0x79: {  	_ =	shalt  }
0x7a: {  	_ =	shalt  }
0x7b: {  	_ =	shalt  }
0x7c: {  	_ =	shalt  }
0x7d: {  	_ =	shalt  }
0x7e: {  	_ =	shalt  }
0x7f: {  	_ =	shalt  }
0x80: {  	_ =	shalt  }
0x81: {  	_ =	shalt  }
0x82: {  	_ =	shalt  }
0x83: {  	_ =	shalt  }
0x84: {  	_ =	shalt  }
0x85: {  	_ =	shalt  }
0x86: {  	_ =	shalt  }
0x87: {  	_ =	shalt  }
.Lfunc_end0:
.L_simem_size_0:
called_computation.2_lowered:
.L_overlay_start_0:
0x88: {  	s2 =	sld [smem:$0x3FD9]  }
0x89: {  	s3 =	sld [smem:$0x3FFE];
	_ =	sdelay $0x1  }
0x8a: {  	s1 =	srdreg.scid  }
0x8b: {  	s0 =	sand.u32 $0x1, s1  }
0x8c: {  	s17 =	sshll.u32 s0, $0xA;
	s2 =	sadd.s32 s3, s2  }
0x8d: {  	s2 =	sadd.s32 s2, s17  }
0x8e: {  	[smem:$0x3FC6] =	sst s2  }
0x8f: {  	_ = 	snop  }
0x90: {  	(tm) =	ssettm $0x1  }
0x91: {  	s18 =	sld [smem:$0x3FFB];
	_ =	sdelay $0x3  }
0x92: {  	_ =	strace s18  }
0x93: {  	s2 =	sld [smem:$0x3FFC];
	_ =	sdelay $0x3  }
0x94: {  	_ =	strace s2  }
0x95: {  	s2 =	sld [smem:$0x3FFD];
	_ =	sdelay $0x3  }
0x96: {  	_ =	strace s2  }
0x97: {  	_ =	strace $0x8FFFFFFF  }
0x98: {  	s19 =	sld [smem:$0x3FDB];
	_ =	sdelay $0x1  }
0x99: {  	s20 =	simm.s32 $_scs_section_size  }
0x9a: {  	s4 =	simm.s32 $_size__tile_overlayer_lowered;
	s5 =	simm.s32 $_tile_overlayer_lowered  }
0x9b: {  	s6 =	simm.s32 $0x1BFF;
	s21 =	sshll.u32 s5, $0x1;
	s3 =	sadd.s32 s20, s19  }
0x9c: {  	s22 =	simm.s32 $0x0;
	s4 =	sshll.u32 s4, $0x1;
	s5 =	sadd.s32 s21, s3  }
0x9d: {  	[timem:s22], [sflag:s6] =	dma.local [hbm:s5], s4  }
0x9e: {  	_ =	swait.ge [sflag:s6], s4  }
0x9f: {  	s4 =	ssub.s32 $0x0, s4;
	[sflag:s6] =	ssyncset.done $0x0  }
0xa0: {  	[sflag:s6] =	ssyncadd.s32 s4;
	_ =	sdelay $0x1  }
0xa1: {  	s23 =	simm.s32 $0x1B8B  }
0xa2: {  	_ =	swait.ge [sflag:s23], $0x1  }
0xa3: {  	[sflag:s23] =	ssyncset.done $0x0  }
0xa4: {  	[sflag:s23] =	ssyncadd.s32 $0xFFFFFFFF  }
0xa5: {  	s4 =	sld [smem:$0x0]  }
0xa6: {  	s5 =	sand.u32 $0xFFFFFFFE, s1  }
0xa7: {  	p0 =	sne.s32 s1, s5  }
0xa8: {  	s5 =	sshll.u32 @p0 s5, $0xE  }
0xa9: {  	s5 =	sadd.s32 @p0 $0x11B8D, s5;
	s6 =	sshll.u32 @p0 s4, $0x11  }
0xaa: {  	s5 =	sor.u32 @p0 s6, s5  }
0xab: {  	[sflag:s5] =	ssyncadd.remote.s32 @p0 $0x1;
	_ =	sdelay $0x1  }
0xac: {  	s5 =	simm.s32 @p0 $0x1B8D  }
0xad: {  	_ =	swait.eq @p0 [sflag:s5], $0x1  }
0xae: {  	[sflag:s5] =	ssyncadd.s32 @p0 $0xFFFFFFFF  }
0xaf: {  	s6 =	sshll.u32 @!p0 s1, $0xE  }
0xb0: {  	s6 =	sor.u32 @!p0 $0x4000, s6;
	s5 =	simm.s32 @!p0 $0x1B8D  }
0xb1: {  	s4 =	sshll.u32 @!p0 s4, $0x11;
	s6 =	sadd.s32 @!p0 $0x11B8D, s6;
	_ =	swait.eq @!p0 [sflag:s5], $0x1  }
0xb2: {  	s4 =	sor.u32 @!p0 s4, s6;
	[sflag:s5] =	ssyncadd.s32 @!p0 $0xFFFFFFFF  }
0xb3: {  	s25 =	simm.s32 $0x1B8E;
	s24 =	sld [smem:$0x3FFE];
	[sflag:s4] =	ssyncadd.remote.s32 @!p0 $0x1  }
0xb4: {  	s26 =	simm.s32 $execute0_lowered;
	[smem:$0x3FD2] =	sst s25  }
0xb5: {  	s5 =	sshll.u32 s26, $0x1;
	_ =	strace $0x80000055;
	[dreg:$0x1] =	wrdreg $0xFFFFFFFF  }
0xb6: {  	s28 =	simm.s32 $_size_execute0_lowered;
	s3 =	sadd.s32 s3, s5;
	[dreg:$0x0] =	wrdreg $0x0  }
0xb7: {  	s5 =	sshll.u32 s28, $0x1;
	[dreg:$0x2] =	wrdreg s3  }
0xb8: {  	[dreg:$0x3] =	wrdreg s5  }
0xb9: {  	[dreg:$0x4] =	wrdreg $0xC0  }
0xba: {  	_ =	task [dreg:s22], $0x5FFFF  }
0xbb: {  	[dreg:$0x1] =	wrdreg $0xFFFFFFFF  }
0xbc: {  	[dreg:$0x0] =	wrdreg $0x60  }
0xbd: {  	[dreg:$0x2] =	wrdreg s24  }
0xbe: {  	[dreg:$0x3] =	wrdreg $0x9  }
0xbf: {  	_ =	task.clear_ibuf [dreg:s22], $0x4FFFF;
	_ =	strace $0x90000055  }
0xc0: {  	s29 =	simm.s32 $0x9;
	_ =	strace $0x80000057  }
0xc1: {  	_ =	swait.ge [sflag:s29], $0x1  }
0xc2: {  	[sflag:s29] =	ssyncadd.s32 $0xFFFFFFFF  }
0xc3: {  	_ =	strace $0x90000057  }
0xc4: {  	_ =	sfence  }
0xc5: {  	s30 =	sld [smem:$0x0];
	_ =	sdelay $0x2  }
0xc6: {  	s31 =	sshll.u32 s1, $0xD;
	s1 =	sshrl.u32 s1, $0x2  }
0xc7: {  	s4 =	sand.u32 $0x4000, s31;
	s1 =	sadd.s32 s1, s30  }
0xc8: {  	s0 =	sor.u32 s4, s0;
	s1 =	sshll.u32 s1, $0x11  }
0xc9: {  	s0 =	sor.u32 s1, s0  }
0xca: {  	s0 =	sadd.s32 $0x8F2B, s0  }
0xcb: {  	[sflag:s0] =	ssyncadd.remote.s32 $0x1  }
0xcc: {  	_ =	sfence.sel $0xFFFF  }
0xcd: {  	[dreg:$0x0] =	wrdreg $0xFFFFFFFF;
	(pc) =	sbr.abs _section_cstart, $3  }
0xce: {  	[dreg:$0x1] =	wrdreg $0xFFFFFFFF  }
0xcf: {  	_ =	task.clear_ibuf [dreg:s22], $0x2FFFF;
	_ =	strace $0x9FFFFFFF  }
0xd0: {  	(tm) =	ssettm $0x7FFFFFFF  }
0xd1: {  	_ =	shalt  }
tec
execute0_lowered:
.L_overlay_start_1:
0x0: {  	(tag) =	ssettag $0x1  }
0x1: {  	s0 =	rddreg [dreg:$0x0];
	s3 =	srdreg.scid  }
0x2: {  	s2 =	simm.s32 $0x0;
	s1 =	stileid.u32;
	s17 =	simm.s32 $0x80  }
0x3: {  	s18 =	simm.s32 $0x900;
	s19 =	simm.s32 $0x1100;
	s20 =	simm.s32 $0x1900  }
0x4: {  	s21 =	simm.s32 $0x2100;
	s23 =	simm.s32 $0x2900;
	[smem:$0x7FF] =	sst s2  }
0x5: {  	s24 =	simm.s32 $0x3100;
	_ =	strace $0x80000056;
	[dreg:$0x6] =	wrdreg s17  }
0x6: {  	s25 =	simm.s32 $0x3900;
	s26 =	simm.s32 $0x4100;
	[dreg:$0x7] =	wrdreg s18  }
0x7: {  	s10 =	simm.s32 $0x6100;
	s11 =	simm.s32 $0x6900;
	[dreg:$0x8] =	wrdreg s19  }
0x8: {  	s12 =	simm.s32 $0x7100;
	s28 =	simm.s32 $0xE900;
	[dreg:$0x9] =	wrdreg s20  }
0x9: {  	s29 =	simm.s32 $0xF100;
	s30 =	simm.s32 $0xF900;
	[dreg:$0xa] =	wrdreg s21  }
0xa: {  	s31 =	simm.s32 $0x1;
	s4 =	sand.u32 $0x1, s3;
	[dreg:$0xb] =	wrdreg s23  }
0xb: {  	s13 =	sshll.u32 s1, $0x9;
	s14 =	sadd.s32 $0x8C00, s0;
	[dreg:$0xc] =	wrdreg s24  }
0xc: {  	s8 =	sadd.s32 $0x159400, s0;
	s5 =	sshll.u32 s4, $0x8;
	[dreg:$0xd] =	wrdreg s25  }
0xd: {  	s4 =	ssub.s32 $0x2, s4;
	[dreg:$0xe] =	wrdreg s26;
	s17 =	simm.s32 $0x9900  }
0xe: {  	s18 =	simm.s32 $0xA100;
	s19 =	simm.s32 $0xA900;
	s20 =	simm.s32 $0xB100  }
0xf: {  	s21 =	simm.s32 $0xB900;
	s23 =	simm.s32 $0xC900;
	s24 =	simm.s32 $0xD100  }
0x10: {  	s25 =	simm.s32 $0xD900;
	s26 =	simm.s32 $0xE100;
	s3 =	sor.u32 s5, s13  }
0x11: {  	s22 =	sshrl.u32 s4, $0x1;
	s13 =	simm.s32 $0x7900;
	s6 =	sor.u32 $0x80, s3  }
0x12: {  	s7 =	sshrl.u32 s3, $0x3;
	s3 =	sshll.u32 s3, $0x5;
	s4 =	ssub.s32 s4, s22  }
0x13: {  	s22 =	simm.s32 $0xC100;
	s7 =	sadd.s32 s14, s7;
	s9 =	sshrl.u32 s6, $0x3  }
0x14: {  	s3 =	sadd.s32 s8, s3;
	s15 =	sshll.u32 s6, $0x5;
	s4 =	smax.u32 s4, $0x1  }
0x15: {  	s6 =	simm.s32 $0x100;
	[dreg:$0x2] =	wrdreg s7;
	s5 =	sadd.s32 s14, s9  }
0x16: {  	[dreg:$0x4] =	wrdreg s3;
	s16 =	sadd.s32 s8, s15;
	s3 =	sadd.s32 $0x10800, s0  }
0x17: {  	v2 =	vlaneseq.u32;
	s8 =	simm.s32 $0x5100;
	s9 =	simm.s32 $0x5900;
	s14 =	simm.s32 $0x8100  }
0x18: {  	vm0 =	vmmov $0xffff;
	v1 =	vshrl.u32 v2, $0x3;
	s15 =	simm.s32 $0x8900;
	s0 =	simm.s32 $0x2;
	[dreg:$0x3] =	wrdreg s5  }
0x19: {  	v0 =	vand.u32 $0x7, v2;
	v2 =	vor.u32 $0x8, v2;
	v1 =	vmul.u32 $0x8, v1;
	[dreg:$0x5] =	wrdreg s16;
	s5 =	simm.s32 $0x3;
	s16 =	simm.s32 $0x9100  }
.LBB2_1:
0x1a: {  	s1 =	rddreg [dreg:$0x2]  }
0x1b: {  	[tilespmem:s2], [sflag:$0x3] =	stream.linear.gather [hbm4b:s1+s2], $0x80, $0x38;
	[tilespmem:$0x10100] =	vst v63  }
0x1c: {  	_ =	swait.ge [sflag:s5], $0x80  }
0x1d: {  	s1 =	rddreg [dreg:$0x3];
	[sflag:s5] =	ssyncset.done $0x0  }
0x1e: {  	s7 =	rddreg [dreg:$0x6];
	[sflag:s5] =	ssyncadd.s32 $0xFFFFFF80  }
0x1f: {  	[tilespmem:s7], [sflag:$0x3] =	stream.linear.gather [hbm4b:s1+s2], $0x80, $0x38;
	[tilespmem:$0x10100] =	vst v63  }
0x20: {  	_ =	swait.ge [sflag:s5], $0x80  }
0x21: {  	[sflag:s5] =	ssyncset.done $0x0  }
0x22: {  	[sflag:s5] =	ssyncadd.s32 $0xFFFFFF80  }
0x23: {  	v3 =	vld [tilespmem:$0x0];
	_ =	sdelay $0x4  }
0x24: {  	v4 =	vshll.u32 v3, $0x1  }
0x25: {  	v3 =	vand.u32 $0x7, v3;
	v4 =	vand.u32 $0xFFFFFFF0, v4  }
0x26: {  	v3 =	vor.u32 v3, v4  }
0x27: {  	v4 =	vperm.xlane v3, v0;
	_ =	sdelay $0x1  }
0x28: {  	v3 =	vperm.xlane v3, v2;
	v4 =	vadd.s32 v1, v4;
	_ =	sdelay $0x1  }
0x29: {  	v3 =	vadd.s32 v1, v3;
	_ =	sdelay $0x2  }
0x2a: {  	[tilespmem:s6], [sflag:$0x1] =	stream.indirect_vreg.gather [hbm4b:s3+s2], $0x80, v4, vm0, $0xb8;
	[tilespmem:$0x10100] =	vst v63  }
0x2b: {  	s7 =	rddreg [dreg:$0x7]  }
0x2c: {  	[tilespmem:s7], [sflag:$0x1] =	stream.indirect_vreg.gather [hbm4b:s3+s2], $0x80, v3, vm0, $0xb8;
	[tilespmem:$0x10100] =	vst v63  }
0x2d: {  	v3 =	vld [tilespmem:$0x10];
	_ =	sdelay $0x4  }
0x2e: {  	v49 =	vshll.u32 v3, $0x1  }
0x2f: {  	v3 =	vand.u32 $0x7, v3;
	v4 =	vand.u32 $0xFFFFFFF0, v49  }
0x30: {  	v3 =	vor.u32 v3, v4  }
0x31: {  	v4 =	vperm.xlane v3, v0;
	_ =	sdelay $0x1  }
0x32: {  	v3 =	vperm.xlane v3, v2;
	v4 =	vadd.s32 v1, v4;
	_ =	sdelay $0x1  }
0x33: {  	v3 =	vadd.s32 v1, v3;
	_ =	sdelay $0x1  }
0x34: {  	s1 =	rddreg [dreg:$0x8]  }
0x35: {  	[tilespmem:s1], [sflag:$0x1] =	stream.indirect_vreg.gather [hbm4b:s3+s2], $0x80, v4, vm0, $0xb8;
	[tilespmem:$0x10100] =	vst v63  }
0x36: {  	s7 =	rddreg [dreg:$0x9]  }
0x37: {  	[tilespmem:s7], [sflag:$0x1] =	stream.indirect_vreg.gather [hbm4b:s3+s2], $0x80, v3, vm0, $0xb8;
	[tilespmem:$0x10100] =	vst v63  }
0x38: {  	v3 =	vld [tilespmem:$0x20];
	_ =	sdelay $0x4  }
0x39: {  	v50 =	vshll.u32 v3, $0x1  }
0x3a: {  	v3 =	vand.u32 $0x7, v3;
	v4 =	vand.u32 $0xFFFFFFF0, v50  }
0x3b: {  	v3 =	vor.u32 v3, v4  }
0x3c: {  	v4 =	vperm.xlane v3, v0;
	_ =	sdelay $0x1  }
0x3d: {  	v3 =	vperm.xlane v3, v2;
	v4 =	vadd.s32 v1, v4;
	_ =	sdelay $0x1  }
0x3e: {  	v3 =	vadd.s32 v1, v3;
	_ =	sdelay $0x1  }
0x3f: {  	s1 =	rddreg [dreg:$0xa]  }
0x40: {  	[tilespmem:s1], [sflag:$0x1] =	stream.indirect_vreg.gather [hbm4b:s3+s2], $0x80, v4, vm0, $0xb8;
	[tilespmem:$0x10100] =	vst v63  }
0x41: {  	s7 =	rddreg [dreg:$0xb]  }
0x42: {  	[tilespmem:s7], [sflag:$0x1] =	stream.indirect_vreg.gather [hbm4b:s3+s2], $0x80, v3, vm0, $0xb8;
	[tilespmem:$0x10100] =	vst v63  }
0x43: {  	v3 =	vld [tilespmem:$0x30];
	_ =	sdelay $0x4  }
0x44: {  	v51 =	vshll.u32 v3, $0x1  }
0x45: {  	v3 =	vand.u32 $0x7, v3;
	v4 =	vand.u32 $0xFFFFFFF0, v51  }
0x46: {  	v3 =	vor.u32 v3, v4  }
0x47: {  	v4 =	vperm.xlane v3, v0;
	_ =	sdelay $0x1  }
0x48: {  	v3 =	vperm.xlane v3, v2;
	v4 =	vadd.s32 v1, v4;
	_ =	sdelay $0x1  }
0x49: {  	v3 =	vadd.s32 v1, v3;
	_ =	sdelay $0x1  }
0x4a: {  	s1 =	rddreg [dreg:$0xc]  }
0x4b: {  	[tilespmem:s1], [sflag:$0x1] =	stream.indirect_vreg.gather [hbm4b:s3+s2], $0x80, v4, vm0, $0xb8;
	[tilespmem:$0x10100] =	vst v63  }
0x4c: {  	s7 =	rddreg [dreg:$0xd]  }
0x4d: {  	[tilespmem:s7], [sflag:$0x1] =	stream.indirect_vreg.gather [hbm4b:s3+s2], $0x80, v3, vm0, $0xb8;
	[tilespmem:$0x10100] =	vst v63  }
0x4e: {  	v3 =	vld [tilespmem:$0x40];
	_ =	sdelay $0x4  }
0x4f: {  	v52 =	vshll.u32 v3, $0x1  }
0x50: {  	v3 =	vand.u32 $0x7, v3;
	v4 =	vand.u32 $0xFFFFFFF0, v52  }
0x51: {  	v3 =	vor.u32 v3, v4  }
0x52: {  	v4 =	vperm.xlane v3, v0;
	_ =	sdelay $0x1  }
0x53: {  	v3 =	vperm.xlane v3, v2;
	v4 =	vadd.s32 v1, v4;
	_ =	sdelay $0x1  }
0x54: {  	v3 =	vadd.s32 v1, v3;
	_ =	sdelay $0x1  }
0x55: {  	s7 =	rddreg [dreg:$0xe]  }
0x56: {  	[tilespmem:s7], [sflag:$0x1] =	stream.indirect_vreg.gather [hbm4b:s3+s2], $0x80, v4, vm0, $0xb8;
	[tilespmem:$0x10100] =	vst v63  }
0x57: {  	s7 =	simm.s32 $0x4900  }
0x58: {  	[tilespmem:s7], [sflag:$0x1] =	stream.indirect_vreg.gather [hbm4b:s3+s2], $0x80, v3, vm0, $0xb8;
	[tilespmem:$0x10100] =	vst v63  }
0x59: {  	v3 =	vld [tilespmem:$0x50];
	_ =	sdelay $0x4  }
0x5a: {  	v53 =	vshll.u32 v3, $0x1  }
0x5b: {  	v3 =	vand.u32 $0x7, v3;
	v4 =	vand.u32 $0xFFFFFFF0, v53  }
0x5c: {  	v3 =	vor.u32 v3, v4  }
0x5d: {  	v4 =	vperm.xlane v3, v0;
	_ =	sdelay $0x1  }
0x5e: {  	v3 =	vperm.xlane v3, v2;
	v4 =	vadd.s32 v1, v4;
	_ =	sdelay $0x1  }
0x5f: {  	v3 =	vadd.s32 v1, v3;
	_ =	sdelay $0x2  }
0x60: {  	[tilespmem:s8], [sflag:$0x1] =	stream.indirect_vreg.gather [hbm4b:s3+s2], $0x80, v4, vm0, $0xb8;
	[tilespmem:$0x10100] =	vst v63  }
0x61: {  	_ = 	snop  }
0x62: {  	[tilespmem:s9], [sflag:$0x1] =	stream.indirect_vreg.gather [hbm4b:s3+s2], $0x80, v3, vm0, $0xb8;
	[tilespmem:$0x10100] =	vst v63  }
0x63: {  	v3 =	vld [tilespmem:$0x60];
	_ =	sdelay $0x4  }
0x64: {  	v54 =	vshll.u32 v3, $0x1  }
0x65: {  	v3 =	vand.u32 $0x7, v3;
	v4 =	vand.u32 $0xFFFFFFF0, v54  }
0x66: {  	v3 =	vor.u32 v3, v4  }
0x67: {  	v4 =	vperm.xlane v3, v0;
	_ =	sdelay $0x1  }
0x68: {  	v3 =	vperm.xlane v3, v2;
	v4 =	vadd.s32 v1, v4;
	_ =	sdelay $0x1  }
0x69: {  	v3 =	vadd.s32 v1, v3;
	_ =	sdelay $0x2  }
0x6a: {  	[tilespmem:s10], [sflag:$0x1] =	stream.indirect_vreg.gather [hbm4b:s3+s2], $0x80, v4, vm0, $0xb8;
	[tilespmem:$0x10100] =	vst v63  }
0x6b: {  	_ = 	snop  }
0x6c: {  	[tilespmem:s11], [sflag:$0x1] =	stream.indirect_vreg.gather [hbm4b:s3+s2], $0x80, v3, vm0, $0xb8;
	[tilespmem:$0x10100] =	vst v63  }
0x6d: {  	v3 =	vld [tilespmem:$0x70];
	_ =	sdelay $0x4  }
0x6e: {  	v55 =	vshll.u32 v3, $0x1  }
0x6f: {  	v3 =	vand.u32 $0x7, v3;
	v4 =	vand.u32 $0xFFFFFFF0, v55  }
0x70: {  	v3 =	vor.u32 v3, v4  }
0x71: {  	v4 =	vperm.xlane v3, v0;
	_ =	sdelay $0x1  }
0x72: {  	v3 =	vperm.xlane v3, v2;
	v4 =	vadd.s32 v1, v4;
	_ =	sdelay $0x1  }
0x73: {  	v3 =	vadd.s32 v1, v3;
	_ =	sdelay $0x2  }
0x74: {  	[tilespmem:s12], [sflag:$0x1] =	stream.indirect_vreg.gather [hbm4b:s3+s2], $0x80, v4, vm0, $0xb8;
	[tilespmem:$0x10100] =	vst v63  }
0x75: {  	_ = 	snop  }
0x76: {  	[tilespmem:s13], [sflag:$0x1] =	stream.indirect_vreg.gather [hbm4b:s3+s2], $0x80, v3, vm0, $0xb8;
	[tilespmem:$0x10100] =	vst v63  }
0x77: {  	v3 =	vld [tilespmem:$0x80];
	_ =	sdelay $0x4  }
0x78: {  	v56 =	vshll.u32 v3, $0x1  }
0x79: {  	v3 =	vand.u32 $0x7, v3;
	v4 =	vand.u32 $0xFFFFFFF0, v56  }
0x7a: {  	v3 =	vor.u32 v3, v4  }
0x7b: {  	v4 =	vperm.xlane v3, v0;
	_ =	sdelay $0x1  }
0x7c: {  	v3 =	vperm.xlane v3, v2;
	v4 =	vadd.s32 v1, v4;
	_ =	sdelay $0x1  }
0x7d: {  	v3 =	vadd.s32 v1, v3;
	_ =	sdelay $0x2  }
0x7e: {  	[tilespmem:s14], [sflag:$0x1] =	stream.indirect_vreg.gather [hbm4b:s3+s2], $0x80, v4, vm0, $0xb8;
	[tilespmem:$0x10100] =	vst v63  }
0x7f: {  	_ = 	snop  }
0x80: {  	[tilespmem:s15], [sflag:$0x1] =	stream.indirect_vreg.gather [hbm4b:s3+s2], $0x80, v3, vm0, $0xb8;
	[tilespmem:$0x10100] =	vst v63  }
0x81: {  	v3 =	vld [tilespmem:$0x90];
	_ =	sdelay $0x4  }
0x82: {  	v57 =	vshll.u32 v3, $0x1  }
0x83: {  	v3 =	vand.u32 $0x7, v3;
	v4 =	vand.u32 $0xFFFFFFF0, v57  }
0x84: {  	v3 =	vor.u32 v3, v4  }
0x85: {  	v4 =	vperm.xlane v3, v0;
	_ =	sdelay $0x1  }
0x86: {  	v3 =	vperm.xlane v3, v2;
	v4 =	vadd.s32 v1, v4;
	_ =	sdelay $0x1  }
0x87: {  	v3 =	vadd.s32 v1, v3;
	_ =	sdelay $0x2  }
0x88: {  	[tilespmem:s16], [sflag:$0x1] =	stream.indirect_vreg.gather [hbm4b:s3+s2], $0x80, v4, vm0, $0xb8;
	[tilespmem:$0x10100] =	vst v63  }
0x89: {  	_ = 	snop  }
0x8a: {  	[tilespmem:s17], [sflag:$0x1] =	stream.indirect_vreg.gather [hbm4b:s3+s2], $0x80, v3, vm0, $0xb8;
	[tilespmem:$0x10100] =	vst v63  }
0x8b: {  	v3 =	vld [tilespmem:$0xA0];
	_ =	sdelay $0x4  }
0x8c: {  	v58 =	vshll.u32 v3, $0x1  }
0x8d: {  	v3 =	vand.u32 $0x7, v3;
	v4 =	vand.u32 $0xFFFFFFF0, v58  }
0x8e: {  	v3 =	vor.u32 v3, v4  }
0x8f: {  	v4 =	vperm.xlane v3, v0;
	_ =	sdelay $0x1  }
0x90: {  	v3 =	vperm.xlane v3, v2;
	v4 =	vadd.s32 v1, v4;
	_ =	sdelay $0x1  }
0x91: {  	v3 =	vadd.s32 v1, v3;
	_ =	sdelay $0x2  }
0x92: {  	[tilespmem:s18], [sflag:$0x1] =	stream.indirect_vreg.gather [hbm4b:s3+s2], $0x80, v4, vm0, $0xb8;
	[tilespmem:$0x10100] =	vst v63  }
0x93: {  	_ = 	snop  }
0x94: {  	[tilespmem:s19], [sflag:$0x1] =	stream.indirect_vreg.gather [hbm4b:s3+s2], $0x80, v3, vm0, $0xb8;
	[tilespmem:$0x10100] =	vst v63  }
0x95: {  	v3 =	vld [tilespmem:$0xB0];
	_ =	sdelay $0x4  }
0x96: {  	v59 =	vshll.u32 v3, $0x1  }
0x97: {  	v3 =	vand.u32 $0x7, v3;
	v4 =	vand.u32 $0xFFFFFFF0, v59  }
0x98: {  	v3 =	vor.u32 v3, v4  }
0x99: {  	v4 =	vperm.xlane v3, v0;
	_ =	sdelay $0x1  }
0x9a: {  	v3 =	vperm.xlane v3, v2;
	v4 =	vadd.s32 v1, v4;
	_ =	sdelay $0x1  }
0x9b: {  	v3 =	vadd.s32 v1, v3;
	_ =	sdelay $0x2  }
0x9c: {  	[tilespmem:s20], [sflag:$0x1] =	stream.indirect_vreg.gather [hbm4b:s3+s2], $0x80, v4, vm0, $0xb8;
	[tilespmem:$0x10100] =	vst v63  }
0x9d: {  	_ = 	snop  }
0x9e: {  	[tilespmem:s21], [sflag:$0x1] =	stream.indirect_vreg.gather [hbm4b:s3+s2], $0x80, v3, vm0, $0xb8;
	[tilespmem:$0x10100] =	vst v63  }
0x9f: {  	v3 =	vld [tilespmem:$0xC0];
	_ =	sdelay $0x4  }
0xa0: {  	v60 =	vshll.u32 v3, $0x1  }
0xa1: {  	v3 =	vand.u32 $0x7, v3;
	v4 =	vand.u32 $0xFFFFFFF0, v60  }
0xa2: {  	v3 =	vor.u32 v3, v4  }
0xa3: {  	v4 =	vperm.xlane v3, v0;
	_ =	sdelay $0x1  }
0xa4: {  	v3 =	vperm.xlane v3, v2;
	v4 =	vadd.s32 v1, v4;
	_ =	sdelay $0x1  }
0xa5: {  	v3 =	vadd.s32 v1, v3;
	_ =	sdelay $0x2  }
0xa6: {  	[tilespmem:s22], [sflag:$0x1] =	stream.indirect_vreg.gather [hbm4b:s3+s2], $0x80, v4, vm0, $0xb8;
	[tilespmem:$0x10100] =	vst v63  }
0xa7: {  	_ = 	snop  }
0xa8: {  	[tilespmem:s23], [sflag:$0x1] =	stream.indirect_vreg.gather [hbm4b:s3+s2], $0x80, v3, vm0, $0xb8;
	[tilespmem:$0x10100] =	vst v63  }
0xa9: {  	v3 =	vld [tilespmem:$0xD0];
	_ =	sdelay $0x4  }
0xaa: {  	v61 =	vshll.u32 v3, $0x1  }
0xab: {  	v3 =	vand.u32 $0x7, v3;
	v4 =	vand.u32 $0xFFFFFFF0, v61  }
0xac: {  	v3 =	vor.u32 v3, v4  }
0xad: {  	v4 =	vperm.xlane v3, v0;
	_ =	sdelay $0x1  }
0xae: {  	v3 =	vperm.xlane v3, v2;
	v4 =	vadd.s32 v1, v4;
	_ =	sdelay $0x1  }
0xaf: {  	v3 =	vadd.s32 v1, v3;
	_ =	sdelay $0x2  }
0xb0: {  	[tilespmem:s24], [sflag:$0x1] =	stream.indirect_vreg.gather [hbm4b:s3+s2], $0x80, v4, vm0, $0xb8;
	[tilespmem:$0x10100] =	vst v63  }
0xb1: {  	_ = 	snop  }
0xb2: {  	[tilespmem:s25], [sflag:$0x1] =	stream.indirect_vreg.gather [hbm4b:s3+s2], $0x80, v3, vm0, $0xb8;
	[tilespmem:$0x10100] =	vst v63  }
0xb3: {  	v3 =	vld [tilespmem:$0xE0];
	_ =	sdelay $0x4  }
0xb4: {  	v62 =	vshll.u32 v3, $0x1  }
0xb5: {  	v3 =	vand.u32 $0x7, v3;
	v4 =	vand.u32 $0xFFFFFFF0, v62  }
0xb6: {  	v3 =	vor.u32 v3, v4  }
0xb7: {  	v4 =	vperm.xlane v3, v0;
	_ =	sdelay $0x1  }
0xb8: {  	v3 =	vperm.xlane v3, v2;
	v4 =	vadd.s32 v1, v4;
	_ =	sdelay $0x1  }
0xb9: {  	v3 =	vadd.s32 v1, v3;
	_ =	sdelay $0x2  }
0xba: {  	[tilespmem:s26], [sflag:$0x1] =	stream.indirect_vreg.gather [hbm4b:s3+s2], $0x80, v4, vm0, $0xb8;
	[tilespmem:$0x10100] =	vst v63  }
0xbb: {  	_ = 	snop  }
0xbc: {  	[tilespmem:s28], [sflag:$0x1] =	stream.indirect_vreg.gather [hbm4b:s3+s2], $0x80, v3, vm0, $0xb8;
	[tilespmem:$0x10100] =	vst v63  }
0xbd: {  	v3 =	vld [tilespmem:$0xF0];
	_ =	sdelay $0x4  }
0xbe: {  	v63 =	vshll.u32 v3, $0x1  }
0xbf: {  	v3 =	vand.u32 $0x7, v3;
	v4 =	vand.u32 $0xFFFFFFF0, v63  }
0xc0: {  	v3 =	vor.u32 v3, v4  }
0xc1: {  	v4 =	vperm.xlane v3, v0;
	_ =	sdelay $0x1  }
0xc2: {  	v3 =	vperm.xlane v3, v2;
	v4 =	vadd.s32 v1, v4;
	_ =	sdelay $0x1  }
0xc3: {  	v3 =	vadd.s32 v1, v3;
	_ =	sdelay $0x2  }
0xc4: {  	[tilespmem:s29], [sflag:$0x1] =	stream.indirect_vreg.gather [hbm4b:s3+s2], $0x80, v4, vm0, $0xb8;
	[tilespmem:$0x10100] =	vst v63  }
0xc5: {  	_ = 	snop  }
0xc6: {  	[tilespmem:s30], [sflag:$0x1] =	stream.indirect_vreg.gather [hbm4b:s3+s2], $0x80, v3, vm0, $0xb8;
	[tilespmem:$0x10100] =	vst v63  }
0xc7: {  	_ =	swait.ge [sflag:s31], $0x8000  }
0xc8: {  	[sflag:s31] =	ssyncset.done $0x0  }
0xc9: {  	s7 =	rddreg [dreg:$0x4];
	[sflag:s31] =	ssyncadd.s32 $0xFFFF8000  }
0xca: {  	[hbm4b:s7+s2] =	stream.linear.scatter [tilespmem:s6], [sflag:$0x2], $0x8000, $0x38;
	[tilespmem:$0x10100] =	vst v63  }
0xcb: {  	_ =	swait.ge [sflag:s31], $0x8000  }
0xcc: {  	[sflag:s31] =	ssyncset.done $0x0  }
0xcd: {  	s7 =	rddreg [dreg:$0x5];
	[sflag:s31] =	ssyncadd.s32 $0xFFFF8000  }
0xce: {  	[hbm4b:s7+s2] =	stream.linear.scatter [tilespmem:s14], [sflag:$0x2], $0x8000, $0x38;
	[tilespmem:$0x10100] =	vst v63  }
0xcf: {  	p0 =	sne.s32 s4, $0x1;
	_ =	swait.ge [sflag:s0], $0x8000  }
.Ltmp0:
0xd0: {  	[sflag:s0] =	ssyncset.done $0x0;
	(pc) =	sbr.rel @p0 .LBB2_1-.Ltmp0, $4  }
0xd1: {  	[sflag:s0] =	ssyncadd.s32 $0xFFFF8000  }
0xd2: {  	_ =	swait.ge [sflag:s0], $0x8000  }
0xd3: {  	[sflag:s0] =	ssyncset.done $0x0  }
0xd4: {  	s4 =	sadd.s32 $0xFFFFFFFF, s4;
	[sflag:s0] =	ssyncadd.s32 $0xFFFF8000  }
0xd5: {  	_ =	sfence.sel $0x180000  }
0xd6: {  	[bflag:$0x0] =	sbarrier.arrive $0xFFFF  }
0xd7: {  	_ =	strace $0x90000056  }
0xd8: {  	s0 =	stileid.u32;
	[bflag:$0x2] =	sbarrier.arrive $0xFFFF  }
0xd9: {  	p0 =	sne.s32 s0, $0x0;
	s0 =	rddreg [dreg:$0x1]  }
0xda: {  	s0 =	sadd.s32 @!p0 $0x100000, s0  }
0xdb: {  	[sflag:s0] =	ssyncadd.tile.s32 @!p0 $0x1;
	_ =	shalt  }
.Lfunc_end2:
_tile_overlayer_lowered:
.L_overlay_start_2:
0xdc: {  	(tag) =	ssettag $0x2  }
0xdd: {  	s0 =	rddreg [dreg:$0x0];
	s2 =	stileid.u32  }
0xde: {  	s1 =	rddreg [dreg:$0x1];
	p0 =	sne.s32 s2, $0x0  }
0xdf: {  	s3 =	rddreg [dreg:$0x2];
	[bflag:$0x3] =	sbarrier.arrive $0xFFFF;
	s2 =	simm.s32 @!p0 $0x1C03  }
0xe0: {  	[timem:s3], [sflag:s2] =	dma.local @!p0 [hbm:s0], s1  }
0xe1: {  	s0 =	simm.s32 @!p0 $0x3  }
0xe2: {  	_ =	swait.ge @!p0 [sflag:s0], s1  }
0xe3: {  	s1 =	ssub.s32 @!p0 $0x0, s1;
	[sflag:s0] =	ssyncset.done @!p0 $0x0  }
0xe4: {  	[sflag:s0] =	ssyncadd.s32 @!p0 s1  }
0xe5: {  	[bflag:$0x3] =	sbarrier.arrive $0xFFFF  }
0xe6: {  	_ =	shalt  }

// kernel: kernel.29.cloned.1.call-start
scs
__scs_entry_jumppad:
0x0: {  	(pc) =	sbr.rel $0x88, $3  }
0x1: {  	(tag) =	ssettag $0x0;
	lr =	simm.s32 $0x1  }
0x2: {  	[smem:$0x3F9F] =	sst lr;
	_ =	strace $0xD0000000  }
0x3: {  	_ = 	snop  }
0x4: {  	_ = 	snop  }
0x5: {  	_ = 	snop  }
0x6: {  	_ = 	snop  }
0x7: {  	_ = 	snop  }
__scs_overlays_trampoline_lowered:
0x8: {  	[smem:$0x3FAE] =	sst s0  }
0x9: {  	[smem:$0x3FAF] =	sst s1  }
0xa: {  	[smem:$0x3FB0] =	sst s2  }
0xb: {  	[smem:$0x3FB1] =	sst s3  }
0xc: {  	[smem:$0x3FB2] =	sst s4  }
0xd: {  	[smem:$0x3FB3] =	sst s5  }
0xe: {  	[smem:$0x3FB4] =	sst s6  }
0xf: {  	[smem:$0x3FB5] =	sst s7  }
0x10: {  	[smem:$0x3FB6] =	sst s8  }
0x11: {  	[smem:$0x3FB7] =	sst s9;
	s0 =	simm.s32 @!p0 $0x0  }
0x12: {  	s1 =	sld [smem:$0x3F9D];
	s0 =	simm.s32 @p0 $0x1  }
0x13: {  	[smem:$0x3FB8] =	sst s0;
	s0 =	simm.s32 @!p1 $0x0  }
0x14: {  	s2 =	sld [smem:$0x3F9C];
	s0 =	simm.s32 @p1 $0x1  }
0x15: {  	[smem:$0x3FB9] =	sst s0;
	s0 =	simm.s32 @!p2 $0x0  }
0x16: {  	s3 =	sld [smem:$0x3FDB];
	s0 =	simm.s32 @p2 $0x1  }
0x17: {  	s4 =	simm.s32 $0x1BF5;
	[smem:$0x3FBB] =	sst s0  }
0x18: {  	s0 =	sld [smem:$0x3F9E];
	_ =	swait.ge [sflag:s4], $0x0  }
0x19: {  	s7 =	sld [smem:$0x3F9F]  }
0x1a: {  	s8 =	sadd.s32 $0xFFFFE003, lr  }
0x1b: {  	s9 =	sadd.s32 $0xFFFFFEF7, lr;
	s5 =	simm.s32 $0xFFFFFFFF;
	p2 =	slt.u32 s8, $0xFFFFF086  }
0x1c: {  	p1 =	slt.u32 s9, $0xF7A;
	s5 =	simm.s32 @!p2 $0x0  }
0x1d: {  	s5 =	simm.s32 @p1 $0x1;
	p0 =	seq.s32 s7, s2  }
0x1e: {  	s7 =	smul.u32 @!p0 $0xF7A, s2;
	p2 =	seq.s32 @!p0 s5, $0x0  }
0x1f: {  	s9 =	smul.u32 $0xF7A, s1;
	s8 =	simm.s32 @!p0 $0x1BF5;
	p2 =	por !p2, p0  }
0x20: {  	[sflag:s8] =	ssyncset.s32 @!p0 $0xFFFFF086;
	s6 =	sadd.s32 @!p0 s3, s7;
	s7 =	simm.s32 @!p0 $0x108  }
0x21: {  	s3 =	sadd.s32 s3, s9;
	s6 =	sadd.s32 @!p0 $0x88, s6;
	s7 =	simm.s32 @p2 $0x1082  }
0x22: {  	[simem:s7], [sflag:s8] =	dma.local @!p0 [hbm:s6], $0xF7A  }
0x23: {  	s9 =	sor.u32 $0xD0000000, s2;
	s6 =	simm.s32 $0x108;
	_ =	swait.ge @!p0 [sflag:s8], $0x0  }
0x24: {  	s3 =	sadd.s32 $0x88, s3;
	s6 =	simm.s32 @!p1 $0x1082;
	[sflag:s4] =	ssyncset.s32 $0xFFFFF086  }
0x25: {  	[simem:s6], [sflag:s4] =	dma.local [hbm:s3], $0xF7A  }
0x26: {  	[smem:$0x3F9F] =	sst s1;
	(tag) =	ssettag s2;
	_ =	strace s9  }
0x27: {  	s1 =	sld [smem:$0x3FAF]  }
0x28: {  	s2 =	sld [smem:$0x3FB0]  }
0x29: {  	s4 =	sld [smem:$0x3FB2]  }
0x2a: {  	p0 =	seq.s32 s5, $0x0;
	s5 =	sld [smem:$0x3FB3]  }
0x2b: {  	s6 =	sld [smem:$0x3FB4]  }
0x2c: {  	s7 =	sld [smem:$0x3FB5]  }
0x2d: {  	s3 =	simm.s32 $0x108;
	s8 =	sld [smem:$0x3FB6]  }
0x2e: {  	s3 =	simm.s32 @!p0 $0x1082;
	s9 =	sld [smem:$0x3FB7]  }
0x2f: {  	lr =	sadd.s32 s0, s3;
	s0 =	sld [smem:$0x3FAE]  }
0x30: {  	s3 =	sld [smem:$0x3FB1]  }
0x31: {  	[smem:$0x3FBA] =	sst s10  }
0x32: {  	s10 =	sld [smem:$0x3FB8];
	_ =	sdelay $0x3  }
0x33: {  	p0 =	seq.s32 s10, $0x1;
	s10 =	sld [smem:$0x3FBA];
	_ =	sdelay $0x3  }
0x34: {  	[smem:$0x3FBA] =	sst s10  }
0x35: {  	s10 =	sld [smem:$0x3FB9];
	_ =	sdelay $0x3  }
0x36: {  	p1 =	seq.s32 s10, $0x1;
	s10 =	sld [smem:$0x3FBA];
	_ =	sdelay $0x3  }
0x37: {  	[smem:$0x3FBA] =	sst s10  }
0x38: {  	s10 =	sld [smem:$0x3FBB]  }
0x39: {  	_ = 	snop;
	(pc) =	sbr.ind lr, $3  }
0x3a: {  	_ = 	snop  }
0x3b: {  	_ = 	snop  }
0x3c: {  	p2 =	seq.s32 s10, $0x1;
	s10 =	sld [smem:$0x3FBA]  }
0x3d: {  	_ =	shalt  }
0x3e: {  	_ =	shalt  }
0x3f: {  	_ =	shalt  }
0x40: {  	_ =	shalt  }
0x41: {  	_ =	shalt  }
0x42: {  	_ =	shalt  }
0x43: {  	_ =	shalt  }
0x44: {  	_ =	shalt  }
0x45: {  	_ =	shalt  }
0x46: {  	_ =	shalt  }
0x47: {  	_ =	shalt  }
0x48: {  	_ =	shalt  }
0x49: {  	_ =	shalt  }
0x4a: {  	_ =	shalt  }
0x4b: {  	_ =	shalt  }
0x4c: {  	_ =	shalt  }
0x4d: {  	_ =	shalt  }
0x4e: {  	_ =	shalt  }
0x4f: {  	_ =	shalt  }
0x50: {  	_ =	shalt  }
0x51: {  	_ =	shalt  }
0x52: {  	_ =	shalt  }
0x53: {  	_ =	shalt  }
0x54: {  	_ =	shalt  }
0x55: {  	_ =	shalt  }
0x56: {  	_ =	shalt  }
0x57: {  	_ =	shalt  }
0x58: {  	_ =	shalt  }
0x59: {  	_ =	shalt  }
0x5a: {  	_ =	shalt  }
0x5b: {  	_ =	shalt  }
0x5c: {  	_ =	shalt  }
0x5d: {  	_ =	shalt  }
0x5e: {  	_ =	shalt  }
0x5f: {  	_ =	shalt  }
0x60: {  	_ =	shalt  }
0x61: {  	_ =	shalt  }
0x62: {  	_ =	shalt  }
0x63: {  	_ =	shalt  }
0x64: {  	_ =	shalt  }
0x65: {  	_ =	shalt  }
0x66: {  	_ =	shalt  }
0x67: {  	_ =	shalt  }
0x68: {  	_ =	shalt  }
0x69: {  	_ =	shalt  }
0x6a: {  	_ =	shalt  }
0x6b: {  	_ =	shalt  }
0x6c: {  	_ =	shalt  }
0x6d: {  	_ =	shalt  }
0x6e: {  	_ =	shalt  }
0x6f: {  	_ =	shalt  }
0x70: {  	_ =	shalt  }
0x71: {  	_ =	shalt  }
0x72: {  	_ =	shalt  }
0x73: {  	_ =	shalt  }
0x74: {  	_ =	shalt  }
0x75: {  	_ =	shalt  }
0x76: {  	_ =	shalt  }
0x77: {  	_ =	shalt  }
0x78: {  	_ =	shalt  }
0x79: {  	_ =	shalt  }
0x7a: {  	_ =	shalt  }
0x7b: {  	_ =	shalt  }
0x7c: {  	_ =	shalt  }
0x7d: {  	_ =	shalt  }
0x7e: {  	_ =	shalt  }
0x7f: {  	_ =	shalt  }
0x80: {  	_ =	shalt  }
0x81: {  	_ =	shalt  }
0x82: {  	_ =	shalt  }
0x83: {  	_ =	shalt  }
0x84: {  	_ =	shalt  }
0x85: {  	_ =	shalt  }
0x86: {  	_ =	shalt  }
0x87: {  	_ =	shalt  }
.Lfunc_end0:
.L_simem_size_0:
called_computation.3_lowered:
.L_overlay_start_0:
0x88: {  	s2 =	sld [smem:$0x3FD9]  }
0x89: {  	s3 =	sld [smem:$0x3FFE];
	_ =	sdelay $0x1  }
0x8a: {  	s1 =	srdreg.scid  }
0x8b: {  	s0 =	sand.u32 $0x1, s1  }
0x8c: {  	s15 =	sshll.u32 s0, $0xA;
	s2 =	sadd.s32 s3, s2  }
0x8d: {  	s2 =	sadd.s32 s2, s15  }
0x8e: {  	[smem:$0x3FC6] =	sst s2  }
0x8f: {  	_ = 	snop  }
0x90: {  	s2 =	sld [smem:$0x3FD0];
	_ =	sdelay $0x2  }
0x91: {  	s16 =	simm.s32 $0xB;
	s4 =	simm.s32 $0x10  }
0x92: {  	[smem:s4], [sflag:s16] =	dma.local [hbm:s2], $0x1  }
0x93: {  	_ =	swait.eq [sflag:s16], $0x1  }
0x94: {  	[sflag:s16] =	ssyncset.done $0x0  }
0x95: {  	[sflag:s16] =	ssyncadd.s32 $0xFFFFFFFF  }
0x96: {  	s17 =	sld [smem:$0x10];
	(tm) =	ssettm $0x1  }
0x97: {  	s18 =	sld [smem:$0x3FFB];
	_ =	sdelay $0x3  }
0x98: {  	_ =	strace s18  }
0x99: {  	s2 =	sld [smem:$0x3FFC];
	_ =	sdelay $0x3  }
0x9a: {  	_ =	strace s2  }
0x9b: {  	s2 =	sld [smem:$0x3FFD];
	_ =	sdelay $0x3  }
0x9c: {  	_ =	strace s2  }
0x9d: {  	_ =	strace $0x8FFFFFFF  }
0x9e: {  	s19 =	sld [smem:$0x3FDB];
	_ =	sdelay $0x1  }
0x9f: {  	s20 =	simm.s32 $_scs_section_size  }
0xa0: {  	s5 =	simm.s32 $_size__tile_overlayer_lowered;
	s6 =	simm.s32 $_tile_overlayer_lowered  }
0xa1: {  	s7 =	simm.s32 $0x1BFF;
	s21 =	sshll.u32 s6, $0x1;
	s4 =	sadd.s32 s20, s19  }
0xa2: {  	s22 =	simm.s32 $0x0;
	s5 =	sshll.u32 s5, $0x1;
	s6 =	sadd.s32 s21, s4  }
0xa3: {  	[timem:s22], [sflag:s7] =	dma.local [hbm:s6], s5  }
0xa4: {  	_ =	swait.ge [sflag:s7], s5  }
0xa5: {  	s5 =	ssub.s32 $0x0, s5;
	[sflag:s7] =	ssyncset.done $0x0  }
0xa6: {  	[sflag:s7] =	ssyncadd.s32 s5;
	_ =	sdelay $0x1  }
0xa7: {  	s23 =	simm.s32 $0x1B8B  }
0xa8: {  	_ =	swait.ge [sflag:s23], $0x1  }
0xa9: {  	[sflag:s23] =	ssyncset.done $0x0  }
0xaa: {  	[sflag:s23] =	ssyncadd.s32 $0xFFFFFFFF  }
0xab: {  	s5 =	sld [smem:$0x0]  }
0xac: {  	s6 =	sand.u32 $0xFFFFFFFE, s1  }
0xad: {  	p0 =	sne.s32 s1, s6  }
0xae: {  	s6 =	sshll.u32 @p0 s6, $0xE  }
0xaf: {  	s6 =	sadd.s32 @p0 $0x11B8D, s6;
	s7 =	sshll.u32 @p0 s5, $0x11  }
0xb0: {  	s6 =	sor.u32 @p0 s7, s6  }
0xb1: {  	[sflag:s6] =	ssyncadd.remote.s32 @p0 $0x1;
	_ =	sdelay $0x1  }
0xb2: {  	s6 =	simm.s32 @p0 $0x1B8D  }
0xb3: {  	_ =	swait.eq @p0 [sflag:s6], $0x1  }
0xb4: {  	[sflag:s6] =	ssyncadd.s32 @p0 $0xFFFFFFFF  }
0xb5: {  	s7 =	sshll.u32 @!p0 s1, $0xE  }
0xb6: {  	s7 =	sor.u32 @!p0 $0x4000, s7;
	s6 =	simm.s32 @!p0 $0x1B8D  }
0xb7: {  	s5 =	sshll.u32 @!p0 s5, $0x11;
	s7 =	sadd.s32 @!p0 $0x11B8D, s7;
	_ =	swait.eq @!p0 [sflag:s6], $0x1  }
0xb8: {  	s5 =	sor.u32 @!p0 s5, s7;
	[sflag:s6] =	ssyncadd.s32 @!p0 $0xFFFFFFFF  }
0xb9: {  	s25 =	simm.s32 $0x1B8E;
	s24 =	sld [smem:$0x3FFE];
	[sflag:s5] =	ssyncadd.remote.s32 @!p0 $0x1  }
0xba: {  	s26 =	simm.s32 $execute0_lowered;
	[smem:$0x3FD2] =	sst s25  }
0xbb: {  	s6 =	sshll.u32 s26, $0x1;
	_ =	strace $0x8000005B;
	[dreg:$0x1] =	wrdreg $0xFFFFFFFF  }
0xbc: {  	s28 =	simm.s32 $_size_execute0_lowered;
	s4 =	sadd.s32 s4, s6;
	[dreg:$0x0] =	wrdreg $0x0  }
0xbd: {  	s6 =	sshll.u32 s28, $0x1;
	[dreg:$0x2] =	wrdreg s4  }
0xbe: {  	[dreg:$0x3] =	wrdreg s6  }
0xbf: {  	[dreg:$0x4] =	wrdreg $0xC0  }
0xc0: {  	_ =	task [dreg:s22], $0x5FFFF  }
0xc1: {  	[dreg:$0x1] =	wrdreg $0xFFFFFFFF  }
0xc2: {  	[dreg:$0x0] =	wrdreg $0x60  }
0xc3: {  	[dreg:$0x2] =	wrdreg s24  }
0xc4: {  	[dreg:$0x3] =	wrdreg s17  }
0xc5: {  	[dreg:$0x4] =	wrdreg $0x9  }
0xc6: {  	_ =	task.clear_ibuf [dreg:s22], $0x5FFFF;
	_ =	strace $0x9000005B  }
0xc7: {  	s29 =	simm.s32 $0x9;
	_ =	strace $0x8000005D  }
0xc8: {  	_ =	swait.ge [sflag:s29], $0x1  }
0xc9: {  	[sflag:s29] =	ssyncadd.s32 $0xFFFFFFFF  }
0xca: {  	_ =	strace $0x9000005D  }
0xcb: {  	_ =	sfence  }
0xcc: {  	s30 =	sld [smem:$0x0];
	_ =	sdelay $0x2  }
0xcd: {  	s31 =	sshll.u32 s1, $0xD;
	s1 =	sshrl.u32 s1, $0x2  }
0xce: {  	s4 =	sand.u32 $0x4000, s31;
	s1 =	sadd.s32 s1, s30  }
0xcf: {  	s0 =	sor.u32 s4, s0;
	s1 =	sshll.u32 s1, $0x11  }
0xd0: {  	s0 =	sor.u32 s1, s0  }
0xd1: {  	s0 =	sadd.s32 $0x8F2B, s0  }
0xd2: {  	[sflag:s0] =	ssyncadd.remote.s32 $0x1  }
0xd3: {  	_ =	sfence.sel $0xFFFF  }
0xd4: {  	[dreg:$0x0] =	wrdreg $0xFFFFFFFF;
	(pc) =	sbr.abs _section_cstart, $3  }
0xd5: {  	[dreg:$0x1] =	wrdreg $0xFFFFFFFF  }
0xd6: {  	_ =	task.clear_ibuf [dreg:s22], $0x2FFFF;
	_ =	strace $0x9FFFFFFF  }
0xd7: {  	(tm) =	ssettm $0x7FFFFFFF  }
tec
execute0_lowered:
.L_overlay_start_1:
0x0: {  	(tag) =	ssettag $0x1  }
0x1: {  	s0 =	rddreg [dreg:$0x0]  }
0x2: {  	s3 =	rddreg [dreg:$0x1]  }
0x3: {  	s2 =	srdreg.scid;
	s1 =	stileid.u32;
	s17 =	simm.s32 $0x80  }
0x4: {  	s18 =	simm.s32 $0x900;
	s19 =	simm.s32 $0x1100;
	s20 =	simm.s32 $0x1900  }
0x5: {  	s21 =	simm.s32 $0x2100;
	s4 =	sand.u32 $0x1, s2;
	s2 =	simm.s32 $0x0  }
0x6: {  	s23 =	simm.s32 $0x2900;
	s24 =	simm.s32 $0x3100;
	[smem:$0x7FF] =	sst s2  }
0x7: {  	s25 =	simm.s32 $0x3900;
	_ =	strace $0x8000005C;
	[dreg:$0x7] =	wrdreg s17  }
0x8: {  	s26 =	simm.s32 $0x4100;
	s10 =	simm.s32 $0x6100;
	[dreg:$0x8] =	wrdreg s18  }
0x9: {  	s11 =	simm.s32 $0x6900;
	s12 =	simm.s32 $0x7100;
	[dreg:$0x9] =	wrdreg s19  }
0xa: {  	s13 =	simm.s32 $0x7900;
	s14 =	simm.s32 $0x8100;
	[dreg:$0xa] =	wrdreg s20  }
0xb: {  	s28 =	simm.s32 $0xE900;
	s29 =	simm.s32 $0xF100;
	[dreg:$0xb] =	wrdreg s21  }
0xc: {  	s30 =	simm.s32 $0xF900;
	s31 =	simm.s32 $0x1;
	[dreg:$0xc] =	wrdreg s23  }
0xd: {  	s5 =	sshll.u32 s1, $0x9;
	s15 =	sadd.s32 $0x9400, s0;
	[dreg:$0xd] =	wrdreg s24  }
0xe: {  	s6 =	sshll.u32 s4, $0x8;
	s4 =	ssub.s32 $0x2, s4;
	[dreg:$0xe] =	wrdreg s25  }
0xf: {  	s5 =	sor.u32 s6, s5;
	s22 =	sshrl.u32 s4, $0x1;
	[dreg:$0xf] =	wrdreg s26  }
0x10: {  	s17 =	simm.s32 $0x9900;
	s18 =	simm.s32 $0xA100;
	s19 =	simm.s32 $0xA900  }
0x11: {  	s20 =	simm.s32 $0xB100;
	s21 =	simm.s32 $0xB900;
	s23 =	simm.s32 $0xC900  }
0x12: {  	s24 =	simm.s32 $0xD100;
	s25 =	simm.s32 $0xD900;
	s26 =	simm.s32 $0xE100  }
0x13: {  	s7 =	sor.u32 $0x80, s5;
	s8 =	sshrl.u32 s5, $0x3;
	s5 =	sshll.u32 s5, $0x5  }
0x14: {  	s4 =	ssub.s32 s4, s22;
	s22 =	simm.s32 $0xC100;
	s8 =	sadd.s32 s15, s8  }
0x15: {  	s9 =	sshrl.u32 s7, $0x3;
	s5 =	sadd.s32 s3, s5;
	s16 =	sshll.u32 s7, $0x5  }
0x16: {  	s4 =	smax.u32 s4, $0x1;
	[dreg:$0x3] =	wrdreg s8;
	s6 =	sadd.s32 s15, s9  }
0x17: {  	[dreg:$0x5] =	wrdreg s5;
	s3 =	sadd.s32 s3, s16;
	s5 =	simm.s32 $0x3  }
0x18: {  	v2 =	vlaneseq.u32;
	s8 =	simm.s32 $0x5100;
	s9 =	simm.s32 $0x5900;
	[dreg:$0x4] =	wrdreg s6  }
0x19: {  	vm0 =	vmmov $0xffff;
	v1 =	vshrl.u32 v2, $0x3;
	s15 =	simm.s32 $0x8900;
	s16 =	simm.s32 $0x9100;
	[dreg:$0x6] =	wrdreg s3  }
0x1a: {  	v0 =	vand.u32 $0x7, v2;
	v2 =	vor.u32 $0x8, v2;
	v1 =	vmul.u32 $0x8, v1;
	s3 =	sadd.s32 $0x800, s0;
	s6 =	simm.s32 $0x100;
	s0 =	simm.s32 $0x2  }
.LBB2_1:
0x1b: {  	s1 =	rddreg [dreg:$0x3]  }
0x1c: {  	[tilespmem:s2], [sflag:$0x3] =	stream.linear.gather [hbm4b:s1+s2], $0x80, $0x38;
	[tilespmem:$0x10100] =	vst v63  }
0x1d: {  	_ =	swait.ge [sflag:s5], $0x80  }
0x1e: {  	s1 =	rddreg [dreg:$0x4];
	[sflag:s5] =	ssyncset.done $0x0  }
0x1f: {  	s7 =	rddreg [dreg:$0x7];
	[sflag:s5] =	ssyncadd.s32 $0xFFFFFF80  }
0x20: {  	[tilespmem:s7], [sflag:$0x3] =	stream.linear.gather [hbm4b:s1+s2], $0x80, $0x38;
	[tilespmem:$0x10100] =	vst v63  }
0x21: {  	_ =	swait.ge [sflag:s5], $0x80  }
0x22: {  	[sflag:s5] =	ssyncset.done $0x0  }
0x23: {  	[sflag:s5] =	ssyncadd.s32 $0xFFFFFF80  }
0x24: {  	v3 =	vld [tilespmem:$0x0];
	_ =	sdelay $0x4  }
0x25: {  	v4 =	vshll.u32 v3, $0x1  }
0x26: {  	v3 =	vand.u32 $0x7, v3;
	v4 =	vand.u32 $0xFFFFFFF0, v4  }
0x27: {  	v3 =	vor.u32 v3, v4  }
0x28: {  	v4 =	vperm.xlane v3, v0;
	_ =	sdelay $0x1  }
0x29: {  	v3 =	vperm.xlane v3, v2;
	v4 =	vadd.s32 v1, v4;
	_ =	sdelay $0x1  }
0x2a: {  	v3 =	vadd.s32 v1, v3;
	_ =	sdelay $0x2  }
0x2b: {  	[tilespmem:s6], [sflag:$0x1] =	stream.indirect_vreg.gather [hbm4b:s3+s2], $0x80, v4, vm0, $0xb8;
	[tilespmem:$0x10100] =	vst v63  }
0x2c: {  	s7 =	rddreg [dreg:$0x8]  }
0x2d: {  	[tilespmem:s7], [sflag:$0x1] =	stream.indirect_vreg.gather [hbm4b:s3+s2], $0x80, v3, vm0, $0xb8;
	[tilespmem:$0x10100] =	vst v63  }
0x2e: {  	v3 =	vld [tilespmem:$0x10];
	_ =	sdelay $0x4  }
0x2f: {  	v49 =	vshll.u32 v3, $0x1  }
0x30: {  	v3 =	vand.u32 $0x7, v3;
	v4 =	vand.u32 $0xFFFFFFF0, v49  }
0x31: {  	v3 =	vor.u32 v3, v4  }
0x32: {  	v4 =	vperm.xlane v3, v0;
	_ =	sdelay $0x1  }
0x33: {  	v3 =	vperm.xlane v3, v2;
	v4 =	vadd.s32 v1, v4;
	_ =	sdelay $0x1  }
0x34: {  	v3 =	vadd.s32 v1, v3;
	_ =	sdelay $0x1  }
0x35: {  	s1 =	rddreg [dreg:$0x9]  }
0x36: {  	[tilespmem:s1], [sflag:$0x1] =	stream.indirect_vreg.gather [hbm4b:s3+s2], $0x80, v4, vm0, $0xb8;
	[tilespmem:$0x10100] =	vst v63  }
0x37: {  	s7 =	rddreg [dreg:$0xa]  }
0x38: {  	[tilespmem:s7], [sflag:$0x1] =	stream.indirect_vreg.gather [hbm4b:s3+s2], $0x80, v3, vm0, $0xb8;
	[tilespmem:$0x10100] =	vst v63  }
0x39: {  	v3 =	vld [tilespmem:$0x20];
	_ =	sdelay $0x4  }
0x3a: {  	v50 =	vshll.u32 v3, $0x1  }
0x3b: {  	v3 =	vand.u32 $0x7, v3;
	v4 =	vand.u32 $0xFFFFFFF0, v50  }
0x3c: {  	v3 =	vor.u32 v3, v4  }
0x3d: {  	v4 =	vperm.xlane v3, v0;
	_ =	sdelay $0x1  }
0x3e: {  	v3 =	vperm.xlane v3, v2;
	v4 =	vadd.s32 v1, v4;
	_ =	sdelay $0x1  }
0x3f: {  	v3 =	vadd.s32 v1, v3;
	_ =	sdelay $0x1  }
0x40: {  	s1 =	rddreg [dreg:$0xb]  }
0x41: {  	[tilespmem:s1], [sflag:$0x1] =	stream.indirect_vreg.gather [hbm4b:s3+s2], $0x80, v4, vm0, $0xb8;
	[tilespmem:$0x10100] =	vst v63  }
0x42: {  	s7 =	rddreg [dreg:$0xc]  }
0x43: {  	[tilespmem:s7], [sflag:$0x1] =	stream.indirect_vreg.gather [hbm4b:s3+s2], $0x80, v3, vm0, $0xb8;
	[tilespmem:$0x10100] =	vst v63  }
0x44: {  	v3 =	vld [tilespmem:$0x30];
	_ =	sdelay $0x4  }
0x45: {  	v51 =	vshll.u32 v3, $0x1  }
0x46: {  	v3 =	vand.u32 $0x7, v3;
	v4 =	vand.u32 $0xFFFFFFF0, v51  }
0x47: {  	v3 =	vor.u32 v3, v4  }
0x48: {  	v4 =	vperm.xlane v3, v0;
	_ =	sdelay $0x1  }
0x49: {  	v3 =	vperm.xlane v3, v2;
	v4 =	vadd.s32 v1, v4;
	_ =	sdelay $0x1  }
0x4a: {  	v3 =	vadd.s32 v1, v3;
	_ =	sdelay $0x1  }
0x4b: {  	s1 =	rddreg [dreg:$0xd]  }
0x4c: {  	[tilespmem:s1], [sflag:$0x1] =	stream.indirect_vreg.gather [hbm4b:s3+s2], $0x80, v4, vm0, $0xb8;
	[tilespmem:$0x10100] =	vst v63  }
0x4d: {  	s7 =	rddreg [dreg:$0xe]  }
0x4e: {  	[tilespmem:s7], [sflag:$0x1] =	stream.indirect_vreg.gather [hbm4b:s3+s2], $0x80, v3, vm0, $0xb8;
	[tilespmem:$0x10100] =	vst v63  }
0x4f: {  	v3 =	vld [tilespmem:$0x40];
	_ =	sdelay $0x4  }
0x50: {  	v52 =	vshll.u32 v3, $0x1  }
0x51: {  	v3 =	vand.u32 $0x7, v3;
	v4 =	vand.u32 $0xFFFFFFF0, v52  }
0x52: {  	v3 =	vor.u32 v3, v4  }
0x53: {  	v4 =	vperm.xlane v3, v0;
	_ =	sdelay $0x1  }
0x54: {  	v3 =	vperm.xlane v3, v2;
	v4 =	vadd.s32 v1, v4;
	_ =	sdelay $0x1  }
0x55: {  	v3 =	vadd.s32 v1, v3;
	_ =	sdelay $0x1  }
0x56: {  	s7 =	rddreg [dreg:$0xf]  }
0x57: {  	[tilespmem:s7], [sflag:$0x1] =	stream.indirect_vreg.gather [hbm4b:s3+s2], $0x80, v4, vm0, $0xb8;
	[tilespmem:$0x10100] =	vst v63  }
0x58: {  	s7 =	simm.s32 $0x4900  }
0x59: {  	[tilespmem:s7], [sflag:$0x1] =	stream.indirect_vreg.gather [hbm4b:s3+s2], $0x80, v3, vm0, $0xb8;
	[tilespmem:$0x10100] =	vst v63  }
0x5a: {  	v3 =	vld [tilespmem:$0x50];
	_ =	sdelay $0x4  }
0x5b: {  	v53 =	vshll.u32 v3, $0x1  }
0x5c: {  	v3 =	vand.u32 $0x7, v3;
	v4 =	vand.u32 $0xFFFFFFF0, v53  }
0x5d: {  	v3 =	vor.u32 v3, v4  }
0x5e: {  	v4 =	vperm.xlane v3, v0;
	_ =	sdelay $0x1  }
0x5f: {  	v3 =	vperm.xlane v3, v2;
	v4 =	vadd.s32 v1, v4;
	_ =	sdelay $0x1  }
0x60: {  	v3 =	vadd.s32 v1, v3;
	_ =	sdelay $0x2  }
0x61: {  	[tilespmem:s8], [sflag:$0x1] =	stream.indirect_vreg.gather [hbm4b:s3+s2], $0x80, v4, vm0, $0xb8;
	[tilespmem:$0x10100] =	vst v63  }
0x62: {  	_ = 	snop  }
0x63: {  	[tilespmem:s9], [sflag:$0x1] =	stream.indirect_vreg.gather [hbm4b:s3+s2], $0x80, v3, vm0, $0xb8;
	[tilespmem:$0x10100] =	vst v63  }
0x64: {  	v3 =	vld [tilespmem:$0x60];
	_ =	sdelay $0x4  }
0x65: {  	v54 =	vshll.u32 v3, $0x1  }
0x66: {  	v3 =	vand.u32 $0x7, v3;
	v4 =	vand.u32 $0xFFFFFFF0, v54  }
0x67: {  	v3 =	vor.u32 v3, v4  }
0x68: {  	v4 =	vperm.xlane v3, v0;
	_ =	sdelay $0x1  }
0x69: {  	v3 =	vperm.xlane v3, v2;
	v4 =	vadd.s32 v1, v4;
	_ =	sdelay $0x1  }
0x6a: {  	v3 =	vadd.s32 v1, v3;
	_ =	sdelay $0x2  }
0x6b: {  	[tilespmem:s10], [sflag:$0x1] =	stream.indirect_vreg.gather [hbm4b:s3+s2], $0x80, v4, vm0, $0xb8;
	[tilespmem:$0x10100] =	vst v63  }
0x6c: {  	_ = 	snop  }
0x6d: {  	[tilespmem:s11], [sflag:$0x1] =	stream.indirect_vreg.gather [hbm4b:s3+s2], $0x80, v3, vm0, $0xb8;
	[tilespmem:$0x10100] =	vst v63  }
0x6e: {  	v3 =	vld [tilespmem:$0x70];
	_ =	sdelay $0x4  }
0x6f: {  	v55 =	vshll.u32 v3, $0x1  }
0x70: {  	v3 =	vand.u32 $0x7, v3;
	v4 =	vand.u32 $0xFFFFFFF0, v55  }
0x71: {  	v3 =	vor.u32 v3, v4  }
0x72: {  	v4 =	vperm.xlane v3, v0;
	_ =	sdelay $0x1  }
0x73: {  	v3 =	vperm.xlane v3, v2;
	v4 =	vadd.s32 v1, v4;
	_ =	sdelay $0x1  }
0x74: {  	v3 =	vadd.s32 v1, v3;
	_ =	sdelay $0x2  }
0x75: {  	[tilespmem:s12], [sflag:$0x1] =	stream.indirect_vreg.gather [hbm4b:s3+s2], $0x80, v4, vm0, $0xb8;
	[tilespmem:$0x10100] =	vst v63  }
0x76: {  	_ = 	snop  }
0x77: {  	[tilespmem:s13], [sflag:$0x1] =	stream.indirect_vreg.gather [hbm4b:s3+s2], $0x80, v3, vm0, $0xb8;
	[tilespmem:$0x10100] =	vst v63  }
0x78: {  	v3 =	vld [tilespmem:$0x80];
	_ =	sdelay $0x4  }
0x79: {  	v56 =	vshll.u32 v3, $0x1  }
0x7a: {  	v3 =	vand.u32 $0x7, v3;
	v4 =	vand.u32 $0xFFFFFFF0, v56  }
0x7b: {  	v3 =	vor.u32 v3, v4  }
0x7c: {  	v4 =	vperm.xlane v3, v0;
	_ =	sdelay $0x1  }
0x7d: {  	v3 =	vperm.xlane v3, v2;
	v4 =	vadd.s32 v1, v4;
	_ =	sdelay $0x1  }
0x7e: {  	v3 =	vadd.s32 v1, v3;
	_ =	sdelay $0x2  }
0x7f: {  	[tilespmem:s14], [sflag:$0x1] =	stream.indirect_vreg.gather [hbm4b:s3+s2], $0x80, v4, vm0, $0xb8;
	[tilespmem:$0x10100] =	vst v63  }
0x80: {  	_ = 	snop  }
0x81: {  	[tilespmem:s15], [sflag:$0x1] =	stream.indirect_vreg.gather [hbm4b:s3+s2], $0x80, v3, vm0, $0xb8;
	[tilespmem:$0x10100] =	vst v63  }
0x82: {  	v3 =	vld [tilespmem:$0x90];
	_ =	sdelay $0x4  }
0x83: {  	v57 =	vshll.u32 v3, $0x1  }
0x84: {  	v3 =	vand.u32 $0x7, v3;
	v4 =	vand.u32 $0xFFFFFFF0, v57  }
0x85: {  	v3 =	vor.u32 v3, v4  }
0x86: {  	v4 =	vperm.xlane v3, v0;
	_ =	sdelay $0x1  }
0x87: {  	v3 =	vperm.xlane v3, v2;
	v4 =	vadd.s32 v1, v4;
	_ =	sdelay $0x1  }
0x88: {  	v3 =	vadd.s32 v1, v3;
	_ =	sdelay $0x2  }
0x89: {  	[tilespmem:s16], [sflag:$0x1] =	stream.indirect_vreg.gather [hbm4b:s3+s2], $0x80, v4, vm0, $0xb8;
	[tilespmem:$0x10100] =	vst v63  }
0x8a: {  	_ = 	snop  }
0x8b: {  	[tilespmem:s17], [sflag:$0x1] =	stream.indirect_vreg.gather [hbm4b:s3+s2], $0x80, v3, vm0, $0xb8;
	[tilespmem:$0x10100] =	vst v63  }
0x8c: {  	v3 =	vld [tilespmem:$0xA0];
	_ =	sdelay $0x4  }
0x8d: {  	v58 =	vshll.u32 v3, $0x1  }
0x8e: {  	v3 =	vand.u32 $0x7, v3;
	v4 =	vand.u32 $0xFFFFFFF0, v58  }
0x8f: {  	v3 =	vor.u32 v3, v4  }
0x90: {  	v4 =	vperm.xlane v3, v0;
	_ =	sdelay $0x1  }
0x91: {  	v3 =	vperm.xlane v3, v2;
	v4 =	vadd.s32 v1, v4;
	_ =	sdelay $0x1  }
0x92: {  	v3 =	vadd.s32 v1, v3;
	_ =	sdelay $0x2  }
0x93: {  	[tilespmem:s18], [sflag:$0x1] =	stream.indirect_vreg.gather [hbm4b:s3+s2], $0x80, v4, vm0, $0xb8;
	[tilespmem:$0x10100] =	vst v63  }
0x94: {  	_ = 	snop  }
0x95: {  	[tilespmem:s19], [sflag:$0x1] =	stream.indirect_vreg.gather [hbm4b:s3+s2], $0x80, v3, vm0, $0xb8;
	[tilespmem:$0x10100] =	vst v63  }
0x96: {  	v3 =	vld [tilespmem:$0xB0];
	_ =	sdelay $0x4  }
0x97: {  	v59 =	vshll.u32 v3, $0x1  }
0x98: {  	v3 =	vand.u32 $0x7, v3;
	v4 =	vand.u32 $0xFFFFFFF0, v59  }
0x99: {  	v3 =	vor.u32 v3, v4  }
0x9a: {  	v4 =	vperm.xlane v3, v0;
	_ =	sdelay $0x1  }
0x9b: {  	v3 =	vperm.xlane v3, v2;
	v4 =	vadd.s32 v1, v4;
	_ =	sdelay $0x1  }
0x9c: {  	v3 =	vadd.s32 v1, v3;
	_ =	sdelay $0x2  }
0x9d: {  	[tilespmem:s20], [sflag:$0x1] =	stream.indirect_vreg.gather [hbm4b:s3+s2], $0x80, v4, vm0, $0xb8;
	[tilespmem:$0x10100] =	vst v63  }
0x9e: {  	_ = 	snop  }
0x9f: {  	[tilespmem:s21], [sflag:$0x1] =	stream.indirect_vreg.gather [hbm4b:s3+s2], $0x80, v3, vm0, $0xb8;
	[tilespmem:$0x10100] =	vst v63  }
0xa0: {  	v3 =	vld [tilespmem:$0xC0];
	_ =	sdelay $0x4  }
0xa1: {  	v60 =	vshll.u32 v3, $0x1  }
0xa2: {  	v3 =	vand.u32 $0x7, v3;
	v4 =	vand.u32 $0xFFFFFFF0, v60  }
0xa3: {  	v3 =	vor.u32 v3, v4  }
0xa4: {  	v4 =	vperm.xlane v3, v0;
	_ =	sdelay $0x1  }
0xa5: {  	v3 =	vperm.xlane v3, v2;
	v4 =	vadd.s32 v1, v4;
	_ =	sdelay $0x1  }
0xa6: {  	v3 =	vadd.s32 v1, v3;
	_ =	sdelay $0x2  }
0xa7: {  	[tilespmem:s22], [sflag:$0x1] =	stream.indirect_vreg.gather [hbm4b:s3+s2], $0x80, v4, vm0, $0xb8;
	[tilespmem:$0x10100] =	vst v63  }
0xa8: {  	_ = 	snop  }
0xa9: {  	[tilespmem:s23], [sflag:$0x1] =	stream.indirect_vreg.gather [hbm4b:s3+s2], $0x80, v3, vm0, $0xb8;
	[tilespmem:$0x10100] =	vst v63  }
0xaa: {  	v3 =	vld [tilespmem:$0xD0];
	_ =	sdelay $0x4  }
0xab: {  	v61 =	vshll.u32 v3, $0x1  }
0xac: {  	v3 =	vand.u32 $0x7, v3;
	v4 =	vand.u32 $0xFFFFFFF0, v61  }
0xad: {  	v3 =	vor.u32 v3, v4  }
0xae: {  	v4 =	vperm.xlane v3, v0;
	_ =	sdelay $0x1  }
0xaf: {  	v3 =	vperm.xlane v3, v2;
	v4 =	vadd.s32 v1, v4;
	_ =	sdelay $0x1  }
0xb0: {  	v3 =	vadd.s32 v1, v3;
	_ =	sdelay $0x2  }
0xb1: {  	[tilespmem:s24], [sflag:$0x1] =	stream.indirect_vreg.gather [hbm4b:s3+s2], $0x80, v4, vm0, $0xb8;
	[tilespmem:$0x10100] =	vst v63  }
0xb2: {  	_ = 	snop  }
0xb3: {  	[tilespmem:s25], [sflag:$0x1] =	stream.indirect_vreg.gather [hbm4b:s3+s2], $0x80, v3, vm0, $0xb8;
	[tilespmem:$0x10100] =	vst v63  }
0xb4: {  	v3 =	vld [tilespmem:$0xE0];
	_ =	sdelay $0x4  }
0xb5: {  	v62 =	vshll.u32 v3, $0x1  }
0xb6: {  	v3 =	vand.u32 $0x7, v3;
	v4 =	vand.u32 $0xFFFFFFF0, v62  }
0xb7: {  	v3 =	vor.u32 v3, v4  }
0xb8: {  	v4 =	vperm.xlane v3, v0;
	_ =	sdelay $0x1  }
0xb9: {  	v3 =	vperm.xlane v3, v2;
	v4 =	vadd.s32 v1, v4;
	_ =	sdelay $0x1  }
0xba: {  	v3 =	vadd.s32 v1, v3;
	_ =	sdelay $0x2  }
0xbb: {  	[tilespmem:s26], [sflag:$0x1] =	stream.indirect_vreg.gather [hbm4b:s3+s2], $0x80, v4, vm0, $0xb8;
	[tilespmem:$0x10100] =	vst v63  }
0xbc: {  	_ = 	snop  }
0xbd: {  	[tilespmem:s28], [sflag:$0x1] =	stream.indirect_vreg.gather [hbm4b:s3+s2], $0x80, v3, vm0, $0xb8;
	[tilespmem:$0x10100] =	vst v63  }
0xbe: {  	v3 =	vld [tilespmem:$0xF0];
	_ =	sdelay $0x4  }
0xbf: {  	v63 =	vshll.u32 v3, $0x1  }
0xc0: {  	v3 =	vand.u32 $0x7, v3;
	v4 =	vand.u32 $0xFFFFFFF0, v63  }
0xc1: {  	v3 =	vor.u32 v3, v4  }
0xc2: {  	v4 =	vperm.xlane v3, v0;
	_ =	sdelay $0x1  }
0xc3: {  	v3 =	vperm.xlane v3, v2;
	v4 =	vadd.s32 v1, v4;
	_ =	sdelay $0x1  }
0xc4: {  	v3 =	vadd.s32 v1, v3;
	_ =	sdelay $0x2  }
0xc5: {  	[tilespmem:s29], [sflag:$0x1] =	stream.indirect_vreg.gather [hbm4b:s3+s2], $0x80, v4, vm0, $0xb8;
	[tilespmem:$0x10100] =	vst v63  }
0xc6: {  	_ = 	snop  }
0xc7: {  	[tilespmem:s30], [sflag:$0x1] =	stream.indirect_vreg.gather [hbm4b:s3+s2], $0x80, v3, vm0, $0xb8;
	[tilespmem:$0x10100] =	vst v63  }
0xc8: {  	_ =	swait.ge [sflag:s31], $0x8000  }
0xc9: {  	[sflag:s31] =	ssyncset.done $0x0  }
0xca: {  	s7 =	rddreg [dreg:$0x5];
	[sflag:s31] =	ssyncadd.s32 $0xFFFF8000  }
0xcb: {  	[hbm4b:s7+s2] =	stream.linear.scatter [tilespmem:s6], [sflag:$0x2], $0x8000, $0x38;
	[tilespmem:$0x10100] =	vst v63  }
0xcc: {  	_ =	swait.ge [sflag:s31], $0x8000  }
0xcd: {  	[sflag:s31] =	ssyncset.done $0x0  }
0xce: {  	s7 =	rddreg [dreg:$0x6];
	[sflag:s31] =	ssyncadd.s32 $0xFFFF8000  }
0xcf: {  	[hbm4b:s7+s2] =	stream.linear.scatter [tilespmem:s14], [sflag:$0x2], $0x8000, $0x38;
	[tilespmem:$0x10100] =	vst v63  }
0xd0: {  	p0 =	sne.s32 s4, $0x1;
	_ =	swait.ge [sflag:s0], $0x8000  }
.Ltmp0:
0xd1: {  	[sflag:s0] =	ssyncset.done $0x0;
	(pc) =	sbr.rel @p0 .LBB2_1-.Ltmp0, $4  }
0xd2: {  	[sflag:s0] =	ssyncadd.s32 $0xFFFF8000  }
0xd3: {  	_ =	swait.ge [sflag:s0], $0x8000  }
0xd4: {  	[sflag:s0] =	ssyncset.done $0x0  }
0xd5: {  	s4 =	sadd.s32 $0xFFFFFFFF, s4;
	[sflag:s0] =	ssyncadd.s32 $0xFFFF8000  }
0xd6: {  	_ =	sfence.sel $0x180000  }
0xd7: {  	[bflag:$0x0] =	sbarrier.arrive $0xFFFF  }
0xd8: {  	_ =	strace $0x9000005C  }
0xd9: {  	s0 =	stileid.u32;
	[bflag:$0x2] =	sbarrier.arrive $0xFFFF  }
0xda: {  	p0 =	sne.s32 s0, $0x0;
	s0 =	rddreg [dreg:$0x2]  }
0xdb: {  	s0 =	sadd.s32 @!p0 $0x100000, s0  }
0xdc: {  	[sflag:s0] =	ssyncadd.tile.s32 @!p0 $0x1;
	_ =	shalt  }
.Lfunc_end2:
_tile_overlayer_lowered:
.L_overlay_start_2:
0xdd: {  	(tag) =	ssettag $0x2  }
0xde: {  	s0 =	rddreg [dreg:$0x0];
	s2 =	stileid.u32  }
0xdf: {  	s1 =	rddreg [dreg:$0x1];
	p0 =	sne.s32 s2, $0x0  }
0xe0: {  	s3 =	rddreg [dreg:$0x2];
	[bflag:$0x3] =	sbarrier.arrive $0xFFFF;
	s2 =	simm.s32 @!p0 $0x1C03  }
0xe1: {  	[timem:s3], [sflag:s2] =	dma.local @!p0 [hbm:s0], s1  }
0xe2: {  	s0 =	simm.s32 @!p0 $0x3  }
0xe3: {  	_ =	swait.ge @!p0 [sflag:s0], s1  }
0xe4: {  	s1 =	ssub.s32 @!p0 $0x0, s1;
	[sflag:s0] =	ssyncset.done @!p0 $0x0  }
0xe5: {  	[sflag:s0] =	ssyncadd.s32 @!p0 s1  }
0xe6: {  	[bflag:$0x3] =	sbarrier.arrive $0xFFFF  }
0xe7: {  	_ =	shalt  }

// kernel: kernel.32.cloned.1.call-start
scs
__scs_entry_jumppad:
0x0: {  	(pc) =	sbr.rel $0x88, $3  }
0x1: {  	(tag) =	ssettag $0x0;
	lr =	simm.s32 $0x1  }
0x2: {  	[smem:$0x3F9F] =	sst lr;
	_ =	strace $0xD0000000  }
0x3: {  	_ = 	snop  }
0x4: {  	_ = 	snop  }
0x5: {  	_ = 	snop  }
0x6: {  	_ = 	snop  }
0x7: {  	_ = 	snop  }
__scs_overlays_trampoline_lowered:
0x8: {  	[smem:$0x3FAE] =	sst s0  }
0x9: {  	[smem:$0x3FAF] =	sst s1  }
0xa: {  	[smem:$0x3FB0] =	sst s2  }
0xb: {  	[smem:$0x3FB1] =	sst s3  }
0xc: {  	[smem:$0x3FB2] =	sst s4  }
0xd: {  	[smem:$0x3FB3] =	sst s5  }
0xe: {  	[smem:$0x3FB4] =	sst s6  }
0xf: {  	[smem:$0x3FB5] =	sst s7  }
0x10: {  	[smem:$0x3FB6] =	sst s8  }
0x11: {  	[smem:$0x3FB7] =	sst s9;
	s0 =	simm.s32 @!p0 $0x0  }
0x12: {  	s1 =	sld [smem:$0x3F9D];
	s0 =	simm.s32 @p0 $0x1  }
0x13: {  	[smem:$0x3FB8] =	sst s0;
	s0 =	simm.s32 @!p1 $0x0  }
0x14: {  	s2 =	sld [smem:$0x3F9C];
	s0 =	simm.s32 @p1 $0x1  }
0x15: {  	[smem:$0x3FB9] =	sst s0;
	s0 =	simm.s32 @!p2 $0x0  }
0x16: {  	s3 =	sld [smem:$0x3FDB];
	s0 =	simm.s32 @p2 $0x1  }
0x17: {  	s4 =	simm.s32 $0x1BF5;
	[smem:$0x3FBB] =	sst s0  }
0x18: {  	s0 =	sld [smem:$0x3F9E];
	_ =	swait.ge [sflag:s4], $0x0  }
0x19: {  	s7 =	sld [smem:$0x3F9F]  }
0x1a: {  	s8 =	sadd.s32 $0xFFFFE003, lr  }
0x1b: {  	s9 =	sadd.s32 $0xFFFFFEF7, lr;
	s5 =	simm.s32 $0xFFFFFFFF;
	p2 =	slt.u32 s8, $0xFFFFF086  }
0x1c: {  	p1 =	slt.u32 s9, $0xF7A;
	s5 =	simm.s32 @!p2 $0x0  }
0x1d: {  	s5 =	simm.s32 @p1 $0x1;
	p0 =	seq.s32 s7, s2  }
0x1e: {  	s7 =	smul.u32 @!p0 $0xF7A, s2;
	p2 =	seq.s32 @!p0 s5, $0x0  }
0x1f: {  	s9 =	smul.u32 $0xF7A, s1;
	s8 =	simm.s32 @!p0 $0x1BF5;
	p2 =	por !p2, p0  }
0x20: {  	[sflag:s8] =	ssyncset.s32 @!p0 $0xFFFFF086;
	s6 =	sadd.s32 @!p0 s3, s7;
	s7 =	simm.s32 @!p0 $0x108  }
0x21: {  	s3 =	sadd.s32 s3, s9;
	s6 =	sadd.s32 @!p0 $0x88, s6;
	s7 =	simm.s32 @p2 $0x1082  }
0x22: {  	[simem:s7], [sflag:s8] =	dma.local @!p0 [hbm:s6], $0xF7A  }
0x23: {  	s9 =	sor.u32 $0xD0000000, s2;
	s6 =	simm.s32 $0x108;
	_ =	swait.ge @!p0 [sflag:s8], $0x0  }
0x24: {  	s3 =	sadd.s32 $0x88, s3;
	s6 =	simm.s32 @!p1 $0x1082;
	[sflag:s4] =	ssyncset.s32 $0xFFFFF086  }
0x25: {  	[simem:s6], [sflag:s4] =	dma.local [hbm:s3], $0xF7A  }
0x26: {  	[smem:$0x3F9F] =	sst s1;
	(tag) =	ssettag s2;
	_ =	strace s9  }
0x27: {  	s1 =	sld [smem:$0x3FAF]  }
0x28: {  	s2 =	sld [smem:$0x3FB0]  }
0x29: {  	s4 =	sld [smem:$0x3FB2]  }
0x2a: {  	p0 =	seq.s32 s5, $0x0;
	s5 =	sld [smem:$0x3FB3]  }
0x2b: {  	s6 =	sld [smem:$0x3FB4]  }
0x2c: {  	s7 =	sld [smem:$0x3FB5]  }
0x2d: {  	s3 =	simm.s32 $0x108;
	s8 =	sld [smem:$0x3FB6]  }
0x2e: {  	s3 =	simm.s32 @!p0 $0x1082;
	s9 =	sld [smem:$0x3FB7]  }
0x2f: {  	lr =	sadd.s32 s0, s3;
	s0 =	sld [smem:$0x3FAE]  }
0x30: {  	s3 =	sld [smem:$0x3FB1]  }
0x31: {  	[smem:$0x3FBA] =	sst s10  }
0x32: {  	s10 =	sld [smem:$0x3FB8];
	_ =	sdelay $0x3  }
0x33: {  	p0 =	seq.s32 s10, $0x1;
	s10 =	sld [smem:$0x3FBA];
	_ =	sdelay $0x3  }
0x34: {  	[smem:$0x3FBA] =	sst s10  }
0x35: {  	s10 =	sld [smem:$0x3FB9];
	_ =	sdelay $0x3  }
0x36: {  	p1 =	seq.s32 s10, $0x1;
	s10 =	sld [smem:$0x3FBA];
	_ =	sdelay $0x3  }
0x37: {  	[smem:$0x3FBA] =	sst s10  }
0x38: {  	s10 =	sld [smem:$0x3FBB]  }
0x39: {  	_ = 	snop;
	(pc) =	sbr.ind lr, $3  }
0x3a: {  	_ = 	snop  }
0x3b: {  	_ = 	snop  }
0x3c: {  	p2 =	seq.s32 s10, $0x1;
	s10 =	sld [smem:$0x3FBA]  }
0x3d: {  	_ =	shalt  }
0x3e: {  	_ =	shalt  }
0x3f: {  	_ =	shalt  }
0x40: {  	_ =	shalt  }
0x41: {  	_ =	shalt  }
0x42: {  	_ =	shalt  }
0x43: {  	_ =	shalt  }
0x44: {  	_ =	shalt  }
0x45: {  	_ =	shalt  }
0x46: {  	_ =	shalt  }
0x47: {  	_ =	shalt  }
0x48: {  	_ =	shalt  }
0x49: {  	_ =	shalt  }
0x4a: {  	_ =	shalt  }
0x4b: {  	_ =	shalt  }
0x4c: {  	_ =	shalt  }
0x4d: {  	_ =	shalt  }
0x4e: {  	_ =	shalt  }
0x4f: {  	_ =	shalt  }
0x50: {  	_ =	shalt  }
0x51: {  	_ =	shalt  }
0x52: {  	_ =	shalt  }
0x53: {  	_ =	shalt  }
0x54: {  	_ =	shalt  }
0x55: {  	_ =	shalt  }
0x56: {  	_ =	shalt  }
0x57: {  	_ =	shalt  }
0x58: {  	_ =	shalt  }
0x59: {  	_ =	shalt  }
0x5a: {  	_ =	shalt  }
0x5b: {  	_ =	shalt  }
0x5c: {  	_ =	shalt  }
0x5d: {  	_ =	shalt  }
0x5e: {  	_ =	shalt  }
0x5f: {  	_ =	shalt  }
0x60: {  	_ =	shalt  }
0x61: {  	_ =	shalt  }
0x62: {  	_ =	shalt  }
0x63: {  	_ =	shalt  }
0x64: {  	_ =	shalt  }
0x65: {  	_ =	shalt  }
0x66: {  	_ =	shalt  }
0x67: {  	_ =	shalt  }
0x68: {  	_ =	shalt  }
0x69: {  	_ =	shalt  }
0x6a: {  	_ =	shalt  }
0x6b: {  	_ =	shalt  }
0x6c: {  	_ =	shalt  }
0x6d: {  	_ =	shalt  }
0x6e: {  	_ =	shalt  }
0x6f: {  	_ =	shalt  }
0x70: {  	_ =	shalt  }
0x71: {  	_ =	shalt  }
0x72: {  	_ =	shalt  }
0x73: {  	_ =	shalt  }
0x74: {  	_ =	shalt  }
0x75: {  	_ =	shalt  }
0x76: {  	_ =	shalt  }
0x77: {  	_ =	shalt  }
0x78: {  	_ =	shalt  }
0x79: {  	_ =	shalt  }
0x7a: {  	_ =	shalt  }
0x7b: {  	_ =	shalt  }
0x7c: {  	_ =	shalt  }
0x7d: {  	_ =	shalt  }
0x7e: {  	_ =	shalt  }
0x7f: {  	_ =	shalt  }
0x80: {  	_ =	shalt  }
0x81: {  	_ =	shalt  }
0x82: {  	_ =	shalt  }
0x83: {  	_ =	shalt  }
0x84: {  	_ =	shalt  }
0x85: {  	_ =	shalt  }
0x86: {  	_ =	shalt  }
0x87: {  	_ =	shalt  }
.Lfunc_end0:
.L_simem_size_0:
called_computation.4_lowered:
.L_overlay_start_0:
0x88: {  	s2 =	sld [smem:$0x3FD9]  }
0x89: {  	s3 =	sld [smem:$0x3FFE];
	_ =	sdelay $0x1  }
0x8a: {  	s1 =	srdreg.scid  }
0x8b: {  	s0 =	sand.u32 $0x1, s1  }
0x8c: {  	s14 =	sshll.u32 s0, $0xA;
	s2 =	sadd.s32 s3, s2  }
0x8d: {  	s2 =	sadd.s32 s2, s14  }
0x8e: {  	[smem:$0x3FC6] =	sst s2  }
0x8f: {  	_ = 	snop  }
0x90: {  	s2 =	sld [smem:$0x3FD0];
	_ =	sdelay $0x2  }
0x91: {  	s15 =	simm.s32 $0xB;
	s4 =	simm.s32 $0x10  }
0x92: {  	[smem:s4], [sflag:s15] =	dma.local [hbm:s2], $0x1  }
0x93: {  	_ =	swait.eq [sflag:s15], $0x1  }
0x94: {  	[sflag:s15] =	ssyncset.done $0x0  }
0x95: {  	s16 =	sld [smem:$0x10];
	[sflag:s15] =	ssyncadd.s32 $0xFFFFFFFF  }
0x96: {  	s17 =	sld [smem:$0x11];
	(tm) =	ssettm $0x1  }
0x97: {  	s18 =	sld [smem:$0x3FFB];
	_ =	sdelay $0x3  }
0x98: {  	_ =	strace s18  }
0x99: {  	s4 =	sld [smem:$0x3FFC];
	_ =	sdelay $0x3  }
0x9a: {  	_ =	strace s4  }
0x9b: {  	s4 =	sld [smem:$0x3FFD];
	_ =	sdelay $0x3  }
0x9c: {  	_ =	strace s4  }
0x9d: {  	_ =	strace $0x8FFFFFFF  }
0x9e: {  	s19 =	sld [smem:$0x3FDB];
	_ =	sdelay $0x1  }
0x9f: {  	s5 =	simm.s32 $_scs_section_size  }
0xa0: {  	s6 =	simm.s32 $_size__tile_overlayer_lowered;
	s7 =	simm.s32 $_tile_overlayer_lowered  }
0xa1: {  	s22 =	simm.s32 $0x1BFF;
	s21 =	sshll.u32 s7, $0x1;
	s4 =	sadd.s32 s5, s19  }
0xa2: {  	s8 =	simm.s32 $0x0;
	s20 =	sshll.u32 s6, $0x1;
	s6 =	sadd.s32 s21, s4  }
0xa3: {  	[timem:s8], [sflag:s22] =	dma.local [hbm:s6], s20  }
0xa4: {  	_ =	swait.ge [sflag:s22], s20  }
0xa5: {  	s5 =	ssub.s32 $0x0, s20;
	[sflag:s22] =	ssyncset.done $0x0  }
0xa6: {  	[sflag:s22] =	ssyncadd.s32 s5;
	_ =	sdelay $0x1  }
0xa7: {  	s23 =	simm.s32 $0x1B8B  }
0xa8: {  	_ =	swait.ge [sflag:s23], $0x1  }
0xa9: {  	[sflag:s23] =	ssyncset.done $0x0  }
0xaa: {  	s25 =	simm.s32 $0x1B8E;
	s24 =	sld [smem:$0x3FFE];
	[sflag:s23] =	ssyncadd.s32 $0xFFFFFFFF  }
0xab: {  	s26 =	simm.s32 $execute0_lowered;
	[smem:$0x3FD2] =	sst s25  }
0xac: {  	s6 =	sshll.u32 s26, $0x1;
	_ =	strace $0x80000046;
	[dreg:$0x1] =	wrdreg $0xFFFFFFFF  }
0xad: {  	s28 =	simm.s32 $_size_execute0_lowered;
	s4 =	sadd.s32 s4, s6;
	[dreg:$0x0] =	wrdreg $0x0  }
0xae: {  	s6 =	sshll.u32 s28, $0x1;
	[dreg:$0x2] =	wrdreg s4  }
0xaf: {  	[dreg:$0x3] =	wrdreg s6  }
0xb0: {  	[dreg:$0x4] =	wrdreg $0xC0  }
0xb1: {  	_ =	task [dreg:s8], $0x5FFFF  }
0xb2: {  	[dreg:$0x1] =	wrdreg $0xFFFFFFFF  }
0xb3: {  	[dreg:$0x0] =	wrdreg $0x60  }
0xb4: {  	[dreg:$0x2] =	wrdreg s16  }
0xb5: {  	[dreg:$0x3] =	wrdreg s17  }
0xb6: {  	[dreg:$0x4] =	wrdreg s24  }
0xb7: {  	[dreg:$0x5] =	wrdreg $0xA  }
0xb8: {  	_ =	task.clear_ibuf [dreg:s8], $0x6FFFF;
	_ =	strace $0x90000046  }
0xb9: {  	s29 =	simm.s32 $0xA;
	_ =	strace $0x80000048  }
0xba: {  	_ =	swait.ge [sflag:s29], $0x1  }
0xbb: {  	[sflag:s29] =	ssyncadd.s32 $0xFFFFFFFF  }
0xbc: {  	_ =	strace $0x90000048  }
0xbd: {  	_ =	sfence  }
0xbe: {  	s30 =	sld [smem:$0x0];
	_ =	sdelay $0x2  }
0xbf: {  	s31 =	sshll.u32 s1, $0xD;
	s1 =	sshrl.u32 s1, $0x2  }
0xc0: {  	s3 =	sand.u32 $0x4000, s31;
	s1 =	sadd.s32 s1, s30  }
0xc1: {  	s0 =	sor.u32 s3, s0;
	s1 =	sshll.u32 s1, $0x11  }
0xc2: {  	s0 =	sor.u32 s1, s0  }
0xc3: {  	s0 =	sadd.s32 $0x8F2B, s0  }
0xc4: {  	[sflag:s0] =	ssyncadd.remote.s32 $0x1  }
0xc5: {  	_ =	sfence.sel $0xFFFF  }
0xc6: {  	[dreg:$0x0] =	wrdreg $0xFFFFFFFF;
	(pc) =	sbr.abs _section_cstart, $3  }
0xc7: {  	[dreg:$0x1] =	wrdreg $0xFFFFFFFF  }
0xc8: {  	_ =	task.clear_ibuf [dreg:s8], $0x2FFFF;
	_ =	strace $0x9FFFFFFF  }
0xc9: {  	(tm) =	ssettm $0x7FFFFFFF  }
tec
execute0_lowered:
.L_overlay_start_1:
0x0: {  	(tag) =	ssettag $0x1  }
0x1: {  	s1 =	rddreg [dreg:$0x0]  }
0x2: {  	s0 =	rddreg [dreg:$0x1]  }
0x3: {  	s4 =	rddreg [dreg:$0x2]  }
0x4: {  	s3 =	srdreg.scid;
	s2 =	stileid.u32  }
0x5: {  	s17 =	simm.s32 $0x80;
	s18 =	simm.s32 $0x900;
	s19 =	simm.s32 $0x1100  }
0x6: {  	s20 =	simm.s32 $0x1900;
	s5 =	sand.u32 $0x1, s3;
	s3 =	simm.s32 $0x0  }
0x7: {  	s22 =	simm.s32 $0x2100;
	s23 =	simm.s32 $0x2900;
	[smem:$0x7FF] =	sst s3  }
0x8: {  	s24 =	simm.s32 $0x3100;
	_ =	strace $0x80000047;
	[dreg:$0x8] =	wrdreg s17  }
0x9: {  	s25 =	simm.s32 $0x3900;
	s26 =	simm.s32 $0x4100;
	[dreg:$0x9] =	wrdreg s18  }
0xa: {  	s10 =	simm.s32 $0x6100;
	s11 =	simm.s32 $0x6900;
	[dreg:$0xa] =	wrdreg s19  }
0xb: {  	s12 =	simm.s32 $0x7100;
	s13 =	simm.s32 $0x7900;
	[dreg:$0xb] =	wrdreg s20  }
0xc: {  	s28 =	simm.s32 $0xE900;
	s29 =	simm.s32 $0xF100;
	[dreg:$0xc] =	wrdreg s22  }
0xd: {  	s30 =	simm.s32 $0xF900;
	s31 =	simm.s32 $0x1;
	[dreg:$0xd] =	wrdreg s23  }
0xe: {  	s6 =	sshll.u32 s2, $0x9;
	s4 =	sadd.s32 $0x18800, s4;
	[dreg:$0xe] =	wrdreg s24  }
0xf: {  	s7 =	sshll.u32 s5, $0x8;
	s21 =	ssub.s32 $0x2, s5;
	[dreg:$0xf] =	wrdreg s25  }
0x10: {  	s6 =	sor.u32 s7, s6;
	s5 =	sshrl.u32 s21, $0x1;
	[dreg:$0x10] =	wrdreg s26  }
0x11: {  	s17 =	simm.s32 $0x9900;
	s18 =	simm.s32 $0xA100;
	s19 =	simm.s32 $0xA900  }
0x12: {  	s20 =	simm.s32 $0xB100;
	s22 =	simm.s32 $0xC100;
	s23 =	simm.s32 $0xC900  }
0x13: {  	s24 =	simm.s32 $0xD100;
	s25 =	simm.s32 $0xD900;
	s26 =	simm.s32 $0xE100  }
0x14: {  	s7 =	sor.u32 $0x80, s6;
	s8 =	sshrl.u32 s6, $0x3;
	s6 =	sshll.u32 s6, $0x5  }
0x15: {  	s8 =	sadd.s32 s0, s8;
	s9 =	sshrl.u32 s7, $0x3;
	s14 =	sadd.s32 s4, s6  }
0x16: {  	s15 =	sshll.u32 s7, $0x5;
	s6 =	simm.s32 $0x100;
	[dreg:$0x4] =	wrdreg s8  }
0x17: {  	s0 =	sadd.s32 s0, s9;
	[dreg:$0x6] =	wrdreg s14;
	s16 =	sadd.s32 s4, s15  }
0x18: {  	s4 =	ssub.s32 s21, s5;
	s5 =	simm.s32 $0x3;
	s8 =	simm.s32 $0x5100  }
0x19: {  	v2 =	vlaneseq.u32;
	s9 =	simm.s32 $0x5900;
	s14 =	simm.s32 $0x8100;
	[dreg:$0x5] =	wrdreg s0  }
0x1a: {  	vm0 =	vmmov $0xffff;
	v1 =	vshrl.u32 v2, $0x3;
	s15 =	simm.s32 $0x8900;
	s21 =	simm.s32 $0xB900;
	[dreg:$0x7] =	wrdreg s16  }
0x1b: {  	v0 =	vand.u32 $0x7, v2;
	v2 =	vor.u32 $0x8, v2;
	v1 =	vmul.u32 $0x8, v1;
	s4 =	smax.u32 s4, $0x1;
	s16 =	simm.s32 $0x9100;
	s0 =	simm.s32 $0x2  }
.LBB2_1:
0x1c: {  	s2 =	rddreg [dreg:$0x4]  }
0x1d: {  	[tilespmem:s3], [sflag:$0x3] =	stream.linear.gather [hbm4b:s2+s3], $0x80, $0x38;
	[tilespmem:$0x10100] =	vst v63  }
0x1e: {  	_ =	swait.ge [sflag:s5], $0x80  }
0x1f: {  	s2 =	rddreg [dreg:$0x5];
	[sflag:s5] =	ssyncset.done $0x0  }
0x20: {  	s7 =	rddreg [dreg:$0x8];
	[sflag:s5] =	ssyncadd.s32 $0xFFFFFF80  }
0x21: {  	[tilespmem:s7], [sflag:$0x3] =	stream.linear.gather [hbm4b:s2+s3], $0x80, $0x38;
	[tilespmem:$0x10100] =	vst v63  }
0x22: {  	_ =	swait.ge [sflag:s5], $0x80  }
0x23: {  	[sflag:s5] =	ssyncset.done $0x0  }
0x24: {  	[sflag:s5] =	ssyncadd.s32 $0xFFFFFF80  }
0x25: {  	v3 =	vld [tilespmem:$0x0];
	_ =	sdelay $0x4  }
0x26: {  	v4 =	vshll.u32 v3, $0x1  }
0x27: {  	v3 =	vand.u32 $0x7, v3;
	v4 =	vand.u32 $0xFFFFFFF0, v4  }
0x28: {  	v3 =	vor.u32 v3, v4  }
0x29: {  	v4 =	vperm.xlane v3, v0;
	_ =	sdelay $0x1  }
0x2a: {  	v3 =	vperm.xlane v3, v2;
	v4 =	vadd.s32 v1, v4;
	_ =	sdelay $0x1  }
0x2b: {  	v3 =	vadd.s32 v1, v3;
	_ =	sdelay $0x2  }
0x2c: {  	[tilespmem:s6], [sflag:$0x1] =	stream.indirect_vreg.gather [hbm4b:s1+s3], $0x80, v4, vm0, $0xb8;
	[tilespmem:$0x10100] =	vst v63  }
0x2d: {  	s7 =	rddreg [dreg:$0x9]  }
0x2e: {  	[tilespmem:s7], [sflag:$0x1] =	stream.indirect_vreg.gather [hbm4b:s1+s3], $0x80, v3, vm0, $0xb8;
	[tilespmem:$0x10100] =	vst v63  }
0x2f: {  	v3 =	vld [tilespmem:$0x10];
	_ =	sdelay $0x4  }
0x30: {  	v49 =	vshll.u32 v3, $0x1  }
0x31: {  	v3 =	vand.u32 $0x7, v3;
	v4 =	vand.u32 $0xFFFFFFF0, v49  }
0x32: {  	v3 =	vor.u32 v3, v4  }
0x33: {  	v4 =	vperm.xlane v3, v0;
	_ =	sdelay $0x1  }
0x34: {  	v3 =	vperm.xlane v3, v2;
	v4 =	vadd.s32 v1, v4;
	_ =	sdelay $0x1  }
0x35: {  	v3 =	vadd.s32 v1, v3;
	_ =	sdelay $0x1  }
0x36: {  	s2 =	rddreg [dreg:$0xa]  }
0x37: {  	[tilespmem:s2], [sflag:$0x1] =	stream.indirect_vreg.gather [hbm4b:s1+s3], $0x80, v4, vm0, $0xb8;
	[tilespmem:$0x10100] =	vst v63  }
0x38: {  	s7 =	rddreg [dreg:$0xb]  }
0x39: {  	[tilespmem:s7], [sflag:$0x1] =	stream.indirect_vreg.gather [hbm4b:s1+s3], $0x80, v3, vm0, $0xb8;
	[tilespmem:$0x10100] =	vst v63  }
0x3a: {  	v3 =	vld [tilespmem:$0x20];
	_ =	sdelay $0x4  }
0x3b: {  	v50 =	vshll.u32 v3, $0x1  }
0x3c: {  	v3 =	vand.u32 $0x7, v3;
	v4 =	vand.u32 $0xFFFFFFF0, v50  }
0x3d: {  	v3 =	vor.u32 v3, v4  }
0x3e: {  	v4 =	vperm.xlane v3, v0;
	_ =	sdelay $0x1  }
0x3f: {  	v3 =	vperm.xlane v3, v2;
	v4 =	vadd.s32 v1, v4;
	_ =	sdelay $0x1  }
0x40: {  	v3 =	vadd.s32 v1, v3;
	_ =	sdelay $0x1  }
0x41: {  	s2 =	rddreg [dreg:$0xc]  }
0x42: {  	[tilespmem:s2], [sflag:$0x1] =	stream.indirect_vreg.gather [hbm4b:s1+s3], $0x80, v4, vm0, $0xb8;
	[tilespmem:$0x10100] =	vst v63  }
0x43: {  	s7 =	rddreg [dreg:$0xd]  }
0x44: {  	[tilespmem:s7], [sflag:$0x1] =	stream.indirect_vreg.gather [hbm4b:s1+s3], $0x80, v3, vm0, $0xb8;
	[tilespmem:$0x10100] =	vst v63  }
0x45: {  	v3 =	vld [tilespmem:$0x30];
	_ =	sdelay $0x4  }
0x46: {  	v51 =	vshll.u32 v3, $0x1  }
0x47: {  	v3 =	vand.u32 $0x7, v3;
	v4 =	vand.u32 $0xFFFFFFF0, v51  }
0x48: {  	v3 =	vor.u32 v3, v4  }
0x49: {  	v4 =	vperm.xlane v3, v0;
	_ =	sdelay $0x1  }
0x4a: {  	v3 =	vperm.xlane v3, v2;
	v4 =	vadd.s32 v1, v4;
	_ =	sdelay $0x1  }
0x4b: {  	v3 =	vadd.s32 v1, v3;
	_ =	sdelay $0x1  }
0x4c: {  	s2 =	rddreg [dreg:$0xe]  }
0x4d: {  	[tilespmem:s2], [sflag:$0x1] =	stream.indirect_vreg.gather [hbm4b:s1+s3], $0x80, v4, vm0, $0xb8;
	[tilespmem:$0x10100] =	vst v63  }
0x4e: {  	s7 =	rddreg [dreg:$0xf]  }
0x4f: {  	[tilespmem:s7], [sflag:$0x1] =	stream.indirect_vreg.gather [hbm4b:s1+s3], $0x80, v3, vm0, $0xb8;
	[tilespmem:$0x10100] =	vst v63  }
0x50: {  	v3 =	vld [tilespmem:$0x40];
	_ =	sdelay $0x4  }
0x51: {  	v52 =	vshll.u32 v3, $0x1  }
0x52: {  	v3 =	vand.u32 $0x7, v3;
	v4 =	vand.u32 $0xFFFFFFF0, v52  }
0x53: {  	v3 =	vor.u32 v3, v4  }
0x54: {  	v4 =	vperm.xlane v3, v0;
	_ =	sdelay $0x1  }
0x55: {  	v3 =	vperm.xlane v3, v2;
	v4 =	vadd.s32 v1, v4;
	_ =	sdelay $0x1  }
0x56: {  	v3 =	vadd.s32 v1, v3;
	_ =	sdelay $0x1  }
0x57: {  	s7 =	rddreg [dreg:$0x10]  }
0x58: {  	[tilespmem:s7], [sflag:$0x1] =	stream.indirect_vreg.gather [hbm4b:s1+s3], $0x80, v4, vm0, $0xb8;
	[tilespmem:$0x10100] =	vst v63  }
0x59: {  	s7 =	simm.s32 $0x4900  }
0x5a: {  	[tilespmem:s7], [sflag:$0x1] =	stream.indirect_vreg.gather [hbm4b:s1+s3], $0x80, v3, vm0, $0xb8;
	[tilespmem:$0x10100] =	vst v63  }
0x5b: {  	v3 =	vld [tilespmem:$0x50];
	_ =	sdelay $0x4  }
0x5c: {  	v53 =	vshll.u32 v3, $0x1  }
0x5d: {  	v3 =	vand.u32 $0x7, v3;
	v4 =	vand.u32 $0xFFFFFFF0, v53  }
0x5e: {  	v3 =	vor.u32 v3, v4  }
0x5f: {  	v4 =	vperm.xlane v3, v0;
	_ =	sdelay $0x1  }
0x60: {  	v3 =	vperm.xlane v3, v2;
	v4 =	vadd.s32 v1, v4;
	_ =	sdelay $0x1  }
0x61: {  	v3 =	vadd.s32 v1, v3;
	_ =	sdelay $0x2  }
0x62: {  	[tilespmem:s8], [sflag:$0x1] =	stream.indirect_vreg.gather [hbm4b:s1+s3], $0x80, v4, vm0, $0xb8;
	[tilespmem:$0x10100] =	vst v63  }
0x63: {  	_ = 	snop  }
0x64: {  	[tilespmem:s9], [sflag:$0x1] =	stream.indirect_vreg.gather [hbm4b:s1+s3], $0x80, v3, vm0, $0xb8;
	[tilespmem:$0x10100] =	vst v63  }
0x65: {  	v3 =	vld [tilespmem:$0x60];
	_ =	sdelay $0x4  }
0x66: {  	v54 =	vshll.u32 v3, $0x1  }
0x67: {  	v3 =	vand.u32 $0x7, v3;
	v4 =	vand.u32 $0xFFFFFFF0, v54  }
0x68: {  	v3 =	vor.u32 v3, v4  }
0x69: {  	v4 =	vperm.xlane v3, v0;
	_ =	sdelay $0x1  }
0x6a: {  	v3 =	vperm.xlane v3, v2;
	v4 =	vadd.s32 v1, v4;
	_ =	sdelay $0x1  }
0x6b: {  	v3 =	vadd.s32 v1, v3;
	_ =	sdelay $0x2  }
0x6c: {  	[tilespmem:s10], [sflag:$0x1] =	stream.indirect_vreg.gather [hbm4b:s1+s3], $0x80, v4, vm0, $0xb8;
	[tilespmem:$0x10100] =	vst v63  }
0x6d: {  	_ = 	snop  }
0x6e: {  	[tilespmem:s11], [sflag:$0x1] =	stream.indirect_vreg.gather [hbm4b:s1+s3], $0x80, v3, vm0, $0xb8;
	[tilespmem:$0x10100] =	vst v63  }
0x6f: {  	v3 =	vld [tilespmem:$0x70];
	_ =	sdelay $0x4  }
0x70: {  	v55 =	vshll.u32 v3, $0x1  }
0x71: {  	v3 =	vand.u32 $0x7, v3;
	v4 =	vand.u32 $0xFFFFFFF0, v55  }
0x72: {  	v3 =	vor.u32 v3, v4  }
0x73: {  	v4 =	vperm.xlane v3, v0;
	_ =	sdelay $0x1  }
0x74: {  	v3 =	vperm.xlane v3, v2;
	v4 =	vadd.s32 v1, v4;
	_ =	sdelay $0x1  }
0x75: {  	v3 =	vadd.s32 v1, v3;
	_ =	sdelay $0x2  }
0x76: {  	[tilespmem:s12], [sflag:$0x1] =	stream.indirect_vreg.gather [hbm4b:s1+s3], $0x80, v4, vm0, $0xb8;
	[tilespmem:$0x10100] =	vst v63  }
0x77: {  	_ = 	snop  }
0x78: {  	[tilespmem:s13], [sflag:$0x1] =	stream.indirect_vreg.gather [hbm4b:s1+s3], $0x80, v3, vm0, $0xb8;
	[tilespmem:$0x10100] =	vst v63  }
0x79: {  	v3 =	vld [tilespmem:$0x80];
	_ =	sdelay $0x4  }
0x7a: {  	v56 =	vshll.u32 v3, $0x1  }
0x7b: {  	v3 =	vand.u32 $0x7, v3;
	v4 =	vand.u32 $0xFFFFFFF0, v56  }
0x7c: {  	v3 =	vor.u32 v3, v4  }
0x7d: {  	v4 =	vperm.xlane v3, v0;
	_ =	sdelay $0x1  }
0x7e: {  	v3 =	vperm.xlane v3, v2;
	v4 =	vadd.s32 v1, v4;
	_ =	sdelay $0x1  }
0x7f: {  	v3 =	vadd.s32 v1, v3;
	_ =	sdelay $0x2  }
0x80: {  	[tilespmem:s14], [sflag:$0x1] =	stream.indirect_vreg.gather [hbm4b:s1+s3], $0x80, v4, vm0, $0xb8;
	[tilespmem:$0x10100] =	vst v63  }
0x81: {  	_ = 	snop  }
0x82: {  	[tilespmem:s15], [sflag:$0x1] =	stream.indirect_vreg.gather [hbm4b:s1+s3], $0x80, v3, vm0, $0xb8;
	[tilespmem:$0x10100] =	vst v63  }
0x83: {  	v3 =	vld [tilespmem:$0x90];
	_ =	sdelay $0x4  }
0x84: {  	v57 =	vshll.u32 v3, $0x1  }
0x85: {  	v3 =	vand.u32 $0x7, v3;
	v4 =	vand.u32 $0xFFFFFFF0, v57  }
0x86: {  	v3 =	vor.u32 v3, v4  }
0x87: {  	v4 =	vperm.xlane v3, v0;
	_ =	sdelay $0x1  }
0x88: {  	v3 =	vperm.xlane v3, v2;
	v4 =	vadd.s32 v1, v4;
	_ =	sdelay $0x1  }
0x89: {  	v3 =	vadd.s32 v1, v3;
	_ =	sdelay $0x2  }
0x8a: {  	[tilespmem:s16], [sflag:$0x1] =	stream.indirect_vreg.gather [hbm4b:s1+s3], $0x80, v4, vm0, $0xb8;
	[tilespmem:$0x10100] =	vst v63  }
0x8b: {  	_ = 	snop  }
0x8c: {  	[tilespmem:s17], [sflag:$0x1] =	stream.indirect_vreg.gather [hbm4b:s1+s3], $0x80, v3, vm0, $0xb8;
	[tilespmem:$0x10100] =	vst v63  }
0x8d: {  	v3 =	vld [tilespmem:$0xA0];
	_ =	sdelay $0x4  }
0x8e: {  	v58 =	vshll.u32 v3, $0x1  }
0x8f: {  	v3 =	vand.u32 $0x7, v3;
	v4 =	vand.u32 $0xFFFFFFF0, v58  }
0x90: {  	v3 =	vor.u32 v3, v4  }
0x91: {  	v4 =	vperm.xlane v3, v0;
	_ =	sdelay $0x1  }
0x92: {  	v3 =	vperm.xlane v3, v2;
	v4 =	vadd.s32 v1, v4;
	_ =	sdelay $0x1  }
0x93: {  	v3 =	vadd.s32 v1, v3;
	_ =	sdelay $0x2  }
0x94: {  	[tilespmem:s18], [sflag:$0x1] =	stream.indirect_vreg.gather [hbm4b:s1+s3], $0x80, v4, vm0, $0xb8;
	[tilespmem:$0x10100] =	vst v63  }
0x95: {  	_ = 	snop  }
0x96: {  	[tilespmem:s19], [sflag:$0x1] =	stream.indirect_vreg.gather [hbm4b:s1+s3], $0x80, v3, vm0, $0xb8;
	[tilespmem:$0x10100] =	vst v63  }
0x97: {  	v3 =	vld [tilespmem:$0xB0];
	_ =	sdelay $0x4  }
0x98: {  	v59 =	vshll.u32 v3, $0x1  }
0x99: {  	v3 =	vand.u32 $0x7, v3;
	v4 =	vand.u32 $0xFFFFFFF0, v59  }
0x9a: {  	v3 =	vor.u32 v3, v4  }
0x9b: {  	v4 =	vperm.xlane v3, v0;
	_ =	sdelay $0x1  }
0x9c: {  	v3 =	vperm.xlane v3, v2;
	v4 =	vadd.s32 v1, v4;
	_ =	sdelay $0x1  }
0x9d: {  	v3 =	vadd.s32 v1, v3;
	_ =	sdelay $0x2  }
0x9e: {  	[tilespmem:s20], [sflag:$0x1] =	stream.indirect_vreg.gather [hbm4b:s1+s3], $0x80, v4, vm0, $0xb8;
	[tilespmem:$0x10100] =	vst v63  }
0x9f: {  	_ = 	snop  }
0xa0: {  	[tilespmem:s21], [sflag:$0x1] =	stream.indirect_vreg.gather [hbm4b:s1+s3], $0x80, v3, vm0, $0xb8;
	[tilespmem:$0x10100] =	vst v63  }
0xa1: {  	v3 =	vld [tilespmem:$0xC0];
	_ =	sdelay $0x4  }
0xa2: {  	v60 =	vshll.u32 v3, $0x1  }
0xa3: {  	v3 =	vand.u32 $0x7, v3;
	v4 =	vand.u32 $0xFFFFFFF0, v60  }
0xa4: {  	v3 =	vor.u32 v3, v4  }
0xa5: {  	v4 =	vperm.xlane v3, v0;
	_ =	sdelay $0x1  }
0xa6: {  	v3 =	vperm.xlane v3, v2;
	v4 =	vadd.s32 v1, v4;
	_ =	sdelay $0x1  }
0xa7: {  	v3 =	vadd.s32 v1, v3;
	_ =	sdelay $0x2  }
0xa8: {  	[tilespmem:s22], [sflag:$0x1] =	stream.indirect_vreg.gather [hbm4b:s1+s3], $0x80, v4, vm0, $0xb8;
	[tilespmem:$0x10100] =	vst v63  }
0xa9: {  	_ = 	snop  }
0xaa: {  	[tilespmem:s23], [sflag:$0x1] =	stream.indirect_vreg.gather [hbm4b:s1+s3], $0x80, v3, vm0, $0xb8;
	[tilespmem:$0x10100] =	vst v63  }
0xab: {  	v3 =	vld [tilespmem:$0xD0];
	_ =	sdelay $0x4  }
0xac: {  	v61 =	vshll.u32 v3, $0x1  }
0xad: {  	v3 =	vand.u32 $0x7, v3;
	v4 =	vand.u32 $0xFFFFFFF0, v61  }
0xae: {  	v3 =	vor.u32 v3, v4  }
0xaf: {  	v4 =	vperm.xlane v3, v0;
	_ =	sdelay $0x1  }
0xb0: {  	v3 =	vperm.xlane v3, v2;
	v4 =	vadd.s32 v1, v4;
	_ =	sdelay $0x1  }
0xb1: {  	v3 =	vadd.s32 v1, v3;
	_ =	sdelay $0x2  }
0xb2: {  	[tilespmem:s24], [sflag:$0x1] =	stream.indirect_vreg.gather [hbm4b:s1+s3], $0x80, v4, vm0, $0xb8;
	[tilespmem:$0x10100] =	vst v63  }
0xb3: {  	_ = 	snop  }
0xb4: {  	[tilespmem:s25], [sflag:$0x1] =	stream.indirect_vreg.gather [hbm4b:s1+s3], $0x80, v3, vm0, $0xb8;
	[tilespmem:$0x10100] =	vst v63  }
0xb5: {  	v3 =	vld [tilespmem:$0xE0];
	_ =	sdelay $0x4  }
0xb6: {  	v62 =	vshll.u32 v3, $0x1  }
0xb7: {  	v3 =	vand.u32 $0x7, v3;
	v4 =	vand.u32 $0xFFFFFFF0, v62  }
0xb8: {  	v3 =	vor.u32 v3, v4  }
0xb9: {  	v4 =	vperm.xlane v3, v0;
	_ =	sdelay $0x1  }
0xba: {  	v3 =	vperm.xlane v3, v2;
	v4 =	vadd.s32 v1, v4;
	_ =	sdelay $0x1  }
0xbb: {  	v3 =	vadd.s32 v1, v3;
	_ =	sdelay $0x2  }
0xbc: {  	[tilespmem:s26], [sflag:$0x1] =	stream.indirect_vreg.gather [hbm4b:s1+s3], $0x80, v4, vm0, $0xb8;
	[tilespmem:$0x10100] =	vst v63  }
0xbd: {  	_ = 	snop  }
0xbe: {  	[tilespmem:s28], [sflag:$0x1] =	stream.indirect_vreg.gather [hbm4b:s1+s3], $0x80, v3, vm0, $0xb8;
	[tilespmem:$0x10100] =	vst v63  }
0xbf: {  	v3 =	vld [tilespmem:$0xF0];
	_ =	sdelay $0x4  }
0xc0: {  	v63 =	vshll.u32 v3, $0x1  }
0xc1: {  	v3 =	vand.u32 $0x7, v3;
	v4 =	vand.u32 $0xFFFFFFF0, v63  }
0xc2: {  	v3 =	vor.u32 v3, v4  }
0xc3: {  	v4 =	vperm.xlane v3, v0;
	_ =	sdelay $0x1  }
0xc4: {  	v3 =	vperm.xlane v3, v2;
	v4 =	vadd.s32 v1, v4;
	_ =	sdelay $0x1  }
0xc5: {  	v3 =	vadd.s32 v1, v3;
	_ =	sdelay $0x2  }
0xc6: {  	[tilespmem:s29], [sflag:$0x1] =	stream.indirect_vreg.gather [hbm4b:s1+s3], $0x80, v4, vm0, $0xb8;
	[tilespmem:$0x10100] =	vst v63  }
0xc7: {  	_ = 	snop  }
0xc8: {  	[tilespmem:s30], [sflag:$0x1] =	stream.indirect_vreg.gather [hbm4b:s1+s3], $0x80, v3, vm0, $0xb8;
	[tilespmem:$0x10100] =	vst v63  }
0xc9: {  	_ =	swait.ge [sflag:s31], $0x8000  }
0xca: {  	[sflag:s31] =	ssyncset.done $0x0  }
0xcb: {  	s7 =	rddreg [dreg:$0x6];
	[sflag:s31] =	ssyncadd.s32 $0xFFFF8000  }
0xcc: {  	[hbm4b:s7+s3] =	stream.linear.scatter [tilespmem:s6], [sflag:$0x2], $0x8000, $0x38;
	[tilespmem:$0x10100] =	vst v63  }
0xcd: {  	_ =	swait.ge [sflag:s31], $0x8000  }
0xce: {  	[sflag:s31] =	ssyncset.done $0x0  }
0xcf: {  	s7 =	rddreg [dreg:$0x7];
	[sflag:s31] =	ssyncadd.s32 $0xFFFF8000  }
0xd0: {  	[hbm4b:s7+s3] =	stream.linear.scatter [tilespmem:s14], [sflag:$0x2], $0x8000, $0x38;
	[tilespmem:$0x10100] =	vst v63  }
0xd1: {  	p0 =	sne.s32 s4, $0x1;
	_ =	swait.ge [sflag:s0], $0x8000  }
.Ltmp0:
0xd2: {  	[sflag:s0] =	ssyncset.done $0x0;
	(pc) =	sbr.rel @p0 .LBB2_1-.Ltmp0, $4  }
0xd3: {  	[sflag:s0] =	ssyncadd.s32 $0xFFFF8000  }
0xd4: {  	_ =	swait.ge [sflag:s0], $0x8000  }
0xd5: {  	[sflag:s0] =	ssyncset.done $0x0  }
0xd6: {  	s4 =	sadd.s32 $0xFFFFFFFF, s4;
	[sflag:s0] =	ssyncadd.s32 $0xFFFF8000  }
0xd7: {  	_ =	sfence.sel $0x180000  }
0xd8: {  	[bflag:$0x0] =	sbarrier.arrive $0xFFFF  }
0xd9: {  	_ =	strace $0x90000047  }
0xda: {  	s0 =	stileid.u32;
	[bflag:$0x2] =	sbarrier.arrive $0xFFFF  }
0xdb: {  	p0 =	sne.s32 s0, $0x0;
	s0 =	rddreg [dreg:$0x3]  }
0xdc: {  	s0 =	sadd.s32 @!p0 $0x100000, s0  }
0xdd: {  	[sflag:s0] =	ssyncadd.tile.s32 @!p0 $0x1;
	_ =	shalt  }
.Lfunc_end2:
_tile_overlayer_lowered:
.L_overlay_start_2:
0xde: {  	(tag) =	ssettag $0x2  }
0xdf: {  	s0 =	rddreg [dreg:$0x0];
	s2 =	stileid.u32  }
0xe0: {  	s1 =	rddreg [dreg:$0x1];
	p0 =	sne.s32 s2, $0x0  }
0xe1: {  	s3 =	rddreg [dreg:$0x2];
	[bflag:$0x3] =	sbarrier.arrive $0xFFFF;
	s2 =	simm.s32 @!p0 $0x1C03  }
0xe2: {  	[timem:s3], [sflag:s2] =	dma.local @!p0 [hbm:s0], s1  }
0xe3: {  	s0 =	simm.s32 @!p0 $0x3  }
0xe4: {  	_ =	swait.ge @!p0 [sflag:s0], s1  }
0xe5: {  	s1 =	ssub.s32 @!p0 $0x0, s1;
	[sflag:s0] =	ssyncset.done @!p0 $0x0  }
0xe6: {  	[sflag:s0] =	ssyncadd.s32 @!p0 s1  }
0xe7: {  	[bflag:$0x3] =	sbarrier.arrive $0xFFFF  }
0xe8: {  	_ =	shalt  }

// kernel: kernel.35.cloned.1.call-start
scs
__scs_entry_jumppad:
0x0: {  	(pc) =	sbr.rel $0x88, $3  }
0x1: {  	(tag) =	ssettag $0x0;
	lr =	simm.s32 $0x1  }
0x2: {  	[smem:$0x3F9F] =	sst lr;
	_ =	strace $0xD0000000  }
0x3: {  	_ = 	snop  }
0x4: {  	_ = 	snop  }
0x5: {  	_ = 	snop  }
0x6: {  	_ = 	snop  }
0x7: {  	_ = 	snop  }
__scs_overlays_trampoline_lowered:
0x8: {  	[smem:$0x3FAE] =	sst s0  }
0x9: {  	[smem:$0x3FAF] =	sst s1  }
0xa: {  	[smem:$0x3FB0] =	sst s2  }
0xb: {  	[smem:$0x3FB1] =	sst s3  }
0xc: {  	[smem:$0x3FB2] =	sst s4  }
0xd: {  	[smem:$0x3FB3] =	sst s5  }
0xe: {  	[smem:$0x3FB4] =	sst s6  }
0xf: {  	[smem:$0x3FB5] =	sst s7  }
0x10: {  	[smem:$0x3FB6] =	sst s8  }
0x11: {  	[smem:$0x3FB7] =	sst s9;
	s0 =	simm.s32 @!p0 $0x0  }
0x12: {  	s1 =	sld [smem:$0x3F9D];
	s0 =	simm.s32 @p0 $0x1  }
0x13: {  	[smem:$0x3FB8] =	sst s0;
	s0 =	simm.s32 @!p1 $0x0  }
0x14: {  	s2 =	sld [smem:$0x3F9C];
	s0 =	simm.s32 @p1 $0x1  }
0x15: {  	[smem:$0x3FB9] =	sst s0;
	s0 =	simm.s32 @!p2 $0x0  }
0x16: {  	s3 =	sld [smem:$0x3FDB];
	s0 =	simm.s32 @p2 $0x1  }
0x17: {  	s4 =	simm.s32 $0x1BF5;
	[smem:$0x3FBB] =	sst s0  }
0x18: {  	s0 =	sld [smem:$0x3F9E];
	_ =	swait.ge [sflag:s4], $0x0  }
0x19: {  	s7 =	sld [smem:$0x3F9F]  }
0x1a: {  	s8 =	sadd.s32 $0xFFFFE003, lr  }
0x1b: {  	s9 =	sadd.s32 $0xFFFFFEF7, lr;
	s5 =	simm.s32 $0xFFFFFFFF;
	p2 =	slt.u32 s8, $0xFFFFF086  }
0x1c: {  	p1 =	slt.u32 s9, $0xF7A;
	s5 =	simm.s32 @!p2 $0x0  }
0x1d: {  	s5 =	simm.s32 @p1 $0x1;
	p0 =	seq.s32 s7, s2  }
0x1e: {  	s7 =	smul.u32 @!p0 $0xF7A, s2;
	p2 =	seq.s32 @!p0 s5, $0x0  }
0x1f: {  	s9 =	smul.u32 $0xF7A, s1;
	s8 =	simm.s32 @!p0 $0x1BF5;
	p2 =	por !p2, p0  }
0x20: {  	[sflag:s8] =	ssyncset.s32 @!p0 $0xFFFFF086;
	s6 =	sadd.s32 @!p0 s3, s7;
	s7 =	simm.s32 @!p0 $0x108  }
0x21: {  	s3 =	sadd.s32 s3, s9;
	s6 =	sadd.s32 @!p0 $0x88, s6;
	s7 =	simm.s32 @p2 $0x1082  }
0x22: {  	[simem:s7], [sflag:s8] =	dma.local @!p0 [hbm:s6], $0xF7A  }
0x23: {  	s9 =	sor.u32 $0xD0000000, s2;
	s6 =	simm.s32 $0x108;
	_ =	swait.ge @!p0 [sflag:s8], $0x0  }
0x24: {  	s3 =	sadd.s32 $0x88, s3;
	s6 =	simm.s32 @!p1 $0x1082;
	[sflag:s4] =	ssyncset.s32 $0xFFFFF086  }
0x25: {  	[simem:s6], [sflag:s4] =	dma.local [hbm:s3], $0xF7A  }
0x26: {  	[smem:$0x3F9F] =	sst s1;
	(tag) =	ssettag s2;
	_ =	strace s9  }
0x27: {  	s1 =	sld [smem:$0x3FAF]  }
0x28: {  	s2 =	sld [smem:$0x3FB0]  }
0x29: {  	s4 =	sld [smem:$0x3FB2]  }
0x2a: {  	p0 =	seq.s32 s5, $0x0;
	s5 =	sld [smem:$0x3FB3]  }
0x2b: {  	s6 =	sld [smem:$0x3FB4]  }
0x2c: {  	s7 =	sld [smem:$0x3FB5]  }
0x2d: {  	s3 =	simm.s32 $0x108;
	s8 =	sld [smem:$0x3FB6]  }
0x2e: {  	s3 =	simm.s32 @!p0 $0x1082;
	s9 =	sld [smem:$0x3FB7]  }
0x2f: {  	lr =	sadd.s32 s0, s3;
	s0 =	sld [smem:$0x3FAE]  }
0x30: {  	s3 =	sld [smem:$0x3FB1]  }
0x31: {  	[smem:$0x3FBA] =	sst s10  }
0x32: {  	s10 =	sld [smem:$0x3FB8];
	_ =	sdelay $0x3  }
0x33: {  	p0 =	seq.s32 s10, $0x1;
	s10 =	sld [smem:$0x3FBA];
	_ =	sdelay $0x3  }
0x34: {  	[smem:$0x3FBA] =	sst s10  }
0x35: {  	s10 =	sld [smem:$0x3FB9];
	_ =	sdelay $0x3  }
0x36: {  	p1 =	seq.s32 s10, $0x1;
	s10 =	sld [smem:$0x3FBA];
	_ =	sdelay $0x3  }
0x37: {  	[smem:$0x3FBA] =	sst s10  }
0x38: {  	s10 =	sld [smem:$0x3FBB]  }
0x39: {  	_ = 	snop;
	(pc) =	sbr.ind lr, $3  }
0x3a: {  	_ = 	snop  }
0x3b: {  	_ = 	snop  }
0x3c: {  	p2 =	seq.s32 s10, $0x1;
	s10 =	sld [smem:$0x3FBA]  }
0x3d: {  	_ =	shalt  }
0x3e: {  	_ =	shalt  }
0x3f: {  	_ =	shalt  }
0x40: {  	_ =	shalt  }
0x41: {  	_ =	shalt  }
0x42: {  	_ =	shalt  }
0x43: {  	_ =	shalt  }
0x44: {  	_ =	shalt  }
0x45: {  	_ =	shalt  }
0x46: {  	_ =	shalt  }
0x47: {  	_ =	shalt  }
0x48: {  	_ =	shalt  }
0x49: {  	_ =	shalt  }
0x4a: {  	_ =	shalt  }
0x4b: {  	_ =	shalt  }
0x4c: {  	_ =	shalt  }
0x4d: {  	_ =	shalt  }
0x4e: {  	_ =	shalt  }
0x4f: {  	_ =	shalt  }
0x50: {  	_ =	shalt  }
0x51: {  	_ =	shalt  }
0x52: {  	_ =	shalt  }
0x53: {  	_ =	shalt  }
0x54: {  	_ =	shalt  }
0x55: {  	_ =	shalt  }
0x56: {  	_ =	shalt  }
0x57: {  	_ =	shalt  }
0x58: {  	_ =	shalt  }
0x59: {  	_ =	shalt  }
0x5a: {  	_ =	shalt  }
0x5b: {  	_ =	shalt  }
0x5c: {  	_ =	shalt  }
0x5d: {  	_ =	shalt  }
0x5e: {  	_ =	shalt  }
0x5f: {  	_ =	shalt  }
0x60: {  	_ =	shalt  }
0x61: {  	_ =	shalt  }
0x62: {  	_ =	shalt  }
0x63: {  	_ =	shalt  }
0x64: {  	_ =	shalt  }
0x65: {  	_ =	shalt  }
0x66: {  	_ =	shalt  }
0x67: {  	_ =	shalt  }
0x68: {  	_ =	shalt  }
0x69: {  	_ =	shalt  }
0x6a: {  	_ =	shalt  }
0x6b: {  	_ =	shalt  }
0x6c: {  	_ =	shalt  }
0x6d: {  	_ =	shalt  }
0x6e: {  	_ =	shalt  }
0x6f: {  	_ =	shalt  }
0x70: {  	_ =	shalt  }
0x71: {  	_ =	shalt  }
0x72: {  	_ =	shalt  }
0x73: {  	_ =	shalt  }
0x74: {  	_ =	shalt  }
0x75: {  	_ =	shalt  }
0x76: {  	_ =	shalt  }
0x77: {  	_ =	shalt  }
0x78: {  	_ =	shalt  }
0x79: {  	_ =	shalt  }
0x7a: {  	_ =	shalt  }
0x7b: {  	_ =	shalt  }
0x7c: {  	_ =	shalt  }
0x7d: {  	_ =	shalt  }
0x7e: {  	_ =	shalt  }
0x7f: {  	_ =	shalt  }
0x80: {  	_ =	shalt  }
0x81: {  	_ =	shalt  }
0x82: {  	_ =	shalt  }
0x83: {  	_ =	shalt  }
0x84: {  	_ =	shalt  }
0x85: {  	_ =	shalt  }
0x86: {  	_ =	shalt  }
0x87: {  	_ =	shalt  }
.Lfunc_end0:
.L_simem_size_0:
called_computation.5_lowered:
.L_overlay_start_0:
0x88: {  	s2 =	sld [smem:$0x3FD9]  }
0x89: {  	s3 =	sld [smem:$0x3FFE];
	_ =	sdelay $0x1  }
0x8a: {  	s1 =	srdreg.scid  }
0x8b: {  	s0 =	sand.u32 $0x1, s1  }
0x8c: {  	s17 =	sshll.u32 s0, $0xA;
	s2 =	sadd.s32 s3, s2  }
0x8d: {  	s2 =	sadd.s32 s2, s17  }
0x8e: {  	[smem:$0x3FC6] =	sst s2  }
0x8f: {  	_ = 	snop  }
0x90: {  	(tm) =	ssettm $0x1  }
0x91: {  	s18 =	sld [smem:$0x3FFB];
	_ =	sdelay $0x3  }
0x92: {  	_ =	strace s18  }
0x93: {  	s2 =	sld [smem:$0x3FFC];
	_ =	sdelay $0x3  }
0x94: {  	_ =	strace s2  }
0x95: {  	s2 =	sld [smem:$0x3FFD];
	_ =	sdelay $0x3  }
0x96: {  	_ =	strace s2  }
0x97: {  	_ =	strace $0x8FFFFFFF  }
0x98: {  	s19 =	sld [smem:$0x3FDB];
	_ =	sdelay $0x1  }
0x99: {  	s20 =	simm.s32 $_scs_section_size  }
0x9a: {  	s4 =	simm.s32 $_size__tile_overlayer_lowered;
	s5 =	simm.s32 $_tile_overlayer_lowered  }
0x9b: {  	s6 =	simm.s32 $0x1BFF;
	s21 =	sshll.u32 s5, $0x1;
	s3 =	sadd.s32 s20, s19  }
0x9c: {  	s22 =	simm.s32 $0x0;
	s4 =	sshll.u32 s4, $0x1;
	s5 =	sadd.s32 s21, s3  }
0x9d: {  	[timem:s22], [sflag:s6] =	dma.local [hbm:s5], s4  }
0x9e: {  	_ =	swait.ge [sflag:s6], s4  }
0x9f: {  	s4 =	ssub.s32 $0x0, s4;
	[sflag:s6] =	ssyncset.done $0x0  }
0xa0: {  	[sflag:s6] =	ssyncadd.s32 s4;
	_ =	sdelay $0x1  }
0xa1: {  	s23 =	simm.s32 $0x1B8B  }
0xa2: {  	_ =	swait.ge [sflag:s23], $0x1  }
0xa3: {  	[sflag:s23] =	ssyncset.done $0x0  }
0xa4: {  	[sflag:s23] =	ssyncadd.s32 $0xFFFFFFFF  }
0xa5: {  	s4 =	sld [smem:$0x0]  }
0xa6: {  	s5 =	sand.u32 $0xFFFFFFFE, s1  }
0xa7: {  	p0 =	sne.s32 s1, s5  }
0xa8: {  	s5 =	sshll.u32 @p0 s5, $0xE  }
0xa9: {  	s5 =	sadd.s32 @p0 $0x11B8D, s5;
	s6 =	sshll.u32 @p0 s4, $0x11  }
0xaa: {  	s5 =	sor.u32 @p0 s6, s5  }
0xab: {  	[sflag:s5] =	ssyncadd.remote.s32 @p0 $0x1;
	_ =	sdelay $0x1  }
0xac: {  	s5 =	simm.s32 @p0 $0x1B8D  }
0xad: {  	_ =	swait.eq @p0 [sflag:s5], $0x1  }
0xae: {  	[sflag:s5] =	ssyncadd.s32 @p0 $0xFFFFFFFF  }
0xaf: {  	s6 =	sshll.u32 @!p0 s1, $0xE  }
0xb0: {  	s6 =	sor.u32 @!p0 $0x4000, s6;
	s5 =	simm.s32 @!p0 $0x1B8D  }
0xb1: {  	s4 =	sshll.u32 @!p0 s4, $0x11;
	s6 =	sadd.s32 @!p0 $0x11B8D, s6;
	_ =	swait.eq @!p0 [sflag:s5], $0x1  }
0xb2: {  	s4 =	sor.u32 @!p0 s4, s6;
	[sflag:s5] =	ssyncadd.s32 @!p0 $0xFFFFFFFF  }
0xb3: {  	s25 =	simm.s32 $0x1B8E;
	s24 =	sld [smem:$0x3FFE];
	[sflag:s4] =	ssyncadd.remote.s32 @!p0 $0x1  }
0xb4: {  	s26 =	simm.s32 $execute0_lowered;
	[smem:$0x3FD2] =	sst s25  }
0xb5: {  	s5 =	sshll.u32 s26, $0x1;
	_ =	strace $0x8000004F;
	[dreg:$0x1] =	wrdreg $0xFFFFFFFF  }
0xb6: {  	s28 =	simm.s32 $_size_execute0_lowered;
	s3 =	sadd.s32 s3, s5;
	[dreg:$0x0] =	wrdreg $0x0  }
0xb7: {  	s5 =	sshll.u32 s28, $0x1;
	[dreg:$0x2] =	wrdreg s3  }
0xb8: {  	[dreg:$0x3] =	wrdreg s5  }
0xb9: {  	[dreg:$0x4] =	wrdreg $0xC0  }
0xba: {  	_ =	task [dreg:s22], $0x5FFFF  }
0xbb: {  	[dreg:$0x1] =	wrdreg $0xFFFFFFFF  }
0xbc: {  	[dreg:$0x0] =	wrdreg $0x60  }
0xbd: {  	[dreg:$0x2] =	wrdreg s24  }
0xbe: {  	[dreg:$0x3] =	wrdreg $0xA  }
0xbf: {  	_ =	task.clear_ibuf [dreg:s22], $0x4FFFF;
	_ =	strace $0x9000004F  }
0xc0: {  	s29 =	simm.s32 $0xA;
	_ =	strace $0x80000051  }
0xc1: {  	_ =	swait.ge [sflag:s29], $0x1  }
0xc2: {  	[sflag:s29] =	ssyncadd.s32 $0xFFFFFFFF  }
0xc3: {  	_ =	strace $0x90000051  }
0xc4: {  	_ =	sfence  }
0xc5: {  	s30 =	sld [smem:$0x0];
	_ =	sdelay $0x2  }
0xc6: {  	s31 =	sshll.u32 s1, $0xD;
	s1 =	sshrl.u32 s1, $0x2  }
0xc7: {  	s4 =	sand.u32 $0x4000, s31;
	s1 =	sadd.s32 s1, s30  }
0xc8: {  	s0 =	sor.u32 s4, s0;
	s1 =	sshll.u32 s1, $0x11  }
0xc9: {  	s0 =	sor.u32 s1, s0  }
0xca: {  	s0 =	sadd.s32 $0x8F2B, s0  }
0xcb: {  	[sflag:s0] =	ssyncadd.remote.s32 $0x1  }
0xcc: {  	_ =	sfence.sel $0xFFFF  }
0xcd: {  	[dreg:$0x0] =	wrdreg $0xFFFFFFFF;
	(pc) =	sbr.abs _section_cstart, $3  }
0xce: {  	[dreg:$0x1] =	wrdreg $0xFFFFFFFF  }
0xcf: {  	_ =	task.clear_ibuf [dreg:s22], $0x2FFFF;
	_ =	strace $0x9FFFFFFF  }
0xd0: {  	(tm) =	ssettm $0x7FFFFFFF  }
0xd1: {  	_ =	shalt  }
tec
execute0_lowered:
.L_overlay_start_1:
0x0: {  	(tag) =	ssettag $0x1  }
0x1: {  	s0 =	rddreg [dreg:$0x0];
	s3 =	srdreg.scid  }
0x2: {  	s2 =	simm.s32 $0x0;
	s1 =	stileid.u32;
	s17 =	simm.s32 $0x80  }
0x3: {  	s18 =	simm.s32 $0x900;
	s19 =	simm.s32 $0x1100;
	s20 =	simm.s32 $0x1900  }
0x4: {  	s21 =	simm.s32 $0x2100;
	s23 =	simm.s32 $0x2900;
	[smem:$0x7FF] =	sst s2  }
0x5: {  	s24 =	simm.s32 $0x3100;
	_ =	strace $0x80000050;
	[dreg:$0x6] =	wrdreg s17  }
0x6: {  	s25 =	simm.s32 $0x3900;
	s26 =	simm.s32 $0x4100;
	[dreg:$0x7] =	wrdreg s18  }
0x7: {  	s10 =	simm.s32 $0x6100;
	s11 =	simm.s32 $0x6900;
	[dreg:$0x8] =	wrdreg s19  }
0x8: {  	s12 =	simm.s32 $0x7100;
	s28 =	simm.s32 $0xE900;
	[dreg:$0x9] =	wrdreg s20  }
0x9: {  	s29 =	simm.s32 $0xF100;
	s30 =	simm.s32 $0xF900;
	[dreg:$0xa] =	wrdreg s21  }
0xa: {  	s31 =	simm.s32 $0x1;
	s4 =	sand.u32 $0x1, s3;
	[dreg:$0xb] =	wrdreg s23  }
0xb: {  	s13 =	sshll.u32 s1, $0x9;
	s14 =	sadd.s32 $0x119000, s0;
	[dreg:$0xc] =	wrdreg s24  }
0xc: {  	s8 =	sadd.s32 $0x119400, s0;
	s5 =	sshll.u32 s4, $0x8;
	[dreg:$0xd] =	wrdreg s25  }
0xd: {  	s4 =	ssub.s32 $0x2, s4;
	[dreg:$0xe] =	wrdreg s26;
	s17 =	simm.s32 $0x9900  }
0xe: {  	s18 =	simm.s32 $0xA100;
	s19 =	simm.s32 $0xA900;
	s20 =	simm.s32 $0xB100  }
0xf: {  	s21 =	simm.s32 $0xB900;
	s23 =	simm.s32 $0xC900;
	s24 =	simm.s32 $0xD100  }
0x10: {  	s25 =	simm.s32 $0xD900;
	s26 =	simm.s32 $0xE100;
	s3 =	sor.u32 s5, s13  }
0x11: {  	s22 =	sshrl.u32 s4, $0x1;
	s13 =	simm.s32 $0x7900;
	s6 =	sor.u32 $0x80, s3  }
0x12: {  	s7 =	sshrl.u32 s3, $0x3;
	s3 =	sshll.u32 s3, $0x5;
	s4 =	ssub.s32 s4, s22  }
0x13: {  	s22 =	simm.s32 $0xC100;
	s7 =	sadd.s32 s14, s7;
	s9 =	sshrl.u32 s6, $0x3  }
0x14: {  	s3 =	sadd.s32 s8, s3;
	s15 =	sshll.u32 s6, $0x5;
	s4 =	smax.u32 s4, $0x1  }
0x15: {  	s6 =	simm.s32 $0x100;
	[dreg:$0x2] =	wrdreg s7;
	s5 =	sadd.s32 s14, s9  }
0x16: {  	[dreg:$0x4] =	wrdreg s3;
	s16 =	sadd.s32 s8, s15;
	s3 =	sadd.s32 $0x8800, s0  }
0x17: {  	v2 =	vlaneseq.u32;
	s8 =	simm.s32 $0x5100;
	s9 =	simm.s32 $0x5900;
	s14 =	simm.s32 $0x8100  }
0x18: {  	vm0 =	vmmov $0xffff;
	v1 =	vshrl.u32 v2, $0x3;
	s15 =	simm.s32 $0x8900;
	s0 =	simm.s32 $0x2;
	[dreg:$0x3] =	wrdreg s5  }
0x19: {  	v0 =	vand.u32 $0x7, v2;
	v2 =	vor.u32 $0x8, v2;
	v1 =	vmul.u32 $0x8, v1;
	[dreg:$0x5] =	wrdreg s16;
	s5 =	simm.s32 $0x3;
	s16 =	simm.s32 $0x9100  }
.LBB2_1:
0x1a: {  	s1 =	rddreg [dreg:$0x2]  }
0x1b: {  	[tilespmem:s2], [sflag:$0x3] =	stream.linear.gather [hbm4b:s1+s2], $0x80, $0x38;
	[tilespmem:$0x10100] =	vst v63  }
0x1c: {  	_ =	swait.ge [sflag:s5], $0x80  }
0x1d: {  	s1 =	rddreg [dreg:$0x3];
	[sflag:s5] =	ssyncset.done $0x0  }
0x1e: {  	s7 =	rddreg [dreg:$0x6];
	[sflag:s5] =	ssyncadd.s32 $0xFFFFFF80  }
0x1f: {  	[tilespmem:s7], [sflag:$0x3] =	stream.linear.gather [hbm4b:s1+s2], $0x80, $0x38;
	[tilespmem:$0x10100] =	vst v63  }
0x20: {  	_ =	swait.ge [sflag:s5], $0x80  }
0x21: {  	[sflag:s5] =	ssyncset.done $0x0  }
0x22: {  	[sflag:s5] =	ssyncadd.s32 $0xFFFFFF80  }
0x23: {  	v3 =	vld [tilespmem:$0x0];
	_ =	sdelay $0x4  }
0x24: {  	v4 =	vshll.u32 v3, $0x1  }
0x25: {  	v3 =	vand.u32 $0x7, v3;
	v4 =	vand.u32 $0xFFFFFFF0, v4  }
0x26: {  	v3 =	vor.u32 v3, v4  }
0x27: {  	v4 =	vperm.xlane v3, v0;
	_ =	sdelay $0x1  }
0x28: {  	v3 =	vperm.xlane v3, v2;
	v4 =	vadd.s32 v1, v4;
	_ =	sdelay $0x1  }
0x29: {  	v3 =	vadd.s32 v1, v3;
	_ =	sdelay $0x2  }
0x2a: {  	[tilespmem:s6], [sflag:$0x1] =	stream.indirect_vreg.gather [hbm4b:s3+s2], $0x80, v4, vm0, $0xb8;
	[tilespmem:$0x10100] =	vst v63  }
0x2b: {  	s7 =	rddreg [dreg:$0x7]  }
0x2c: {  	[tilespmem:s7], [sflag:$0x1] =	stream.indirect_vreg.gather [hbm4b:s3+s2], $0x80, v3, vm0, $0xb8;
	[tilespmem:$0x10100] =	vst v63  }
0x2d: {  	v3 =	vld [tilespmem:$0x10];
	_ =	sdelay $0x4  }
0x2e: {  	v49 =	vshll.u32 v3, $0x1  }
0x2f: {  	v3 =	vand.u32 $0x7, v3;
	v4 =	vand.u32 $0xFFFFFFF0, v49  }
0x30: {  	v3 =	vor.u32 v3, v4  }
0x31: {  	v4 =	vperm.xlane v3, v0;
	_ =	sdelay $0x1  }
0x32: {  	v3 =	vperm.xlane v3, v2;
	v4 =	vadd.s32 v1, v4;
	_ =	sdelay $0x1  }
0x33: {  	v3 =	vadd.s32 v1, v3;
	_ =	sdelay $0x1  }
0x34: {  	s1 =	rddreg [dreg:$0x8]  }
0x35: {  	[tilespmem:s1], [sflag:$0x1] =	stream.indirect_vreg.gather [hbm4b:s3+s2], $0x80, v4, vm0, $0xb8;
	[tilespmem:$0x10100] =	vst v63  }
0x36: {  	s7 =	rddreg [dreg:$0x9]  }
0x37: {  	[tilespmem:s7], [sflag:$0x1] =	stream.indirect_vreg.gather [hbm4b:s3+s2], $0x80, v3, vm0, $0xb8;
	[tilespmem:$0x10100] =	vst v63  }
0x38: {  	v3 =	vld [tilespmem:$0x20];
	_ =	sdelay $0x4  }
0x39: {  	v50 =	vshll.u32 v3, $0x1  }
0x3a: {  	v3 =	vand.u32 $0x7, v3;
	v4 =	vand.u32 $0xFFFFFFF0, v50  }
0x3b: {  	v3 =	vor.u32 v3, v4  }
0x3c: {  	v4 =	vperm.xlane v3, v0;
	_ =	sdelay $0x1  }
0x3d: {  	v3 =	vperm.xlane v3, v2;
	v4 =	vadd.s32 v1, v4;
	_ =	sdelay $0x1  }
0x3e: {  	v3 =	vadd.s32 v1, v3;
	_ =	sdelay $0x1  }
0x3f: {  	s1 =	rddreg [dreg:$0xa]  }
0x40: {  	[tilespmem:s1], [sflag:$0x1] =	stream.indirect_vreg.gather [hbm4b:s3+s2], $0x80, v4, vm0, $0xb8;
	[tilespmem:$0x10100] =	vst v63  }
0x41: {  	s7 =	rddreg [dreg:$0xb]  }
0x42: {  	[tilespmem:s7], [sflag:$0x1] =	stream.indirect_vreg.gather [hbm4b:s3+s2], $0x80, v3, vm0, $0xb8;
	[tilespmem:$0x10100] =	vst v63  }
0x43: {  	v3 =	vld [tilespmem:$0x30];
	_ =	sdelay $0x4  }
0x44: {  	v51 =	vshll.u32 v3, $0x1  }
0x45: {  	v3 =	vand.u32 $0x7, v3;
	v4 =	vand.u32 $0xFFFFFFF0, v51  }
0x46: {  	v3 =	vor.u32 v3, v4  }
0x47: {  	v4 =	vperm.xlane v3, v0;
	_ =	sdelay $0x1  }
0x48: {  	v3 =	vperm.xlane v3, v2;
	v4 =	vadd.s32 v1, v4;
	_ =	sdelay $0x1  }
0x49: {  	v3 =	vadd.s32 v1, v3;
	_ =	sdelay $0x1  }
0x4a: {  	s1 =	rddreg [dreg:$0xc]  }
0x4b: {  	[tilespmem:s1], [sflag:$0x1] =	stream.indirect_vreg.gather [hbm4b:s3+s2], $0x80, v4, vm0, $0xb8;
	[tilespmem:$0x10100] =	vst v63  }
0x4c: {  	s7 =	rddreg [dreg:$0xd]  }
0x4d: {  	[tilespmem:s7], [sflag:$0x1] =	stream.indirect_vreg.gather [hbm4b:s3+s2], $0x80, v3, vm0, $0xb8;
	[tilespmem:$0x10100] =	vst v63  }
0x4e: {  	v3 =	vld [tilespmem:$0x40];
	_ =	sdelay $0x4  }
0x4f: {  	v52 =	vshll.u32 v3, $0x1  }
0x50: {  	v3 =	vand.u32 $0x7, v3;
	v4 =	vand.u32 $0xFFFFFFF0, v52  }
0x51: {  	v3 =	vor.u32 v3, v4  }
0x52: {  	v4 =	vperm.xlane v3, v0;
	_ =	sdelay $0x1  }
0x53: {  	v3 =	vperm.xlane v3, v2;
	v4 =	vadd.s32 v1, v4;
	_ =	sdelay $0x1  }
0x54: {  	v3 =	vadd.s32 v1, v3;
	_ =	sdelay $0x1  }
0x55: {  	s7 =	rddreg [dreg:$0xe]  }
0x56: {  	[tilespmem:s7], [sflag:$0x1] =	stream.indirect_vreg.gather [hbm4b:s3+s2], $0x80, v4, vm0, $0xb8;
	[tilespmem:$0x10100] =	vst v63  }
0x57: {  	s7 =	simm.s32 $0x4900  }
0x58: {  	[tilespmem:s7], [sflag:$0x1] =	stream.indirect_vreg.gather [hbm4b:s3+s2], $0x80, v3, vm0, $0xb8;
	[tilespmem:$0x10100] =	vst v63  }
0x59: {  	v3 =	vld [tilespmem:$0x50];
	_ =	sdelay $0x4  }
0x5a: {  	v53 =	vshll.u32 v3, $0x1  }
0x5b: {  	v3 =	vand.u32 $0x7, v3;
	v4 =	vand.u32 $0xFFFFFFF0, v53  }
0x5c: {  	v3 =	vor.u32 v3, v4  }
0x5d: {  	v4 =	vperm.xlane v3, v0;
	_ =	sdelay $0x1  }
0x5e: {  	v3 =	vperm.xlane v3, v2;
	v4 =	vadd.s32 v1, v4;
	_ =	sdelay $0x1  }
0x5f: {  	v3 =	vadd.s32 v1, v3;
	_ =	sdelay $0x2  }
0x60: {  	[tilespmem:s8], [sflag:$0x1] =	stream.indirect_vreg.gather [hbm4b:s3+s2], $0x80, v4, vm0, $0xb8;
	[tilespmem:$0x10100] =	vst v63  }
0x61: {  	_ = 	snop  }
0x62: {  	[tilespmem:s9], [sflag:$0x1] =	stream.indirect_vreg.gather [hbm4b:s3+s2], $0x80, v3, vm0, $0xb8;
	[tilespmem:$0x10100] =	vst v63  }
0x63: {  	v3 =	vld [tilespmem:$0x60];
	_ =	sdelay $0x4  }
0x64: {  	v54 =	vshll.u32 v3, $0x1  }
0x65: {  	v3 =	vand.u32 $0x7, v3;
	v4 =	vand.u32 $0xFFFFFFF0, v54  }
0x66: {  	v3 =	vor.u32 v3, v4  }
0x67: {  	v4 =	vperm.xlane v3, v0;
	_ =	sdelay $0x1  }
0x68: {  	v3 =	vperm.xlane v3, v2;
	v4 =	vadd.s32 v1, v4;
	_ =	sdelay $0x1  }
0x69: {  	v3 =	vadd.s32 v1, v3;
	_ =	sdelay $0x2  }
0x6a: {  	[tilespmem:s10], [sflag:$0x1] =	stream.indirect_vreg.gather [hbm4b:s3+s2], $0x80, v4, vm0, $0xb8;
	[tilespmem:$0x10100] =	vst v63  }
0x6b: {  	_ = 	snop  }
0x6c: {  	[tilespmem:s11], [sflag:$0x1] =	stream.indirect_vreg.gather [hbm4b:s3+s2], $0x80, v3, vm0, $0xb8;
	[tilespmem:$0x10100] =	vst v63  }
0x6d: {  	v3 =	vld [tilespmem:$0x70];
	_ =	sdelay $0x4  }
0x6e: {  	v55 =	vshll.u32 v3, $0x1  }
0x6f: {  	v3 =	vand.u32 $0x7, v3;
	v4 =	vand.u32 $0xFFFFFFF0, v55  }
0x70: {  	v3 =	vor.u32 v3, v4  }
0x71: {  	v4 =	vperm.xlane v3, v0;
	_ =	sdelay $0x1  }
0x72: {  	v3 =	vperm.xlane v3, v2;
	v4 =	vadd.s32 v1, v4;
	_ =	sdelay $0x1  }
0x73: {  	v3 =	vadd.s32 v1, v3;
	_ =	sdelay $0x2  }
0x74: {  	[tilespmem:s12], [sflag:$0x1] =	stream.indirect_vreg.gather [hbm4b:s3+s2], $0x80, v4, vm0, $0xb8;
	[tilespmem:$0x10100] =	vst v63  }
0x75: {  	_ = 	snop  }
0x76: {  	[tilespmem:s13], [sflag:$0x1] =	stream.indirect_vreg.gather [hbm4b:s3+s2], $0x80, v3, vm0, $0xb8;
	[tilespmem:$0x10100] =	vst v63  }
0x77: {  	v3 =	vld [tilespmem:$0x80];
	_ =	sdelay $0x4  }
0x78: {  	v56 =	vshll.u32 v3, $0x1  }
0x79: {  	v3 =	vand.u32 $0x7, v3;
	v4 =	vand.u32 $0xFFFFFFF0, v56  }
0x7a: {  	v3 =	vor.u32 v3, v4  }
0x7b: {  	v4 =	vperm.xlane v3, v0;
	_ =	sdelay $0x1  }
0x7c: {  	v3 =	vperm.xlane v3, v2;
	v4 =	vadd.s32 v1, v4;
	_ =	sdelay $0x1  }
0x7d: {  	v3 =	vadd.s32 v1, v3;
	_ =	sdelay $0x2  }
0x7e: {  	[tilespmem:s14], [sflag:$0x1] =	stream.indirect_vreg.gather [hbm4b:s3+s2], $0x80, v4, vm0, $0xb8;
	[tilespmem:$0x10100] =	vst v63  }
0x7f: {  	_ = 	snop  }
0x80: {  	[tilespmem:s15], [sflag:$0x1] =	stream.indirect_vreg.gather [hbm4b:s3+s2], $0x80, v3, vm0, $0xb8;
	[tilespmem:$0x10100] =	vst v63  }
0x81: {  	v3 =	vld [tilespmem:$0x90];
	_ =	sdelay $0x4  }
0x82: {  	v57 =	vshll.u32 v3, $0x1  }
0x83: {  	v3 =	vand.u32 $0x7, v3;
	v4 =	vand.u32 $0xFFFFFFF0, v57  }
0x84: {  	v3 =	vor.u32 v3, v4  }
0x85: {  	v4 =	vperm.xlane v3, v0;
	_ =	sdelay $0x1  }
0x86: {  	v3 =	vperm.xlane v3, v2;
	v4 =	vadd.s32 v1, v4;
	_ =	sdelay $0x1  }
0x87: {  	v3 =	vadd.s32 v1, v3;
	_ =	sdelay $0x2  }
0x88: {  	[tilespmem:s16], [sflag:$0x1] =	stream.indirect_vreg.gather [hbm4b:s3+s2], $0x80, v4, vm0, $0xb8;
	[tilespmem:$0x10100] =	vst v63  }
0x89: {  	_ = 	snop  }
0x8a: {  	[tilespmem:s17], [sflag:$0x1] =	stream.indirect_vreg.gather [hbm4b:s3+s2], $0x80, v3, vm0, $0xb8;
	[tilespmem:$0x10100] =	vst v63  }
0x8b: {  	v3 =	vld [tilespmem:$0xA0];
	_ =	sdelay $0x4  }
0x8c: {  	v58 =	vshll.u32 v3, $0x1  }
0x8d: {  	v3 =	vand.u32 $0x7, v3;
	v4 =	vand.u32 $0xFFFFFFF0, v58  }
0x8e: {  	v3 =	vor.u32 v3, v4  }
0x8f: {  	v4 =	vperm.xlane v3, v0;
	_ =	sdelay $0x1  }
0x90: {  	v3 =	vperm.xlane v3, v2;
	v4 =	vadd.s32 v1, v4;
	_ =	sdelay $0x1  }
0x91: {  	v3 =	vadd.s32 v1, v3;
	_ =	sdelay $0x2  }
0x92: {  	[tilespmem:s18], [sflag:$0x1] =	stream.indirect_vreg.gather [hbm4b:s3+s2], $0x80, v4, vm0, $0xb8;
	[tilespmem:$0x10100] =	vst v63  }
0x93: {  	_ = 	snop  }
0x94: {  	[tilespmem:s19], [sflag:$0x1] =	stream.indirect_vreg.gather [hbm4b:s3+s2], $0x80, v3, vm0, $0xb8;
	[tilespmem:$0x10100] =	vst v63  }
0x95: {  	v3 =	vld [tilespmem:$0xB0];
	_ =	sdelay $0x4  }
0x96: {  	v59 =	vshll.u32 v3, $0x1  }
0x97: {  	v3 =	vand.u32 $0x7, v3;
	v4 =	vand.u32 $0xFFFFFFF0, v59  }
0x98: {  	v3 =	vor.u32 v3, v4  }
0x99: {  	v4 =	vperm.xlane v3, v0;
	_ =	sdelay $0x1  }
0x9a: {  	v3 =	vperm.xlane v3, v2;
	v4 =	vadd.s32 v1, v4;
	_ =	sdelay $0x1  }
0x9b: {  	v3 =	vadd.s32 v1, v3;
	_ =	sdelay $0x2  }
0x9c: {  	[tilespmem:s20], [sflag:$0x1] =	stream.indirect_vreg.gather [hbm4b:s3+s2], $0x80, v4, vm0, $0xb8;
	[tilespmem:$0x10100] =	vst v63  }
0x9d: {  	_ = 	snop  }
0x9e: {  	[tilespmem:s21], [sflag:$0x1] =	stream.indirect_vreg.gather [hbm4b:s3+s2], $0x80, v3, vm0, $0xb8;
	[tilespmem:$0x10100] =	vst v63  }
0x9f: {  	v3 =	vld [tilespmem:$0xC0];
	_ =	sdelay $0x4  }
0xa0: {  	v60 =	vshll.u32 v3, $0x1  }
0xa1: {  	v3 =	vand.u32 $0x7, v3;
	v4 =	vand.u32 $0xFFFFFFF0, v60  }
0xa2: {  	v3 =	vor.u32 v3, v4  }
0xa3: {  	v4 =	vperm.xlane v3, v0;
	_ =	sdelay $0x1  }
0xa4: {  	v3 =	vperm.xlane v3, v2;
	v4 =	vadd.s32 v1, v4;
	_ =	sdelay $0x1  }
0xa5: {  	v3 =	vadd.s32 v1, v3;
	_ =	sdelay $0x2  }
0xa6: {  	[tilespmem:s22], [sflag:$0x1] =	stream.indirect_vreg.gather [hbm4b:s3+s2], $0x80, v4, vm0, $0xb8;
	[tilespmem:$0x10100] =	vst v63  }
0xa7: {  	_ = 	snop  }
0xa8: {  	[tilespmem:s23], [sflag:$0x1] =	stream.indirect_vreg.gather [hbm4b:s3+s2], $0x80, v3, vm0, $0xb8;
	[tilespmem:$0x10100] =	vst v63  }
0xa9: {  	v3 =	vld [tilespmem:$0xD0];
	_ =	sdelay $0x4  }
0xaa: {  	v61 =	vshll.u32 v3, $0x1  }
0xab: {  	v3 =	vand.u32 $0x7, v3;
	v4 =	vand.u32 $0xFFFFFFF0, v61  }
0xac: {  	v3 =	vor.u32 v3, v4  }
0xad: {  	v4 =	vperm.xlane v3, v0;
	_ =	sdelay $0x1  }
0xae: {  	v3 =	vperm.xlane v3, v2;
	v4 =	vadd.s32 v1, v4;
	_ =	sdelay $0x1  }
0xaf: {  	v3 =	vadd.s32 v1, v3;
	_ =	sdelay $0x2  }
0xb0: {  	[tilespmem:s24], [sflag:$0x1] =	stream.indirect_vreg.gather [hbm4b:s3+s2], $0x80, v4, vm0, $0xb8;
	[tilespmem:$0x10100] =	vst v63  }
0xb1: {  	_ = 	snop  }
0xb2: {  	[tilespmem:s25], [sflag:$0x1] =	stream.indirect_vreg.gather [hbm4b:s3+s2], $0x80, v3, vm0, $0xb8;
	[tilespmem:$0x10100] =	vst v63  }
0xb3: {  	v3 =	vld [tilespmem:$0xE0];
	_ =	sdelay $0x4  }
0xb4: {  	v62 =	vshll.u32 v3, $0x1  }
0xb5: {  	v3 =	vand.u32 $0x7, v3;
	v4 =	vand.u32 $0xFFFFFFF0, v62  }
0xb6: {  	v3 =	vor.u32 v3, v4  }
0xb7: {  	v4 =	vperm.xlane v3, v0;
	_ =	sdelay $0x1  }
0xb8: {  	v3 =	vperm.xlane v3, v2;
	v4 =	vadd.s32 v1, v4;
	_ =	sdelay $0x1  }
0xb9: {  	v3 =	vadd.s32 v1, v3;
	_ =	sdelay $0x2  }
0xba: {  	[tilespmem:s26], [sflag:$0x1] =	stream.indirect_vreg.gather [hbm4b:s3+s2], $0x80, v4, vm0, $0xb8;
	[tilespmem:$0x10100] =	vst v63  }
0xbb: {  	_ = 	snop  }
0xbc: {  	[tilespmem:s28], [sflag:$0x1] =	stream.indirect_vreg.gather [hbm4b:s3+s2], $0x80, v3, vm0, $0xb8;
	[tilespmem:$0x10100] =	vst v63  }
0xbd: {  	v3 =	vld [tilespmem:$0xF0];
	_ =	sdelay $0x4  }
0xbe: {  	v63 =	vshll.u32 v3, $0x1  }
0xbf: {  	v3 =	vand.u32 $0x7, v3;
	v4 =	vand.u32 $0xFFFFFFF0, v63  }
0xc0: {  	v3 =	vor.u32 v3, v4  }
0xc1: {  	v4 =	vperm.xlane v3, v0;
	_ =	sdelay $0x1  }
0xc2: {  	v3 =	vperm.xlane v3, v2;
	v4 =	vadd.s32 v1, v4;
	_ =	sdelay $0x1  }
0xc3: {  	v3 =	vadd.s32 v1, v3;
	_ =	sdelay $0x2  }
0xc4: {  	[tilespmem:s29], [sflag:$0x1] =	stream.indirect_vreg.gather [hbm4b:s3+s2], $0x80, v4, vm0, $0xb8;
	[tilespmem:$0x10100] =	vst v63  }
0xc5: {  	_ = 	snop  }
0xc6: {  	[tilespmem:s30], [sflag:$0x1] =	stream.indirect_vreg.gather [hbm4b:s3+s2], $0x80, v3, vm0, $0xb8;
	[tilespmem:$0x10100] =	vst v63  }
0xc7: {  	_ =	swait.ge [sflag:s31], $0x8000  }
0xc8: {  	[sflag:s31] =	ssyncset.done $0x0  }
0xc9: {  	s7 =	rddreg [dreg:$0x4];
	[sflag:s31] =	ssyncadd.s32 $0xFFFF8000  }
0xca: {  	[hbm4b:s7+s2] =	stream.linear.scatter [tilespmem:s6], [sflag:$0x2], $0x8000, $0x38;
	[tilespmem:$0x10100] =	vst v63  }
0xcb: {  	_ =	swait.ge [sflag:s31], $0x8000  }
0xcc: {  	[sflag:s31] =	ssyncset.done $0x0  }
0xcd: {  	s7 =	rddreg [dreg:$0x5];
	[sflag:s31] =	ssyncadd.s32 $0xFFFF8000  }
0xce: {  	[hbm4b:s7+s2] =	stream.linear.scatter [tilespmem:s14], [sflag:$0x2], $0x8000, $0x38;
	[tilespmem:$0x10100] =	vst v63  }
0xcf: {  	p0 =	sne.s32 s4, $0x1;
	_ =	swait.ge [sflag:s0], $0x8000  }
.Ltmp0:
0xd0: {  	[sflag:s0] =	ssyncset.done $0x0;
	(pc) =	sbr.rel @p0 .LBB2_1-.Ltmp0, $4  }
0xd1: {  	[sflag:s0] =	ssyncadd.s32 $0xFFFF8000  }
0xd2: {  	_ =	swait.ge [sflag:s0], $0x8000  }
0xd3: {  	[sflag:s0] =	ssyncset.done $0x0  }
0xd4: {  	s4 =	sadd.s32 $0xFFFFFFFF, s4;
	[sflag:s0] =	ssyncadd.s32 $0xFFFF8000  }
0xd5: {  	_ =	sfence.sel $0x180000  }
0xd6: {  	[bflag:$0x0] =	sbarrier.arrive $0xFFFF  }
0xd7: {  	_ =	strace $0x90000050  }
0xd8: {  	s0 =	stileid.u32;
	[bflag:$0x2] =	sbarrier.arrive $0xFFFF  }
0xd9: {  	p0 =	sne.s32 s0, $0x0;
	s0 =	rddreg [dreg:$0x1]  }
0xda: {  	s0 =	sadd.s32 @!p0 $0x100000, s0  }
0xdb: {  	[sflag:s0] =	ssyncadd.tile.s32 @!p0 $0x1;
	_ =	shalt  }
.Lfunc_end2:
_tile_overlayer_lowered:
.L_overlay_start_2:
0xdc: {  	(tag) =	ssettag $0x2  }
0xdd: {  	s0 =	rddreg [dreg:$0x0];
	s2 =	stileid.u32  }
0xde: {  	s1 =	rddreg [dreg:$0x1];
	p0 =	sne.s32 s2, $0x0  }
0xdf: {  	s3 =	rddreg [dreg:$0x2];
	[bflag:$0x3] =	sbarrier.arrive $0xFFFF;
	s2 =	simm.s32 @!p0 $0x1C03  }
0xe0: {  	[timem:s3], [sflag:s2] =	dma.local @!p0 [hbm:s0], s1  }
0xe1: {  	s0 =	simm.s32 @!p0 $0x3  }
0xe2: {  	_ =	swait.ge @!p0 [sflag:s0], s1  }
0xe3: {  	s1 =	ssub.s32 @!p0 $0x0, s1;
	[sflag:s0] =	ssyncset.done @!p0 $0x0  }
0xe4: {  	[sflag:s0] =	ssyncadd.s32 @!p0 s1  }
0xe5: {  	[bflag:$0x3] =	sbarrier.arrive $0xFFFF  }
0xe6: {  	_ =	shalt  }

// kernel: kernel.38.cloned.1.call-start
scs
__scs_entry_jumppad:
0x0: {  	(pc) =	sbr.rel $0x88, $3  }
0x1: {  	(tag) =	ssettag $0x0;
	lr =	simm.s32 $0x1  }
0x2: {  	[smem:$0x3F9F] =	sst lr;
	_ =	strace $0xD0000000  }
0x3: {  	_ = 	snop  }
0x4: {  	_ = 	snop  }
0x5: {  	_ = 	snop  }
0x6: {  	_ = 	snop  }
0x7: {  	_ = 	snop  }
__scs_overlays_trampoline_lowered:
0x8: {  	[smem:$0x3FAE] =	sst s0  }
0x9: {  	[smem:$0x3FAF] =	sst s1  }
0xa: {  	[smem:$0x3FB0] =	sst s2  }
0xb: {  	[smem:$0x3FB1] =	sst s3  }
0xc: {  	[smem:$0x3FB2] =	sst s4  }
0xd: {  	[smem:$0x3FB3] =	sst s5  }
0xe: {  	[smem:$0x3FB4] =	sst s6  }
0xf: {  	[smem:$0x3FB5] =	sst s7  }
0x10: {  	[smem:$0x3FB6] =	sst s8  }
0x11: {  	[smem:$0x3FB7] =	sst s9;
	s0 =	simm.s32 @!p0 $0x0  }
0x12: {  	s1 =	sld [smem:$0x3F9D];
	s0 =	simm.s32 @p0 $0x1  }
0x13: {  	[smem:$0x3FB8] =	sst s0;
	s0 =	simm.s32 @!p1 $0x0  }
0x14: {  	s2 =	sld [smem:$0x3F9C];
	s0 =	simm.s32 @p1 $0x1  }
0x15: {  	[smem:$0x3FB9] =	sst s0;
	s0 =	simm.s32 @!p2 $0x0  }
0x16: {  	s3 =	sld [smem:$0x3FDB];
	s0 =	simm.s32 @p2 $0x1  }
0x17: {  	s4 =	simm.s32 $0x1BF5;
	[smem:$0x3FBB] =	sst s0  }
0x18: {  	s0 =	sld [smem:$0x3F9E];
	_ =	swait.ge [sflag:s4], $0x0  }
0x19: {  	s7 =	sld [smem:$0x3F9F]  }
0x1a: {  	s8 =	sadd.s32 $0xFFFFE003, lr  }
0x1b: {  	s9 =	sadd.s32 $0xFFFFFEF7, lr;
	s5 =	simm.s32 $0xFFFFFFFF;
	p2 =	slt.u32 s8, $0xFFFFF086  }
0x1c: {  	p1 =	slt.u32 s9, $0xF7A;
	s5 =	simm.s32 @!p2 $0x0  }
0x1d: {  	s5 =	simm.s32 @p1 $0x1;
	p0 =	seq.s32 s7, s2  }
0x1e: {  	s7 =	smul.u32 @!p0 $0xF7A, s2;
	p2 =	seq.s32 @!p0 s5, $0x0  }
0x1f: {  	s9 =	smul.u32 $0xF7A, s1;
	s8 =	simm.s32 @!p0 $0x1BF5;
	p2 =	por !p2, p0  }
0x20: {  	[sflag:s8] =	ssyncset.s32 @!p0 $0xFFFFF086;
	s6 =	sadd.s32 @!p0 s3, s7;
	s7 =	simm.s32 @!p0 $0x108  }
0x21: {  	s3 =	sadd.s32 s3, s9;
	s6 =	sadd.s32 @!p0 $0x88, s6;
	s7 =	simm.s32 @p2 $0x1082  }
0x22: {  	[simem:s7], [sflag:s8] =	dma.local @!p0 [hbm:s6], $0xF7A  }
0x23: {  	s9 =	sor.u32 $0xD0000000, s2;
	s6 =	simm.s32 $0x108;
	_ =	swait.ge @!p0 [sflag:s8], $0x0  }
0x24: {  	s3 =	sadd.s32 $0x88, s3;
	s6 =	simm.s32 @!p1 $0x1082;
	[sflag:s4] =	ssyncset.s32 $0xFFFFF086  }
0x25: {  	[simem:s6], [sflag:s4] =	dma.local [hbm:s3], $0xF7A  }
0x26: {  	[smem:$0x3F9F] =	sst s1;
	(tag) =	ssettag s2;
	_ =	strace s9  }
0x27: {  	s1 =	sld [smem:$0x3FAF]  }
0x28: {  	s2 =	sld [smem:$0x3FB0]  }
0x29: {  	s4 =	sld [smem:$0x3FB2]  }
0x2a: {  	p0 =	seq.s32 s5, $0x0;
	s5 =	sld [smem:$0x3FB3]  }
0x2b: {  	s6 =	sld [smem:$0x3FB4]  }
0x2c: {  	s7 =	sld [smem:$0x3FB5]  }
0x2d: {  	s3 =	simm.s32 $0x108;
	s8 =	sld [smem:$0x3FB6]  }
0x2e: {  	s3 =	simm.s32 @!p0 $0x1082;
	s9 =	sld [smem:$0x3FB7]  }
0x2f: {  	lr =	sadd.s32 s0, s3;
	s0 =	sld [smem:$0x3FAE]  }
0x30: {  	s3 =	sld [smem:$0x3FB1]  }
0x31: {  	[smem:$0x3FBA] =	sst s10  }
0x32: {  	s10 =	sld [smem:$0x3FB8];
	_ =	sdelay $0x3  }
0x33: {  	p0 =	seq.s32 s10, $0x1;
	s10 =	sld [smem:$0x3FBA];
	_ =	sdelay $0x3  }
0x34: {  	[smem:$0x3FBA] =	sst s10  }
0x35: {  	s10 =	sld [smem:$0x3FB9];
	_ =	sdelay $0x3  }
0x36: {  	p1 =	seq.s32 s10, $0x1;
	s10 =	sld [smem:$0x3FBA];
	_ =	sdelay $0x3  }
0x37: {  	[smem:$0x3FBA] =	sst s10  }
0x38: {  	s10 =	sld [smem:$0x3FBB]  }
0x39: {  	_ = 	snop;
	(pc) =	sbr.ind lr, $3  }
0x3a: {  	_ = 	snop  }
0x3b: {  	_ = 	snop  }
0x3c: {  	p2 =	seq.s32 s10, $0x1;
	s10 =	sld [smem:$0x3FBA]  }
0x3d: {  	_ =	shalt  }
0x3e: {  	_ =	shalt  }
0x3f: {  	_ =	shalt  }
0x40: {  	_ =	shalt  }
0x41: {  	_ =	shalt  }
0x42: {  	_ =	shalt  }
0x43: {  	_ =	shalt  }
0x44: {  	_ =	shalt  }
0x45: {  	_ =	shalt  }
0x46: {  	_ =	shalt  }
0x47: {  	_ =	shalt  }
0x48: {  	_ =	shalt  }
0x49: {  	_ =	shalt  }
0x4a: {  	_ =	shalt  }
0x4b: {  	_ =	shalt  }
0x4c: {  	_ =	shalt  }
0x4d: {  	_ =	shalt  }
0x4e: {  	_ =	shalt  }
0x4f: {  	_ =	shalt  }
0x50: {  	_ =	shalt  }
0x51: {  	_ =	shalt  }
0x52: {  	_ =	shalt  }
0x53: {  	_ =	shalt  }
0x54: {  	_ =	shalt  }
0x55: {  	_ =	shalt  }
0x56: {  	_ =	shalt  }
0x57: {  	_ =	shalt  }
0x58: {  	_ =	shalt  }
0x59: {  	_ =	shalt  }
0x5a: {  	_ =	shalt  }
0x5b: {  	_ =	shalt  }
0x5c: {  	_ =	shalt  }
0x5d: {  	_ =	shalt  }
0x5e: {  	_ =	shalt  }
0x5f: {  	_ =	shalt  }
0x60: {  	_ =	shalt  }
0x61: {  	_ =	shalt  }
0x62: {  	_ =	shalt  }
0x63: {  	_ =	shalt  }
0x64: {  	_ =	shalt  }
0x65: {  	_ =	shalt  }
0x66: {  	_ =	shalt  }
0x67: {  	_ =	shalt  }
0x68: {  	_ =	shalt  }
0x69: {  	_ =	shalt  }
0x6a: {  	_ =	shalt  }
0x6b: {  	_ =	shalt  }
0x6c: {  	_ =	shalt  }
0x6d: {  	_ =	shalt  }
0x6e: {  	_ =	shalt  }
0x6f: {  	_ =	shalt  }
0x70: {  	_ =	shalt  }
0x71: {  	_ =	shalt  }
0x72: {  	_ =	shalt  }
0x73: {  	_ =	shalt  }
0x74: {  	_ =	shalt  }
0x75: {  	_ =	shalt  }
0x76: {  	_ =	shalt  }
0x77: {  	_ =	shalt  }
0x78: {  	_ =	shalt  }
0x79: {  	_ =	shalt  }
0x7a: {  	_ =	shalt  }
0x7b: {  	_ =	shalt  }
0x7c: {  	_ =	shalt  }
0x7d: {  	_ =	shalt  }
0x7e: {  	_ =	shalt  }
0x7f: {  	_ =	shalt  }
0x80: {  	_ =	shalt  }
0x81: {  	_ =	shalt  }
0x82: {  	_ =	shalt  }
0x83: {  	_ =	shalt  }
0x84: {  	_ =	shalt  }
0x85: {  	_ =	shalt  }
0x86: {  	_ =	shalt  }
0x87: {  	_ =	shalt  }
.Lfunc_end0:
.L_simem_size_0:
called_computation.6_lowered:
.L_overlay_start_0:
0x88: {  	s2 =	sld [smem:$0x3FD9]  }
0x89: {  	s3 =	sld [smem:$0x3FFE];
	_ =	sdelay $0x1  }
0x8a: {  	s1 =	srdreg.scid  }
0x8b: {  	s0 =	sand.u32 $0x1, s1  }
0x8c: {  	s16 =	sshll.u32 s0, $0xA;
	s2 =	sadd.s32 s3, s2  }
0x8d: {  	s2 =	sadd.s32 s2, s16  }
0x8e: {  	[smem:$0x3FC6] =	sst s2  }
0x8f: {  	_ = 	snop  }
0x90: {  	(tm) =	ssettm $0x1  }
0x91: {  	s17 =	sld [smem:$0x3FFB];
	_ =	sdelay $0x3  }
0x92: {  	_ =	strace s17  }
0x93: {  	s2 =	sld [smem:$0x3FFC];
	_ =	sdelay $0x3  }
0x94: {  	_ =	strace s2  }
0x95: {  	s2 =	sld [smem:$0x3FFD];
	_ =	sdelay $0x3  }
0x96: {  	_ =	strace s2  }
0x97: {  	_ =	strace $0x8FFFFFFF  }
0x98: {  	s18 =	sld [smem:$0x3FDB];
	_ =	sdelay $0x1  }
0x99: {  	s19 =	simm.s32 $_scs_section_size  }
0x9a: {  	s4 =	simm.s32 $_size__tile_overlayer_lowered;
	s5 =	simm.s32 $_tile_overlayer_lowered  }
0x9b: {  	s22 =	simm.s32 $0x1BFF;
	s21 =	sshll.u32 s5, $0x1;
	s2 =	sadd.s32 s19, s18  }
0x9c: {  	s6 =	simm.s32 $0x0;
	s20 =	sshll.u32 s4, $0x1;
	s4 =	sadd.s32 s21, s2  }
0x9d: {  	[timem:s6], [sflag:s22] =	dma.local [hbm:s4], s20  }
0x9e: {  	_ =	swait.ge [sflag:s22], s20  }
0x9f: {  	s3 =	ssub.s32 $0x0, s20;
	[sflag:s22] =	ssyncset.done $0x0  }
0xa0: {  	[sflag:s22] =	ssyncadd.s32 s3;
	_ =	sdelay $0x1  }
0xa1: {  	s23 =	simm.s32 $0x1B8B  }
0xa2: {  	_ =	swait.ge [sflag:s23], $0x1  }
0xa3: {  	[sflag:s23] =	ssyncset.done $0x0  }
0xa4: {  	s25 =	simm.s32 $0x1B8E;
	s24 =	sld [smem:$0x3FFE];
	[sflag:s23] =	ssyncadd.s32 $0xFFFFFFFF  }
0xa5: {  	s26 =	simm.s32 $execute0_lowered;
	[smem:$0x3FD2] =	sst s25  }
0xa6: {  	s4 =	sshll.u32 s26, $0x1;
	_ =	strace $0x80000052;
	[dreg:$0x1] =	wrdreg $0xFFFFFFFF  }
0xa7: {  	s28 =	simm.s32 $_size_execute0_lowered;
	s2 =	sadd.s32 s2, s4;
	[dreg:$0x0] =	wrdreg $0x0  }
0xa8: {  	s4 =	sshll.u32 s28, $0x1;
	[dreg:$0x2] =	wrdreg s2  }
0xa9: {  	[dreg:$0x3] =	wrdreg s4  }
0xaa: {  	[dreg:$0x4] =	wrdreg $0xC0  }
0xab: {  	_ =	task [dreg:s6], $0x5FFFF  }
0xac: {  	[dreg:$0x1] =	wrdreg $0xFFFFFFFF  }
0xad: {  	[dreg:$0x0] =	wrdreg $0x60  }
0xae: {  	[dreg:$0x2] =	wrdreg s24  }
0xaf: {  	[dreg:$0x3] =	wrdreg $0xA  }
0xb0: {  	_ =	task.clear_ibuf [dreg:s6], $0x4FFFF;
	_ =	strace $0x90000052  }
0xb1: {  	s29 =	simm.s32 $0xA;
	_ =	strace $0x80000054  }
0xb2: {  	_ =	swait.ge [sflag:s29], $0x1  }
0xb3: {  	[sflag:s29] =	ssyncadd.s32 $0xFFFFFFFF  }
0xb4: {  	_ =	strace $0x90000054  }
0xb5: {  	_ =	sfence  }
0xb6: {  	s30 =	sld [smem:$0x0];
	_ =	sdelay $0x2  }
0xb7: {  	s31 =	sshll.u32 s1, $0xD;
	s1 =	sshrl.u32 s1, $0x2  }
0xb8: {  	s3 =	sand.u32 $0x4000, s31;
	s1 =	sadd.s32 s1, s30  }
0xb9: {  	s0 =	sor.u32 s3, s0;
	s1 =	sshll.u32 s1, $0x11  }
0xba: {  	s0 =	sor.u32 s1, s0  }
0xbb: {  	s0 =	sadd.s32 $0x8F2B, s0  }
0xbc: {  	[sflag:s0] =	ssyncadd.remote.s32 $0x1  }
0xbd: {  	_ =	sfence.sel $0xFFFF  }
0xbe: {  	[dreg:$0x0] =	wrdreg $0xFFFFFFFF;
	(pc) =	sbr.abs _section_cstart, $3  }
0xbf: {  	[dreg:$0x1] =	wrdreg $0xFFFFFFFF  }
0xc0: {  	_ =	task.clear_ibuf [dreg:s6], $0x2FFFF;
	_ =	strace $0x9FFFFFFF  }
0xc1: {  	(tm) =	ssettm $0x7FFFFFFF  }
tec
execute0_lowered:
.L_overlay_start_1:
0x0: {  	(tag) =	ssettag $0x1  }
0x1: {  	s0 =	rddreg [dreg:$0x0];
	s3 =	srdreg.scid  }
0x2: {  	s2 =	simm.s32 $0x0;
	s1 =	stileid.u32;
	s17 =	simm.s32 $0x80  }
0x3: {  	s18 =	simm.s32 $0x900;
	s19 =	simm.s32 $0x1100;
	s20 =	simm.s32 $0x1900  }
0x4: {  	s21 =	simm.s32 $0x2100;
	s23 =	simm.s32 $0x2900;
	[smem:$0x7FF] =	sst s2  }
0x5: {  	s24 =	simm.s32 $0x3100;
	_ =	strace $0x80000053;
	[dreg:$0x6] =	wrdreg s17  }
0x6: {  	s25 =	simm.s32 $0x3900;
	s26 =	simm.s32 $0x4100;
	[dreg:$0x7] =	wrdreg s18  }
0x7: {  	s10 =	simm.s32 $0x6100;
	s11 =	simm.s32 $0x6900;
	[dreg:$0x8] =	wrdreg s19  }
0x8: {  	s12 =	simm.s32 $0x7100;
	s28 =	simm.s32 $0xE900;
	[dreg:$0x9] =	wrdreg s20  }
0x9: {  	s29 =	simm.s32 $0xF100;
	s30 =	simm.s32 $0xF900;
	[dreg:$0xa] =	wrdreg s21  }
0xa: {  	s31 =	simm.s32 $0x1;
	s4 =	sand.u32 $0x1, s3;
	[dreg:$0xb] =	wrdreg s23  }
0xb: {  	s13 =	sshll.u32 s1, $0x9;
	s14 =	sadd.s32 $0x8800, s0;
	[dreg:$0xc] =	wrdreg s24  }
0xc: {  	s8 =	sadd.s32 $0x98C00, s0;
	s5 =	sshll.u32 s4, $0x8;
	[dreg:$0xd] =	wrdreg s25  }
0xd: {  	s4 =	ssub.s32 $0x2, s4;
	[dreg:$0xe] =	wrdreg s26;
	s17 =	simm.s32 $0x9900  }
0xe: {  	s18 =	simm.s32 $0xA100;
	s19 =	simm.s32 $0xA900;
	s20 =	simm.s32 $0xB100  }
0xf: {  	s21 =	simm.s32 $0xB900;
	s23 =	simm.s32 $0xC900;
	s24 =	simm.s32 $0xD100  }
0x10: {  	s25 =	simm.s32 $0xD900;
	s26 =	simm.s32 $0xE100;
	s3 =	sor.u32 s5, s13  }
0x11: {  	s22 =	sshrl.u32 s4, $0x1;
	s13 =	simm.s32 $0x7900;
	s6 =	sor.u32 $0x80, s3  }
0x12: {  	s7 =	sshrl.u32 s3, $0x3;
	s3 =	sshll.u32 s3, $0x5;
	s4 =	ssub.s32 s4, s22  }
0x13: {  	s22 =	simm.s32 $0xC100;
	s7 =	sadd.s32 s14, s7;
	s9 =	sshrl.u32 s6, $0x3  }
0x14: {  	s3 =	sadd.s32 s8, s3;
	s15 =	sshll.u32 s6, $0x5;
	s4 =	smax.u32 s4, $0x1  }
0x15: {  	s6 =	simm.s32 $0x100;
	[dreg:$0x2] =	wrdreg s7;
	s5 =	sadd.s32 s14, s9  }
0x16: {  	[dreg:$0x4] =	wrdreg s3;
	s16 =	sadd.s32 s8, s15;
	s3 =	sadd.s32 $0x10800, s0  }
0x17: {  	v2 =	vlaneseq.u32;
	s8 =	simm.s32 $0x5100;
	s9 =	simm.s32 $0x5900;
	s14 =	simm.s32 $0x8100  }
0x18: {  	vm0 =	vmmov $0xffff;
	v1 =	vshrl.u32 v2, $0x3;
	s15 =	simm.s32 $0x8900;
	s0 =	simm.s32 $0x2;
	[dreg:$0x3] =	wrdreg s5  }
0x19: {  	v0 =	vand.u32 $0x7, v2;
	v2 =	vor.u32 $0x8, v2;
	v1 =	vmul.u32 $0x8, v1;
	[dreg:$0x5] =	wrdreg s16;
	s5 =	simm.s32 $0x3;
	s16 =	simm.s32 $0x9100  }
.LBB2_1:
0x1a: {  	s1 =	rddreg [dreg:$0x2]  }
0x1b: {  	[tilespmem:s2], [sflag:$0x3] =	stream.linear.gather [hbm4b:s1+s2], $0x80, $0x38;
	[tilespmem:$0x10100] =	vst v63  }
0x1c: {  	_ =	swait.ge [sflag:s5], $0x80  }
0x1d: {  	s1 =	rddreg [dreg:$0x3];
	[sflag:s5] =	ssyncset.done $0x0  }
0x1e: {  	s7 =	rddreg [dreg:$0x6];
	[sflag:s5] =	ssyncadd.s32 $0xFFFFFF80  }
0x1f: {  	[tilespmem:s7], [sflag:$0x3] =	stream.linear.gather [hbm4b:s1+s2], $0x80, $0x38;
	[tilespmem:$0x10100] =	vst v63  }
0x20: {  	_ =	swait.ge [sflag:s5], $0x80  }
0x21: {  	[sflag:s5] =	ssyncset.done $0x0  }
0x22: {  	[sflag:s5] =	ssyncadd.s32 $0xFFFFFF80  }
0x23: {  	v3 =	vld [tilespmem:$0x0];
	_ =	sdelay $0x4  }
0x24: {  	v4 =	vshll.u32 v3, $0x1  }
0x25: {  	v3 =	vand.u32 $0x7, v3;
	v4 =	vand.u32 $0xFFFFFFF0, v4  }
0x26: {  	v3 =	vor.u32 v3, v4  }
0x27: {  	v4 =	vperm.xlane v3, v0;
	_ =	sdelay $0x1  }
0x28: {  	v3 =	vperm.xlane v3, v2;
	v4 =	vadd.s32 v1, v4;
	_ =	sdelay $0x1  }
0x29: {  	v3 =	vadd.s32 v1, v3;
	_ =	sdelay $0x2  }
0x2a: {  	[tilespmem:s6], [sflag:$0x1] =	stream.indirect_vreg.gather [hbm4b:s3+s2], $0x80, v4, vm0, $0xb8;
	[tilespmem:$0x10100] =	vst v63  }
0x2b: {  	s7 =	rddreg [dreg:$0x7]  }
0x2c: {  	[tilespmem:s7], [sflag:$0x1] =	stream.indirect_vreg.gather [hbm4b:s3+s2], $0x80, v3, vm0, $0xb8;
	[tilespmem:$0x10100] =	vst v63  }
0x2d: {  	v3 =	vld [tilespmem:$0x10];
	_ =	sdelay $0x4  }
0x2e: {  	v49 =	vshll.u32 v3, $0x1  }
0x2f: {  	v3 =	vand.u32 $0x7, v3;
	v4 =	vand.u32 $0xFFFFFFF0, v49  }
0x30: {  	v3 =	vor.u32 v3, v4  }
0x31: {  	v4 =	vperm.xlane v3, v0;
	_ =	sdelay $0x1  }
0x32: {  	v3 =	vperm.xlane v3, v2;
	v4 =	vadd.s32 v1, v4;
	_ =	sdelay $0x1  }
0x33: {  	v3 =	vadd.s32 v1, v3;
	_ =	sdelay $0x1  }
0x34: {  	s1 =	rddreg [dreg:$0x8]  }
0x35: {  	[tilespmem:s1], [sflag:$0x1] =	stream.indirect_vreg.gather [hbm4b:s3+s2], $0x80, v4, vm0, $0xb8;
	[tilespmem:$0x10100] =	vst v63  }
0x36: {  	s7 =	rddreg [dreg:$0x9]  }
0x37: {  	[tilespmem:s7], [sflag:$0x1] =	stream.indirect_vreg.gather [hbm4b:s3+s2], $0x80, v3, vm0, $0xb8;
	[tilespmem:$0x10100] =	vst v63  }
0x38: {  	v3 =	vld [tilespmem:$0x20];
	_ =	sdelay $0x4  }
0x39: {  	v50 =	vshll.u32 v3, $0x1  }
0x3a: {  	v3 =	vand.u32 $0x7, v3;
	v4 =	vand.u32 $0xFFFFFFF0, v50  }
0x3b: {  	v3 =	vor.u32 v3, v4  }
0x3c: {  	v4 =	vperm.xlane v3, v0;
	_ =	sdelay $0x1  }
0x3d: {  	v3 =	vperm.xlane v3, v2;
	v4 =	vadd.s32 v1, v4;
	_ =	sdelay $0x1  }
0x3e: {  	v3 =	vadd.s32 v1, v3;
	_ =	sdelay $0x1  }
0x3f: {  	s1 =	rddreg [dreg:$0xa]  }
0x40: {  	[tilespmem:s1], [sflag:$0x1] =	stream.indirect_vreg.gather [hbm4b:s3+s2], $0x80, v4, vm0, $0xb8;
	[tilespmem:$0x10100] =	vst v63  }
0x41: {  	s7 =	rddreg [dreg:$0xb]  }
0x42: {  	[tilespmem:s7], [sflag:$0x1] =	stream.indirect_vreg.gather [hbm4b:s3+s2], $0x80, v3, vm0, $0xb8;
	[tilespmem:$0x10100] =	vst v63  }
0x43: {  	v3 =	vld [tilespmem:$0x30];
	_ =	sdelay $0x4  }
0x44: {  	v51 =	vshll.u32 v3, $0x1  }
0x45: {  	v3 =	vand.u32 $0x7, v3;
	v4 =	vand.u32 $0xFFFFFFF0, v51  }
0x46: {  	v3 =	vor.u32 v3, v4  }
0x47: {  	v4 =	vperm.xlane v3, v0;
	_ =	sdelay $0x1  }
0x48: {  	v3 =	vperm.xlane v3, v2;
	v4 =	vadd.s32 v1, v4;
	_ =	sdelay $0x1  }
0x49: {  	v3 =	vadd.s32 v1, v3;
	_ =	sdelay $0x1  }
0x4a: {  	s1 =	rddreg [dreg:$0xc]  }
0x4b: {  	[tilespmem:s1], [sflag:$0x1] =	stream.indirect_vreg.gather [hbm4b:s3+s2], $0x80, v4, vm0, $0xb8;
	[tilespmem:$0x10100] =	vst v63  }
0x4c: {  	s7 =	rddreg [dreg:$0xd]  }
0x4d: {  	[tilespmem:s7], [sflag:$0x1] =	stream.indirect_vreg.gather [hbm4b:s3+s2], $0x80, v3, vm0, $0xb8;
	[tilespmem:$0x10100] =	vst v63  }
0x4e: {  	v3 =	vld [tilespmem:$0x40];
	_ =	sdelay $0x4  }
0x4f: {  	v52 =	vshll.u32 v3, $0x1  }
0x50: {  	v3 =	vand.u32 $0x7, v3;
	v4 =	vand.u32 $0xFFFFFFF0, v52  }
0x51: {  	v3 =	vor.u32 v3, v4  }
0x52: {  	v4 =	vperm.xlane v3, v0;
	_ =	sdelay $0x1  }
0x53: {  	v3 =	vperm.xlane v3, v2;
	v4 =	vadd.s32 v1, v4;
	_ =	sdelay $0x1  }
0x54: {  	v3 =	vadd.s32 v1, v3;
	_ =	sdelay $0x1  }
0x55: {  	s7 =	rddreg [dreg:$0xe]  }
0x56: {  	[tilespmem:s7], [sflag:$0x1] =	stream.indirect_vreg.gather [hbm4b:s3+s2], $0x80, v4, vm0, $0xb8;
	[tilespmem:$0x10100] =	vst v63  }
0x57: {  	s7 =	simm.s32 $0x4900  }
0x58: {  	[tilespmem:s7], [sflag:$0x1] =	stream.indirect_vreg.gather [hbm4b:s3+s2], $0x80, v3, vm0, $0xb8;
	[tilespmem:$0x10100] =	vst v63  }
0x59: {  	v3 =	vld [tilespmem:$0x50];
	_ =	sdelay $0x4  }
0x5a: {  	v53 =	vshll.u32 v3, $0x1  }
0x5b: {  	v3 =	vand.u32 $0x7, v3;
	v4 =	vand.u32 $0xFFFFFFF0, v53  }
0x5c: {  	v3 =	vor.u32 v3, v4  }
0x5d: {  	v4 =	vperm.xlane v3, v0;
	_ =	sdelay $0x1  }
0x5e: {  	v3 =	vperm.xlane v3, v2;
	v4 =	vadd.s32 v1, v4;
	_ =	sdelay $0x1  }
0x5f: {  	v3 =	vadd.s32 v1, v3;
	_ =	sdelay $0x2  }
0x60: {  	[tilespmem:s8], [sflag:$0x1] =	stream.indirect_vreg.gather [hbm4b:s3+s2], $0x80, v4, vm0, $0xb8;
	[tilespmem:$0x10100] =	vst v63  }
0x61: {  	_ = 	snop  }
0x62: {  	[tilespmem:s9], [sflag:$0x1] =	stream.indirect_vreg.gather [hbm4b:s3+s2], $0x80, v3, vm0, $0xb8;
	[tilespmem:$0x10100] =	vst v63  }
0x63: {  	v3 =	vld [tilespmem:$0x60];
	_ =	sdelay $0x4  }
0x64: {  	v54 =	vshll.u32 v3, $0x1  }
0x65: {  	v3 =	vand.u32 $0x7, v3;
	v4 =	vand.u32 $0xFFFFFFF0, v54  }
0x66: {  	v3 =	vor.u32 v3, v4  }
0x67: {  	v4 =	vperm.xlane v3, v0;
	_ =	sdelay $0x1  }
0x68: {  	v3 =	vperm.xlane v3, v2;
	v4 =	vadd.s32 v1, v4;
	_ =	sdelay $0x1  }
0x69: {  	v3 =	vadd.s32 v1, v3;
	_ =	sdelay $0x2  }
0x6a: {  	[tilespmem:s10], [sflag:$0x1] =	stream.indirect_vreg.gather [hbm4b:s3+s2], $0x80, v4, vm0, $0xb8;
	[tilespmem:$0x10100] =	vst v63  }
0x6b: {  	_ = 	snop  }
0x6c: {  	[tilespmem:s11], [sflag:$0x1] =	stream.indirect_vreg.gather [hbm4b:s3+s2], $0x80, v3, vm0, $0xb8;
	[tilespmem:$0x10100] =	vst v63  }
0x6d: {  	v3 =	vld [tilespmem:$0x70];
	_ =	sdelay $0x4  }
0x6e: {  	v55 =	vshll.u32 v3, $0x1  }
0x6f: {  	v3 =	vand.u32 $0x7, v3;
	v4 =	vand.u32 $0xFFFFFFF0, v55  }
0x70: {  	v3 =	vor.u32 v3, v4  }
0x71: {  	v4 =	vperm.xlane v3, v0;
	_ =	sdelay $0x1  }
0x72: {  	v3 =	vperm.xlane v3, v2;
	v4 =	vadd.s32 v1, v4;
	_ =	sdelay $0x1  }
0x73: {  	v3 =	vadd.s32 v1, v3;
	_ =	sdelay $0x2  }
0x74: {  	[tilespmem:s12], [sflag:$0x1] =	stream.indirect_vreg.gather [hbm4b:s3+s2], $0x80, v4, vm0, $0xb8;
	[tilespmem:$0x10100] =	vst v63  }
0x75: {  	_ = 	snop  }
0x76: {  	[tilespmem:s13], [sflag:$0x1] =	stream.indirect_vreg.gather [hbm4b:s3+s2], $0x80, v3, vm0, $0xb8;
	[tilespmem:$0x10100] =	vst v63  }
0x77: {  	v3 =	vld [tilespmem:$0x80];
	_ =	sdelay $0x4  }
0x78: {  	v56 =	vshll.u32 v3, $0x1  }
0x79: {  	v3 =	vand.u32 $0x7, v3;
	v4 =	vand.u32 $0xFFFFFFF0, v56  }
0x7a: {  	v3 =	vor.u32 v3, v4  }
0x7b: {  	v4 =	vperm.xlane v3, v0;
	_ =	sdelay $0x1  }
0x7c: {  	v3 =	vperm.xlane v3, v2;
	v4 =	vadd.s32 v1, v4;
	_ =	sdelay $0x1  }
0x7d: {  	v3 =	vadd.s32 v1, v3;
	_ =	sdelay $0x2  }
0x7e: {  	[tilespmem:s14], [sflag:$0x1] =	stream.indirect_vreg.gather [hbm4b:s3+s2], $0x80, v4, vm0, $0xb8;
	[tilespmem:$0x10100] =	vst v63  }
0x7f: {  	_ = 	snop  }
0x80: {  	[tilespmem:s15], [sflag:$0x1] =	stream.indirect_vreg.gather [hbm4b:s3+s2], $0x80, v3, vm0, $0xb8;
	[tilespmem:$0x10100] =	vst v63  }
0x81: {  	v3 =	vld [tilespmem:$0x90];
	_ =	sdelay $0x4  }
0x82: {  	v57 =	vshll.u32 v3, $0x1  }
0x83: {  	v3 =	vand.u32 $0x7, v3;
	v4 =	vand.u32 $0xFFFFFFF0, v57  }
0x84: {  	v3 =	vor.u32 v3, v4  }
0x85: {  	v4 =	vperm.xlane v3, v0;
	_ =	sdelay $0x1  }
0x86: {  	v3 =	vperm.xlane v3, v2;
	v4 =	vadd.s32 v1, v4;
	_ =	sdelay $0x1  }
0x87: {  	v3 =	vadd.s32 v1, v3;
	_ =	sdelay $0x2  }
0x88: {  	[tilespmem:s16], [sflag:$0x1] =	stream.indirect_vreg.gather [hbm4b:s3+s2], $0x80, v4, vm0, $0xb8;
	[tilespmem:$0x10100] =	vst v63  }
0x89: {  	_ = 	snop  }
0x8a: {  	[tilespmem:s17], [sflag:$0x1] =	stream.indirect_vreg.gather [hbm4b:s3+s2], $0x80, v3, vm0, $0xb8;
	[tilespmem:$0x10100] =	vst v63  }
0x8b: {  	v3 =	vld [tilespmem:$0xA0];
	_ =	sdelay $0x4  }
0x8c: {  	v58 =	vshll.u32 v3, $0x1  }
0x8d: {  	v3 =	vand.u32 $0x7, v3;
	v4 =	vand.u32 $0xFFFFFFF0, v58  }
0x8e: {  	v3 =	vor.u32 v3, v4  }
0x8f: {  	v4 =	vperm.xlane v3, v0;
	_ =	sdelay $0x1  }
0x90: {  	v3 =	vperm.xlane v3, v2;
	v4 =	vadd.s32 v1, v4;
	_ =	sdelay $0x1  }
0x91: {  	v3 =	vadd.s32 v1, v3;
	_ =	sdelay $0x2  }
0x92: {  	[tilespmem:s18], [sflag:$0x1] =	stream.indirect_vreg.gather [hbm4b:s3+s2], $0x80, v4, vm0, $0xb8;
	[tilespmem:$0x10100] =	vst v63  }
0x93: {  	_ = 	snop  }
0x94: {  	[tilespmem:s19], [sflag:$0x1] =	stream.indirect_vreg.gather [hbm4b:s3+s2], $0x80, v3, vm0, $0xb8;
	[tilespmem:$0x10100] =	vst v63  }
0x95: {  	v3 =	vld [tilespmem:$0xB0];
	_ =	sdelay $0x4  }
0x96: {  	v59 =	vshll.u32 v3, $0x1  }
0x97: {  	v3 =	vand.u32 $0x7, v3;
	v4 =	vand.u32 $0xFFFFFFF0, v59  }
0x98: {  	v3 =	vor.u32 v3, v4  }
0x99: {  	v4 =	vperm.xlane v3, v0;
	_ =	sdelay $0x1  }
0x9a: {  	v3 =	vperm.xlane v3, v2;
	v4 =	vadd.s32 v1, v4;
	_ =	sdelay $0x1  }
0x9b: {  	v3 =	vadd.s32 v1, v3;
	_ =	sdelay $0x2  }
0x9c: {  	[tilespmem:s20], [sflag:$0x1] =	stream.indirect_vreg.gather [hbm4b:s3+s2], $0x80, v4, vm0, $0xb8;
	[tilespmem:$0x10100] =	vst v63  }
0x9d: {  	_ = 	snop  }
0x9e: {  	[tilespmem:s21], [sflag:$0x1] =	stream.indirect_vreg.gather [hbm4b:s3+s2], $0x80, v3, vm0, $0xb8;
	[tilespmem:$0x10100] =	vst v63  }
0x9f: {  	v3 =	vld [tilespmem:$0xC0];
	_ =	sdelay $0x4  }
0xa0: {  	v60 =	vshll.u32 v3, $0x1  }
0xa1: {  	v3 =	vand.u32 $0x7, v3;
	v4 =	vand.u32 $0xFFFFFFF0, v60  }
0xa2: {  	v3 =	vor.u32 v3, v4  }
0xa3: {  	v4 =	vperm.xlane v3, v0;
	_ =	sdelay $0x1  }
0xa4: {  	v3 =	vperm.xlane v3, v2;
	v4 =	vadd.s32 v1, v4;
	_ =	sdelay $0x1  }
0xa5: {  	v3 =	vadd.s32 v1, v3;
	_ =	sdelay $0x2  }
0xa6: {  	[tilespmem:s22], [sflag:$0x1] =	stream.indirect_vreg.gather [hbm4b:s3+s2], $0x80, v4, vm0, $0xb8;
	[tilespmem:$0x10100] =	vst v63  }
0xa7: {  	_ = 	snop  }
0xa8: {  	[tilespmem:s23], [sflag:$0x1] =	stream.indirect_vreg.gather [hbm4b:s3+s2], $0x80, v3, vm0, $0xb8;
	[tilespmem:$0x10100] =	vst v63  }
0xa9: {  	v3 =	vld [tilespmem:$0xD0];
	_ =	sdelay $0x4  }
0xaa: {  	v61 =	vshll.u32 v3, $0x1  }
0xab: {  	v3 =	vand.u32 $0x7, v3;
	v4 =	vand.u32 $0xFFFFFFF0, v61  }
0xac: {  	v3 =	vor.u32 v3, v4  }
0xad: {  	v4 =	vperm.xlane v3, v0;
	_ =	sdelay $0x1  }
0xae: {  	v3 =	vperm.xlane v3, v2;
	v4 =	vadd.s32 v1, v4;
	_ =	sdelay $0x1  }
0xaf: {  	v3 =	vadd.s32 v1, v3;
	_ =	sdelay $0x2  }
0xb0: {  	[tilespmem:s24], [sflag:$0x1] =	stream.indirect_vreg.gather [hbm4b:s3+s2], $0x80, v4, vm0, $0xb8;
	[tilespmem:$0x10100] =	vst v63  }
0xb1: {  	_ = 	snop  }
0xb2: {  	[tilespmem:s25], [sflag:$0x1] =	stream.indirect_vreg.gather [hbm4b:s3+s2], $0x80, v3, vm0, $0xb8;
	[tilespmem:$0x10100] =	vst v63  }
0xb3: {  	v3 =	vld [tilespmem:$0xE0];
	_ =	sdelay $0x4  }
0xb4: {  	v62 =	vshll.u32 v3, $0x1  }
0xb5: {  	v3 =	vand.u32 $0x7, v3;
	v4 =	vand.u32 $0xFFFFFFF0, v62  }
0xb6: {  	v3 =	vor.u32 v3, v4  }
0xb7: {  	v4 =	vperm.xlane v3, v0;
	_ =	sdelay $0x1  }
0xb8: {  	v3 =	vperm.xlane v3, v2;
	v4 =	vadd.s32 v1, v4;
	_ =	sdelay $0x1  }
0xb9: {  	v3 =	vadd.s32 v1, v3;
	_ =	sdelay $0x2  }
0xba: {  	[tilespmem:s26], [sflag:$0x1] =	stream.indirect_vreg.gather [hbm4b:s3+s2], $0x80, v4, vm0, $0xb8;
	[tilespmem:$0x10100] =	vst v63  }
0xbb: {  	_ = 	snop  }
0xbc: {  	[tilespmem:s28], [sflag:$0x1] =	stream.indirect_vreg.gather [hbm4b:s3+s2], $0x80, v3, vm0, $0xb8;
	[tilespmem:$0x10100] =	vst v63  }
0xbd: {  	v3 =	vld [tilespmem:$0xF0];
	_ =	sdelay $0x4  }
0xbe: {  	v63 =	vshll.u32 v3, $0x1  }
0xbf: {  	v3 =	vand.u32 $0x7, v3;
	v4 =	vand.u32 $0xFFFFFFF0, v63  }
0xc0: {  	v3 =	vor.u32 v3, v4  }
0xc1: {  	v4 =	vperm.xlane v3, v0;
	_ =	sdelay $0x1  }
0xc2: {  	v3 =	vperm.xlane v3, v2;
	v4 =	vadd.s32 v1, v4;
	_ =	sdelay $0x1  }
0xc3: {  	v3 =	vadd.s32 v1, v3;
	_ =	sdelay $0x2  }
0xc4: {  	[tilespmem:s29], [sflag:$0x1] =	stream.indirect_vreg.gather [hbm4b:s3+s2], $0x80, v4, vm0, $0xb8;
	[tilespmem:$0x10100] =	vst v63  }
0xc5: {  	_ = 	snop  }
0xc6: {  	[tilespmem:s30], [sflag:$0x1] =	stream.indirect_vreg.gather [hbm4b:s3+s2], $0x80, v3, vm0, $0xb8;
	[tilespmem:$0x10100] =	vst v63  }
0xc7: {  	_ =	swait.ge [sflag:s31], $0x8000  }
0xc8: {  	[sflag:s31] =	ssyncset.done $0x0  }
0xc9: {  	s7 =	rddreg [dreg:$0x4];
	[sflag:s31] =	ssyncadd.s32 $0xFFFF8000  }
0xca: {  	[hbm4b:s7+s2] =	stream.linear.scatter [tilespmem:s6], [sflag:$0x2], $0x8000, $0x38;
	[tilespmem:$0x10100] =	vst v63  }
0xcb: {  	_ =	swait.ge [sflag:s31], $0x8000  }
0xcc: {  	[sflag:s31] =	ssyncset.done $0x0  }
0xcd: {  	s7 =	rddreg [dreg:$0x5];
	[sflag:s31] =	ssyncadd.s32 $0xFFFF8000  }
0xce: {  	[hbm4b:s7+s2] =	stream.linear.scatter [tilespmem:s14], [sflag:$0x2], $0x8000, $0x38;
	[tilespmem:$0x10100] =	vst v63  }
0xcf: {  	p0 =	sne.s32 s4, $0x1;
	_ =	swait.ge [sflag:s0], $0x8000  }
.Ltmp0:
0xd0: {  	[sflag:s0] =	ssyncset.done $0x0;
	(pc) =	sbr.rel @p0 .LBB2_1-.Ltmp0, $4  }
0xd1: {  	[sflag:s0] =	ssyncadd.s32 $0xFFFF8000  }
0xd2: {  	_ =	swait.ge [sflag:s0], $0x8000  }
0xd3: {  	[sflag:s0] =	ssyncset.done $0x0  }
0xd4: {  	s4 =	sadd.s32 $0xFFFFFFFF, s4;
	[sflag:s0] =	ssyncadd.s32 $0xFFFF8000  }
0xd5: {  	_ =	sfence.sel $0x180000  }
0xd6: {  	[bflag:$0x0] =	sbarrier.arrive $0xFFFF  }
0xd7: {  	_ =	strace $0x90000053  }
0xd8: {  	s0 =	stileid.u32;
	[bflag:$0x2] =	sbarrier.arrive $0xFFFF  }
0xd9: {  	p0 =	sne.s32 s0, $0x0;
	s0 =	rddreg [dreg:$0x1]  }
0xda: {  	s0 =	sadd.s32 @!p0 $0x100000, s0  }
0xdb: {  	[sflag:s0] =	ssyncadd.tile.s32 @!p0 $0x1;
	_ =	shalt  }
.Lfunc_end2:
_tile_overlayer_lowered:
.L_overlay_start_2:
0xdc: {  	(tag) =	ssettag $0x2  }
0xdd: {  	s0 =	rddreg [dreg:$0x0];
	s2 =	stileid.u32  }
0xde: {  	s1 =	rddreg [dreg:$0x1];
	p0 =	sne.s32 s2, $0x0  }
0xdf: {  	s3 =	rddreg [dreg:$0x2];
	[bflag:$0x3] =	sbarrier.arrive $0xFFFF;
	s2 =	simm.s32 @!p0 $0x1C03  }
0xe0: {  	[timem:s3], [sflag:s2] =	dma.local @!p0 [hbm:s0], s1  }
0xe1: {  	s0 =	simm.s32 @!p0 $0x3  }
0xe2: {  	_ =	swait.ge @!p0 [sflag:s0], s1  }
0xe3: {  	s1 =	ssub.s32 @!p0 $0x0, s1;
	[sflag:s0] =	ssyncset.done @!p0 $0x0  }
0xe4: {  	[sflag:s0] =	ssyncadd.s32 @!p0 s1  }
0xe5: {  	[bflag:$0x3] =	sbarrier.arrive $0xFFFF  }
0xe6: {  	_ =	shalt  }

// kernel: kernel.41.cloned.1.call-start
scs
__scs_entry_jumppad:
0x0: {  	(pc) =	sbr.rel $0x88, $3  }
0x1: {  	(tag) =	ssettag $0x0;
	lr =	simm.s32 $0x1  }
0x2: {  	[smem:$0x3F9F] =	sst lr;
	_ =	strace $0xD0000000  }
0x3: {  	_ = 	snop  }
0x4: {  	_ = 	snop  }
0x5: {  	_ = 	snop  }
0x6: {  	_ = 	snop  }
0x7: {  	_ = 	snop  }
__scs_overlays_trampoline_lowered:
0x8: {  	[smem:$0x3FAE] =	sst s0  }
0x9: {  	[smem:$0x3FAF] =	sst s1  }
0xa: {  	[smem:$0x3FB0] =	sst s2  }
0xb: {  	[smem:$0x3FB1] =	sst s3  }
0xc: {  	[smem:$0x3FB2] =	sst s4  }
0xd: {  	[smem:$0x3FB3] =	sst s5  }
0xe: {  	[smem:$0x3FB4] =	sst s6  }
0xf: {  	[smem:$0x3FB5] =	sst s7  }
0x10: {  	[smem:$0x3FB6] =	sst s8  }
0x11: {  	[smem:$0x3FB7] =	sst s9;
	s0 =	simm.s32 @!p0 $0x0  }
0x12: {  	s1 =	sld [smem:$0x3F9D];
	s0 =	simm.s32 @p0 $0x1  }
0x13: {  	[smem:$0x3FB8] =	sst s0;
	s0 =	simm.s32 @!p1 $0x0  }
0x14: {  	s2 =	sld [smem:$0x3F9C];
	s0 =	simm.s32 @p1 $0x1  }
0x15: {  	[smem:$0x3FB9] =	sst s0;
	s0 =	simm.s32 @!p2 $0x0  }
0x16: {  	s3 =	sld [smem:$0x3FDB];
	s0 =	simm.s32 @p2 $0x1  }
0x17: {  	s4 =	simm.s32 $0x1BF5;
	[smem:$0x3FBB] =	sst s0  }
0x18: {  	s0 =	sld [smem:$0x3F9E];
	_ =	swait.ge [sflag:s4], $0x0  }
0x19: {  	s7 =	sld [smem:$0x3F9F]  }
0x1a: {  	s8 =	sadd.s32 $0xFFFFE003, lr  }
0x1b: {  	s9 =	sadd.s32 $0xFFFFFEF7, lr;
	s5 =	simm.s32 $0xFFFFFFFF;
	p2 =	slt.u32 s8, $0xFFFFF086  }
0x1c: {  	p1 =	slt.u32 s9, $0xF7A;
	s5 =	simm.s32 @!p2 $0x0  }
0x1d: {  	s5 =	simm.s32 @p1 $0x1;
	p0 =	seq.s32 s7, s2  }
0x1e: {  	s7 =	smul.u32 @!p0 $0xF7A, s2;
	p2 =	seq.s32 @!p0 s5, $0x0  }
0x1f: {  	s9 =	smul.u32 $0xF7A, s1;
	s8 =	simm.s32 @!p0 $0x1BF5;
	p2 =	por !p2, p0  }
0x20: {  	[sflag:s8] =	ssyncset.s32 @!p0 $0xFFFFF086;
	s6 =	sadd.s32 @!p0 s3, s7;
	s7 =	simm.s32 @!p0 $0x108  }
0x21: {  	s3 =	sadd.s32 s3, s9;
	s6 =	sadd.s32 @!p0 $0x88, s6;
	s7 =	simm.s32 @p2 $0x1082  }
0x22: {  	[simem:s7], [sflag:s8] =	dma.local @!p0 [hbm:s6], $0xF7A  }
0x23: {  	s9 =	sor.u32 $0xD0000000, s2;
	s6 =	simm.s32 $0x108;
	_ =	swait.ge @!p0 [sflag:s8], $0x0  }
0x24: {  	s3 =	sadd.s32 $0x88, s3;
	s6 =	simm.s32 @!p1 $0x1082;
	[sflag:s4] =	ssyncset.s32 $0xFFFFF086  }
0x25: {  	[simem:s6], [sflag:s4] =	dma.local [hbm:s3], $0xF7A  }
0x26: {  	[smem:$0x3F9F] =	sst s1;
	(tag) =	ssettag s2;
	_ =	strace s9  }
0x27: {  	s1 =	sld [smem:$0x3FAF]  }
0x28: {  	s2 =	sld [smem:$0x3FB0]  }
0x29: {  	s4 =	sld [smem:$0x3FB2]  }
0x2a: {  	p0 =	seq.s32 s5, $0x0;
	s5 =	sld [smem:$0x3FB3]  }
0x2b: {  	s6 =	sld [smem:$0x3FB4]  }
0x2c: {  	s7 =	sld [smem:$0x3FB5]  }
0x2d: {  	s3 =	simm.s32 $0x108;
	s8 =	sld [smem:$0x3FB6]  }
0x2e: {  	s3 =	simm.s32 @!p0 $0x1082;
	s9 =	sld [smem:$0x3FB7]  }
0x2f: {  	lr =	sadd.s32 s0, s3;
	s0 =	sld [smem:$0x3FAE]  }
0x30: {  	s3 =	sld [smem:$0x3FB1]  }
0x31: {  	[smem:$0x3FBA] =	sst s10  }
0x32: {  	s10 =	sld [smem:$0x3FB8];
	_ =	sdelay $0x3  }
0x33: {  	p0 =	seq.s32 s10, $0x1;
	s10 =	sld [smem:$0x3FBA];
	_ =	sdelay $0x3  }
0x34: {  	[smem:$0x3FBA] =	sst s10  }
0x35: {  	s10 =	sld [smem:$0x3FB9];
	_ =	sdelay $0x3  }
0x36: {  	p1 =	seq.s32 s10, $0x1;
	s10 =	sld [smem:$0x3FBA];
	_ =	sdelay $0x3  }
0x37: {  	[smem:$0x3FBA] =	sst s10  }
0x38: {  	s10 =	sld [smem:$0x3FBB]  }
0x39: {  	_ = 	snop;
	(pc) =	sbr.ind lr, $3  }
0x3a: {  	_ = 	snop  }
0x3b: {  	_ = 	snop  }
0x3c: {  	p2 =	seq.s32 s10, $0x1;
	s10 =	sld [smem:$0x3FBA]  }
0x3d: {  	_ =	shalt  }
0x3e: {  	_ =	shalt  }
0x3f: {  	_ =	shalt  }
0x40: {  	_ =	shalt  }
0x41: {  	_ =	shalt  }
0x42: {  	_ =	shalt  }
0x43: {  	_ =	shalt  }
0x44: {  	_ =	shalt  }
0x45: {  	_ =	shalt  }
0x46: {  	_ =	shalt  }
0x47: {  	_ =	shalt  }
0x48: {  	_ =	shalt  }
0x49: {  	_ =	shalt  }
0x4a: {  	_ =	shalt  }
0x4b: {  	_ =	shalt  }
0x4c: {  	_ =	shalt  }
0x4d: {  	_ =	shalt  }
0x4e: {  	_ =	shalt  }
0x4f: {  	_ =	shalt  }
0x50: {  	_ =	shalt  }
0x51: {  	_ =	shalt  }
0x52: {  	_ =	shalt  }
0x53: {  	_ =	shalt  }
0x54: {  	_ =	shalt  }
0x55: {  	_ =	shalt  }
0x56: {  	_ =	shalt  }
0x57: {  	_ =	shalt  }
0x58: {  	_ =	shalt  }
0x59: {  	_ =	shalt  }
0x5a: {  	_ =	shalt  }
0x5b: {  	_ =	shalt  }
0x5c: {  	_ =	shalt  }
0x5d: {  	_ =	shalt  }
0x5e: {  	_ =	shalt  }
0x5f: {  	_ =	shalt  }
0x60: {  	_ =	shalt  }
0x61: {  	_ =	shalt  }
0x62: {  	_ =	shalt  }
0x63: {  	_ =	shalt  }
0x64: {  	_ =	shalt  }
0x65: {  	_ =	shalt  }
0x66: {  	_ =	shalt  }
0x67: {  	_ =	shalt  }
0x68: {  	_ =	shalt  }
0x69: {  	_ =	shalt  }
0x6a: {  	_ =	shalt  }
0x6b: {  	_ =	shalt  }
0x6c: {  	_ =	shalt  }
0x6d: {  	_ =	shalt  }
0x6e: {  	_ =	shalt  }
0x6f: {  	_ =	shalt  }
0x70: {  	_ =	shalt  }
0x71: {  	_ =	shalt  }
0x72: {  	_ =	shalt  }
0x73: {  	_ =	shalt  }
0x74: {  	_ =	shalt  }
0x75: {  	_ =	shalt  }
0x76: {  	_ =	shalt  }
0x77: {  	_ =	shalt  }
0x78: {  	_ =	shalt  }
0x79: {  	_ =	shalt  }
0x7a: {  	_ =	shalt  }
0x7b: {  	_ =	shalt  }
0x7c: {  	_ =	shalt  }
0x7d: {  	_ =	shalt  }
0x7e: {  	_ =	shalt  }
0x7f: {  	_ =	shalt  }
0x80: {  	_ =	shalt  }
0x81: {  	_ =	shalt  }
0x82: {  	_ =	shalt  }
0x83: {  	_ =	shalt  }
0x84: {  	_ =	shalt  }
0x85: {  	_ =	shalt  }
0x86: {  	_ =	shalt  }
0x87: {  	_ =	shalt  }
.Lfunc_end0:
.L_simem_size_0:
called_computation.7_lowered:
.L_overlay_start_0:
0x88: {  	s2 =	sld [smem:$0x3FD9]  }
0x89: {  	s3 =	sld [smem:$0x3FFE];
	_ =	sdelay $0x1  }
0x8a: {  	s1 =	srdreg.scid  }
0x8b: {  	s0 =	sand.u32 $0x1, s1  }
0x8c: {  	s17 =	sshll.u32 s0, $0xA;
	s2 =	sadd.s32 s3, s2  }
0x8d: {  	s2 =	sadd.s32 s2, s17  }
0x8e: {  	[smem:$0x3FC6] =	sst s2  }
0x8f: {  	_ = 	snop  }
0x90: {  	(tm) =	ssettm $0x1  }
0x91: {  	s18 =	sld [smem:$0x3FFB];
	_ =	sdelay $0x3  }
0x92: {  	_ =	strace s18  }
0x93: {  	s2 =	sld [smem:$0x3FFC];
	_ =	sdelay $0x3  }
0x94: {  	_ =	strace s2  }
0x95: {  	s2 =	sld [smem:$0x3FFD];
	_ =	sdelay $0x3  }
0x96: {  	_ =	strace s2  }
0x97: {  	_ =	strace $0x8FFFFFFF  }
0x98: {  	s19 =	sld [smem:$0x3FDB];
	_ =	sdelay $0x1  }
0x99: {  	s20 =	simm.s32 $_scs_section_size  }
0x9a: {  	s4 =	simm.s32 $_size__tile_overlayer_lowered;
	s5 =	simm.s32 $_tile_overlayer_lowered  }
0x9b: {  	s6 =	simm.s32 $0x1BFF;
	s21 =	sshll.u32 s5, $0x1;
	s3 =	sadd.s32 s20, s19  }
0x9c: {  	s22 =	simm.s32 $0x0;
	s4 =	sshll.u32 s4, $0x1;
	s5 =	sadd.s32 s21, s3  }
0x9d: {  	[timem:s22], [sflag:s6] =	dma.local [hbm:s5], s4  }
0x9e: {  	_ =	swait.ge [sflag:s6], s4  }
0x9f: {  	s4 =	ssub.s32 $0x0, s4;
	[sflag:s6] =	ssyncset.done $0x0  }
0xa0: {  	[sflag:s6] =	ssyncadd.s32 s4;
	_ =	sdelay $0x1  }
0xa1: {  	s23 =	simm.s32 $0x1B8B  }
0xa2: {  	_ =	swait.ge [sflag:s23], $0x1  }
0xa3: {  	[sflag:s23] =	ssyncset.done $0x0  }
0xa4: {  	[sflag:s23] =	ssyncadd.s32 $0xFFFFFFFF  }
0xa5: {  	s4 =	sld [smem:$0x0]  }
0xa6: {  	s5 =	sand.u32 $0xFFFFFFFE, s1  }
0xa7: {  	p0 =	sne.s32 s1, s5  }
0xa8: {  	s5 =	sshll.u32 @p0 s5, $0xE  }
0xa9: {  	s5 =	sadd.s32 @p0 $0x11B8D, s5;
	s6 =	sshll.u32 @p0 s4, $0x11  }
0xaa: {  	s5 =	sor.u32 @p0 s6, s5  }
0xab: {  	[sflag:s5] =	ssyncadd.remote.s32 @p0 $0x1;
	_ =	sdelay $0x1  }
0xac: {  	s5 =	simm.s32 @p0 $0x1B8D  }
0xad: {  	_ =	swait.eq @p0 [sflag:s5], $0x1  }
0xae: {  	[sflag:s5] =	ssyncadd.s32 @p0 $0xFFFFFFFF  }
0xaf: {  	s6 =	sshll.u32 @!p0 s1, $0xE  }
0xb0: {  	s6 =	sor.u32 @!p0 $0x4000, s6;
	s5 =	simm.s32 @!p0 $0x1B8D  }
0xb1: {  	s4 =	sshll.u32 @!p0 s4, $0x11;
	s6 =	sadd.s32 @!p0 $0x11B8D, s6;
	_ =	swait.eq @!p0 [sflag:s5], $0x1  }
0xb2: {  	s4 =	sor.u32 @!p0 s4, s6;
	[sflag:s5] =	ssyncadd.s32 @!p0 $0xFFFFFFFF  }
0xb3: {  	s25 =	simm.s32 $0x1B8E;
	s24 =	sld [smem:$0x3FFE];
	[sflag:s4] =	ssyncadd.remote.s32 @!p0 $0x1  }
0xb4: {  	s26 =	simm.s32 $execute0_lowered;
	[smem:$0x3FD2] =	sst s25  }
0xb5: {  	s5 =	sshll.u32 s26, $0x1;
	_ =	strace $0x80000058;
	[dreg:$0x1] =	wrdreg $0xFFFFFFFF  }
0xb6: {  	s28 =	simm.s32 $_size_execute0_lowered;
	s3 =	sadd.s32 s3, s5;
	[dreg:$0x0] =	wrdreg $0x0  }
0xb7: {  	s5 =	sshll.u32 s28, $0x1;
	[dreg:$0x2] =	wrdreg s3  }
0xb8: {  	[dreg:$0x3] =	wrdreg s5  }
0xb9: {  	[dreg:$0x4] =	wrdreg $0xC0  }
0xba: {  	_ =	task [dreg:s22], $0x5FFFF  }
0xbb: {  	[dreg:$0x1] =	wrdreg $0xFFFFFFFF  }
0xbc: {  	[dreg:$0x0] =	wrdreg $0x60  }
0xbd: {  	[dreg:$0x2] =	wrdreg s24  }
0xbe: {  	[dreg:$0x3] =	wrdreg $0xA  }
0xbf: {  	_ =	task.clear_ibuf [dreg:s22], $0x4FFFF;
	_ =	strace $0x90000058  }
0xc0: {  	s29 =	simm.s32 $0xA;
	_ =	strace $0x8000005A  }
0xc1: {  	_ =	swait.ge [sflag:s29], $0x1  }
0xc2: {  	[sflag:s29] =	ssyncadd.s32 $0xFFFFFFFF  }
0xc3: {  	_ =	strace $0x9000005A  }
0xc4: {  	_ =	sfence  }
0xc5: {  	s30 =	sld [smem:$0x0];
	_ =	sdelay $0x2  }
0xc6: {  	s31 =	sshll.u32 s1, $0xD;
	s1 =	sshrl.u32 s1, $0x2  }
0xc7: {  	s4 =	sand.u32 $0x4000, s31;
	s1 =	sadd.s32 s1, s30  }
0xc8: {  	s0 =	sor.u32 s4, s0;
	s1 =	sshll.u32 s1, $0x11  }
0xc9: {  	s0 =	sor.u32 s1, s0  }
0xca: {  	s0 =	sadd.s32 $0x8F2B, s0  }
0xcb: {  	[sflag:s0] =	ssyncadd.remote.s32 $0x1  }
0xcc: {  	_ =	sfence.sel $0xFFFF  }
0xcd: {  	[dreg:$0x0] =	wrdreg $0xFFFFFFFF;
	(pc) =	sbr.abs _section_cstart, $3  }
0xce: {  	[dreg:$0x1] =	wrdreg $0xFFFFFFFF  }
0xcf: {  	_ =	task.clear_ibuf [dreg:s22], $0x2FFFF;
	_ =	strace $0x9FFFFFFF  }
0xd0: {  	(tm) =	ssettm $0x7FFFFFFF  }
0xd1: {  	_ =	shalt  }
tec
execute0_lowered:
.L_overlay_start_1:
0x0: {  	(tag) =	ssettag $0x1  }
0x1: {  	s0 =	rddreg [dreg:$0x0];
	s3 =	srdreg.scid  }
0x2: {  	s2 =	simm.s32 $0x0;
	s1 =	stileid.u32;
	s17 =	simm.s32 $0x80  }
0x3: {  	s18 =	simm.s32 $0x900;
	s19 =	simm.s32 $0x1100;
	s20 =	simm.s32 $0x1900  }
0x4: {  	s21 =	simm.s32 $0x2100;
	s23 =	simm.s32 $0x2900;
	[smem:$0x7FF] =	sst s2  }
0x5: {  	s24 =	simm.s32 $0x3100;
	_ =	strace $0x80000059;
	[dreg:$0x6] =	wrdreg s17  }
0x6: {  	s25 =	simm.s32 $0x3900;
	s26 =	simm.s32 $0x4100;
	[dreg:$0x7] =	wrdreg s18  }
0x7: {  	s10 =	simm.s32 $0x6100;
	s11 =	simm.s32 $0x6900;
	[dreg:$0x8] =	wrdreg s19  }
0x8: {  	s12 =	simm.s32 $0x7100;
	s28 =	simm.s32 $0xE900;
	[dreg:$0x9] =	wrdreg s20  }
0x9: {  	s29 =	simm.s32 $0xF100;
	s30 =	simm.s32 $0xF900;
	[dreg:$0xa] =	wrdreg s21  }
0xa: {  	s31 =	simm.s32 $0x1;
	s4 =	sand.u32 $0x1, s3;
	[dreg:$0xb] =	wrdreg s23  }
0xb: {  	s13 =	sshll.u32 s1, $0x9;
	s14 =	sadd.s32 $0x9000, s0;
	[dreg:$0xc] =	wrdreg s24  }
0xc: {  	s8 =	sadd.s32 $0x199400, s0;
	s5 =	sshll.u32 s4, $0x8;
	[dreg:$0xd] =	wrdreg s25  }
0xd: {  	s4 =	ssub.s32 $0x2, s4;
	[dreg:$0xe] =	wrdreg s26;
	s17 =	simm.s32 $0x9900  }
0xe: {  	s18 =	simm.s32 $0xA100;
	s19 =	simm.s32 $0xA900;
	s20 =	simm.s32 $0xB100  }
0xf: {  	s21 =	simm.s32 $0xB900;
	s23 =	simm.s32 $0xC900;
	s24 =	simm.s32 $0xD100  }
0x10: {  	s25 =	simm.s32 $0xD900;
	s26 =	simm.s32 $0xE100;
	s3 =	sor.u32 s5, s13  }
0x11: {  	s22 =	sshrl.u32 s4, $0x1;
	s13 =	simm.s32 $0x7900;
	s6 =	sor.u32 $0x80, s3  }
0x12: {  	s7 =	sshrl.u32 s3, $0x3;
	s3 =	sshll.u32 s3, $0x5;
	s4 =	ssub.s32 s4, s22  }
0x13: {  	s22 =	simm.s32 $0xC100;
	s7 =	sadd.s32 s14, s7;
	s9 =	sshrl.u32 s6, $0x3  }
0x14: {  	s3 =	sadd.s32 s8, s3;
	s15 =	sshll.u32 s6, $0x5;
	s4 =	smax.u32 s4, $0x1  }
0x15: {  	s6 =	simm.s32 $0x100;
	[dreg:$0x2] =	wrdreg s7;
	s5 =	sadd.s32 s14, s9  }
0x16: {  	[dreg:$0x4] =	wrdreg s3;
	s16 =	sadd.s32 s8, s15;
	s3 =	sadd.s32 $0x800, s0  }
0x17: {  	v2 =	vlaneseq.u32;
	s8 =	simm.s32 $0x5100;
	s9 =	simm.s32 $0x5900;
	s14 =	simm.s32 $0x8100  }
0x18: {  	vm0 =	vmmov $0xffff;
	v1 =	vshrl.u32 v2, $0x3;
	s15 =	simm.s32 $0x8900;
	s0 =	simm.s32 $0x2;
	[dreg:$0x3] =	wrdreg s5  }
0x19: {  	v0 =	vand.u32 $0x7, v2;
	v2 =	vor.u32 $0x8, v2;
	v1 =	vmul.u32 $0x8, v1;
	[dreg:$0x5] =	wrdreg s16;
	s5 =	simm.s32 $0x3;
	s16 =	simm.s32 $0x9100  }
.LBB2_1:
0x1a: {  	s1 =	rddreg [dreg:$0x2]  }
0x1b: {  	[tilespmem:s2], [sflag:$0x3] =	stream.linear.gather [hbm4b:s1+s2], $0x80, $0x38;
	[tilespmem:$0x10100] =	vst v63  }
0x1c: {  	_ =	swait.ge [sflag:s5], $0x80  }
0x1d: {  	s1 =	rddreg [dreg:$0x3];
	[sflag:s5] =	ssyncset.done $0x0  }
0x1e: {  	s7 =	rddreg [dreg:$0x6];
	[sflag:s5] =	ssyncadd.s32 $0xFFFFFF80  }
0x1f: {  	[tilespmem:s7], [sflag:$0x3] =	stream.linear.gather [hbm4b:s1+s2], $0x80, $0x38;
	[tilespmem:$0x10100] =	vst v63  }
0x20: {  	_ =	swait.ge [sflag:s5], $0x80  }
0x21: {  	[sflag:s5] =	ssyncset.done $0x0  }
0x22: {  	[sflag:s5] =	ssyncadd.s32 $0xFFFFFF80  }
0x23: {  	v3 =	vld [tilespmem:$0x0];
	_ =	sdelay $0x4  }
0x24: {  	v4 =	vshll.u32 v3, $0x1  }
0x25: {  	v3 =	vand.u32 $0x7, v3;
	v4 =	vand.u32 $0xFFFFFFF0, v4  }
0x26: {  	v3 =	vor.u32 v3, v4  }
0x27: {  	v4 =	vperm.xlane v3, v0;
	_ =	sdelay $0x1  }
0x28: {  	v3 =	vperm.xlane v3, v2;
	v4 =	vadd.s32 v1, v4;
	_ =	sdelay $0x1  }
0x29: {  	v3 =	vadd.s32 v1, v3;
	_ =	sdelay $0x2  }
0x2a: {  	[tilespmem:s6], [sflag:$0x1] =	stream.indirect_vreg.gather [hbm4b:s3+s2], $0x80, v4, vm0, $0xb8;
	[tilespmem:$0x10100] =	vst v63  }
0x2b: {  	s7 =	rddreg [dreg:$0x7]  }
0x2c: {  	[tilespmem:s7], [sflag:$0x1] =	stream.indirect_vreg.gather [hbm4b:s3+s2], $0x80, v3, vm0, $0xb8;
	[tilespmem:$0x10100] =	vst v63  }
0x2d: {  	v3 =	vld [tilespmem:$0x10];
	_ =	sdelay $0x4  }
0x2e: {  	v49 =	vshll.u32 v3, $0x1  }
0x2f: {  	v3 =	vand.u32 $0x7, v3;
	v4 =	vand.u32 $0xFFFFFFF0, v49  }
0x30: {  	v3 =	vor.u32 v3, v4  }
0x31: {  	v4 =	vperm.xlane v3, v0;
	_ =	sdelay $0x1  }
0x32: {  	v3 =	vperm.xlane v3, v2;
	v4 =	vadd.s32 v1, v4;
	_ =	sdelay $0x1  }
0x33: {  	v3 =	vadd.s32 v1, v3;
	_ =	sdelay $0x1  }
0x34: {  	s1 =	rddreg [dreg:$0x8]  }
0x35: {  	[tilespmem:s1], [sflag:$0x1] =	stream.indirect_vreg.gather [hbm4b:s3+s2], $0x80, v4, vm0, $0xb8;
	[tilespmem:$0x10100] =	vst v63  }
0x36: {  	s7 =	rddreg [dreg:$0x9]  }
0x37: {  	[tilespmem:s7], [sflag:$0x1] =	stream.indirect_vreg.gather [hbm4b:s3+s2], $0x80, v3, vm0, $0xb8;
	[tilespmem:$0x10100] =	vst v63  }
0x38: {  	v3 =	vld [tilespmem:$0x20];
	_ =	sdelay $0x4  }
0x39: {  	v50 =	vshll.u32 v3, $0x1  }
0x3a: {  	v3 =	vand.u32 $0x7, v3;
	v4 =	vand.u32 $0xFFFFFFF0, v50  }
0x3b: {  	v3 =	vor.u32 v3, v4  }
0x3c: {  	v4 =	vperm.xlane v3, v0;
	_ =	sdelay $0x1  }
0x3d: {  	v3 =	vperm.xlane v3, v2;
	v4 =	vadd.s32 v1, v4;
	_ =	sdelay $0x1  }
0x3e: {  	v3 =	vadd.s32 v1, v3;
	_ =	sdelay $0x1  }
0x3f: {  	s1 =	rddreg [dreg:$0xa]  }
0x40: {  	[tilespmem:s1], [sflag:$0x1] =	stream.indirect_vreg.gather [hbm4b:s3+s2], $0x80, v4, vm0, $0xb8;
	[tilespmem:$0x10100] =	vst v63  }
0x41: {  	s7 =	rddreg [dreg:$0xb]  }
0x42: {  	[tilespmem:s7], [sflag:$0x1] =	stream.indirect_vreg.gather [hbm4b:s3+s2], $0x80, v3, vm0, $0xb8;
	[tilespmem:$0x10100] =	vst v63  }
0x43: {  	v3 =	vld [tilespmem:$0x30];
	_ =	sdelay $0x4  }
0x44: {  	v51 =	vshll.u32 v3, $0x1  }
0x45: {  	v3 =	vand.u32 $0x7, v3;
	v4 =	vand.u32 $0xFFFFFFF0, v51  }
0x46: {  	v3 =	vor.u32 v3, v4  }
0x47: {  	v4 =	vperm.xlane v3, v0;
	_ =	sdelay $0x1  }
0x48: {  	v3 =	vperm.xlane v3, v2;
	v4 =	vadd.s32 v1, v4;
	_ =	sdelay $0x1  }
0x49: {  	v3 =	vadd.s32 v1, v3;
	_ =	sdelay $0x1  }
0x4a: {  	s1 =	rddreg [dreg:$0xc]  }
0x4b: {  	[tilespmem:s1], [sflag:$0x1] =	stream.indirect_vreg.gather [hbm4b:s3+s2], $0x80, v4, vm0, $0xb8;
	[tilespmem:$0x10100] =	vst v63  }
0x4c: {  	s7 =	rddreg [dreg:$0xd]  }
0x4d: {  	[tilespmem:s7], [sflag:$0x1] =	stream.indirect_vreg.gather [hbm4b:s3+s2], $0x80, v3, vm0, $0xb8;
	[tilespmem:$0x10100] =	vst v63  }
0x4e: {  	v3 =	vld [tilespmem:$0x40];
	_ =	sdelay $0x4  }
0x4f: {  	v52 =	vshll.u32 v3, $0x1  }
0x50: {  	v3 =	vand.u32 $0x7, v3;
	v4 =	vand.u32 $0xFFFFFFF0, v52  }
0x51: {  	v3 =	vor.u32 v3, v4  }
0x52: {  	v4 =	vperm.xlane v3, v0;
	_ =	sdelay $0x1  }
0x53: {  	v3 =	vperm.xlane v3, v2;
	v4 =	vadd.s32 v1, v4;
	_ =	sdelay $0x1  }
0x54: {  	v3 =	vadd.s32 v1, v3;
	_ =	sdelay $0x1  }
0x55: {  	s7 =	rddreg [dreg:$0xe]  }
0x56: {  	[tilespmem:s7], [sflag:$0x1] =	stream.indirect_vreg.gather [hbm4b:s3+s2], $0x80, v4, vm0, $0xb8;
	[tilespmem:$0x10100] =	vst v63  }
0x57: {  	s7 =	simm.s32 $0x4900  }
0x58: {  	[tilespmem:s7], [sflag:$0x1] =	stream.indirect_vreg.gather [hbm4b:s3+s2], $0x80, v3, vm0, $0xb8;
	[tilespmem:$0x10100] =	vst v63  }
0x59: {  	v3 =	vld [tilespmem:$0x50];
	_ =	sdelay $0x4  }
0x5a: {  	v53 =	vshll.u32 v3, $0x1  }
0x5b: {  	v3 =	vand.u32 $0x7, v3;
	v4 =	vand.u32 $0xFFFFFFF0, v53  }
0x5c: {  	v3 =	vor.u32 v3, v4  }
0x5d: {  	v4 =	vperm.xlane v3, v0;
	_ =	sdelay $0x1  }
0x5e: {  	v3 =	vperm.xlane v3, v2;
	v4 =	vadd.s32 v1, v4;
	_ =	sdelay $0x1  }
0x5f: {  	v3 =	vadd.s32 v1, v3;
	_ =	sdelay $0x2  }
0x60: {  	[tilespmem:s8], [sflag:$0x1] =	stream.indirect_vreg.gather [hbm4b:s3+s2], $0x80, v4, vm0, $0xb8;
	[tilespmem:$0x10100] =	vst v63  }
0x61: {  	_ = 	snop  }
0x62: {  	[tilespmem:s9], [sflag:$0x1] =	stream.indirect_vreg.gather [hbm4b:s3+s2], $0x80, v3, vm0, $0xb8;
	[tilespmem:$0x10100] =	vst v63  }
0x63: {  	v3 =	vld [tilespmem:$0x60];
	_ =	sdelay $0x4  }
0x64: {  	v54 =	vshll.u32 v3, $0x1  }
0x65: {  	v3 =	vand.u32 $0x7, v3;
	v4 =	vand.u32 $0xFFFFFFF0, v54  }
0x66: {  	v3 =	vor.u32 v3, v4  }
0x67: {  	v4 =	vperm.xlane v3, v0;
	_ =	sdelay $0x1  }
0x68: {  	v3 =	vperm.xlane v3, v2;
	v4 =	vadd.s32 v1, v4;
	_ =	sdelay $0x1  }
0x69: {  	v3 =	vadd.s32 v1, v3;
	_ =	sdelay $0x2  }
0x6a: {  	[tilespmem:s10], [sflag:$0x1] =	stream.indirect_vreg.gather [hbm4b:s3+s2], $0x80, v4, vm0, $0xb8;
	[tilespmem:$0x10100] =	vst v63  }
0x6b: {  	_ = 	snop  }
0x6c: {  	[tilespmem:s11], [sflag:$0x1] =	stream.indirect_vreg.gather [hbm4b:s3+s2], $0x80, v3, vm0, $0xb8;
	[tilespmem:$0x10100] =	vst v63  }
0x6d: {  	v3 =	vld [tilespmem:$0x70];
	_ =	sdelay $0x4  }
0x6e: {  	v55 =	vshll.u32 v3, $0x1  }
0x6f: {  	v3 =	vand.u32 $0x7, v3;
	v4 =	vand.u32 $0xFFFFFFF0, v55  }
0x70: {  	v3 =	vor.u32 v3, v4  }
0x71: {  	v4 =	vperm.xlane v3, v0;
	_ =	sdelay $0x1  }
0x72: {  	v3 =	vperm.xlane v3, v2;
	v4 =	vadd.s32 v1, v4;
	_ =	sdelay $0x1  }
0x73: {  	v3 =	vadd.s32 v1, v3;
	_ =	sdelay $0x2  }
0x74: {  	[tilespmem:s12], [sflag:$0x1] =	stream.indirect_vreg.gather [hbm4b:s3+s2], $0x80, v4, vm0, $0xb8;
	[tilespmem:$0x10100] =	vst v63  }
0x75: {  	_ = 	snop  }
0x76: {  	[tilespmem:s13], [sflag:$0x1] =	stream.indirect_vreg.gather [hbm4b:s3+s2], $0x80, v3, vm0, $0xb8;
	[tilespmem:$0x10100] =	vst v63  }
0x77: {  	v3 =	vld [tilespmem:$0x80];
	_ =	sdelay $0x4  }
0x78: {  	v56 =	vshll.u32 v3, $0x1  }
0x79: {  	v3 =	vand.u32 $0x7, v3;
	v4 =	vand.u32 $0xFFFFFFF0, v56  }
0x7a: {  	v3 =	vor.u32 v3, v4  }
0x7b: {  	v4 =	vperm.xlane v3, v0;
	_ =	sdelay $0x1  }
0x7c: {  	v3 =	vperm.xlane v3, v2;
	v4 =	vadd.s32 v1, v4;
	_ =	sdelay $0x1  }
0x7d: {  	v3 =	vadd.s32 v1, v3;
	_ =	sdelay $0x2  }
0x7e: {  	[tilespmem:s14], [sflag:$0x1] =	stream.indirect_vreg.gather [hbm4b:s3+s2], $0x80, v4, vm0, $0xb8;
	[tilespmem:$0x10100] =	vst v63  }
0x7f: {  	_ = 	snop  }
0x80: {  	[tilespmem:s15], [sflag:$0x1] =	stream.indirect_vreg.gather [hbm4b:s3+s2], $0x80, v3, vm0, $0xb8;
	[tilespmem:$0x10100] =	vst v63  }
0x81: {  	v3 =	vld [tilespmem:$0x90];
	_ =	sdelay $0x4  }
0x82: {  	v57 =	vshll.u32 v3, $0x1  }
0x83: {  	v3 =	vand.u32 $0x7, v3;
	v4 =	vand.u32 $0xFFFFFFF0, v57  }
0x84: {  	v3 =	vor.u32 v3, v4  }
0x85: {  	v4 =	vperm.xlane v3, v0;
	_ =	sdelay $0x1  }
0x86: {  	v3 =	vperm.xlane v3, v2;
	v4 =	vadd.s32 v1, v4;
	_ =	sdelay $0x1  }
0x87: {  	v3 =	vadd.s32 v1, v3;
	_ =	sdelay $0x2  }
0x88: {  	[tilespmem:s16], [sflag:$0x1] =	stream.indirect_vreg.gather [hbm4b:s3+s2], $0x80, v4, vm0, $0xb8;
	[tilespmem:$0x10100] =	vst v63  }
0x89: {  	_ = 	snop  }
0x8a: {  	[tilespmem:s17], [sflag:$0x1] =	stream.indirect_vreg.gather [hbm4b:s3+s2], $0x80, v3, vm0, $0xb8;
	[tilespmem:$0x10100] =	vst v63  }
0x8b: {  	v3 =	vld [tilespmem:$0xA0];
	_ =	sdelay $0x4  }
0x8c: {  	v58 =	vshll.u32 v3, $0x1  }
0x8d: {  	v3 =	vand.u32 $0x7, v3;
	v4 =	vand.u32 $0xFFFFFFF0, v58  }
0x8e: {  	v3 =	vor.u32 v3, v4  }
0x8f: {  	v4 =	vperm.xlane v3, v0;
	_ =	sdelay $0x1  }
0x90: {  	v3 =	vperm.xlane v3, v2;
	v4 =	vadd.s32 v1, v4;
	_ =	sdelay $0x1  }
0x91: {  	v3 =	vadd.s32 v1, v3;
	_ =	sdelay $0x2  }
0x92: {  	[tilespmem:s18], [sflag:$0x1] =	stream.indirect_vreg.gather [hbm4b:s3+s2], $0x80, v4, vm0, $0xb8;
	[tilespmem:$0x10100] =	vst v63  }
0x93: {  	_ = 	snop  }
0x94: {  	[tilespmem:s19], [sflag:$0x1] =	stream.indirect_vreg.gather [hbm4b:s3+s2], $0x80, v3, vm0, $0xb8;
	[tilespmem:$0x10100] =	vst v63  }
0x95: {  	v3 =	vld [tilespmem:$0xB0];
	_ =	sdelay $0x4  }
0x96: {  	v59 =	vshll.u32 v3, $0x1  }
0x97: {  	v3 =	vand.u32 $0x7, v3;
	v4 =	vand.u32 $0xFFFFFFF0, v59  }
0x98: {  	v3 =	vor.u32 v3, v4  }
0x99: {  	v4 =	vperm.xlane v3, v0;
	_ =	sdelay $0x1  }
0x9a: {  	v3 =	vperm.xlane v3, v2;
	v4 =	vadd.s32 v1, v4;
	_ =	sdelay $0x1  }
0x9b: {  	v3 =	vadd.s32 v1, v3;
	_ =	sdelay $0x2  }
0x9c: {  	[tilespmem:s20], [sflag:$0x1] =	stream.indirect_vreg.gather [hbm4b:s3+s2], $0x80, v4, vm0, $0xb8;
	[tilespmem:$0x10100] =	vst v63  }
0x9d: {  	_ = 	snop  }
0x9e: {  	[tilespmem:s21], [sflag:$0x1] =	stream.indirect_vreg.gather [hbm4b:s3+s2], $0x80, v3, vm0, $0xb8;
	[tilespmem:$0x10100] =	vst v63  }
0x9f: {  	v3 =	vld [tilespmem:$0xC0];
	_ =	sdelay $0x4  }
0xa0: {  	v60 =	vshll.u32 v3, $0x1  }
0xa1: {  	v3 =	vand.u32 $0x7, v3;
	v4 =	vand.u32 $0xFFFFFFF0, v60  }
0xa2: {  	v3 =	vor.u32 v3, v4  }
0xa3: {  	v4 =	vperm.xlane v3, v0;
	_ =	sdelay $0x1  }
0xa4: {  	v3 =	vperm.xlane v3, v2;
	v4 =	vadd.s32 v1, v4;
	_ =	sdelay $0x1  }
0xa5: {  	v3 =	vadd.s32 v1, v3;
	_ =	sdelay $0x2  }
0xa6: {  	[tilespmem:s22], [sflag:$0x1] =	stream.indirect_vreg.gather [hbm4b:s3+s2], $0x80, v4, vm0, $0xb8;
	[tilespmem:$0x10100] =	vst v63  }
0xa7: {  	_ = 	snop  }
0xa8: {  	[tilespmem:s23], [sflag:$0x1] =	stream.indirect_vreg.gather [hbm4b:s3+s2], $0x80, v3, vm0, $0xb8;
	[tilespmem:$0x10100] =	vst v63  }
0xa9: {  	v3 =	vld [tilespmem:$0xD0];
	_ =	sdelay $0x4  }
0xaa: {  	v61 =	vshll.u32 v3, $0x1  }
0xab: {  	v3 =	vand.u32 $0x7, v3;
	v4 =	vand.u32 $0xFFFFFFF0, v61  }
0xac: {  	v3 =	vor.u32 v3, v4  }
0xad: {  	v4 =	vperm.xlane v3, v0;
	_ =	sdelay $0x1  }
0xae: {  	v3 =	vperm.xlane v3, v2;
	v4 =	vadd.s32 v1, v4;
	_ =	sdelay $0x1  }
0xaf: {  	v3 =	vadd.s32 v1, v3;
	_ =	sdelay $0x2  }
0xb0: {  	[tilespmem:s24], [sflag:$0x1] =	stream.indirect_vreg.gather [hbm4b:s3+s2], $0x80, v4, vm0, $0xb8;
	[tilespmem:$0x10100] =	vst v63  }
0xb1: {  	_ = 	snop  }
0xb2: {  	[tilespmem:s25], [sflag:$0x1] =	stream.indirect_vreg.gather [hbm4b:s3+s2], $0x80, v3, vm0, $0xb8;
	[tilespmem:$0x10100] =	vst v63  }
0xb3: {  	v3 =	vld [tilespmem:$0xE0];
	_ =	sdelay $0x4  }
0xb4: {  	v62 =	vshll.u32 v3, $0x1  }
0xb5: {  	v3 =	vand.u32 $0x7, v3;
	v4 =	vand.u32 $0xFFFFFFF0, v62  }
0xb6: {  	v3 =	vor.u32 v3, v4  }
0xb7: {  	v4 =	vperm.xlane v3, v0;
	_ =	sdelay $0x1  }
0xb8: {  	v3 =	vperm.xlane v3, v2;
	v4 =	vadd.s32 v1, v4;
	_ =	sdelay $0x1  }
0xb9: {  	v3 =	vadd.s32 v1, v3;
	_ =	sdelay $0x2  }
0xba: {  	[tilespmem:s26], [sflag:$0x1] =	stream.indirect_vreg.gather [hbm4b:s3+s2], $0x80, v4, vm0, $0xb8;
	[tilespmem:$0x10100] =	vst v63  }
0xbb: {  	_ = 	snop  }
0xbc: {  	[tilespmem:s28], [sflag:$0x1] =	stream.indirect_vreg.gather [hbm4b:s3+s2], $0x80, v3, vm0, $0xb8;
	[tilespmem:$0x10100] =	vst v63  }
0xbd: {  	v3 =	vld [tilespmem:$0xF0];
	_ =	sdelay $0x4  }
0xbe: {  	v63 =	vshll.u32 v3, $0x1  }
0xbf: {  	v3 =	vand.u32 $0x7, v3;
	v4 =	vand.u32 $0xFFFFFFF0, v63  }
0xc0: {  	v3 =	vor.u32 v3, v4  }
0xc1: {  	v4 =	vperm.xlane v3, v0;
	_ =	sdelay $0x1  }
0xc2: {  	v3 =	vperm.xlane v3, v2;
	v4 =	vadd.s32 v1, v4;
	_ =	sdelay $0x1  }
0xc3: {  	v3 =	vadd.s32 v1, v3;
	_ =	sdelay $0x2  }
0xc4: {  	[tilespmem:s29], [sflag:$0x1] =	stream.indirect_vreg.gather [hbm4b:s3+s2], $0x80, v4, vm0, $0xb8;
	[tilespmem:$0x10100] =	vst v63  }
0xc5: {  	_ = 	snop  }
0xc6: {  	[tilespmem:s30], [sflag:$0x1] =	stream.indirect_vreg.gather [hbm4b:s3+s2], $0x80, v3, vm0, $0xb8;
	[tilespmem:$0x10100] =	vst v63  }
0xc7: {  	_ =	swait.ge [sflag:s31], $0x8000  }
0xc8: {  	[sflag:s31] =	ssyncset.done $0x0  }
0xc9: {  	s7 =	rddreg [dreg:$0x4];
	[sflag:s31] =	ssyncadd.s32 $0xFFFF8000  }
0xca: {  	[hbm4b:s7+s2] =	stream.linear.scatter [tilespmem:s6], [sflag:$0x2], $0x8000, $0x38;
	[tilespmem:$0x10100] =	vst v63  }
0xcb: {  	_ =	swait.ge [sflag:s31], $0x8000  }
0xcc: {  	[sflag:s31] =	ssyncset.done $0x0  }
0xcd: {  	s7 =	rddreg [dreg:$0x5];
	[sflag:s31] =	ssyncadd.s32 $0xFFFF8000  }
0xce: {  	[hbm4b:s7+s2] =	stream.linear.scatter [tilespmem:s14], [sflag:$0x2], $0x8000, $0x38;
	[tilespmem:$0x10100] =	vst v63  }
0xcf: {  	p0 =	sne.s32 s4, $0x1;
	_ =	swait.ge [sflag:s0], $0x8000  }
.Ltmp0:
0xd0: {  	[sflag:s0] =	ssyncset.done $0x0;
	(pc) =	sbr.rel @p0 .LBB2_1-.Ltmp0, $4  }
0xd1: {  	[sflag:s0] =	ssyncadd.s32 $0xFFFF8000  }
0xd2: {  	_ =	swait.ge [sflag:s0], $0x8000  }
0xd3: {  	[sflag:s0] =	ssyncset.done $0x0  }
0xd4: {  	s4 =	sadd.s32 $0xFFFFFFFF, s4;
	[sflag:s0] =	ssyncadd.s32 $0xFFFF8000  }
0xd5: {  	_ =	sfence.sel $0x180000  }
0xd6: {  	[bflag:$0x0] =	sbarrier.arrive $0xFFFF  }
0xd7: {  	_ =	strace $0x90000059  }
0xd8: {  	s0 =	stileid.u32;
	[bflag:$0x2] =	sbarrier.arrive $0xFFFF  }
0xd9: {  	p0 =	sne.s32 s0, $0x0;
	s0 =	rddreg [dreg:$0x1]  }
0xda: {  	s0 =	sadd.s32 @!p0 $0x100000, s0  }
0xdb: {  	[sflag:s0] =	ssyncadd.tile.s32 @!p0 $0x1;
	_ =	shalt  }
.Lfunc_end2:
_tile_overlayer_lowered:
.L_overlay_start_2:
0xdc: {  	(tag) =	ssettag $0x2  }
0xdd: {  	s0 =	rddreg [dreg:$0x0];
	s2 =	stileid.u32  }
0xde: {  	s1 =	rddreg [dreg:$0x1];
	p0 =	sne.s32 s2, $0x0  }
0xdf: {  	s3 =	rddreg [dreg:$0x2];
	[bflag:$0x3] =	sbarrier.arrive $0xFFFF;
	s2 =	simm.s32 @!p0 $0x1C03  }
0xe0: {  	[timem:s3], [sflag:s2] =	dma.local @!p0 [hbm:s0], s1  }
0xe1: {  	s0 =	simm.s32 @!p0 $0x3  }
0xe2: {  	_ =	swait.ge @!p0 [sflag:s0], s1  }
0xe3: {  	s1 =	ssub.s32 @!p0 $0x0, s1;
	[sflag:s0] =	ssyncset.done @!p0 $0x0  }
0xe4: {  	[sflag:s0] =	ssyncadd.s32 @!p0 s1  }
0xe5: {  	[bflag:$0x3] =	sbarrier.arrive $0xFFFF  }
0xe6: {  	_ =	shalt  }

</sc_bundles>
